<compile_context>
chip_gen: v7x
topology: tpu7x:2x2x1
jax: 0.10.2.dev20260603
libtpu: 0.0.44.dev20260713+nightly
codegen_flags: <defaults>
</compile_context>

<pallas_src>
import functools

import jax
import jax.numpy as jnp
from jax import lax
from jax.experimental import pallas as pl
from jax.experimental.pallas import tpu as pltpu
from jax.experimental.pallas import tpu_sc as plsc

VOCAB = 27
EMB = 5
OUT = 27
PAD = 32
ROWS = 736
BATCH = 16384

NC = 2
NS = 16
NW = NC * NS
B_PER_W = BATCH // NW
CHUNK = 128
NCHUNK = B_PER_W // CHUNK
LANES = 16
PAR_PAD = 408


def _sc_body(par_hbm, xst_hbm, out_hbm,
             par_v, x0_v, x1_v, idx_v, tabloc_v, rows_v, tab_s,
             gsem, wsem):
    sid = lax.axis_index("s")
    wid = sid * NC + lax.axis_index("c")
    base = wid * B_PER_W

    x0c = pltpu.async_copy(xst_hbm.at[0, pl.ds(base, B_PER_W)], x0_v, gsem)
    x1c = pltpu.async_copy(xst_hbm.at[1, pl.ds(base, B_PER_W)], x1_v, gsem)
    pltpu.sync_copy(par_hbm, par_v)
    x0c.wait()
    x1c.wait()
    WOFF = VOCAB * EMB

    i16 = lax.iota(jnp.int32, LANES)
    hi_mask = (i16 + LANES) < OUT
    zro = x0_v[pl.ds(0, LANES)] >> 5

    def wrow(k):
        lo = par_v[pl.ds(WOFF + k * OUT, LANES)]
        hi = plsc.load_gather(
            par_v, [zro + i16 + (WOFF + k * OUT + LANES)], mask=hi_mask
        )
        return lo, hi

    w_lo = []
    w_hi = []
    for k in range(2 * EMB):
        lo, hi = wrow(k)
        w_lo.append(lo)
        w_hi.append(hi)

    def escal(row, k):
        return plsc.load_gather(par_v, [zro + (row * EMB + k)])

    for a in (sid, sid + NS):
        a_ok = a < VOCAB

        @pl.when(a_ok)
        def _build(a=a):
            t1_lo = jnp.zeros((LANES,), jnp.float32)
            t1_hi = jnp.zeros((LANES,), jnp.float32)
            for k in range(EMB):
                e = escal(a, k)
                ef = e.astype(jnp.float32)
                t1_lo = t1_lo + ef * w_lo[k]
                t1_hi = t1_hi + ef * w_hi[k]
            for b in range(VOCAB):
                r_lo = t1_lo
                r_hi = t1_hi
                for k in range(EMB):
                    e = escal(b, k)
                    ef = e.astype(jnp.float32)
                    r_lo = r_lo + ef * w_lo[EMB + k]
                    r_hi = r_hi + ef * w_hi[EMB + k]
                tabloc_v[b + 1, pl.ds(0, LANES)] = r_lo
                tabloc_v[b + 1, pl.ds(LANES, LANES)] = r_hi
            pltpu.sync_copy(
                tabloc_v.at[pl.ds(1, VOCAB), :],
                tab_s.at[pl.ds(a * VOCAB, VOCAB), :],
            )

    for j in range(B_PER_W // LANES):
        o = j * LANES
        idx_v[pl.ds(o, LANES)] = (
            x0_v[pl.ds(o, LANES)] * VOCAB + x1_v[pl.ds(o, LANES)]
        )
    plsc.subcore_barrier()
    gathers = []
    for c in range(NCHUNK):
        gathers.append(
            pltpu.async_copy(
                tab_s.at[idx_v.at[pl.ds(c * CHUNK, CHUNK)]],
                rows_v.at[pl.ds(c * CHUNK, CHUNK)],
                gsem,
            )
        )
    writes = []
    for c in range(NCHUNK):
        gathers[c].wait()
        writes.append(
            pltpu.async_copy(
                rows_v.at[pl.ds(c * CHUNK, CHUNK)],
                out_hbm.at[pl.ds(base + c * CHUNK, CHUNK)],
                wsem,
            )
        )
    for w in writes:
        w.wait()


@functools.lru_cache(maxsize=None)
def _make_kernel():
    return pl.kernel(
        _sc_body,
        out_type=jax.ShapeDtypeStruct((BATCH, PAD), jnp.float32),
        mesh=plsc.VectorSubcoreMesh(core_axis_name="c", subcore_axis_name="s"),
        compiler_params=pltpu.CompilerParams(
            needs_layout_passes=False, use_tc_tiling_on_sc=False
        ),
        scratch_types=[
            pltpu.VMEM((PAR_PAD,), jnp.float32),
            pltpu.VMEM((B_PER_W,), jnp.int32),
            pltpu.VMEM((B_PER_W,), jnp.int32),
            pltpu.VMEM((B_PER_W,), jnp.int32),
            pltpu.VMEM((VOCAB + 1, PAD), jnp.float32),
            pltpu.VMEM((B_PER_W, PAD), jnp.float32),
            pltpu.VMEM_SHARED((ROWS, PAD), jnp.float32),
            pltpu.SemaphoreType.DMA,
            pltpu.SemaphoreType.DMA,
        ],
    )


def kernel(xs, embedding, W):
    par = jnp.concatenate([
        embedding.reshape(-1),
        W.reshape(-1),
        jnp.zeros((PAR_PAD - VOCAB * EMB - 2 * EMB * OUT,), jnp.float32),
    ])
    return _make_kernel()(par, xs.T)[:, :OUT]

# --- scband reference (transcript-rebuilt; emitter-appended) ---
"""Pipeline reference for scband-trigram-86526411145240 (READ-ONLY COPY).

The authoritative reference and input builder live on the scoring server;
editing this copy changes nothing except your own understanding.
"""

import jax, jax.numpy as jnp
import numpy as np

VOCAB = 27
EMB_DIM = 5
W_IN = 10
W_OUT = 27
BATCH = 16384


def setup_inputs(seed: int = 0) -> dict:
    key = jax.random.key(seed)
    k1, k2, k3 = jax.random.split(key, 3)
    xs = jax.random.randint(k1, (BATCH, 2), 0, VOCAB, dtype=jnp.int64 if jax.config.jax_enable_x64 else jnp.int32).astype(jnp.int32)
    embedding = jax.random.normal(k2, (VOCAB, EMB_DIM), dtype=jnp.float32)
    W = jax.random.normal(k3, (W_IN, W_OUT), dtype=jnp.float32)
    return {"xs": xs, "embedding": embedding, "W": W}


def reference(xs, embedding, W):
    # emb1 = self.embedding(xs[:, 0]); emb2 = self.embedding(xs[:, 1])
    emb1 = jnp.take(embedding, xs[:, 0], axis=0)
    emb2 = jnp.take(embedding, xs[:, 1], axis=0)
    # xenc = torch.cat([emb1, emb2], dim=1)
    xenc = jnp.concatenate([emb1, emb2], axis=1)
    # logits = xenc @ self.W
    logits = xenc @ W
    return logits

if __name__ == "__main__":
    import jax
    _d = setup_inputs()
    print(jax.jit(kernel)(*tuple(_d.values())))

</pallas_src>

<mosaic_0001>
#map = affine_map<(d0, d1) -> (0)>
#map1 = affine_map<(d0, d1) -> (0, 0)>
module attributes {stable_mosaic.version = 14 : i64} {
  func.func @_sc_body(%arg0: i32, %arg1: i32, %arg2: memref<408xf32, #tpu.memory_space<hbm>>, %arg3: memref<2x16384xi32, #tpu.memory_space<hbm>>, %arg4: memref<16384x32xf32, #tpu.memory_space<hbm>>, %arg5: memref<408xf32, #tpu.memory_space<vmem>>, %arg6: memref<512xi32, #tpu.memory_space<vmem>>, %arg7: memref<512xi32, #tpu.memory_space<vmem>>, %arg8: memref<512xi32, #tpu.memory_space<vmem>>, %arg9: memref<28x32xf32, #tpu.memory_space<vmem>>, %arg10: memref<512x32xf32, #tpu.memory_space<vmem>>, %arg11: memref<736x32xf32, #tpu.memory_space<vmem_shared>>, %arg12: memref<!tpu.dma_semaphore, #tpu.memory_space<semaphore_mem>>, %arg13: memref<!tpu.dma_semaphore, #tpu.memory_space<semaphore_mem>>) attributes {dimension_semantics = [#tpu.dimension_semantics<core_parallel>, #tpu.dimension_semantics<subcore_parallel>], iteration_bounds = array<i64: 2, 16>, scalar_prefetch = 0 : i64, scratch_operands = 9 : i64, tpu.core_type = #tpu.core_type<sc_vector_subcore>, window_params = [{transform_indices = #map}, {transform_indices = #map1}, {transform_indices = #map1}]} {
    %mul3A = arith.constant 2 : i32
    %mul3A_0 = arith.muli %arg1, %mul3A : i32
    %add3A = arith.addi %mul3A_0, %arg0 : i32
    %mul3A_1 = arith.constant 512 : i32
    %mul3A_2 = arith.muli %add3A, %mul3A_1 : i32
    %dma_start3A = arith.constant 0 : i32
    %dma_start3A_3 = tpu.memref_slice %arg3[%dma_start3A, %mul3A_2] : memref<2x16384xi32, #tpu.memory_space<hbm>> -> memref<1x512xi32, #tpu.memory_space<hbm>>
    %dma_start3A_4 = tpu.memref_squeeze %dma_start3A_3 : memref<1x512xi32, #tpu.memory_space<hbm>> -> memref<512xi32, #tpu.memory_space<hbm>>
    %dma_start3A_5 = tpu.memref_slice %arg3[%dma_start3A, %mul3A_2] : memref<2x16384xi32, #tpu.memory_space<hbm>> -> memref<1x512xi32, #tpu.memory_space<hbm>>
    %dma_start3A_6 = tpu.memref_squeeze %dma_start3A_5 : memref<1x512xi32, #tpu.memory_space<hbm>> -> memref<512xi32, #tpu.memory_space<hbm>>
    tpu.enqueue_dma source(%dma_start3A_6 : memref<512xi32, #tpu.memory_space<hbm>>) target(%arg6 : memref<512xi32, #tpu.memory_space<vmem>>) target_semaphore(%arg12 : memref<!tpu.dma_semaphore, #tpu.memory_space<semaphore_mem>>)
    %dma_start3A_7 = arith.constant 1 : i32
    %dma_start3A_8 = tpu.memref_slice %arg3[%dma_start3A_7, %mul3A_2] : memref<2x16384xi32, #tpu.memory_space<hbm>> -> memref<1x512xi32, #tpu.memory_space<hbm>>
    %dma_start3A_9 = tpu.memref_squeeze %dma_start3A_8 : memref<1x512xi32, #tpu.memory_space<hbm>> -> memref<512xi32, #tpu.memory_space<hbm>>
    %dma_start3A_10 = tpu.memref_slice %arg3[%dma_start3A_7, %mul3A_2] : memref<2x16384xi32, #tpu.memory_space<hbm>> -> memref<1x512xi32, #tpu.memory_space<hbm>>
    %dma_start3A_11 = tpu.memref_squeeze %dma_start3A_10 : memref<1x512xi32, #tpu.memory_space<hbm>> -> memref<512xi32, #tpu.memory_space<hbm>>
    tpu.enqueue_dma source(%dma_start3A_11 : memref<512xi32, #tpu.memory_space<hbm>>) target(%arg7 : memref<512xi32, #tpu.memory_space<vmem>>) target_semaphore(%arg12 : memref<!tpu.dma_semaphore, #tpu.memory_space<semaphore_mem>>)
    "tpu.region"() ({
      %run_scoped3A = tpu.sem_alloc : memref<!tpu.dma_semaphore, #tpu.memory_space<semaphore_mem>>
      tpu.enqueue_dma source(%arg2 : memref<408xf32, #tpu.memory_space<hbm>>) target(%arg5 : memref<408xf32, #tpu.memory_space<vmem>>) target_semaphore(%run_scoped3A : memref<!tpu.dma_semaphore, #tpu.memory_space<semaphore_mem>>)
      tpu.wait_dma2 semaphore(%run_scoped3A : memref<!tpu.dma_semaphore, #tpu.memory_space<semaphore_mem>>) src(%arg2 : memref<408xf32, #tpu.memory_space<hbm>>) dst(%arg5 : memref<408xf32, #tpu.memory_space<vmem>>)
      tpu.yield
    }) : () -> ()
    %dma_wait3A = arith.constant 0 : i32
    %dma_wait3A_12 = tpu.memref_slice %arg3[%dma_wait3A, %mul3A_2] : memref<2x16384xi32, #tpu.memory_space<hbm>> -> memref<1x512xi32, #tpu.memory_space<hbm>>
    %dma_wait3A_13 = tpu.memref_squeeze %dma_wait3A_12 : memref<1x512xi32, #tpu.memory_space<hbm>> -> memref<512xi32, #tpu.memory_space<hbm>>
    %dma_wait3A_14 = tpu.memref_slice %arg3[%dma_wait3A, %mul3A_2] : memref<2x16384xi32, #tpu.memory_space<hbm>> -> memref<1x512xi32, #tpu.memory_space<hbm>>
    %dma_wait3A_15 = tpu.memref_squeeze %dma_wait3A_14 : memref<1x512xi32, #tpu.memory_space<hbm>> -> memref<512xi32, #tpu.memory_space<hbm>>
    tpu.wait_dma2 semaphore(%arg12 : memref<!tpu.dma_semaphore, #tpu.memory_space<semaphore_mem>>) src(%dma_wait3A_15 : memref<512xi32, #tpu.memory_space<hbm>>) dst(%arg6 : memref<512xi32, #tpu.memory_space<vmem>>)
    %dma_wait3A_16 = arith.constant 1 : i32
    %dma_wait3A_17 = tpu.memref_slice %arg3[%dma_wait3A_16, %mul3A_2] : memref<2x16384xi32, #tpu.memory_space<hbm>> -> memref<1x512xi32, #tpu.memory_space<hbm>>
    %dma_wait3A_18 = tpu.memref_squeeze %dma_wait3A_17 : memref<1x512xi32, #tpu.memory_space<hbm>> -> memref<512xi32, #tpu.memory_space<hbm>>
    %dma_wait3A_19 = tpu.memref_slice %arg3[%dma_wait3A_16, %mul3A_2] : memref<2x16384xi32, #tpu.memory_space<hbm>> -> memref<1x512xi32, #tpu.memory_space<hbm>>
    %dma_wait3A_20 = tpu.memref_squeeze %dma_wait3A_19 : memref<1x512xi32, #tpu.memory_space<hbm>> -> memref<512xi32, #tpu.memory_space<hbm>>
    tpu.wait_dma2 semaphore(%arg12 : memref<!tpu.dma_semaphore, #tpu.memory_space<semaphore_mem>>) src(%dma_wait3A_20 : memref<512xi32, #tpu.memory_space<hbm>>) dst(%arg7 : memref<512xi32, #tpu.memory_space<vmem>>)
    %iota3A = tpu.iota {dimensions = array<i32: 0>} : vector<16xi32>
    %add3A_21 = arith.constant 16 : i32
    %add3A_22 = vector.broadcast %add3A_21 : i32 to vector<16xi32>
    %add3A_23 = arith.addi %iota3A, %add3A_22 : vector<16xi32>
    %lt3A = arith.constant 27 : i32
    %lt3A_24 = vector.broadcast %lt3A : i32 to vector<16xi32>
    %lt3A_25 = arith.cmpi slt, %add3A_23, %lt3A_24 : vector<16xi32>
    %get3A = arith.constant 0 : index
    %get3A_26 = tpu.vector_load %arg6[%get3A] {strides = array<i32>} : memref<512xi32, #tpu.memory_space<vmem>>, vector<16xi32>,
    %shift_right_arithmetic3A = arith.constant 5 : i32
    %shift_right_arithmetic3A_27 = vector.broadcast %shift_right_arithmetic3A : i32 to vector<16xi32>
    %shift_right_arithmetic3A_28 = arith.shrsi %get3A_26, %shift_right_arithmetic3A_27 : vector<16xi32>
    %get3A_29 = arith.constant 135 : index
    %get3A_30 = tpu.vector_load %arg5[%get3A_29] {strides = array<i32>} : memref<408xf32, #tpu.memory_space<vmem>>, vector<16xf32>,
    %add3A_31 = arith.addi %shift_right_arithmetic3A_28, %iota3A : vector<16xi32>
    %add3A_32 = arith.constant 151 : i32
    %add3A_33 = vector.broadcast %add3A_32 : i32 to vector<16xi32>
    %add3A_34 = arith.addi %add3A_31, %add3A_33 : vector<16xi32>
    %gather3A = tpu.vector_load_idx %arg5[%add3A_34] masked %lt3A_25 : memref<408xf32, #tpu.memory_space<vmem>>[vector<16xi32>], vector<16xf32>, vector<16xi1>
    %get3A_35 = arith.constant 162 : index
    %get3A_36 = tpu.vector_load %arg5[%get3A_35] {strides = array<i32>} : memref<408xf32, #tpu.memory_space<vmem>>, vector<16xf32>,
    %add3A_37 = arith.addi %shift_right_arithmetic3A_28, %iota3A : vector<16xi32>
    %add3A_38 = arith.constant 178 : i32
    %add3A_39 = vector.broadcast %add3A_38 : i32 to vector<16xi32>
    %add3A_40 = arith.addi %add3A_37, %add3A_39 : vector<16xi32>
    %gather3A_41 = tpu.vector_load_idx %arg5[%add3A_40] masked %lt3A_25 : memref<408xf32, #tpu.memory_space<vmem>>[vector<16xi32>], vector<16xf32>, vector<16xi1>
    %get3A_42 = arith.constant 189 : index
    %get3A_43 = tpu.vector_load %arg5[%get3A_42] {strides = array<i32>} : memref<408xf32, #tpu.memory_space<vmem>>, vector<16xf32>,
    %add3A_44 = arith.addi %shift_right_arithmetic3A_28, %iota3A : vector<16xi32>
    %add3A_45 = arith.constant 205 : i32
    %add3A_46 = vector.broadcast %add3A_45 : i32 to vector<16xi32>
    %add3A_47 = arith.addi %add3A_44, %add3A_46 : vector<16xi32>
    %gather3A_48 = tpu.vector_load_idx %arg5[%add3A_47] masked %lt3A_25 : memref<408xf32, #tpu.memory_space<vmem>>[vector<16xi32>], vector<16xf32>, vector<16xi1>
    %get3A_49 = arith.constant 216 : index
    %get3A_50 = tpu.vector_load %arg5[%get3A_49] {strides = array<i32>} : memref<408xf32, #tpu.memory_space<vmem>>, vector<16xf32>,
    %add3A_51 = arith.addi %shift_right_arithmetic3A_28, %iota3A : vector<16xi32>
    %add3A_52 = arith.constant 232 : i32
    %add3A_53 = vector.broadcast %add3A_52 : i32 to vector<16xi32>
    %add3A_54 = arith.addi %add3A_51, %add3A_53 : vector<16xi32>
    %gather3A_55 = tpu.vector_load_idx %arg5[%add3A_54] masked %lt3A_25 : memref<408xf32, #tpu.memory_space<vmem>>[vector<16xi32>], vector<16xf32>, vector<16xi1>
    %get3A_56 = arith.constant 243 : index
    %get3A_57 = tpu.vector_load %arg5[%get3A_56] {strides = array<i32>} : memref<408xf32, #tpu.memory_space<vmem>>, vector<16xf32>,
    %add3A_58 = arith.addi %shift_right_arithmetic3A_28, %iota3A : vector<16xi32>
    %add3A_59 = arith.constant 259 : i32
    %add3A_60 = vector.broadcast %add3A_59 : i32 to vector<16xi32>
    %add3A_61 = arith.addi %add3A_58, %add3A_60 : vector<16xi32>
    %gather3A_62 = tpu.vector_load_idx %arg5[%add3A_61] masked %lt3A_25 : memref<408xf32, #tpu.memory_space<vmem>>[vector<16xi32>], vector<16xf32>, vector<16xi1>
    %get3A_63 = arith.constant 270 : index
    %get3A_64 = tpu.vector_load %arg5[%get3A_63] {strides = array<i32>} : memref<408xf32, #tpu.memory_space<vmem>>, vector<16xf32>,
    %add3A_65 = arith.addi %shift_right_arithmetic3A_28, %iota3A : vector<16xi32>
    %add3A_66 = arith.constant 286 : i32
    %add3A_67 = vector.broadcast %add3A_66 : i32 to vector<16xi32>
    %add3A_68 = arith.addi %add3A_65, %add3A_67 : vector<16xi32>
    %gather3A_69 = tpu.vector_load_idx %arg5[%add3A_68] masked %lt3A_25 : memref<408xf32, #tpu.memory_space<vmem>>[vector<16xi32>], vector<16xf32>, vector<16xi1>
    %get3A_70 = arith.constant 297 : index
    %get3A_71 = tpu.vector_load %arg5[%get3A_70] {strides = array<i32>} : memref<408xf32, #tpu.memory_space<vmem>>, vector<16xf32>,
    %add3A_72 = arith.addi %shift_right_arithmetic3A_28, %iota3A : vector<16xi32>
    %add3A_73 = arith.constant 313 : i32
    %add3A_74 = vector.broadcast %add3A_73 : i32 to vector<16xi32>
    %add3A_75 = arith.addi %add3A_72, %add3A_74 : vector<16xi32>
    %gather3A_76 = tpu.vector_load_idx %arg5[%add3A_75] masked %lt3A_25 : memref<408xf32, #tpu.memory_space<vmem>>[vector<16xi32>], vector<16xf32>, vector<16xi1>
    %get3A_77 = arith.constant 324 : index
    %get3A_78 = tpu.vector_load %arg5[%get3A_77] {strides = array<i32>} : memref<408xf32, #tpu.memory_space<vmem>>, vector<16xf32>,
    %add3A_79 = arith.addi %shift_right_arithmetic3A_28, %iota3A : vector<16xi32>
    %add3A_80 = arith.constant 340 : i32
    %add3A_81 = vector.broadcast %add3A_80 : i32 to vector<16xi32>
    %add3A_82 = arith.addi %add3A_79, %add3A_81 : vector<16xi32>
    %gather3A_83 = tpu.vector_load_idx %arg5[%add3A_82] masked %lt3A_25 : memref<408xf32, #tpu.memory_space<vmem>>[vector<16xi32>], vector<16xf32>, vector<16xi1>
    %get3A_84 = arith.constant 351 : index
    %get3A_85 = tpu.vector_load %arg5[%get3A_84] {strides = array<i32>} : memref<408xf32, #tpu.memory_space<vmem>>, vector<16xf32>,
    %add3A_86 = arith.addi %shift_right_arithmetic3A_28, %iota3A : vector<16xi32>
    %add3A_87 = arith.constant 367 : i32
    %add3A_88 = vector.broadcast %add3A_87 : i32 to vector<16xi32>
    %add3A_89 = arith.addi %add3A_86, %add3A_88 : vector<16xi32>
    %gather3A_90 = tpu.vector_load_idx %arg5[%add3A_89] masked %lt3A_25 : memref<408xf32, #tpu.memory_space<vmem>>[vector<16xi32>], vector<16xf32>, vector<16xi1>
    %get3A_91 = arith.constant 378 : index
    %get3A_92 = tpu.vector_load %arg5[%get3A_91] {strides = array<i32>} : memref<408xf32, #tpu.memory_space<vmem>>, vector<16xf32>,
    %add3A_93 = arith.addi %shift_right_arithmetic3A_28, %iota3A : vector<16xi32>
    %add3A_94 = arith.constant 394 : i32
    %add3A_95 = vector.broadcast %add3A_94 : i32 to vector<16xi32>
    %add3A_96 = arith.addi %add3A_93, %add3A_95 : vector<16xi32>
    %gather3A_97 = tpu.vector_load_idx %arg5[%add3A_96] masked %lt3A_25 : memref<408xf32, #tpu.memory_space<vmem>>[vector<16xi32>], vector<16xf32>, vector<16xi1>
    %add3A_98 = arith.constant 16 : i32
    %add3A_99 = arith.addi %arg1, %add3A_98 : i32
    %lt3A_100 = arith.constant 27 : i32
    %lt3A_101 = arith.cmpi slt, %arg1, %lt3A_100 : i32
    %convert_element_type3A = arith.extui %lt3A_101 : i1 to i32
    %cond3A = arith.constant 0 : i32
    %cond3A_102 = arith.cmpi ne, %convert_element_type3A, %cond3A : i32
    scf.if %cond3A_102 {
      %broadcast_in_dim3A = arith.constant 0.000000e+00 : f32
      %broadcast_in_dim3A_579 = vector.broadcast %broadcast_in_dim3A : f32 to vector<16xf32>
      %broadcast_in_dim3A_580 = arith.constant 0.000000e+00 : f32
      %broadcast_in_dim3A_581 = vector.broadcast %broadcast_in_dim3A_580 : f32 to vector<16xf32>
      %mul3A_582 = arith.constant 5 : i32
      %mul3A_583 = arith.muli %arg1, %mul3A_582 : i32
      %add3A_584 = arith.constant 0 : i32
      %add3A_585 = arith.addi %mul3A_583, %add3A_584 : i32
      %add3A_586 = vector.broadcast %add3A_585 : i32 to vector<16xi32>
      %add3A_587 = arith.addi %shift_right_arithmetic3A_28, %add3A_586 : vector<16xi32>
      %gather3A_588 = tpu.vector_load_idx %arg5[%add3A_587] : memref<408xf32, #tpu.memory_space<vmem>>[vector<16xi32>], vector<16xf32>,
      %mul3A_589 = arith.mulf %gather3A_588, %get3A_30 : vector<16xf32>
      %add3A_590 = arith.addf %broadcast_in_dim3A_579, %mul3A_589 : vector<16xf32>
      %mul3A_591 = arith.mulf %gather3A_588, %gather3A : vector<16xf32>
      %add3A_592 = arith.addf %broadcast_in_dim3A_581, %mul3A_591 : vector<16xf32>
      %mul3A_593 = arith.constant 5 : i32
      %mul3A_594 = arith.muli %arg1, %mul3A_593 : i32
      %add3A_595 = arith.constant 1 : i32
      %add3A_596 = arith.addi %mul3A_594, %add3A_595 : i32
      %add3A_597 = vector.broadcast %add3A_596 : i32 to vector<16xi32>
      %add3A_598 = arith.addi %shift_right_arithmetic3A_28, %add3A_597 : vector<16xi32>
      %gather3A_599 = tpu.vector_load_idx %arg5[%add3A_598] : memref<408xf32, #tpu.memory_space<vmem>>[vector<16xi32>], vector<16xf32>,
      %mul3A_600 = arith.mulf %gather3A_599, %get3A_36 : vector<16xf32>
      %add3A_601 = arith.addf %add3A_590, %mul3A_600 : vector<16xf32>
      %mul3A_602 = arith.mulf %gather3A_599, %gather3A_41 : vector<16xf32>
      %add3A_603 = arith.addf %add3A_592, %mul3A_602 : vector<16xf32>
      %mul3A_604 = arith.constant 5 : i32
      %mul3A_605 = arith.muli %arg1, %mul3A_604 : i32
      %add3A_606 = arith.constant 2 : i32
      %add3A_607 = arith.addi %mul3A_605, %add3A_606 : i32
      %add3A_608 = vector.broadcast %add3A_607 : i32 to vector<16xi32>
      %add3A_609 = arith.addi %shift_right_arithmetic3A_28, %add3A_608 : vector<16xi32>
      %gather3A_610 = tpu.vector_load_idx %arg5[%add3A_609] : memref<408xf32, #tpu.memory_space<vmem>>[vector<16xi32>], vector<16xf32>,
      %mul3A_611 = arith.mulf %gather3A_610, %get3A_43 : vector<16xf32>
      %add3A_612 = arith.addf %add3A_601, %mul3A_611 : vector<16xf32>
      %mul3A_613 = arith.mulf %gather3A_610, %gather3A_48 : vector<16xf32>
      %add3A_614 = arith.addf %add3A_603, %mul3A_613 : vector<16xf32>
      %mul3A_615 = arith.constant 5 : i32
      %mul3A_616 = arith.muli %arg1, %mul3A_615 : i32
      %add3A_617 = arith.constant 3 : i32
      %add3A_618 = arith.addi %mul3A_616, %add3A_617 : i32
      %add3A_619 = vector.broadcast %add3A_618 : i32 to vector<16xi32>
      %add3A_620 = arith.addi %shift_right_arithmetic3A_28, %add3A_619 : vector<16xi32>
      %gather3A_621 = tpu.vector_load_idx %arg5[%add3A_620] : memref<408xf32, #tpu.memory_space<vmem>>[vector<16xi32>], vector<16xf32>,
      %mul3A_622 = arith.mulf %gather3A_621, %get3A_50 : vector<16xf32>
      %add3A_623 = arith.addf %add3A_612, %mul3A_622 : vector<16xf32>
      %mul3A_624 = arith.mulf %gather3A_621, %gather3A_55 : vector<16xf32>
      %add3A_625 = arith.addf %add3A_614, %mul3A_624 : vector<16xf32>
      %mul3A_626 = arith.constant 5 : i32
      %mul3A_627 = arith.muli %arg1, %mul3A_626 : i32
      %add3A_628 = arith.constant 4 : i32
      %add3A_629 = arith.addi %mul3A_627, %add3A_628 : i32
      %add3A_630 = vector.broadcast %add3A_629 : i32 to vector<16xi32>
      %add3A_631 = arith.addi %shift_right_arithmetic3A_28, %add3A_630 : vector<16xi32>
      %gather3A_632 = tpu.vector_load_idx %arg5[%add3A_631] : memref<408xf32, #tpu.memory_space<vmem>>[vector<16xi32>], vector<16xf32>,
      %mul3A_633 = arith.mulf %gather3A_632, %get3A_57 : vector<16xf32>
      %add3A_634 = arith.addf %add3A_623, %mul3A_633 : vector<16xf32>
      %mul3A_635 = arith.mulf %gather3A_632, %gather3A_62 : vector<16xf32>
      %add3A_636 = arith.addf %add3A_625, %mul3A_635 : vector<16xf32>
      %add3A_637 = arith.constant 0 : i32
      %add3A_638 = vector.broadcast %add3A_637 : i32 to vector<16xi32>
      %add3A_639 = arith.addi %shift_right_arithmetic3A_28, %add3A_638 : vector<16xi32>
      %gather3A_640 = tpu.vector_load_idx %arg5[%add3A_639] : memref<408xf32, #tpu.memory_space<vmem>>[vector<16xi32>], vector<16xf32>,
      %mul3A_641 = arith.mulf %gather3A_640, %get3A_64 : vector<16xf32>
      %add3A_642 = arith.addf %add3A_634, %mul3A_641 : vector<16xf32>
      %mul3A_643 = arith.mulf %gather3A_640, %gather3A_69 : vector<16xf32>
      %add3A_644 = arith.addf %add3A_636, %mul3A_643 : vector<16xf32>
      %add3A_645 = arith.constant 1 : i32
      %add3A_646 = vector.broadcast %add3A_645 : i32 to vector<16xi32>
      %add3A_647 = arith.addi %shift_right_arithmetic3A_28, %add3A_646 : vector<16xi32>
      %gather3A_648 = tpu.vector_load_idx %arg5[%add3A_647] : memref<408xf32, #tpu.memory_space<vmem>>[vector<16xi32>], vector<16xf32>,
      %mul3A_649 = arith.mulf %gather3A_648, %get3A_71 : vector<16xf32>
      %add3A_650 = arith.addf %add3A_642, %mul3A_649 : vector<16xf32>
      %mul3A_651 = arith.mulf %gather3A_648, %gather3A_76 : vector<16xf32>
      %add3A_652 = arith.addf %add3A_644, %mul3A_651 : vector<16xf32>
      %add3A_653 = arith.constant 2 : i32
      %add3A_654 = vector.broadcast %add3A_653 : i32 to vector<16xi32>
      %add3A_655 = arith.addi %shift_right_arithmetic3A_28, %add3A_654 : vector<16xi32>
      %gather3A_656 = tpu.vector_load_idx %arg5[%add3A_655] : memref<408xf32, #tpu.memory_space<vmem>>[vector<16xi32>], vector<16xf32>,
      %mul3A_657 = arith.mulf %gather3A_656, %get3A_78 : vector<16xf32>
      %add3A_658 = arith.addf %add3A_650, %mul3A_657 : vector<16xf32>
      %mul3A_659 = arith.mulf %gather3A_656, %gather3A_83 : vector<16xf32>
      %add3A_660 = arith.addf %add3A_652, %mul3A_659 : vector<16xf32>
      %add3A_661 = arith.constant 3 : i32
      %add3A_662 = vector.broadcast %add3A_661 : i32 to vector<16xi32>
      %add3A_663 = arith.addi %shift_right_arithmetic3A_28, %add3A_662 : vector<16xi32>
      %gather3A_664 = tpu.vector_load_idx %arg5[%add3A_663] : memref<408xf32, #tpu.memory_space<vmem>>[vector<16xi32>], vector<16xf32>,
      %mul3A_665 = arith.mulf %gather3A_664, %get3A_85 : vector<16xf32>
      %add3A_666 = arith.addf %add3A_658, %mul3A_665 : vector<16xf32>
      %mul3A_667 = arith.mulf %gather3A_664, %gather3A_90 : vector<16xf32>
      %add3A_668 = arith.addf %add3A_660, %mul3A_667 : vector<16xf32>
      %add3A_669 = arith.constant 4 : i32
      %add3A_670 = vector.broadcast %add3A_669 : i32 to vector<16xi32>
      %add3A_671 = arith.addi %shift_right_arithmetic3A_28, %add3A_670 : vector<16xi32>
      %gather3A_672 = tpu.vector_load_idx %arg5[%add3A_671] : memref<408xf32, #tpu.memory_space<vmem>>[vector<16xi32>], vector<16xf32>,
      %mul3A_673 = arith.mulf %gather3A_672, %get3A_92 : vector<16xf32>
      %add3A_674 = arith.addf %add3A_666, %mul3A_673 : vector<16xf32>
      %mul3A_675 = arith.mulf %gather3A_672, %gather3A_97 : vector<16xf32>
      %add3A_676 = arith.addf %add3A_668, %mul3A_675 : vector<16xf32>
      %swap3A_677 = arith.constant 1 : i32
      %swap3A_678 = arith.index_cast %swap3A_677 : i32 to index
      %swap3A_679 = arith.constant 0 : index
      %swap3A_680 = tpu.vector_load %arg9[%swap3A_678, %swap3A_679] {strides = array<i32>} : memref<28x32xf32, #tpu.memory_space<vmem>>, vector<16xf32>,
      tpu.vector_store %arg9[%swap3A_678, %swap3A_679], %add3A_674 {strides = array<i32>} : memref<28x32xf32, #tpu.memory_space<vmem>>, vector<16xf32>,
      %swap3A_681 = arith.constant 1 : i32
      %swap3A_682 = arith.index_cast %swap3A_681 : i32 to index
      %swap3A_683 = arith.constant 16 : index
      %swap3A_684 = tpu.vector_load %arg9[%swap3A_682, %swap3A_683] {strides = array<i32>} : memref<28x32xf32, #tpu.memory_space<vmem>>, vector<16xf32>,
      tpu.vector_store %arg9[%swap3A_682, %swap3A_683], %add3A_676 {strides = array<i32>} : memref<28x32xf32, #tpu.memory_space<vmem>>, vector<16xf32>,
      %add3A_685 = arith.constant 5 : i32
      %add3A_686 = vector.broadcast %add3A_685 : i32 to vector<16xi32>
      %add3A_687 = arith.addi %shift_right_arithmetic3A_28, %add3A_686 : vector<16xi32>
      %gather3A_688 = tpu.vector_load_idx %arg5[%add3A_687] : memref<408xf32, #tpu.memory_space<vmem>>[vector<16xi32>], vector<16xf32>,
      %mul3A_689 = arith.mulf %gather3A_688, %get3A_64 : vector<16xf32>
      %add3A_690 = arith.addf %add3A_634, %mul3A_689 : vector<16xf32>
      %mul3A_691 = arith.mulf %gather3A_688, %gather3A_69 : vector<16xf32>
      %add3A_692 = arith.addf %add3A_636, %mul3A_691 : vector<16xf32>
      %add3A_693 = arith.constant 6 : i32
      %add3A_694 = vector.broadcast %add3A_693 : i32 to vector<16xi32>
      %add3A_695 = arith.addi %shift_right_arithmetic3A_28, %add3A_694 : vector<16xi32>
      %gather3A_696 = tpu.vector_load_idx %arg5[%add3A_695] : memref<408xf32, #tpu.memory_space<vmem>>[vector<16xi32>], vector<16xf32>,
      %mul3A_697 = arith.mulf %gather3A_696, %get3A_71 : vector<16xf32>
      %add3A_698 = arith.addf %add3A_690, %mul3A_697 : vector<16xf32>
      %mul3A_699 = arith.mulf %gather3A_696, %gather3A_76 : vector<16xf32>
      %add3A_700 = arith.addf %add3A_692, %mul3A_699 : vector<16xf32>
      %add3A_701 = arith.constant 7 : i32
      %add3A_702 = vector.broadcast %add3A_701 : i32 to vector<16xi32>
      %add3A_703 = arith.addi %shift_right_arithmetic3A_28, %add3A_702 : vector<16xi32>
      %gather3A_704 = tpu.vector_load_idx %arg5[%add3A_703] : memref<408xf32, #tpu.memory_space<vmem>>[vector<16xi32>], vector<16xf32>,
      %mul3A_705 = arith.mulf %gather3A_704, %get3A_78 : vector<16xf32>
      %add3A_706 = arith.addf %add3A_698, %mul3A_705 : vector<16xf32>
      %mul3A_707 = arith.mulf %gather3A_704, %gather3A_83 : vector<16xf32>
      %add3A_708 = arith.addf %add3A_700, %mul3A_707 : vector<16xf32>
      %add3A_709 = arith.constant 8 : i32
      %add3A_710 = vector.broadcast %add3A_709 : i32 to vector<16xi32>
      %add3A_711 = arith.addi %shift_right_arithmetic3A_28, %add3A_710 : vector<16xi32>
      %gather3A_712 = tpu.vector_load_idx %arg5[%add3A_711] : memref<408xf32, #tpu.memory_space<vmem>>[vector<16xi32>], vector<16xf32>,
      %mul3A_713 = arith.mulf %gather3A_712, %get3A_85 : vector<16xf32>
      %add3A_714 = arith.addf %add3A_706, %mul3A_713 : vector<16xf32>
      %mul3A_715 = arith.mulf %gather3A_712, %gather3A_90 : vector<16xf32>
      %add3A_716 = arith.addf %add3A_708, %mul3A_715 : vector<16xf32>
      %add3A_717 = arith.constant 9 : i32
      %add3A_718 = vector.broadcast %add3A_717 : i32 to vector<16xi32>
      %add3A_719 = arith.addi %shift_right_arithmetic3A_28, %add3A_718 : vector<16xi32>
      %gather3A_720 = tpu.vector_load_idx %arg5[%add3A_719] : memref<408xf32, #tpu.memory_space<vmem>>[vector<16xi32>], vector<16xf32>,
      %mul3A_721 = arith.mulf %gather3A_720, %get3A_92 : vector<16xf32>
      %add3A_722 = arith.addf %add3A_714, %mul3A_721 : vector<16xf32>
      %mul3A_723 = arith.mulf %gather3A_720, %gather3A_97 : vector<16xf32>
      %add3A_724 = arith.addf %add3A_716, %mul3A_723 : vector<16xf32>
      %swap3A_725 = arith.constant 2 : i32
      %swap3A_726 = arith.index_cast %swap3A_725 : i32 to index
      %swap3A_727 = arith.constant 0 : index
      %swap3A_728 = tpu.vector_load %arg9[%swap3A_726, %swap3A_727] {strides = array<i32>} : memref<28x32xf32, #tpu.memory_space<vmem>>, vector<16xf32>,
      tpu.vector_store %arg9[%swap3A_726, %swap3A_727], %add3A_722 {strides = array<i32>} : memref<28x32xf32, #tpu.memory_space<vmem>>, vector<16xf32>,
      %swap3A_729 = arith.constant 2 : i32
      %swap3A_730 = arith.index_cast %swap3A_729 : i32 to index
      %swap3A_731 = arith.constant 16 : index
      %swap3A_732 = tpu.vector_load %arg9[%swap3A_730, %swap3A_731] {strides = array<i32>} : memref<28x32xf32, #tpu.memory_space<vmem>>, vector<16xf32>,
      tpu.vector_store %arg9[%swap3A_730, %swap3A_731], %add3A_724 {strides = array<i32>} : memref<28x32xf32, #tpu.memory_space<vmem>>, vector<16xf32>,
      %add3A_733 = arith.constant 10 : i32
      %add3A_734 = vector.broadcast %add3A_733 : i32 to vector<16xi32>
      %add3A_735 = arith.addi %shift_right_arithmetic3A_28, %add3A_734 : vector<16xi32>
      %gather3A_736 = tpu.vector_load_idx %arg5[%add3A_735] : memref<408xf32, #tpu.memory_space<vmem>>[vector<16xi32>], vector<16xf32>,
      %mul3A_737 = arith.mulf %gather3A_736, %get3A_64 : vector<16xf32>
      %add3A_738 = arith.addf %add3A_634, %mul3A_737 : vector<16xf32>
      %mul3A_739 = arith.mulf %gather3A_736, %gather3A_69 : vector<16xf32>
      %add3A_740 = arith.addf %add3A_636, %mul3A_739 : vector<16xf32>
      %add3A_741 = arith.constant 11 : i32
      %add3A_742 = vector.broadcast %add3A_741 : i32 to vector<16xi32>
      %add3A_743 = arith.addi %shift_right_arithmetic3A_28, %add3A_742 : vector<16xi32>
      %gather3A_744 = tpu.vector_load_idx %arg5[%add3A_743] : memref<408xf32, #tpu.memory_space<vmem>>[vector<16xi32>], vector<16xf32>,
      %mul3A_745 = arith.mulf %gather3A_744, %get3A_71 : vector<16xf32>
      %add3A_746 = arith.addf %add3A_738, %mul3A_745 : vector<16xf32>
      %mul3A_747 = arith.mulf %gather3A_744, %gather3A_76 : vector<16xf32>
      %add3A_748 = arith.addf %add3A_740, %mul3A_747 : vector<16xf32>
      %add3A_749 = arith.constant 12 : i32
      %add3A_750 = vector.broadcast %add3A_749 : i32 to vector<16xi32>
      %add3A_751 = arith.addi %shift_right_arithmetic3A_28, %add3A_750 : vector<16xi32>
      %gather3A_752 = tpu.vector_load_idx %arg5[%add3A_751] : memref<408xf32, #tpu.memory_space<vmem>>[vector<16xi32>], vector<16xf32>,
      %mul3A_753 = arith.mulf %gather3A_752, %get3A_78 : vector<16xf32>
      %add3A_754 = arith.addf %add3A_746, %mul3A_753 : vector<16xf32>
      %mul3A_755 = arith.mulf %gather3A_752, %gather3A_83 : vector<16xf32>
      %add3A_756 = arith.addf %add3A_748, %mul3A_755 : vector<16xf32>
      %add3A_757 = arith.constant 13 : i32
      %add3A_758 = vector.broadcast %add3A_757 : i32 to vector<16xi32>
      %add3A_759 = arith.addi %shift_right_arithmetic3A_28, %add3A_758 : vector<16xi32>
      %gather3A_760 = tpu.vector_load_idx %arg5[%add3A_759] : memref<408xf32, #tpu.memory_space<vmem>>[vector<16xi32>], vector<16xf32>,
      %mul3A_761 = arith.mulf %gather3A_760, %get3A_85 : vector<16xf32>
      %add3A_762 = arith.addf %add3A_754, %mul3A_761 : vector<16xf32>
      %mul3A_763 = arith.mulf %gather3A_760, %gather3A_90 : vector<16xf32>
      %add3A_764 = arith.addf %add3A_756, %mul3A_763 : vector<16xf32>
      %add3A_765 = arith.constant 14 : i32
      %add3A_766 = vector.broadcast %add3A_765 : i32 to vector<16xi32>
      %add3A_767 = arith.addi %shift_right_arithmetic3A_28, %add3A_766 : vector<16xi32>
      %gather3A_768 = tpu.vector_load_idx %arg5[%add3A_767] : memref<408xf32, #tpu.memory_space<vmem>>[vector<16xi32>], vector<16xf32>,
      %mul3A_769 = arith.mulf %gather3A_768, %get3A_92 : vector<16xf32>
      %add3A_770 = arith.addf %add3A_762, %mul3A_769 : vector<16xf32>
      %mul3A_771 = arith.mulf %gather3A_768, %gather3A_97 : vector<16xf32>
      %add3A_772 = arith.addf %add3A_764, %mul3A_771 : vector<16xf32>
      %swap3A_773 = arith.constant 3 : i32
      %swap3A_774 = arith.index_cast %swap3A_773 : i32 to index
      %swap3A_775 = arith.constant 0 : index
      %swap3A_776 = tpu.vector_load %arg9[%swap3A_774, %swap3A_775] {strides = array<i32>} : memref<28x32xf32, #tpu.memory_space<vmem>>, vector<16xf32>,
      tpu.vector_store %arg9[%swap3A_774, %swap3A_775], %add3A_770 {strides = array<i32>} : memref<28x32xf32, #tpu.memory_space<vmem>>, vector<16xf32>,
      %swap3A_777 = arith.constant 3 : i32
      %swap3A_778 = arith.index_cast %swap3A_777 : i32 to index
      %swap3A_779 = arith.constant 16 : index
      %swap3A_780 = tpu.vector_load %arg9[%swap3A_778, %swap3A_779] {strides = array<i32>} : memref<28x32xf32, #tpu.memory_space<vmem>>, vector<16xf32>,
      tpu.vector_store %arg9[%swap3A_778, %swap3A_779], %add3A_772 {strides = array<i32>} : memref<28x32xf32, #tpu.memory_space<vmem>>, vector<16xf32>,
      %add3A_781 = arith.constant 15 : i32
      %add3A_782 = vector.broadcast %add3A_781 : i32 to vector<16xi32>
      %add3A_783 = arith.addi %shift_right_arithmetic3A_28, %add3A_782 : vector<16xi32>
      %gather3A_784 = tpu.vector_load_idx %arg5[%add3A_783] : memref<408xf32, #tpu.memory_space<vmem>>[vector<16xi32>], vector<16xf32>,
      %mul3A_785 = arith.mulf %gather3A_784, %get3A_64 : vector<16xf32>
      %add3A_786 = arith.addf %add3A_634, %mul3A_785 : vector<16xf32>
      %mul3A_787 = arith.mulf %gather3A_784, %gather3A_69 : vector<16xf32>
      %add3A_788 = arith.addf %add3A_636, %mul3A_787 : vector<16xf32>
      %add3A_789 = arith.constant 16 : i32
      %add3A_790 = vector.broadcast %add3A_789 : i32 to vector<16xi32>
      %add3A_791 = arith.addi %shift_right_arithmetic3A_28, %add3A_790 : vector<16xi32>
      %gather3A_792 = tpu.vector_load_idx %arg5[%add3A_791] : memref<408xf32, #tpu.memory_space<vmem>>[vector<16xi32>], vector<16xf32>,
      %mul3A_793 = arith.mulf %gather3A_792, %get3A_71 : vector<16xf32>
      %add3A_794 = arith.addf %add3A_786, %mul3A_793 : vector<16xf32>
      %mul3A_795 = arith.mulf %gather3A_792, %gather3A_76 : vector<16xf32>
      %add3A_796 = arith.addf %add3A_788, %mul3A_795 : vector<16xf32>
      %add3A_797 = arith.constant 17 : i32
      %add3A_798 = vector.broadcast %add3A_797 : i32 to vector<16xi32>
      %add3A_799 = arith.addi %shift_right_arithmetic3A_28, %add3A_798 : vector<16xi32>
      %gather3A_800 = tpu.vector_load_idx %arg5[%add3A_799] : memref<408xf32, #tpu.memory_space<vmem>>[vector<16xi32>], vector<16xf32>,
      %mul3A_801 = arith.mulf %gather3A_800, %get3A_78 : vector<16xf32>
      %add3A_802 = arith.addf %add3A_794, %mul3A_801 : vector<16xf32>
      %mul3A_803 = arith.mulf %gather3A_800, %gather3A_83 : vector<16xf32>
      %add3A_804 = arith.addf %add3A_796, %mul3A_803 : vector<16xf32>
      %add3A_805 = arith.constant 18 : i32
      %add3A_806 = vector.broadcast %add3A_805 : i32 to vector<16xi32>
      %add3A_807 = arith.addi %shift_right_arithmetic3A_28, %add3A_806 : vector<16xi32>
      %gather3A_808 = tpu.vector_load_idx %arg5[%add3A_807] : memref<408xf32, #tpu.memory_space<vmem>>[vector<16xi32>], vector<16xf32>,
      %mul3A_809 = arith.mulf %gather3A_808, %get3A_85 : vector<16xf32>
      %add3A_810 = arith.addf %add3A_802, %mul3A_809 : vector<16xf32>
      %mul3A_811 = arith.mulf %gather3A_808, %gather3A_90 : vector<16xf32>
      %add3A_812 = arith.addf %add3A_804, %mul3A_811 : vector<16xf32>
      %add3A_813 = arith.constant 19 : i32
      %add3A_814 = vector.broadcast %add3A_813 : i32 to vector<16xi32>
      %add3A_815 = arith.addi %shift_right_arithmetic3A_28, %add3A_814 : vector<16xi32>
      %gather3A_816 = tpu.vector_load_idx %arg5[%add3A_815] : memref<408xf32, #tpu.memory_space<vmem>>[vector<16xi32>], vector<16xf32>,
      %mul3A_817 = arith.mulf %gather3A_816, %get3A_92 : vector<16xf32>
      %add3A_818 = arith.addf %add3A_810, %mul3A_817 : vector<16xf32>
      %mul3A_819 = arith.mulf %gather3A_816, %gather3A_97 : vector<16xf32>
      %add3A_820 = arith.addf %add3A_812, %mul3A_819 : vector<16xf32>
      %swap3A_821 = arith.constant 4 : i32
      %swap3A_822 = arith.index_cast %swap3A_821 : i32 to index
      %swap3A_823 = arith.constant 0 : index
      %swap3A_824 = tpu.vector_load %arg9[%swap3A_822, %swap3A_823] {strides = array<i32>} : memref<28x32xf32, #tpu.memory_space<vmem>>, vector<16xf32>,
      tpu.vector_store %arg9[%swap3A_822, %swap3A_823], %add3A_818 {strides = array<i32>} : memref<28x32xf32, #tpu.memory_space<vmem>>, vector<16xf32>,
      %swap3A_825 = arith.constant 4 : i32
      %swap3A_826 = arith.index_cast %swap3A_825 : i32 to index
      %swap3A_827 = arith.constant 16 : index
      %swap3A_828 = tpu.vector_load %arg9[%swap3A_826, %swap3A_827] {strides = array<i32>} : memref<28x32xf32, #tpu.memory_space<vmem>>, vector<16xf32>,
      tpu.vector_store %arg9[%swap3A_826, %swap3A_827], %add3A_820 {strides = array<i32>} : memref<28x32xf32, #tpu.memory_space<vmem>>, vector<16xf32>,
      %add3A_829 = arith.constant 20 : i32
      %add3A_830 = vector.broadcast %add3A_829 : i32 to vector<16xi32>
      %add3A_831 = arith.addi %shift_right_arithmetic3A_28, %add3A_830 : vector<16xi32>
      %gather3A_832 = tpu.vector_load_idx %arg5[%add3A_831] : memref<408xf32, #tpu.memory_space<vmem>>[vector<16xi32>], vector<16xf32>,
      %mul3A_833 = arith.mulf %gather3A_832, %get3A_64 : vector<16xf32>
      %add3A_834 = arith.addf %add3A_634, %mul3A_833 : vector<16xf32>
      %mul3A_835 = arith.mulf %gather3A_832, %gather3A_69 : vector<16xf32>
      %add3A_836 = arith.addf %add3A_636, %mul3A_835 : vector<16xf32>
      %add3A_837 = arith.constant 21 : i32
      %add3A_838 = vector.broadcast %add3A_837 : i32 to vector<16xi32>
      %add3A_839 = arith.addi %shift_right_arithmetic3A_28, %add3A_838 : vector<16xi32>
      %gather3A_840 = tpu.vector_load_idx %arg5[%add3A_839] : memref<408xf32, #tpu.memory_space<vmem>>[vector<16xi32>], vector<16xf32>,
      %mul3A_841 = arith.mulf %gather3A_840, %get3A_71 : vector<16xf32>
      %add3A_842 = arith.addf %add3A_834, %mul3A_841 : vector<16xf32>
      %mul3A_843 = arith.mulf %gather3A_840, %gather3A_76 : vector<16xf32>
      %add3A_844 = arith.addf %add3A_836, %mul3A_843 : vector<16xf32>
      %add3A_845 = arith.constant 22 : i32
      %add3A_846 = vector.broadcast %add3A_845 : i32 to vector<16xi32>
      %add3A_847 = arith.addi %shift_right_arithmetic3A_28, %add3A_846 : vector<16xi32>
      %gather3A_848 = tpu.vector_load_idx %arg5[%add3A_847] : memref<408xf32, #tpu.memory_space<vmem>>[vector<16xi32>], vector<16xf32>,
      %mul3A_849 = arith.mulf %gather3A_848, %get3A_78 : vector<16xf32>
      %add3A_850 = arith.addf %add3A_842, %mul3A_849 : vector<16xf32>
      %mul3A_851 = arith.mulf %gather3A_848, %gather3A_83 : vector<16xf32>
      %add3A_852 = arith.addf %add3A_844, %mul3A_851 : vector<16xf32>
      %add3A_853 = arith.constant 23 : i32
      %add3A_854 = vector.broadcast %add3A_853 : i32 to vector<16xi32>
      %add3A_855 = arith.addi %shift_right_arithmetic3A_28, %add3A_854 : vector<16xi32>
      %gather3A_856 = tpu.vector_load_idx %arg5[%add3A_855] : memref<408xf32, #tpu.memory_space<vmem>>[vector<16xi32>], vector<16xf32>,
      %mul3A_857 = arith.mulf %gather3A_856, %get3A_85 : vector<16xf32>
      %add3A_858 = arith.addf %add3A_850, %mul3A_857 : vector<16xf32>
      %mul3A_859 = arith.mulf %gather3A_856, %gather3A_90 : vector<16xf32>
      %add3A_860 = arith.addf %add3A_852, %mul3A_859 : vector<16xf32>
      %add3A_861 = arith.constant 24 : i32
      %add3A_862 = vector.broadcast %add3A_861 : i32 to vector<16xi32>
      %add3A_863 = arith.addi %shift_right_arithmetic3A_28, %add3A_862 : vector<16xi32>
      %gather3A_864 = tpu.vector_load_idx %arg5[%add3A_863] : memref<408xf32, #tpu.memory_space<vmem>>[vector<16xi32>], vector<16xf32>,
      %mul3A_865 = arith.mulf %gather3A_864, %get3A_92 : vector<16xf32>
      %add3A_866 = arith.addf %add3A_858, %mul3A_865 : vector<16xf32>
      %mul3A_867 = arith.mulf %gather3A_864, %gather3A_97 : vector<16xf32>
      %add3A_868 = arith.addf %add3A_860, %mul3A_867 : vector<16xf32>
      %swap3A_869 = arith.constant 5 : i32
      %swap3A_870 = arith.index_cast %swap3A_869 : i32 to index
      %swap3A_871 = arith.constant 0 : index
      %swap3A_872 = tpu.vector_load %arg9[%swap3A_870, %swap3A_871] {strides = array<i32>} : memref<28x32xf32, #tpu.memory_space<vmem>>, vector<16xf32>,
      tpu.vector_store %arg9[%swap3A_870, %swap3A_871], %add3A_866 {strides = array<i32>} : memref<28x32xf32, #tpu.memory_space<vmem>>, vector<16xf32>,
      %swap3A_873 = arith.constant 5 : i32
      %swap3A_874 = arith.index_cast %swap3A_873 : i32 to index
      %swap3A_875 = arith.constant 16 : index
      %swap3A_876 = tpu.vector_load %arg9[%swap3A_874, %swap3A_875] {strides = array<i32>} : memref<28x32xf32, #tpu.memory_space<vmem>>, vector<16xf32>,
      tpu.vector_store %arg9[%swap3A_874, %swap3A_875], %add3A_868 {strides = array<i32>} : memref<28x32xf32, #tpu.memory_space<vmem>>, vector<16xf32>,
      %add3A_877 = arith.constant 25 : i32
      %add3A_878 = vector.broadcast %add3A_877 : i32 to vector<16xi32>
      %add3A_879 = arith.addi %shift_right_arithmetic3A_28, %add3A_878 : vector<16xi32>
      %gather3A_880 = tpu.vector_load_idx %arg5[%add3A_879] : memref<408xf32, #tpu.memory_space<vmem>>[vector<16xi32>], vector<16xf32>,
      %mul3A_881 = arith.mulf %gather3A_880, %get3A_64 : vector<16xf32>
      %add3A_882 = arith.addf %add3A_634, %mul3A_881 : vector<16xf32>
      %mul3A_883 = arith.mulf %gather3A_880, %gather3A_69 : vector<16xf32>
      %add3A_884 = arith.addf %add3A_636, %mul3A_883 : vector<16xf32>
      %add3A_885 = arith.constant 26 : i32
      %add3A_886 = vector.broadcast %add3A_885 : i32 to vector<16xi32>
      %add3A_887 = arith.addi %shift_right_arithmetic3A_28, %add3A_886 : vector<16xi32>
      %gather3A_888 = tpu.vector_load_idx %arg5[%add3A_887] : memref<408xf32, #tpu.memory_space<vmem>>[vector<16xi32>], vector<16xf32>,
      %mul3A_889 = arith.mulf %gather3A_888, %get3A_71 : vector<16xf32>
      %add3A_890 = arith.addf %add3A_882, %mul3A_889 : vector<16xf32>
      %mul3A_891 = arith.mulf %gather3A_888, %gather3A_76 : vector<16xf32>
      %add3A_892 = arith.addf %add3A_884, %mul3A_891 : vector<16xf32>
      %add3A_893 = arith.constant 27 : i32
      %add3A_894 = vector.broadcast %add3A_893 : i32 to vector<16xi32>
      %add3A_895 = arith.addi %shift_right_arithmetic3A_28, %add3A_894 : vector<16xi32>
      %gather3A_896 = tpu.vector_load_idx %arg5[%add3A_895] : memref<408xf32, #tpu.memory_space<vmem>>[vector<16xi32>], vector<16xf32>,
      %mul3A_897 = arith.mulf %gather3A_896, %get3A_78 : vector<16xf32>
      %add3A_898 = arith.addf %add3A_890, %mul3A_897 : vector<16xf32>
      %mul3A_899 = arith.mulf %gather3A_896, %gather3A_83 : vector<16xf32>
      %add3A_900 = arith.addf %add3A_892, %mul3A_899 : vector<16xf32>
      %add3A_901 = arith.constant 28 : i32
      %add3A_902 = vector.broadcast %add3A_901 : i32 to vector<16xi32>
      %add3A_903 = arith.addi %shift_right_arithmetic3A_28, %add3A_902 : vector<16xi32>
      %gather3A_904 = tpu.vector_load_idx %arg5[%add3A_903] : memref<408xf32, #tpu.memory_space<vmem>>[vector<16xi32>], vector<16xf32>,
      %mul3A_905 = arith.mulf %gather3A_904, %get3A_85 : vector<16xf32>
      %add3A_906 = arith.addf %add3A_898, %mul3A_905 : vector<16xf32>
      %mul3A_907 = arith.mulf %gather3A_904, %gather3A_90 : vector<16xf32>
      %add3A_908 = arith.addf %add3A_900, %mul3A_907 : vector<16xf32>
      %add3A_909 = arith.constant 29 : i32
      %add3A_910 = vector.broadcast %add3A_909 : i32 to vector<16xi32>
      %add3A_911 = arith.addi %shift_right_arithmetic3A_28, %add3A_910 : vector<16xi32>
      %gather3A_912 = tpu.vector_load_idx %arg5[%add3A_911] : memref<408xf32, #tpu.memory_space<vmem>>[vector<16xi32>], vector<16xf32>,
      %mul3A_913 = arith.mulf %gather3A_912, %get3A_92 : vector<16xf32>
      %add3A_914 = arith.addf %add3A_906, %mul3A_913 : vector<16xf32>
      %mul3A_915 = arith.mulf %gather3A_912, %gather3A_97 : vector<16xf32>
      %add3A_916 = arith.addf %add3A_908, %mul3A_915 : vector<16xf32>
      %swap3A_917 = arith.constant 6 : i32
      %swap3A_918 = arith.index_cast %swap3A_917 : i32 to index
      %swap3A_919 = arith.constant 0 : index
      %swap3A_920 = tpu.vector_load %arg9[%swap3A_918, %swap3A_919] {strides = array<i32>} : memref<28x32xf32, #tpu.memory_space<vmem>>, vector<16xf32>,
      tpu.vector_store %arg9[%swap3A_918, %swap3A_919], %add3A_914 {strides = array<i32>} : memref<28x32xf32, #tpu.memory_space<vmem>>, vector<16xf32>,
      %swap3A_921 = arith.constant 6 : i32
      %swap3A_922 = arith.index_cast %swap3A_921 : i32 to index
      %swap3A_923 = arith.constant 16 : index
      %swap3A_924 = tpu.vector_load %arg9[%swap3A_922, %swap3A_923] {strides = array<i32>} : memref<28x32xf32, #tpu.memory_space<vmem>>, vector<16xf32>,
      tpu.vector_store %arg9[%swap3A_922, %swap3A_923], %add3A_916 {strides = array<i32>} : memref<28x32xf32, #tpu.memory_space<vmem>>, vector<16xf32>,
      %add3A_925 = arith.constant 30 : i32
      %add3A_926 = vector.broadcast %add3A_925 : i32 to vector<16xi32>
      %add3A_927 = arith.addi %shift_right_arithmetic3A_28, %add3A_926 : vector<16xi32>
      %gather3A_928 = tpu.vector_load_idx %arg5[%add3A_927] : memref<408xf32, #tpu.memory_space<vmem>>[vector<16xi32>], vector<16xf32>,
      %mul3A_929 = arith.mulf %gather3A_928, %get3A_64 : vector<16xf32>
      %add3A_930 = arith.addf %add3A_634, %mul3A_929 : vector<16xf32>
      %mul3A_931 = arith.mulf %gather3A_928, %gather3A_69 : vector<16xf32>
      %add3A_932 = arith.addf %add3A_636, %mul3A_931 : vector<16xf32>
      %add3A_933 = arith.constant 31 : i32
      %add3A_934 = vector.broadcast %add3A_933 : i32 to vector<16xi32>
      %add3A_935 = arith.addi %shift_right_arithmetic3A_28, %add3A_934 : vector<16xi32>
      %gather3A_936 = tpu.vector_load_idx %arg5[%add3A_935] : memref<408xf32, #tpu.memory_space<vmem>>[vector<16xi32>], vector<16xf32>,
      %mul3A_937 = arith.mulf %gather3A_936, %get3A_71 : vector<16xf32>
      %add3A_938 = arith.addf %add3A_930, %mul3A_937 : vector<16xf32>
      %mul3A_939 = arith.mulf %gather3A_936, %gather3A_76 : vector<16xf32>
      %add3A_940 = arith.addf %add3A_932, %mul3A_939 : vector<16xf32>
      %add3A_941 = arith.constant 32 : i32
      %add3A_942 = vector.broadcast %add3A_941 : i32 to vector<16xi32>
      %add3A_943 = arith.addi %shift_right_arithmetic3A_28, %add3A_942 : vector<16xi32>
      %gather3A_944 = tpu.vector_load_idx %arg5[%add3A_943] : memref<408xf32, #tpu.memory_space<vmem>>[vector<16xi32>], vector<16xf32>,
      %mul3A_945 = arith.mulf %gather3A_944, %get3A_78 : vector<16xf32>
      %add3A_946 = arith.addf %add3A_938, %mul3A_945 : vector<16xf32>
      %mul3A_947 = arith.mulf %gather3A_944, %gather3A_83 : vector<16xf32>
      %add3A_948 = arith.addf %add3A_940, %mul3A_947 : vector<16xf32>
      %add3A_949 = arith.constant 33 : i32
      %add3A_950 = vector.broadcast %add3A_949 : i32 to vector<16xi32>
      %add3A_951 = arith.addi %shift_right_arithmetic3A_28, %add3A_950 : vector<16xi32>
      %gather3A_952 = tpu.vector_load_idx %arg5[%add3A_951] : memref<408xf32, #tpu.memory_space<vmem>>[vector<16xi32>], vector<16xf32>,
      %mul3A_953 = arith.mulf %gather3A_952, %get3A_85 : vector<16xf32>
      %add3A_954 = arith.addf %add3A_946, %mul3A_953 : vector<16xf32>
      %mul3A_955 = arith.mulf %gather3A_952, %gather3A_90 : vector<16xf32>
      %add3A_956 = arith.addf %add3A_948, %mul3A_955 : vector<16xf32>
      %add3A_957 = arith.constant 34 : i32
      %add3A_958 = vector.broadcast %add3A_957 : i32 to vector<16xi32>
      %add3A_959 = arith.addi %shift_right_arithmetic3A_28, %add3A_958 : vector<16xi32>
      %gather3A_960 = tpu.vector_load_idx %arg5[%add3A_959] : memref<408xf32, #tpu.memory_space<vmem>>[vector<16xi32>], vector<16xf32>,
      %mul3A_961 = arith.mulf %gather3A_960, %get3A_92 : vector<16xf32>
      %add3A_962 = arith.addf %add3A_954, %mul3A_961 : vector<16xf32>
      %mul3A_963 = arith.mulf %gather3A_960, %gather3A_97 : vector<16xf32>
      %add3A_964 = arith.addf %add3A_956, %mul3A_963 : vector<16xf32>
      %swap3A_965 = arith.constant 7 : i32
      %swap3A_966 = arith.index_cast %swap3A_965 : i32 to index
      %swap3A_967 = arith.constant 0 : index
      %swap3A_968 = tpu.vector_load %arg9[%swap3A_966, %swap3A_967] {strides = array<i32>} : memref<28x32xf32, #tpu.memory_space<vmem>>, vector<16xf32>,
      tpu.vector_store %arg9[%swap3A_966, %swap3A_967], %add3A_962 {strides = array<i32>} : memref<28x32xf32, #tpu.memory_space<vmem>>, vector<16xf32>,
      %swap3A_969 = arith.constant 7 : i32
      %swap3A_970 = arith.index_cast %swap3A_969 : i32 to index
      %swap3A_971 = arith.constant 16 : index
      %swap3A_972 = tpu.vector_load %arg9[%swap3A_970, %swap3A_971] {strides = array<i32>} : memref<28x32xf32, #tpu.memory_space<vmem>>, vector<16xf32>,
      tpu.vector_store %arg9[%swap3A_970, %swap3A_971], %add3A_964 {strides = array<i32>} : memref<28x32xf32, #tpu.memory_space<vmem>>, vector<16xf32>,
      %add3A_973 = arith.constant 35 : i32
      %add3A_974 = vector.broadcast %add3A_973 : i32 to vector<16xi32>
      %add3A_975 = arith.addi %shift_right_arithmetic3A_28, %add3A_974 : vector<16xi32>
      %gather3A_976 = tpu.vector_load_idx %arg5[%add3A_975] : memref<408xf32, #tpu.memory_space<vmem>>[vector<16xi32>], vector<16xf32>,
      %mul3A_977 = arith.mulf %gather3A_976, %get3A_64 : vector<16xf32>
      %add3A_978 = arith.addf %add3A_634, %mul3A_977 : vector<16xf32>
      %mul3A_979 = arith.mulf %gather3A_976, %gather3A_69 : vector<16xf32>
      %add3A_980 = arith.addf %add3A_636, %mul3A_979 : vector<16xf32>
      %add3A_981 = arith.constant 36 : i32
      %add3A_982 = vector.broadcast %add3A_981 : i32 to vector<16xi32>
      %add3A_983 = arith.addi %shift_right_arithmetic3A_28, %add3A_982 : vector<16xi32>
      %gather3A_984 = tpu.vector_load_idx %arg5[%add3A_983] : memref<408xf32, #tpu.memory_space<vmem>>[vector<16xi32>], vector<16xf32>,
      %mul3A_985 = arith.mulf %gather3A_984, %get3A_71 : vector<16xf32>
      %add3A_986 = arith.addf %add3A_978, %mul3A_985 : vector<16xf32>
      %mul3A_987 = arith.mulf %gather3A_984, %gather3A_76 : vector<16xf32>
      %add3A_988 = arith.addf %add3A_980, %mul3A_987 : vector<16xf32>
      %add3A_989 = arith.constant 37 : i32
      %add3A_990 = vector.broadcast %add3A_989 : i32 to vector<16xi32>
      %add3A_991 = arith.addi %shift_right_arithmetic3A_28, %add3A_990 : vector<16xi32>
      %gather3A_992 = tpu.vector_load_idx %arg5[%add3A_991] : memref<408xf32, #tpu.memory_space<vmem>>[vector<16xi32>], vector<16xf32>,
      %mul3A_993 = arith.mulf %gather3A_992, %get3A_78 : vector<16xf32>
      %add3A_994 = arith.addf %add3A_986, %mul3A_993 : vector<16xf32>
      %mul3A_995 = arith.mulf %gather3A_992, %gather3A_83 : vector<16xf32>
      %add3A_996 = arith.addf %add3A_988, %mul3A_995 : vector<16xf32>
      %add3A_997 = arith.constant 38 : i32
      %add3A_998 = vector.broadcast %add3A_997 : i32 to vector<16xi32>
      %add3A_999 = arith.addi %shift_right_arithmetic3A_28, %add3A_998 : vector<16xi32>
      %gather3A_1000 = tpu.vector_load_idx %arg5[%add3A_999] : memref<408xf32, #tpu.memory_space<vmem>>[vector<16xi32>], vector<16xf32>,
      %mul3A_1001 = arith.mulf %gather3A_1000, %get3A_85 : vector<16xf32>
      %add3A_1002 = arith.addf %add3A_994, %mul3A_1001 : vector<16xf32>
      %mul3A_1003 = arith.mulf %gather3A_1000, %gather3A_90 : vector<16xf32>
      %add3A_1004 = arith.addf %add3A_996, %mul3A_1003 : vector<16xf32>
      %add3A_1005 = arith.constant 39 : i32
      %add3A_1006 = vector.broadcast %add3A_1005 : i32 to vector<16xi32>
      %add3A_1007 = arith.addi %shift_right_arithmetic3A_28, %add3A_1006 : vector<16xi32>
      %gather3A_1008 = tpu.vector_load_idx %arg5[%add3A_1007] : memref<408xf32, #tpu.memory_space<vmem>>[vector<16xi32>], vector<16xf32>,
      %mul3A_1009 = arith.mulf %gather3A_1008, %get3A_92 : vector<16xf32>
      %add3A_1010 = arith.addf %add3A_1002, %mul3A_1009 : vector<16xf32>
      %mul3A_1011 = arith.mulf %gather3A_1008, %gather3A_97 : vector<16xf32>
      %add3A_1012 = arith.addf %add3A_1004, %mul3A_1011 : vector<16xf32>
      %swap3A_1013 = arith.constant 8 : i32
      %swap3A_1014 = arith.index_cast %swap3A_1013 : i32 to index
      %swap3A_1015 = arith.constant 0 : index
      %swap3A_1016 = tpu.vector_load %arg9[%swap3A_1014, %swap3A_1015] {strides = array<i32>} : memref<28x32xf32, #tpu.memory_space<vmem>>, vector<16xf32>,
      tpu.vector_store %arg9[%swap3A_1014, %swap3A_1015], %add3A_1010 {strides = array<i32>} : memref<28x32xf32, #tpu.memory_space<vmem>>, vector<16xf32>,
      %swap3A_1017 = arith.constant 8 : i32
      %swap3A_1018 = arith.index_cast %swap3A_1017 : i32 to index
      %swap3A_1019 = arith.constant 16 : index
      %swap3A_1020 = tpu.vector_load %arg9[%swap3A_1018, %swap3A_1019] {strides = array<i32>} : memref<28x32xf32, #tpu.memory_space<vmem>>, vector<16xf32>,
      tpu.vector_store %arg9[%swap3A_1018, %swap3A_1019], %add3A_1012 {strides = array<i32>} : memref<28x32xf32, #tpu.memory_space<vmem>>, vector<16xf32>,
      %add3A_1021 = arith.constant 40 : i32
      %add3A_1022 = vector.broadcast %add3A_1021 : i32 to vector<16xi32>
      %add3A_1023 = arith.addi %shift_right_arithmetic3A_28, %add3A_1022 : vector<16xi32>
      %gather3A_1024 = tpu.vector_load_idx %arg5[%add3A_1023] : memref<408xf32, #tpu.memory_space<vmem>>[vector<16xi32>], vector<16xf32>,
      %mul3A_1025 = arith.mulf %gather3A_1024, %get3A_64 : vector<16xf32>
      %add3A_1026 = arith.addf %add3A_634, %mul3A_1025 : vector<16xf32>
      %mul3A_1027 = arith.mulf %gather3A_1024, %gather3A_69 : vector<16xf32>
      %add3A_1028 = arith.addf %add3A_636, %mul3A_1027 : vector<16xf32>
      %add3A_1029 = arith.constant 41 : i32
      %add3A_1030 = vector.broadcast %add3A_1029 : i32 to vector<16xi32>
      %add3A_1031 = arith.addi %shift_right_arithmetic3A_28, %add3A_1030 : vector<16xi32>
      %gather3A_1032 = tpu.vector_load_idx %arg5[%add3A_1031] : memref<408xf32, #tpu.memory_space<vmem>>[vector<16xi32>], vector<16xf32>,
      %mul3A_1033 = arith.mulf %gather3A_1032, %get3A_71 : vector<16xf32>
      %add3A_1034 = arith.addf %add3A_1026, %mul3A_1033 : vector<16xf32>
      %mul3A_1035 = arith.mulf %gather3A_1032, %gather3A_76 : vector<16xf32>
      %add3A_1036 = arith.addf %add3A_1028, %mul3A_1035 : vector<16xf32>
      %add3A_1037 = arith.constant 42 : i32
      %add3A_1038 = vector.broadcast %add3A_1037 : i32 to vector<16xi32>
      %add3A_1039 = arith.addi %shift_right_arithmetic3A_28, %add3A_1038 : vector<16xi32>
      %gather3A_1040 = tpu.vector_load_idx %arg5[%add3A_1039] : memref<408xf32, #tpu.memory_space<vmem>>[vector<16xi32>], vector<16xf32>,
      %mul3A_1041 = arith.mulf %gather3A_1040, %get3A_78 : vector<16xf32>
      %add3A_1042 = arith.addf %add3A_1034, %mul3A_1041 : vector<16xf32>
      %mul3A_1043 = arith.mulf %gather3A_1040, %gather3A_83 : vector<16xf32>
      %add3A_1044 = arith.addf %add3A_1036, %mul3A_1043 : vector<16xf32>
      %add3A_1045 = arith.constant 43 : i32
      %add3A_1046 = vector.broadcast %add3A_1045 : i32 to vector<16xi32>
      %add3A_1047 = arith.addi %shift_right_arithmetic3A_28, %add3A_1046 : vector<16xi32>
      %gather3A_1048 = tpu.vector_load_idx %arg5[%add3A_1047] : memref<408xf32, #tpu.memory_space<vmem>>[vector<16xi32>], vector<16xf32>,
      %mul3A_1049 = arith.mulf %gather3A_1048, %get3A_85 : vector<16xf32>
      %add3A_1050 = arith.addf %add3A_1042, %mul3A_1049 : vector<16xf32>
      %mul3A_1051 = arith.mulf %gather3A_1048, %gather3A_90 : vector<16xf32>
      %add3A_1052 = arith.addf %add3A_1044, %mul3A_1051 : vector<16xf32>
      %add3A_1053 = arith.constant 44 : i32
      %add3A_1054 = vector.broadcast %add3A_1053 : i32 to vector<16xi32>
      %add3A_1055 = arith.addi %shift_right_arithmetic3A_28, %add3A_1054 : vector<16xi32>
      %gather3A_1056 = tpu.vector_load_idx %arg5[%add3A_1055] : memref<408xf32, #tpu.memory_space<vmem>>[vector<16xi32>], vector<16xf32>,
      %mul3A_1057 = arith.mulf %gather3A_1056, %get3A_92 : vector<16xf32>
      %add3A_1058 = arith.addf %add3A_1050, %mul3A_1057 : vector<16xf32>
      %mul3A_1059 = arith.mulf %gather3A_1056, %gather3A_97 : vector<16xf32>
      %add3A_1060 = arith.addf %add3A_1052, %mul3A_1059 : vector<16xf32>
      %swap3A_1061 = arith.constant 9 : i32
      %swap3A_1062 = arith.index_cast %swap3A_1061 : i32 to index
      %swap3A_1063 = arith.constant 0 : index
      %swap3A_1064 = tpu.vector_load %arg9[%swap3A_1062, %swap3A_1063] {strides = array<i32>} : memref<28x32xf32, #tpu.memory_space<vmem>>, vector<16xf32>,
      tpu.vector_store %arg9[%swap3A_1062, %swap3A_1063], %add3A_1058 {strides = array<i32>} : memref<28x32xf32, #tpu.memory_space<vmem>>, vector<16xf32>,
      %swap3A_1065 = arith.constant 9 : i32
      %swap3A_1066 = arith.index_cast %swap3A_1065 : i32 to index
      %swap3A_1067 = arith.constant 16 : index
      %swap3A_1068 = tpu.vector_load %arg9[%swap3A_1066, %swap3A_1067] {strides = array<i32>} : memref<28x32xf32, #tpu.memory_space<vmem>>, vector<16xf32>,
      tpu.vector_store %arg9[%swap3A_1066, %swap3A_1067], %add3A_1060 {strides = array<i32>} : memref<28x32xf32, #tpu.memory_space<vmem>>, vector<16xf32>,
      %add3A_1069 = arith.constant 45 : i32
      %add3A_1070 = vector.broadcast %add3A_1069 : i32 to vector<16xi32>
      %add3A_1071 = arith.addi %shift_right_arithmetic3A_28, %add3A_1070 : vector<16xi32>
      %gather3A_1072 = tpu.vector_load_idx %arg5[%add3A_1071] : memref<408xf32, #tpu.memory_space<vmem>>[vector<16xi32>], vector<16xf32>,
      %mul3A_1073 = arith.mulf %gather3A_1072, %get3A_64 : vector<16xf32>
      %add3A_1074 = arith.addf %add3A_634, %mul3A_1073 : vector<16xf32>
      %mul3A_1075 = arith.mulf %gather3A_1072, %gather3A_69 : vector<16xf32>
      %add3A_1076 = arith.addf %add3A_636, %mul3A_1075 : vector<16xf32>
      %add3A_1077 = arith.constant 46 : i32
      %add3A_1078 = vector.broadcast %add3A_1077 : i32 to vector<16xi32>
      %add3A_1079 = arith.addi %shift_right_arithmetic3A_28, %add3A_1078 : vector<16xi32>
      %gather3A_1080 = tpu.vector_load_idx %arg5[%add3A_1079] : memref<408xf32, #tpu.memory_space<vmem>>[vector<16xi32>], vector<16xf32>,
      %mul3A_1081 = arith.mulf %gather3A_1080, %get3A_71 : vector<16xf32>
      %add3A_1082 = arith.addf %add3A_1074, %mul3A_1081 : vector<16xf32>
      %mul3A_1083 = arith.mulf %gather3A_1080, %gather3A_76 : vector<16xf32>
      %add3A_1084 = arith.addf %add3A_1076, %mul3A_1083 : vector<16xf32>
      %add3A_1085 = arith.constant 47 : i32
      %add3A_1086 = vector.broadcast %add3A_1085 : i32 to vector<16xi32>
      %add3A_1087 = arith.addi %shift_right_arithmetic3A_28, %add3A_1086 : vector<16xi32>
      %gather3A_1088 = tpu.vector_load_idx %arg5[%add3A_1087] : memref<408xf32, #tpu.memory_space<vmem>>[vector<16xi32>], vector<16xf32>,
      %mul3A_1089 = arith.mulf %gather3A_1088, %get3A_78 : vector<16xf32>
      %add3A_1090 = arith.addf %add3A_1082, %mul3A_1089 : vector<16xf32>
      %mul3A_1091 = arith.mulf %gather3A_1088, %gather3A_83 : vector<16xf32>
      %add3A_1092 = arith.addf %add3A_1084, %mul3A_1091 : vector<16xf32>
      %add3A_1093 = arith.constant 48 : i32
      %add3A_1094 = vector.broadcast %add3A_1093 : i32 to vector<16xi32>
      %add3A_1095 = arith.addi %shift_right_arithmetic3A_28, %add3A_1094 : vector<16xi32>
      %gather3A_1096 = tpu.vector_load_idx %arg5[%add3A_1095] : memref<408xf32, #tpu.memory_space<vmem>>[vector<16xi32>], vector<16xf32>,
      %mul3A_1097 = arith.mulf %gather3A_1096, %get3A_85 : vector<16xf32>
      %add3A_1098 = arith.addf %add3A_1090, %mul3A_1097 : vector<16xf32>
      %mul3A_1099 = arith.mulf %gather3A_1096, %gather3A_90 : vector<16xf32>
      %add3A_1100 = arith.addf %add3A_1092, %mul3A_1099 : vector<16xf32>
      %add3A_1101 = arith.constant 49 : i32
      %add3A_1102 = vector.broadcast %add3A_1101 : i32 to vector<16xi32>
      %add3A_1103 = arith.addi %shift_right_arithmetic3A_28, %add3A_1102 : vector<16xi32>
      %gather3A_1104 = tpu.vector_load_idx %arg5[%add3A_1103] : memref<408xf32, #tpu.memory_space<vmem>>[vector<16xi32>], vector<16xf32>,
      %mul3A_1105 = arith.mulf %gather3A_1104, %get3A_92 : vector<16xf32>
      %add3A_1106 = arith.addf %add3A_1098, %mul3A_1105 : vector<16xf32>
      %mul3A_1107 = arith.mulf %gather3A_1104, %gather3A_97 : vector<16xf32>
      %add3A_1108 = arith.addf %add3A_1100, %mul3A_1107 : vector<16xf32>
      %swap3A_1109 = arith.constant 10 : i32
      %swap3A_1110 = arith.index_cast %swap3A_1109 : i32 to index
      %swap3A_1111 = arith.constant 0 : index
      %swap3A_1112 = tpu.vector_load %arg9[%swap3A_1110, %swap3A_1111] {strides = array<i32>} : memref<28x32xf32, #tpu.memory_space<vmem>>, vector<16xf32>,
      tpu.vector_store %arg9[%swap3A_1110, %swap3A_1111], %add3A_1106 {strides = array<i32>} : memref<28x32xf32, #tpu.memory_space<vmem>>, vector<16xf32>,
      %swap3A_1113 = arith.constant 10 : i32
      %swap3A_1114 = arith.index_cast %swap3A_1113 : i32 to index
      %swap3A_1115 = arith.constant 16 : index
      %swap3A_1116 = tpu.vector_load %arg9[%swap3A_1114, %swap3A_1115] {strides = array<i32>} : memref<28x32xf32, #tpu.memory_space<vmem>>, vector<16xf32>,
      tpu.vector_store %arg9[%swap3A_1114, %swap3A_1115], %add3A_1108 {strides = array<i32>} : memref<28x32xf32, #tpu.memory_space<vmem>>, vector<16xf32>,
      %add3A_1117 = arith.constant 50 : i32
      %add3A_1118 = vector.broadcast %add3A_1117 : i32 to vector<16xi32>
      %add3A_1119 = arith.addi %shift_right_arithmetic3A_28, %add3A_1118 : vector<16xi32>
      %gather3A_1120 = tpu.vector_load_idx %arg5[%add3A_1119] : memref<408xf32, #tpu.memory_space<vmem>>[vector<16xi32>], vector<16xf32>,
      %mul3A_1121 = arith.mulf %gather3A_1120, %get3A_64 : vector<16xf32>
      %add3A_1122 = arith.addf %add3A_634, %mul3A_1121 : vector<16xf32>
      %mul3A_1123 = arith.mulf %gather3A_1120, %gather3A_69 : vector<16xf32>
      %add3A_1124 = arith.addf %add3A_636, %mul3A_1123 : vector<16xf32>
      %add3A_1125 = arith.constant 51 : i32
      %add3A_1126 = vector.broadcast %add3A_1125 : i32 to vector<16xi32>
      %add3A_1127 = arith.addi %shift_right_arithmetic3A_28, %add3A_1126 : vector<16xi32>
      %gather3A_1128 = tpu.vector_load_idx %arg5[%add3A_1127] : memref<408xf32, #tpu.memory_space<vmem>>[vector<16xi32>], vector<16xf32>,
      %mul3A_1129 = arith.mulf %gather3A_1128, %get3A_71 : vector<16xf32>
      %add3A_1130 = arith.addf %add3A_1122, %mul3A_1129 : vector<16xf32>
      %mul3A_1131 = arith.mulf %gather3A_1128, %gather3A_76 : vector<16xf32>
      %add3A_1132 = arith.addf %add3A_1124, %mul3A_1131 : vector<16xf32>
      %add3A_1133 = arith.constant 52 : i32
      %add3A_1134 = vector.broadcast %add3A_1133 : i32 to vector<16xi32>
      %add3A_1135 = arith.addi %shift_right_arithmetic3A_28, %add3A_1134 : vector<16xi32>
      %gather3A_1136 = tpu.vector_load_idx %arg5[%add3A_1135] : memref<408xf32, #tpu.memory_space<vmem>>[vector<16xi32>], vector<16xf32>,
      %mul3A_1137 = arith.mulf %gather3A_1136, %get3A_78 : vector<16xf32>
      %add3A_1138 = arith.addf %add3A_1130, %mul3A_1137 : vector<16xf32>
      %mul3A_1139 = arith.mulf %gather3A_1136, %gather3A_83 : vector<16xf32>
      %add3A_1140 = arith.addf %add3A_1132, %mul3A_1139 : vector<16xf32>
      %add3A_1141 = arith.constant 53 : i32
      %add3A_1142 = vector.broadcast %add3A_1141 : i32 to vector<16xi32>
      %add3A_1143 = arith.addi %shift_right_arithmetic3A_28, %add3A_1142 : vector<16xi32>
      %gather3A_1144 = tpu.vector_load_idx %arg5[%add3A_1143] : memref<408xf32, #tpu.memory_space<vmem>>[vector<16xi32>], vector<16xf32>,
      %mul3A_1145 = arith.mulf %gather3A_1144, %get3A_85 : vector<16xf32>
      %add3A_1146 = arith.addf %add3A_1138, %mul3A_1145 : vector<16xf32>
      %mul3A_1147 = arith.mulf %gather3A_1144, %gather3A_90 : vector<16xf32>
      %add3A_1148 = arith.addf %add3A_1140, %mul3A_1147 : vector<16xf32>
      %add3A_1149 = arith.constant 54 : i32
      %add3A_1150 = vector.broadcast %add3A_1149 : i32 to vector<16xi32>
      %add3A_1151 = arith.addi %shift_right_arithmetic3A_28, %add3A_1150 : vector<16xi32>
      %gather3A_1152 = tpu.vector_load_idx %arg5[%add3A_1151] : memref<408xf32, #tpu.memory_space<vmem>>[vector<16xi32>], vector<16xf32>,
      %mul3A_1153 = arith.mulf %gather3A_1152, %get3A_92 : vector<16xf32>
      %add3A_1154 = arith.addf %add3A_1146, %mul3A_1153 : vector<16xf32>
      %mul3A_1155 = arith.mulf %gather3A_1152, %gather3A_97 : vector<16xf32>
      %add3A_1156 = arith.addf %add3A_1148, %mul3A_1155 : vector<16xf32>
      %swap3A_1157 = arith.constant 11 : i32
      %swap3A_1158 = arith.index_cast %swap3A_1157 : i32 to index
      %swap3A_1159 = arith.constant 0 : index
      %swap3A_1160 = tpu.vector_load %arg9[%swap3A_1158, %swap3A_1159] {strides = array<i32>} : memref<28x32xf32, #tpu.memory_space<vmem>>, vector<16xf32>,
      tpu.vector_store %arg9[%swap3A_1158, %swap3A_1159], %add3A_1154 {strides = array<i32>} : memref<28x32xf32, #tpu.memory_space<vmem>>, vector<16xf32>,
      %swap3A_1161 = arith.constant 11 : i32
      %swap3A_1162 = arith.index_cast %swap3A_1161 : i32 to index
      %swap3A_1163 = arith.constant 16 : index
      %swap3A_1164 = tpu.vector_load %arg9[%swap3A_1162, %swap3A_1163] {strides = array<i32>} : memref<28x32xf32, #tpu.memory_space<vmem>>, vector<16xf32>,
      tpu.vector_store %arg9[%swap3A_1162, %swap3A_1163], %add3A_1156 {strides = array<i32>} : memref<28x32xf32, #tpu.memory_space<vmem>>, vector<16xf32>,
      %add3A_1165 = arith.constant 55 : i32
      %add3A_1166 = vector.broadcast %add3A_1165 : i32 to vector<16xi32>
      %add3A_1167 = arith.addi %shift_right_arithmetic3A_28, %add3A_1166 : vector<16xi32>
      %gather3A_1168 = tpu.vector_load_idx %arg5[%add3A_1167] : memref<408xf32, #tpu.memory_space<vmem>>[vector<16xi32>], vector<16xf32>,
      %mul3A_1169 = arith.mulf %gather3A_1168, %get3A_64 : vector<16xf32>
      %add3A_1170 = arith.addf %add3A_634, %mul3A_1169 : vector<16xf32>
      %mul3A_1171 = arith.mulf %gather3A_1168, %gather3A_69 : vector<16xf32>
      %add3A_1172 = arith.addf %add3A_636, %mul3A_1171 : vector<16xf32>
      %add3A_1173 = arith.constant 56 : i32
      %add3A_1174 = vector.broadcast %add3A_1173 : i32 to vector<16xi32>
      %add3A_1175 = arith.addi %shift_right_arithmetic3A_28, %add3A_1174 : vector<16xi32>
      %gather3A_1176 = tpu.vector_load_idx %arg5[%add3A_1175] : memref<408xf32, #tpu.memory_space<vmem>>[vector<16xi32>], vector<16xf32>,
      %mul3A_1177 = arith.mulf %gather3A_1176, %get3A_71 : vector<16xf32>
      %add3A_1178 = arith.addf %add3A_1170, %mul3A_1177 : vector<16xf32>
      %mul3A_1179 = arith.mulf %gather3A_1176, %gather3A_76 : vector<16xf32>
      %add3A_1180 = arith.addf %add3A_1172, %mul3A_1179 : vector<16xf32>
      %add3A_1181 = arith.constant 57 : i32
      %add3A_1182 = vector.broadcast %add3A_1181 : i32 to vector<16xi32>
      %add3A_1183 = arith.addi %shift_right_arithmetic3A_28, %add3A_1182 : vector<16xi32>
      %gather3A_1184 = tpu.vector_load_idx %arg5[%add3A_1183] : memref<408xf32, #tpu.memory_space<vmem>>[vector<16xi32>], vector<16xf32>,
      %mul3A_1185 = arith.mulf %gather3A_1184, %get3A_78 : vector<16xf32>
      %add3A_1186 = arith.addf %add3A_1178, %mul3A_1185 : vector<16xf32>
      %mul3A_1187 = arith.mulf %gather3A_1184, %gather3A_83 : vector<16xf32>
      %add3A_1188 = arith.addf %add3A_1180, %mul3A_1187 : vector<16xf32>
      %add3A_1189 = arith.constant 58 : i32
      %add3A_1190 = vector.broadcast %add3A_1189 : i32 to vector<16xi32>
      %add3A_1191 = arith.addi %shift_right_arithmetic3A_28, %add3A_1190 : vector<16xi32>
      %gather3A_1192 = tpu.vector_load_idx %arg5[%add3A_1191] : memref<408xf32, #tpu.memory_space<vmem>>[vector<16xi32>], vector<16xf32>,
      %mul3A_1193 = arith.mulf %gather3A_1192, %get3A_85 : vector<16xf32>
      %add3A_1194 = arith.addf %add3A_1186, %mul3A_1193 : vector<16xf32>
      %mul3A_1195 = arith.mulf %gather3A_1192, %gather3A_90 : vector<16xf32>
      %add3A_1196 = arith.addf %add3A_1188, %mul3A_1195 : vector<16xf32>
      %add3A_1197 = arith.constant 59 : i32
      %add3A_1198 = vector.broadcast %add3A_1197 : i32 to vector<16xi32>
      %add3A_1199 = arith.addi %shift_right_arithmetic3A_28, %add3A_1198 : vector<16xi32>
      %gather3A_1200 = tpu.vector_load_idx %arg5[%add3A_1199] : memref<408xf32, #tpu.memory_space<vmem>>[vector<16xi32>], vector<16xf32>,
      %mul3A_1201 = arith.mulf %gather3A_1200, %get3A_92 : vector<16xf32>
      %add3A_1202 = arith.addf %add3A_1194, %mul3A_1201 : vector<16xf32>
      %mul3A_1203 = arith.mulf %gather3A_1200, %gather3A_97 : vector<16xf32>
      %add3A_1204 = arith.addf %add3A_1196, %mul3A_1203 : vector<16xf32>
      %swap3A_1205 = arith.constant 12 : i32
      %swap3A_1206 = arith.index_cast %swap3A_1205 : i32 to index
      %swap3A_1207 = arith.constant 0 : index
      %swap3A_1208 = tpu.vector_load %arg9[%swap3A_1206, %swap3A_1207] {strides = array<i32>} : memref<28x32xf32, #tpu.memory_space<vmem>>, vector<16xf32>,
      tpu.vector_store %arg9[%swap3A_1206, %swap3A_1207], %add3A_1202 {strides = array<i32>} : memref<28x32xf32, #tpu.memory_space<vmem>>, vector<16xf32>,
      %swap3A_1209 = arith.constant 12 : i32
      %swap3A_1210 = arith.index_cast %swap3A_1209 : i32 to index
      %swap3A_1211 = arith.constant 16 : index
      %swap3A_1212 = tpu.vector_load %arg9[%swap3A_1210, %swap3A_1211] {strides = array<i32>} : memref<28x32xf32, #tpu.memory_space<vmem>>, vector<16xf32>,
      tpu.vector_store %arg9[%swap3A_1210, %swap3A_1211], %add3A_1204 {strides = array<i32>} : memref<28x32xf32, #tpu.memory_space<vmem>>, vector<16xf32>,
      %add3A_1213 = arith.constant 60 : i32
      %add3A_1214 = vector.broadcast %add3A_1213 : i32 to vector<16xi32>
      %add3A_1215 = arith.addi %shift_right_arithmetic3A_28, %add3A_1214 : vector<16xi32>
      %gather3A_1216 = tpu.vector_load_idx %arg5[%add3A_1215] : memref<408xf32, #tpu.memory_space<vmem>>[vector<16xi32>], vector<16xf32>,
      %mul3A_1217 = arith.mulf %gather3A_1216, %get3A_64 : vector<16xf32>
      %add3A_1218 = arith.addf %add3A_634, %mul3A_1217 : vector<16xf32>
      %mul3A_1219 = arith.mulf %gather3A_1216, %gather3A_69 : vector<16xf32>
      %add3A_1220 = arith.addf %add3A_636, %mul3A_1219 : vector<16xf32>
      %add3A_1221 = arith.constant 61 : i32
      %add3A_1222 = vector.broadcast %add3A_1221 : i32 to vector<16xi32>
      %add3A_1223 = arith.addi %shift_right_arithmetic3A_28, %add3A_1222 : vector<16xi32>
      %gather3A_1224 = tpu.vector_load_idx %arg5[%add3A_1223] : memref<408xf32, #tpu.memory_space<vmem>>[vector<16xi32>], vector<16xf32>,
      %mul3A_1225 = arith.mulf %gather3A_1224, %get3A_71 : vector<16xf32>
      %add3A_1226 = arith.addf %add3A_1218, %mul3A_1225 : vector<16xf32>
      %mul3A_1227 = arith.mulf %gather3A_1224, %gather3A_76 : vector<16xf32>
      %add3A_1228 = arith.addf %add3A_1220, %mul3A_1227 : vector<16xf32>
      %add3A_1229 = arith.constant 62 : i32
      %add3A_1230 = vector.broadcast %add3A_1229 : i32 to vector<16xi32>
      %add3A_1231 = arith.addi %shift_right_arithmetic3A_28, %add3A_1230 : vector<16xi32>
      %gather3A_1232 = tpu.vector_load_idx %arg5[%add3A_1231] : memref<408xf32, #tpu.memory_space<vmem>>[vector<16xi32>], vector<16xf32>,
      %mul3A_1233 = arith.mulf %gather3A_1232, %get3A_78 : vector<16xf32>
      %add3A_1234 = arith.addf %add3A_1226, %mul3A_1233 : vector<16xf32>
      %mul3A_1235 = arith.mulf %gather3A_1232, %gather3A_83 : vector<16xf32>
      %add3A_1236 = arith.addf %add3A_1228, %mul3A_1235 : vector<16xf32>
      %add3A_1237 = arith.constant 63 : i32
      %add3A_1238 = vector.broadcast %add3A_1237 : i32 to vector<16xi32>
      %add3A_1239 = arith.addi %shift_right_arithmetic3A_28, %add3A_1238 : vector<16xi32>
      %gather3A_1240 = tpu.vector_load_idx %arg5[%add3A_1239] : memref<408xf32, #tpu.memory_space<vmem>>[vector<16xi32>], vector<16xf32>,
      %mul3A_1241 = arith.mulf %gather3A_1240, %get3A_85 : vector<16xf32>
      %add3A_1242 = arith.addf %add3A_1234, %mul3A_1241 : vector<16xf32>
      %mul3A_1243 = arith.mulf %gather3A_1240, %gather3A_90 : vector<16xf32>
      %add3A_1244 = arith.addf %add3A_1236, %mul3A_1243 : vector<16xf32>
      %add3A_1245 = arith.constant 64 : i32
      %add3A_1246 = vector.broadcast %add3A_1245 : i32 to vector<16xi32>
      %add3A_1247 = arith.addi %shift_right_arithmetic3A_28, %add3A_1246 : vector<16xi32>
      %gather3A_1248 = tpu.vector_load_idx %arg5[%add3A_1247] : memref<408xf32, #tpu.memory_space<vmem>>[vector<16xi32>], vector<16xf32>,
      %mul3A_1249 = arith.mulf %gather3A_1248, %get3A_92 : vector<16xf32>
      %add3A_1250 = arith.addf %add3A_1242, %mul3A_1249 : vector<16xf32>
      %mul3A_1251 = arith.mulf %gather3A_1248, %gather3A_97 : vector<16xf32>
      %add3A_1252 = arith.addf %add3A_1244, %mul3A_1251 : vector<16xf32>
      %swap3A_1253 = arith.constant 13 : i32
      %swap3A_1254 = arith.index_cast %swap3A_1253 : i32 to index
      %swap3A_1255 = arith.constant 0 : index
      %swap3A_1256 = tpu.vector_load %arg9[%swap3A_1254, %swap3A_1255] {strides = array<i32>} : memref<28x32xf32, #tpu.memory_space<vmem>>, vector<16xf32>,
      tpu.vector_store %arg9[%swap3A_1254, %swap3A_1255], %add3A_1250 {strides = array<i32>} : memref<28x32xf32, #tpu.memory_space<vmem>>, vector<16xf32>,
      %swap3A_1257 = arith.constant 13 : i32
      %swap3A_1258 = arith.index_cast %swap3A_1257 : i32 to index
      %swap3A_1259 = arith.constant 16 : index
      %swap3A_1260 = tpu.vector_load %arg9[%swap3A_1258, %swap3A_1259] {strides = array<i32>} : memref<28x32xf32, #tpu.memory_space<vmem>>, vector<16xf32>,
      tpu.vector_store %arg9[%swap3A_1258, %swap3A_1259], %add3A_1252 {strides = array<i32>} : memref<28x32xf32, #tpu.memory_space<vmem>>, vector<16xf32>,
      %add3A_1261 = arith.constant 65 : i32
      %add3A_1262 = vector.broadcast %add3A_1261 : i32 to vector<16xi32>
      %add3A_1263 = arith.addi %shift_right_arithmetic3A_28, %add3A_1262 : vector<16xi32>
      %gather3A_1264 = tpu.vector_load_idx %arg5[%add3A_1263] : memref<408xf32, #tpu.memory_space<vmem>>[vector<16xi32>], vector<16xf32>,
      %mul3A_1265 = arith.mulf %gather3A_1264, %get3A_64 : vector<16xf32>
      %add3A_1266 = arith.addf %add3A_634, %mul3A_1265 : vector<16xf32>
      %mul3A_1267 = arith.mulf %gather3A_1264, %gather3A_69 : vector<16xf32>
      %add3A_1268 = arith.addf %add3A_636, %mul3A_1267 : vector<16xf32>
      %add3A_1269 = arith.constant 66 : i32
      %add3A_1270 = vector.broadcast %add3A_1269 : i32 to vector<16xi32>
      %add3A_1271 = arith.addi %shift_right_arithmetic3A_28, %add3A_1270 : vector<16xi32>
      %gather3A_1272 = tpu.vector_load_idx %arg5[%add3A_1271] : memref<408xf32, #tpu.memory_space<vmem>>[vector<16xi32>], vector<16xf32>,
      %mul3A_1273 = arith.mulf %gather3A_1272, %get3A_71 : vector<16xf32>
      %add3A_1274 = arith.addf %add3A_1266, %mul3A_1273 : vector<16xf32>
      %mul3A_1275 = arith.mulf %gather3A_1272, %gather3A_76 : vector<16xf32>
      %add3A_1276 = arith.addf %add3A_1268, %mul3A_1275 : vector<16xf32>
      %add3A_1277 = arith.constant 67 : i32
      %add3A_1278 = vector.broadcast %add3A_1277 : i32 to vector<16xi32>
      %add3A_1279 = arith.addi %shift_right_arithmetic3A_28, %add3A_1278 : vector<16xi32>
      %gather3A_1280 = tpu.vector_load_idx %arg5[%add3A_1279] : memref<408xf32, #tpu.memory_space<vmem>>[vector<16xi32>], vector<16xf32>,
      %mul3A_1281 = arith.mulf %gather3A_1280, %get3A_78 : vector<16xf32>
      %add3A_1282 = arith.addf %add3A_1274, %mul3A_1281 : vector<16xf32>
      %mul3A_1283 = arith.mulf %gather3A_1280, %gather3A_83 : vector<16xf32>
      %add3A_1284 = arith.addf %add3A_1276, %mul3A_1283 : vector<16xf32>
      %add3A_1285 = arith.constant 68 : i32
      %add3A_1286 = vector.broadcast %add3A_1285 : i32 to vector<16xi32>
      %add3A_1287 = arith.addi %shift_right_arithmetic3A_28, %add3A_1286 : vector<16xi32>
      %gather3A_1288 = tpu.vector_load_idx %arg5[%add3A_1287] : memref<408xf32, #tpu.memory_space<vmem>>[vector<16xi32>], vector<16xf32>,
      %mul3A_1289 = arith.mulf %gather3A_1288, %get3A_85 : vector<16xf32>
      %add3A_1290 = arith.addf %add3A_1282, %mul3A_1289 : vector<16xf32>
      %mul3A_1291 = arith.mulf %gather3A_1288, %gather3A_90 : vector<16xf32>
      %add3A_1292 = arith.addf %add3A_1284, %mul3A_1291 : vector<16xf32>
      %add3A_1293 = arith.constant 69 : i32
      %add3A_1294 = vector.broadcast %add3A_1293 : i32 to vector<16xi32>
      %add3A_1295 = arith.addi %shift_right_arithmetic3A_28, %add3A_1294 : vector<16xi32>
      %gather3A_1296 = tpu.vector_load_idx %arg5[%add3A_1295] : memref<408xf32, #tpu.memory_space<vmem>>[vector<16xi32>], vector<16xf32>,
      %mul3A_1297 = arith.mulf %gather3A_1296, %get3A_92 : vector<16xf32>
      %add3A_1298 = arith.addf %add3A_1290, %mul3A_1297 : vector<16xf32>
      %mul3A_1299 = arith.mulf %gather3A_1296, %gather3A_97 : vector<16xf32>
      %add3A_1300 = arith.addf %add3A_1292, %mul3A_1299 : vector<16xf32>
      %swap3A_1301 = arith.constant 14 : i32
      %swap3A_1302 = arith.index_cast %swap3A_1301 : i32 to index
      %swap3A_1303 = arith.constant 0 : index
      %swap3A_1304 = tpu.vector_load %arg9[%swap3A_1302, %swap3A_1303] {strides = array<i32>} : memref<28x32xf32, #tpu.memory_space<vmem>>, vector<16xf32>,
      tpu.vector_store %arg9[%swap3A_1302, %swap3A_1303], %add3A_1298 {strides = array<i32>} : memref<28x32xf32, #tpu.memory_space<vmem>>, vector<16xf32>,
      %swap3A_1305 = arith.constant 14 : i32
      %swap3A_1306 = arith.index_cast %swap3A_1305 : i32 to index
      %swap3A_1307 = arith.constant 16 : index
      %swap3A_1308 = tpu.vector_load %arg9[%swap3A_1306, %swap3A_1307] {strides = array<i32>} : memref<28x32xf32, #tpu.memory_space<vmem>>, vector<16xf32>,
      tpu.vector_store %arg9[%swap3A_1306, %swap3A_1307], %add3A_1300 {strides = array<i32>} : memref<28x32xf32, #tpu.memory_space<vmem>>, vector<16xf32>,
      %add3A_1309 = arith.constant 70 : i32
      %add3A_1310 = vector.broadcast %add3A_1309 : i32 to vector<16xi32>
      %add3A_1311 = arith.addi %shift_right_arithmetic3A_28, %add3A_1310 : vector<16xi32>
      %gather3A_1312 = tpu.vector_load_idx %arg5[%add3A_1311] : memref<408xf32, #tpu.memory_space<vmem>>[vector<16xi32>], vector<16xf32>,
      %mul3A_1313 = arith.mulf %gather3A_1312, %get3A_64 : vector<16xf32>
      %add3A_1314 = arith.addf %add3A_634, %mul3A_1313 : vector<16xf32>
      %mul3A_1315 = arith.mulf %gather3A_1312, %gather3A_69 : vector<16xf32>
      %add3A_1316 = arith.addf %add3A_636, %mul3A_1315 : vector<16xf32>
      %add3A_1317 = arith.constant 71 : i32
      %add3A_1318 = vector.broadcast %add3A_1317 : i32 to vector<16xi32>
      %add3A_1319 = arith.addi %shift_right_arithmetic3A_28, %add3A_1318 : vector<16xi32>
      %gather3A_1320 = tpu.vector_load_idx %arg5[%add3A_1319] : memref<408xf32, #tpu.memory_space<vmem>>[vector<16xi32>], vector<16xf32>,
      %mul3A_1321 = arith.mulf %gather3A_1320, %get3A_71 : vector<16xf32>
      %add3A_1322 = arith.addf %add3A_1314, %mul3A_1321 : vector<16xf32>
      %mul3A_1323 = arith.mulf %gather3A_1320, %gather3A_76 : vector<16xf32>
      %add3A_1324 = arith.addf %add3A_1316, %mul3A_1323 : vector<16xf32>
      %add3A_1325 = arith.constant 72 : i32
      %add3A_1326 = vector.broadcast %add3A_1325 : i32 to vector<16xi32>
      %add3A_1327 = arith.addi %shift_right_arithmetic3A_28, %add3A_1326 : vector<16xi32>
      %gather3A_1328 = tpu.vector_load_idx %arg5[%add3A_1327] : memref<408xf32, #tpu.memory_space<vmem>>[vector<16xi32>], vector<16xf32>,
      %mul3A_1329 = arith.mulf %gather3A_1328, %get3A_78 : vector<16xf32>
      %add3A_1330 = arith.addf %add3A_1322, %mul3A_1329 : vector<16xf32>
      %mul3A_1331 = arith.mulf %gather3A_1328, %gather3A_83 : vector<16xf32>
      %add3A_1332 = arith.addf %add3A_1324, %mul3A_1331 : vector<16xf32>
      %add3A_1333 = arith.constant 73 : i32
      %add3A_1334 = vector.broadcast %add3A_1333 : i32 to vector<16xi32>
      %add3A_1335 = arith.addi %shift_right_arithmetic3A_28, %add3A_1334 : vector<16xi32>
      %gather3A_1336 = tpu.vector_load_idx %arg5[%add3A_1335] : memref<408xf32, #tpu.memory_space<vmem>>[vector<16xi32>], vector<16xf32>,
      %mul3A_1337 = arith.mulf %gather3A_1336, %get3A_85 : vector<16xf32>
      %add3A_1338 = arith.addf %add3A_1330, %mul3A_1337 : vector<16xf32>
      %mul3A_1339 = arith.mulf %gather3A_1336, %gather3A_90 : vector<16xf32>
      %add3A_1340 = arith.addf %add3A_1332, %mul3A_1339 : vector<16xf32>
      %add3A_1341 = arith.constant 74 : i32
      %add3A_1342 = vector.broadcast %add3A_1341 : i32 to vector<16xi32>
      %add3A_1343 = arith.addi %shift_right_arithmetic3A_28, %add3A_1342 : vector<16xi32>
      %gather3A_1344 = tpu.vector_load_idx %arg5[%add3A_1343] : memref<408xf32, #tpu.memory_space<vmem>>[vector<16xi32>], vector<16xf32>,
      %mul3A_1345 = arith.mulf %gather3A_1344, %get3A_92 : vector<16xf32>
      %add3A_1346 = arith.addf %add3A_1338, %mul3A_1345 : vector<16xf32>
      %mul3A_1347 = arith.mulf %gather3A_1344, %gather3A_97 : vector<16xf32>
      %add3A_1348 = arith.addf %add3A_1340, %mul3A_1347 : vector<16xf32>
      %swap3A_1349 = arith.constant 15 : i32
      %swap3A_1350 = arith.index_cast %swap3A_1349 : i32 to index
      %swap3A_1351 = arith.constant 0 : index
      %swap3A_1352 = tpu.vector_load %arg9[%swap3A_1350, %swap3A_1351] {strides = array<i32>} : memref<28x32xf32, #tpu.memory_space<vmem>>, vector<16xf32>,
      tpu.vector_store %arg9[%swap3A_1350, %swap3A_1351], %add3A_1346 {strides = array<i32>} : memref<28x32xf32, #tpu.memory_space<vmem>>, vector<16xf32>,
      %swap3A_1353 = arith.constant 15 : i32
      %swap3A_1354 = arith.index_cast %swap3A_1353 : i32 to index
      %swap3A_1355 = arith.constant 16 : index
      %swap3A_1356 = tpu.vector_load %arg9[%swap3A_1354, %swap3A_1355] {strides = array<i32>} : memref<28x32xf32, #tpu.memory_space<vmem>>, vector<16xf32>,
      tpu.vector_store %arg9[%swap3A_1354, %swap3A_1355], %add3A_1348 {strides = array<i32>} : memref<28x32xf32, #tpu.memory_space<vmem>>, vector<16xf32>,
      %add3A_1357 = arith.constant 75 : i32
      %add3A_1358 = vector.broadcast %add3A_1357 : i32 to vector<16xi32>
      %add3A_1359 = arith.addi %shift_right_arithmetic3A_28, %add3A_1358 : vector<16xi32>
      %gather3A_1360 = tpu.vector_load_idx %arg5[%add3A_1359] : memref<408xf32, #tpu.memory_space<vmem>>[vector<16xi32>], vector<16xf32>,
      %mul3A_1361 = arith.mulf %gather3A_1360, %get3A_64 : vector<16xf32>
      %add3A_1362 = arith.addf %add3A_634, %mul3A_1361 : vector<16xf32>
      %mul3A_1363 = arith.mulf %gather3A_1360, %gather3A_69 : vector<16xf32>
      %add3A_1364 = arith.addf %add3A_636, %mul3A_1363 : vector<16xf32>
      %add3A_1365 = arith.constant 76 : i32
      %add3A_1366 = vector.broadcast %add3A_1365 : i32 to vector<16xi32>
      %add3A_1367 = arith.addi %shift_right_arithmetic3A_28, %add3A_1366 : vector<16xi32>
      %gather3A_1368 = tpu.vector_load_idx %arg5[%add3A_1367] : memref<408xf32, #tpu.memory_space<vmem>>[vector<16xi32>], vector<16xf32>,
      %mul3A_1369 = arith.mulf %gather3A_1368, %get3A_71 : vector<16xf32>
      %add3A_1370 = arith.addf %add3A_1362, %mul3A_1369 : vector<16xf32>
      %mul3A_1371 = arith.mulf %gather3A_1368, %gather3A_76 : vector<16xf32>
      %add3A_1372 = arith.addf %add3A_1364, %mul3A_1371 : vector<16xf32>
      %add3A_1373 = arith.constant 77 : i32
      %add3A_1374 = vector.broadcast %add3A_1373 : i32 to vector<16xi32>
      %add3A_1375 = arith.addi %shift_right_arithmetic3A_28, %add3A_1374 : vector<16xi32>
      %gather3A_1376 = tpu.vector_load_idx %arg5[%add3A_1375] : memref<408xf32, #tpu.memory_space<vmem>>[vector<16xi32>], vector<16xf32>,
      %mul3A_1377 = arith.mulf %gather3A_1376, %get3A_78 : vector<16xf32>
      %add3A_1378 = arith.addf %add3A_1370, %mul3A_1377 : vector<16xf32>
      %mul3A_1379 = arith.mulf %gather3A_1376, %gather3A_83 : vector<16xf32>
      %add3A_1380 = arith.addf %add3A_1372, %mul3A_1379 : vector<16xf32>
      %add3A_1381 = arith.constant 78 : i32
      %add3A_1382 = vector.broadcast %add3A_1381 : i32 to vector<16xi32>
      %add3A_1383 = arith.addi %shift_right_arithmetic3A_28, %add3A_1382 : vector<16xi32>
      %gather3A_1384 = tpu.vector_load_idx %arg5[%add3A_1383] : memref<408xf32, #tpu.memory_space<vmem>>[vector<16xi32>], vector<16xf32>,
      %mul3A_1385 = arith.mulf %gather3A_1384, %get3A_85 : vector<16xf32>
      %add3A_1386 = arith.addf %add3A_1378, %mul3A_1385 : vector<16xf32>
      %mul3A_1387 = arith.mulf %gather3A_1384, %gather3A_90 : vector<16xf32>
      %add3A_1388 = arith.addf %add3A_1380, %mul3A_1387 : vector<16xf32>
      %add3A_1389 = arith.constant 79 : i32
      %add3A_1390 = vector.broadcast %add3A_1389 : i32 to vector<16xi32>
      %add3A_1391 = arith.addi %shift_right_arithmetic3A_28, %add3A_1390 : vector<16xi32>
      %gather3A_1392 = tpu.vector_load_idx %arg5[%add3A_1391] : memref<408xf32, #tpu.memory_space<vmem>>[vector<16xi32>], vector<16xf32>,
      %mul3A_1393 = arith.mulf %gather3A_1392, %get3A_92 : vector<16xf32>
      %add3A_1394 = arith.addf %add3A_1386, %mul3A_1393 : vector<16xf32>
      %mul3A_1395 = arith.mulf %gather3A_1392, %gather3A_97 : vector<16xf32>
      %add3A_1396 = arith.addf %add3A_1388, %mul3A_1395 : vector<16xf32>
      %swap3A_1397 = arith.constant 16 : i32
      %swap3A_1398 = arith.index_cast %swap3A_1397 : i32 to index
      %swap3A_1399 = arith.constant 0 : index
      %swap3A_1400 = tpu.vector_load %arg9[%swap3A_1398, %swap3A_1399] {strides = array<i32>} : memref<28x32xf32, #tpu.memory_space<vmem>>, vector<16xf32>,
      tpu.vector_store %arg9[%swap3A_1398, %swap3A_1399], %add3A_1394 {strides = array<i32>} : memref<28x32xf32, #tpu.memory_space<vmem>>, vector<16xf32>,
      %swap3A_1401 = arith.constant 16 : i32
      %swap3A_1402 = arith.index_cast %swap3A_1401 : i32 to index
      %swap3A_1403 = arith.constant 16 : index
      %swap3A_1404 = tpu.vector_load %arg9[%swap3A_1402, %swap3A_1403] {strides = array<i32>} : memref<28x32xf32, #tpu.memory_space<vmem>>, vector<16xf32>,
      tpu.vector_store %arg9[%swap3A_1402, %swap3A_1403], %add3A_1396 {strides = array<i32>} : memref<28x32xf32, #tpu.memory_space<vmem>>, vector<16xf32>,
      %add3A_1405 = arith.constant 80 : i32
      %add3A_1406 = vector.broadcast %add3A_1405 : i32 to vector<16xi32>
      %add3A_1407 = arith.addi %shift_right_arithmetic3A_28, %add3A_1406 : vector<16xi32>
      %gather3A_1408 = tpu.vector_load_idx %arg5[%add3A_1407] : memref<408xf32, #tpu.memory_space<vmem>>[vector<16xi32>], vector<16xf32>,
      %mul3A_1409 = arith.mulf %gather3A_1408, %get3A_64 : vector<16xf32>
      %add3A_1410 = arith.addf %add3A_634, %mul3A_1409 : vector<16xf32>
      %mul3A_1411 = arith.mulf %gather3A_1408, %gather3A_69 : vector<16xf32>
      %add3A_1412 = arith.addf %add3A_636, %mul3A_1411 : vector<16xf32>
      %add3A_1413 = arith.constant 81 : i32
      %add3A_1414 = vector.broadcast %add3A_1413 : i32 to vector<16xi32>
      %add3A_1415 = arith.addi %shift_right_arithmetic3A_28, %add3A_1414 : vector<16xi32>
      %gather3A_1416 = tpu.vector_load_idx %arg5[%add3A_1415] : memref<408xf32, #tpu.memory_space<vmem>>[vector<16xi32>], vector<16xf32>,
      %mul3A_1417 = arith.mulf %gather3A_1416, %get3A_71 : vector<16xf32>
      %add3A_1418 = arith.addf %add3A_1410, %mul3A_1417 : vector<16xf32>
      %mul3A_1419 = arith.mulf %gather3A_1416, %gather3A_76 : vector<16xf32>
      %add3A_1420 = arith.addf %add3A_1412, %mul3A_1419 : vector<16xf32>
      %add3A_1421 = arith.constant 82 : i32
      %add3A_1422 = vector.broadcast %add3A_1421 : i32 to vector<16xi32>
      %add3A_1423 = arith.addi %shift_right_arithmetic3A_28, %add3A_1422 : vector<16xi32>
      %gather3A_1424 = tpu.vector_load_idx %arg5[%add3A_1423] : memref<408xf32, #tpu.memory_space<vmem>>[vector<16xi32>], vector<16xf32>,
      %mul3A_1425 = arith.mulf %gather3A_1424, %get3A_78 : vector<16xf32>
      %add3A_1426 = arith.addf %add3A_1418, %mul3A_1425 : vector<16xf32>
      %mul3A_1427 = arith.mulf %gather3A_1424, %gather3A_83 : vector<16xf32>
      %add3A_1428 = arith.addf %add3A_1420, %mul3A_1427 : vector<16xf32>
      %add3A_1429 = arith.constant 83 : i32
      %add3A_1430 = vector.broadcast %add3A_1429 : i32 to vector<16xi32>
      %add3A_1431 = arith.addi %shift_right_arithmetic3A_28, %add3A_1430 : vector<16xi32>
      %gather3A_1432 = tpu.vector_load_idx %arg5[%add3A_1431] : memref<408xf32, #tpu.memory_space<vmem>>[vector<16xi32>], vector<16xf32>,
      %mul3A_1433 = arith.mulf %gather3A_1432, %get3A_85 : vector<16xf32>
      %add3A_1434 = arith.addf %add3A_1426, %mul3A_1433 : vector<16xf32>
      %mul3A_1435 = arith.mulf %gather3A_1432, %gather3A_90 : vector<16xf32>
      %add3A_1436 = arith.addf %add3A_1428, %mul3A_1435 : vector<16xf32>
      %add3A_1437 = arith.constant 84 : i32
      %add3A_1438 = vector.broadcast %add3A_1437 : i32 to vector<16xi32>
      %add3A_1439 = arith.addi %shift_right_arithmetic3A_28, %add3A_1438 : vector<16xi32>
      %gather3A_1440 = tpu.vector_load_idx %arg5[%add3A_1439] : memref<408xf32, #tpu.memory_space<vmem>>[vector<16xi32>], vector<16xf32>,
      %mul3A_1441 = arith.mulf %gather3A_1440, %get3A_92 : vector<16xf32>
      %add3A_1442 = arith.addf %add3A_1434, %mul3A_1441 : vector<16xf32>
      %mul3A_1443 = arith.mulf %gather3A_1440, %gather3A_97 : vector<16xf32>
      %add3A_1444 = arith.addf %add3A_1436, %mul3A_1443 : vector<16xf32>
      %swap3A_1445 = arith.constant 17 : i32
      %swap3A_1446 = arith.index_cast %swap3A_1445 : i32 to index
      %swap3A_1447 = arith.constant 0 : index
      %swap3A_1448 = tpu.vector_load %arg9[%swap3A_1446, %swap3A_1447] {strides = array<i32>} : memref<28x32xf32, #tpu.memory_space<vmem>>, vector<16xf32>,
      tpu.vector_store %arg9[%swap3A_1446, %swap3A_1447], %add3A_1442 {strides = array<i32>} : memref<28x32xf32, #tpu.memory_space<vmem>>, vector<16xf32>,
      %swap3A_1449 = arith.constant 17 : i32
      %swap3A_1450 = arith.index_cast %swap3A_1449 : i32 to index
      %swap3A_1451 = arith.constant 16 : index
      %swap3A_1452 = tpu.vector_load %arg9[%swap3A_1450, %swap3A_1451] {strides = array<i32>} : memref<28x32xf32, #tpu.memory_space<vmem>>, vector<16xf32>,
      tpu.vector_store %arg9[%swap3A_1450, %swap3A_1451], %add3A_1444 {strides = array<i32>} : memref<28x32xf32, #tpu.memory_space<vmem>>, vector<16xf32>,
      %add3A_1453 = arith.constant 85 : i32
      %add3A_1454 = vector.broadcast %add3A_1453 : i32 to vector<16xi32>
      %add3A_1455 = arith.addi %shift_right_arithmetic3A_28, %add3A_1454 : vector<16xi32>
      %gather3A_1456 = tpu.vector_load_idx %arg5[%add3A_1455] : memref<408xf32, #tpu.memory_space<vmem>>[vector<16xi32>], vector<16xf32>,
      %mul3A_1457 = arith.mulf %gather3A_1456, %get3A_64 : vector<16xf32>
      %add3A_1458 = arith.addf %add3A_634, %mul3A_1457 : vector<16xf32>
      %mul3A_1459 = arith.mulf %gather3A_1456, %gather3A_69 : vector<16xf32>
      %add3A_1460 = arith.addf %add3A_636, %mul3A_1459 : vector<16xf32>
      %add3A_1461 = arith.constant 86 : i32
      %add3A_1462 = vector.broadcast %add3A_1461 : i32 to vector<16xi32>
      %add3A_1463 = arith.addi %shift_right_arithmetic3A_28, %add3A_1462 : vector<16xi32>
      %gather3A_1464 = tpu.vector_load_idx %arg5[%add3A_1463] : memref<408xf32, #tpu.memory_space<vmem>>[vector<16xi32>], vector<16xf32>,
      %mul3A_1465 = arith.mulf %gather3A_1464, %get3A_71 : vector<16xf32>
      %add3A_1466 = arith.addf %add3A_1458, %mul3A_1465 : vector<16xf32>
      %mul3A_1467 = arith.mulf %gather3A_1464, %gather3A_76 : vector<16xf32>
      %add3A_1468 = arith.addf %add3A_1460, %mul3A_1467 : vector<16xf32>
      %add3A_1469 = arith.constant 87 : i32
      %add3A_1470 = vector.broadcast %add3A_1469 : i32 to vector<16xi32>
      %add3A_1471 = arith.addi %shift_right_arithmetic3A_28, %add3A_1470 : vector<16xi32>
      %gather3A_1472 = tpu.vector_load_idx %arg5[%add3A_1471] : memref<408xf32, #tpu.memory_space<vmem>>[vector<16xi32>], vector<16xf32>,
      %mul3A_1473 = arith.mulf %gather3A_1472, %get3A_78 : vector<16xf32>
      %add3A_1474 = arith.addf %add3A_1466, %mul3A_1473 : vector<16xf32>
      %mul3A_1475 = arith.mulf %gather3A_1472, %gather3A_83 : vector<16xf32>
      %add3A_1476 = arith.addf %add3A_1468, %mul3A_1475 : vector<16xf32>
      %add3A_1477 = arith.constant 88 : i32
      %add3A_1478 = vector.broadcast %add3A_1477 : i32 to vector<16xi32>
      %add3A_1479 = arith.addi %shift_right_arithmetic3A_28, %add3A_1478 : vector<16xi32>
      %gather3A_1480 = tpu.vector_load_idx %arg5[%add3A_1479] : memref<408xf32, #tpu.memory_space<vmem>>[vector<16xi32>], vector<16xf32>,
      %mul3A_1481 = arith.mulf %gather3A_1480, %get3A_85 : vector<16xf32>
      %add3A_1482 = arith.addf %add3A_1474, %mul3A_1481 : vector<16xf32>
      %mul3A_1483 = arith.mulf %gather3A_1480, %gather3A_90 : vector<16xf32>
      %add3A_1484 = arith.addf %add3A_1476, %mul3A_1483 : vector<16xf32>
      %add3A_1485 = arith.constant 89 : i32
      %add3A_1486 = vector.broadcast %add3A_1485 : i32 to vector<16xi32>
      %add3A_1487 = arith.addi %shift_right_arithmetic3A_28, %add3A_1486 : vector<16xi32>
      %gather3A_1488 = tpu.vector_load_idx %arg5[%add3A_1487] : memref<408xf32, #tpu.memory_space<vmem>>[vector<16xi32>], vector<16xf32>,
      %mul3A_1489 = arith.mulf %gather3A_1488, %get3A_92 : vector<16xf32>
      %add3A_1490 = arith.addf %add3A_1482, %mul3A_1489 : vector<16xf32>
      %mul3A_1491 = arith.mulf %gather3A_1488, %gather3A_97 : vector<16xf32>
      %add3A_1492 = arith.addf %add3A_1484, %mul3A_1491 : vector<16xf32>
      %swap3A_1493 = arith.constant 18 : i32
      %swap3A_1494 = arith.index_cast %swap3A_1493 : i32 to index
      %swap3A_1495 = arith.constant 0 : index
      %swap3A_1496 = tpu.vector_load %arg9[%swap3A_1494, %swap3A_1495] {strides = array<i32>} : memref<28x32xf32, #tpu.memory_space<vmem>>, vector<16xf32>,
      tpu.vector_store %arg9[%swap3A_1494, %swap3A_1495], %add3A_1490 {strides = array<i32>} : memref<28x32xf32, #tpu.memory_space<vmem>>, vector<16xf32>,
      %swap3A_1497 = arith.constant 18 : i32
      %swap3A_1498 = arith.index_cast %swap3A_1497 : i32 to index
      %swap3A_1499 = arith.constant 16 : index
      %swap3A_1500 = tpu.vector_load %arg9[%swap3A_1498, %swap3A_1499] {strides = array<i32>} : memref<28x32xf32, #tpu.memory_space<vmem>>, vector<16xf32>,
      tpu.vector_store %arg9[%swap3A_1498, %swap3A_1499], %add3A_1492 {strides = array<i32>} : memref<28x32xf32, #tpu.memory_space<vmem>>, vector<16xf32>,
      %add3A_1501 = arith.constant 90 : i32
      %add3A_1502 = vector.broadcast %add3A_1501 : i32 to vector<16xi32>
      %add3A_1503 = arith.addi %shift_right_arithmetic3A_28, %add3A_1502 : vector<16xi32>
      %gather3A_1504 = tpu.vector_load_idx %arg5[%add3A_1503] : memref<408xf32, #tpu.memory_space<vmem>>[vector<16xi32>], vector<16xf32>,
      %mul3A_1505 = arith.mulf %gather3A_1504, %get3A_64 : vector<16xf32>
      %add3A_1506 = arith.addf %add3A_634, %mul3A_1505 : vector<16xf32>
      %mul3A_1507 = arith.mulf %gather3A_1504, %gather3A_69 : vector<16xf32>
      %add3A_1508 = arith.addf %add3A_636, %mul3A_1507 : vector<16xf32>
      %add3A_1509 = arith.constant 91 : i32
      %add3A_1510 = vector.broadcast %add3A_1509 : i32 to vector<16xi32>
      %add3A_1511 = arith.addi %shift_right_arithmetic3A_28, %add3A_1510 : vector<16xi32>
      %gather3A_1512 = tpu.vector_load_idx %arg5[%add3A_1511] : memref<408xf32, #tpu.memory_space<vmem>>[vector<16xi32>], vector<16xf32>,
      %mul3A_1513 = arith.mulf %gather3A_1512, %get3A_71 : vector<16xf32>
      %add3A_1514 = arith.addf %add3A_1506, %mul3A_1513 : vector<16xf32>
      %mul3A_1515 = arith.mulf %gather3A_1512, %gather3A_76 : vector<16xf32>
      %add3A_1516 = arith.addf %add3A_1508, %mul3A_1515 : vector<16xf32>
      %add3A_1517 = arith.constant 92 : i32
      %add3A_1518 = vector.broadcast %add3A_1517 : i32 to vector<16xi32>
      %add3A_1519 = arith.addi %shift_right_arithmetic3A_28, %add3A_1518 : vector<16xi32>
      %gather3A_1520 = tpu.vector_load_idx %arg5[%add3A_1519] : memref<408xf32, #tpu.memory_space<vmem>>[vector<16xi32>], vector<16xf32>,
      %mul3A_1521 = arith.mulf %gather3A_1520, %get3A_78 : vector<16xf32>
      %add3A_1522 = arith.addf %add3A_1514, %mul3A_1521 : vector<16xf32>
      %mul3A_1523 = arith.mulf %gather3A_1520, %gather3A_83 : vector<16xf32>
      %add3A_1524 = arith.addf %add3A_1516, %mul3A_1523 : vector<16xf32>
      %add3A_1525 = arith.constant 93 : i32
      %add3A_1526 = vector.broadcast %add3A_1525 : i32 to vector<16xi32>
      %add3A_1527 = arith.addi %shift_right_arithmetic3A_28, %add3A_1526 : vector<16xi32>
      %gather3A_1528 = tpu.vector_load_idx %arg5[%add3A_1527] : memref<408xf32, #tpu.memory_space<vmem>>[vector<16xi32>], vector<16xf32>,
      %mul3A_1529 = arith.mulf %gather3A_1528, %get3A_85 : vector<16xf32>
      %add3A_1530 = arith.addf %add3A_1522, %mul3A_1529 : vector<16xf32>
      %mul3A_1531 = arith.mulf %gather3A_1528, %gather3A_90 : vector<16xf32>
      %add3A_1532 = arith.addf %add3A_1524, %mul3A_1531 : vector<16xf32>
      %add3A_1533 = arith.constant 94 : i32
      %add3A_1534 = vector.broadcast %add3A_1533 : i32 to vector<16xi32>
      %add3A_1535 = arith.addi %shift_right_arithmetic3A_28, %add3A_1534 : vector<16xi32>
      %gather3A_1536 = tpu.vector_load_idx %arg5[%add3A_1535] : memref<408xf32, #tpu.memory_space<vmem>>[vector<16xi32>], vector<16xf32>,
      %mul3A_1537 = arith.mulf %gather3A_1536, %get3A_92 : vector<16xf32>
      %add3A_1538 = arith.addf %add3A_1530, %mul3A_1537 : vector<16xf32>
      %mul3A_1539 = arith.mulf %gather3A_1536, %gather3A_97 : vector<16xf32>
      %add3A_1540 = arith.addf %add3A_1532, %mul3A_1539 : vector<16xf32>
      %swap3A_1541 = arith.constant 19 : i32
      %swap3A_1542 = arith.index_cast %swap3A_1541 : i32 to index
      %swap3A_1543 = arith.constant 0 : index
      %swap3A_1544 = tpu.vector_load %arg9[%swap3A_1542, %swap3A_1543] {strides = array<i32>} : memref<28x32xf32, #tpu.memory_space<vmem>>, vector<16xf32>,
      tpu.vector_store %arg9[%swap3A_1542, %swap3A_1543], %add3A_1538 {strides = array<i32>} : memref<28x32xf32, #tpu.memory_space<vmem>>, vector<16xf32>,
      %swap3A_1545 = arith.constant 19 : i32
      %swap3A_1546 = arith.index_cast %swap3A_1545 : i32 to index
      %swap3A_1547 = arith.constant 16 : index
      %swap3A_1548 = tpu.vector_load %arg9[%swap3A_1546, %swap3A_1547] {strides = array<i32>} : memref<28x32xf32, #tpu.memory_space<vmem>>, vector<16xf32>,
      tpu.vector_store %arg9[%swap3A_1546, %swap3A_1547], %add3A_1540 {strides = array<i32>} : memref<28x32xf32, #tpu.memory_space<vmem>>, vector<16xf32>,
      %add3A_1549 = arith.constant 95 : i32
      %add3A_1550 = vector.broadcast %add3A_1549 : i32 to vector<16xi32>
      %add3A_1551 = arith.addi %shift_right_arithmetic3A_28, %add3A_1550 : vector<16xi32>
      %gather3A_1552 = tpu.vector_load_idx %arg5[%add3A_1551] : memref<408xf32, #tpu.memory_space<vmem>>[vector<16xi32>], vector<16xf32>,
      %mul3A_1553 = arith.mulf %gather3A_1552, %get3A_64 : vector<16xf32>
      %add3A_1554 = arith.addf %add3A_634, %mul3A_1553 : vector<16xf32>
      %mul3A_1555 = arith.mulf %gather3A_1552, %gather3A_69 : vector<16xf32>
      %add3A_1556 = arith.addf %add3A_636, %mul3A_1555 : vector<16xf32>
      %add3A_1557 = arith.constant 96 : i32
      %add3A_1558 = vector.broadcast %add3A_1557 : i32 to vector<16xi32>
      %add3A_1559 = arith.addi %shift_right_arithmetic3A_28, %add3A_1558 : vector<16xi32>
      %gather3A_1560 = tpu.vector_load_idx %arg5[%add3A_1559] : memref<408xf32, #tpu.memory_space<vmem>>[vector<16xi32>], vector<16xf32>,
      %mul3A_1561 = arith.mulf %gather3A_1560, %get3A_71 : vector<16xf32>
      %add3A_1562 = arith.addf %add3A_1554, %mul3A_1561 : vector<16xf32>
      %mul3A_1563 = arith.mulf %gather3A_1560, %gather3A_76 : vector<16xf32>
      %add3A_1564 = arith.addf %add3A_1556, %mul3A_1563 : vector<16xf32>
      %add3A_1565 = arith.constant 97 : i32
      %add3A_1566 = vector.broadcast %add3A_1565 : i32 to vector<16xi32>
      %add3A_1567 = arith.addi %shift_right_arithmetic3A_28, %add3A_1566 : vector<16xi32>
      %gather3A_1568 = tpu.vector_load_idx %arg5[%add3A_1567] : memref<408xf32, #tpu.memory_space<vmem>>[vector<16xi32>], vector<16xf32>,
      %mul3A_1569 = arith.mulf %gather3A_1568, %get3A_78 : vector<16xf32>
      %add3A_1570 = arith.addf %add3A_1562, %mul3A_1569 : vector<16xf32>
      %mul3A_1571 = arith.mulf %gather3A_1568, %gather3A_83 : vector<16xf32>
      %add3A_1572 = arith.addf %add3A_1564, %mul3A_1571 : vector<16xf32>
      %add3A_1573 = arith.constant 98 : i32
      %add3A_1574 = vector.broadcast %add3A_1573 : i32 to vector<16xi32>
      %add3A_1575 = arith.addi %shift_right_arithmetic3A_28, %add3A_1574 : vector<16xi32>
      %gather3A_1576 = tpu.vector_load_idx %arg5[%add3A_1575] : memref<408xf32, #tpu.memory_space<vmem>>[vector<16xi32>], vector<16xf32>,
      %mul3A_1577 = arith.mulf %gather3A_1576, %get3A_85 : vector<16xf32>
      %add3A_1578 = arith.addf %add3A_1570, %mul3A_1577 : vector<16xf32>
      %mul3A_1579 = arith.mulf %gather3A_1576, %gather3A_90 : vector<16xf32>
      %add3A_1580 = arith.addf %add3A_1572, %mul3A_1579 : vector<16xf32>
      %add3A_1581 = arith.constant 99 : i32
      %add3A_1582 = vector.broadcast %add3A_1581 : i32 to vector<16xi32>
      %add3A_1583 = arith.addi %shift_right_arithmetic3A_28, %add3A_1582 : vector<16xi32>
      %gather3A_1584 = tpu.vector_load_idx %arg5[%add3A_1583] : memref<408xf32, #tpu.memory_space<vmem>>[vector<16xi32>], vector<16xf32>,
      %mul3A_1585 = arith.mulf %gather3A_1584, %get3A_92 : vector<16xf32>
      %add3A_1586 = arith.addf %add3A_1578, %mul3A_1585 : vector<16xf32>
      %mul3A_1587 = arith.mulf %gather3A_1584, %gather3A_97 : vector<16xf32>
      %add3A_1588 = arith.addf %add3A_1580, %mul3A_1587 : vector<16xf32>
      %swap3A_1589 = arith.constant 20 : i32
      %swap3A_1590 = arith.index_cast %swap3A_1589 : i32 to index
      %swap3A_1591 = arith.constant 0 : index
      %swap3A_1592 = tpu.vector_load %arg9[%swap3A_1590, %swap3A_1591] {strides = array<i32>} : memref<28x32xf32, #tpu.memory_space<vmem>>, vector<16xf32>,
      tpu.vector_store %arg9[%swap3A_1590, %swap3A_1591], %add3A_1586 {strides = array<i32>} : memref<28x32xf32, #tpu.memory_space<vmem>>, vector<16xf32>,
      %swap3A_1593 = arith.constant 20 : i32
      %swap3A_1594 = arith.index_cast %swap3A_1593 : i32 to index
      %swap3A_1595 = arith.constant 16 : index
      %swap3A_1596 = tpu.vector_load %arg9[%swap3A_1594, %swap3A_1595] {strides = array<i32>} : memref<28x32xf32, #tpu.memory_space<vmem>>, vector<16xf32>,
      tpu.vector_store %arg9[%swap3A_1594, %swap3A_1595], %add3A_1588 {strides = array<i32>} : memref<28x32xf32, #tpu.memory_space<vmem>>, vector<16xf32>,
      %add3A_1597 = arith.constant 100 : i32
      %add3A_1598 = vector.broadcast %add3A_1597 : i32 to vector<16xi32>
      %add3A_1599 = arith.addi %shift_right_arithmetic3A_28, %add3A_1598 : vector<16xi32>
      %gather3A_1600 = tpu.vector_load_idx %arg5[%add3A_1599] : memref<408xf32, #tpu.memory_space<vmem>>[vector<16xi32>], vector<16xf32>,
      %mul3A_1601 = arith.mulf %gather3A_1600, %get3A_64 : vector<16xf32>
      %add3A_1602 = arith.addf %add3A_634, %mul3A_1601 : vector<16xf32>
      %mul3A_1603 = arith.mulf %gather3A_1600, %gather3A_69 : vector<16xf32>
      %add3A_1604 = arith.addf %add3A_636, %mul3A_1603 : vector<16xf32>
      %add3A_1605 = arith.constant 101 : i32
      %add3A_1606 = vector.broadcast %add3A_1605 : i32 to vector<16xi32>
      %add3A_1607 = arith.addi %shift_right_arithmetic3A_28, %add3A_1606 : vector<16xi32>
      %gather3A_1608 = tpu.vector_load_idx %arg5[%add3A_1607] : memref<408xf32, #tpu.memory_space<vmem>>[vector<16xi32>], vector<16xf32>,
      %mul3A_1609 = arith.mulf %gather3A_1608, %get3A_71 : vector<16xf32>
      %add3A_1610 = arith.addf %add3A_1602, %mul3A_1609 : vector<16xf32>
      %mul3A_1611 = arith.mulf %gather3A_1608, %gather3A_76 : vector<16xf32>
      %add3A_1612 = arith.addf %add3A_1604, %mul3A_1611 : vector<16xf32>
      %add3A_1613 = arith.constant 102 : i32
      %add3A_1614 = vector.broadcast %add3A_1613 : i32 to vector<16xi32>
      %add3A_1615 = arith.addi %shift_right_arithmetic3A_28, %add3A_1614 : vector<16xi32>
      %gather3A_1616 = tpu.vector_load_idx %arg5[%add3A_1615] : memref<408xf32, #tpu.memory_space<vmem>>[vector<16xi32>], vector<16xf32>,
      %mul3A_1617 = arith.mulf %gather3A_1616, %get3A_78 : vector<16xf32>
      %add3A_1618 = arith.addf %add3A_1610, %mul3A_1617 : vector<16xf32>
      %mul3A_1619 = arith.mulf %gather3A_1616, %gather3A_83 : vector<16xf32>
      %add3A_1620 = arith.addf %add3A_1612, %mul3A_1619 : vector<16xf32>
      %add3A_1621 = arith.constant 103 : i32
      %add3A_1622 = vector.broadcast %add3A_1621 : i32 to vector<16xi32>
      %add3A_1623 = arith.addi %shift_right_arithmetic3A_28, %add3A_1622 : vector<16xi32>
      %gather3A_1624 = tpu.vector_load_idx %arg5[%add3A_1623] : memref<408xf32, #tpu.memory_space<vmem>>[vector<16xi32>], vector<16xf32>,
      %mul3A_1625 = arith.mulf %gather3A_1624, %get3A_85 : vector<16xf32>
      %add3A_1626 = arith.addf %add3A_1618, %mul3A_1625 : vector<16xf32>
      %mul3A_1627 = arith.mulf %gather3A_1624, %gather3A_90 : vector<16xf32>
      %add3A_1628 = arith.addf %add3A_1620, %mul3A_1627 : vector<16xf32>
      %add3A_1629 = arith.constant 104 : i32
      %add3A_1630 = vector.broadcast %add3A_1629 : i32 to vector<16xi32>
      %add3A_1631 = arith.addi %shift_right_arithmetic3A_28, %add3A_1630 : vector<16xi32>
      %gather3A_1632 = tpu.vector_load_idx %arg5[%add3A_1631] : memref<408xf32, #tpu.memory_space<vmem>>[vector<16xi32>], vector<16xf32>,
      %mul3A_1633 = arith.mulf %gather3A_1632, %get3A_92 : vector<16xf32>
      %add3A_1634 = arith.addf %add3A_1626, %mul3A_1633 : vector<16xf32>
      %mul3A_1635 = arith.mulf %gather3A_1632, %gather3A_97 : vector<16xf32>
      %add3A_1636 = arith.addf %add3A_1628, %mul3A_1635 : vector<16xf32>
      %swap3A_1637 = arith.constant 21 : i32
      %swap3A_1638 = arith.index_cast %swap3A_1637 : i32 to index
      %swap3A_1639 = arith.constant 0 : index
      %swap3A_1640 = tpu.vector_load %arg9[%swap3A_1638, %swap3A_1639] {strides = array<i32>} : memref<28x32xf32, #tpu.memory_space<vmem>>, vector<16xf32>,
      tpu.vector_store %arg9[%swap3A_1638, %swap3A_1639], %add3A_1634 {strides = array<i32>} : memref<28x32xf32, #tpu.memory_space<vmem>>, vector<16xf32>,
      %swap3A_1641 = arith.constant 21 : i32
      %swap3A_1642 = arith.index_cast %swap3A_1641 : i32 to index
      %swap3A_1643 = arith.constant 16 : index
      %swap3A_1644 = tpu.vector_load %arg9[%swap3A_1642, %swap3A_1643] {strides = array<i32>} : memref<28x32xf32, #tpu.memory_space<vmem>>, vector<16xf32>,
      tpu.vector_store %arg9[%swap3A_1642, %swap3A_1643], %add3A_1636 {strides = array<i32>} : memref<28x32xf32, #tpu.memory_space<vmem>>, vector<16xf32>,
      %add3A_1645 = arith.constant 105 : i32
      %add3A_1646 = vector.broadcast %add3A_1645 : i32 to vector<16xi32>
      %add3A_1647 = arith.addi %shift_right_arithmetic3A_28, %add3A_1646 : vector<16xi32>
      %gather3A_1648 = tpu.vector_load_idx %arg5[%add3A_1647] : memref<408xf32, #tpu.memory_space<vmem>>[vector<16xi32>], vector<16xf32>,
      %mul3A_1649 = arith.mulf %gather3A_1648, %get3A_64 : vector<16xf32>
      %add3A_1650 = arith.addf %add3A_634, %mul3A_1649 : vector<16xf32>
      %mul3A_1651 = arith.mulf %gather3A_1648, %gather3A_69 : vector<16xf32>
      %add3A_1652 = arith.addf %add3A_636, %mul3A_1651 : vector<16xf32>
      %add3A_1653 = arith.constant 106 : i32
      %add3A_1654 = vector.broadcast %add3A_1653 : i32 to vector<16xi32>
      %add3A_1655 = arith.addi %shift_right_arithmetic3A_28, %add3A_1654 : vector<16xi32>
      %gather3A_1656 = tpu.vector_load_idx %arg5[%add3A_1655] : memref<408xf32, #tpu.memory_space<vmem>>[vector<16xi32>], vector<16xf32>,
      %mul3A_1657 = arith.mulf %gather3A_1656, %get3A_71 : vector<16xf32>
      %add3A_1658 = arith.addf %add3A_1650, %mul3A_1657 : vector<16xf32>
      %mul3A_1659 = arith.mulf %gather3A_1656, %gather3A_76 : vector<16xf32>
      %add3A_1660 = arith.addf %add3A_1652, %mul3A_1659 : vector<16xf32>
      %add3A_1661 = arith.constant 107 : i32
      %add3A_1662 = vector.broadcast %add3A_1661 : i32 to vector<16xi32>
      %add3A_1663 = arith.addi %shift_right_arithmetic3A_28, %add3A_1662 : vector<16xi32>
      %gather3A_1664 = tpu.vector_load_idx %arg5[%add3A_1663] : memref<408xf32, #tpu.memory_space<vmem>>[vector<16xi32>], vector<16xf32>,
      %mul3A_1665 = arith.mulf %gather3A_1664, %get3A_78 : vector<16xf32>
      %add3A_1666 = arith.addf %add3A_1658, %mul3A_1665 : vector<16xf32>
      %mul3A_1667 = arith.mulf %gather3A_1664, %gather3A_83 : vector<16xf32>
      %add3A_1668 = arith.addf %add3A_1660, %mul3A_1667 : vector<16xf32>
      %add3A_1669 = arith.constant 108 : i32
      %add3A_1670 = vector.broadcast %add3A_1669 : i32 to vector<16xi32>
      %add3A_1671 = arith.addi %shift_right_arithmetic3A_28, %add3A_1670 : vector<16xi32>
      %gather3A_1672 = tpu.vector_load_idx %arg5[%add3A_1671] : memref<408xf32, #tpu.memory_space<vmem>>[vector<16xi32>], vector<16xf32>,
      %mul3A_1673 = arith.mulf %gather3A_1672, %get3A_85 : vector<16xf32>
      %add3A_1674 = arith.addf %add3A_1666, %mul3A_1673 : vector<16xf32>
      %mul3A_1675 = arith.mulf %gather3A_1672, %gather3A_90 : vector<16xf32>
      %add3A_1676 = arith.addf %add3A_1668, %mul3A_1675 : vector<16xf32>
      %add3A_1677 = arith.constant 109 : i32
      %add3A_1678 = vector.broadcast %add3A_1677 : i32 to vector<16xi32>
      %add3A_1679 = arith.addi %shift_right_arithmetic3A_28, %add3A_1678 : vector<16xi32>
      %gather3A_1680 = tpu.vector_load_idx %arg5[%add3A_1679] : memref<408xf32, #tpu.memory_space<vmem>>[vector<16xi32>], vector<16xf32>,
      %mul3A_1681 = arith.mulf %gather3A_1680, %get3A_92 : vector<16xf32>
      %add3A_1682 = arith.addf %add3A_1674, %mul3A_1681 : vector<16xf32>
      %mul3A_1683 = arith.mulf %gather3A_1680, %gather3A_97 : vector<16xf32>
      %add3A_1684 = arith.addf %add3A_1676, %mul3A_1683 : vector<16xf32>
      %swap3A_1685 = arith.constant 22 : i32
      %swap3A_1686 = arith.index_cast %swap3A_1685 : i32 to index
      %swap3A_1687 = arith.constant 0 : index
      %swap3A_1688 = tpu.vector_load %arg9[%swap3A_1686, %swap3A_1687] {strides = array<i32>} : memref<28x32xf32, #tpu.memory_space<vmem>>, vector<16xf32>,
      tpu.vector_store %arg9[%swap3A_1686, %swap3A_1687], %add3A_1682 {strides = array<i32>} : memref<28x32xf32, #tpu.memory_space<vmem>>, vector<16xf32>,
      %swap3A_1689 = arith.constant 22 : i32
      %swap3A_1690 = arith.index_cast %swap3A_1689 : i32 to index
      %swap3A_1691 = arith.constant 16 : index
      %swap3A_1692 = tpu.vector_load %arg9[%swap3A_1690, %swap3A_1691] {strides = array<i32>} : memref<28x32xf32, #tpu.memory_space<vmem>>, vector<16xf32>,
      tpu.vector_store %arg9[%swap3A_1690, %swap3A_1691], %add3A_1684 {strides = array<i32>} : memref<28x32xf32, #tpu.memory_space<vmem>>, vector<16xf32>,
      %add3A_1693 = arith.constant 110 : i32
      %add3A_1694 = vector.broadcast %add3A_1693 : i32 to vector<16xi32>
      %add3A_1695 = arith.addi %shift_right_arithmetic3A_28, %add3A_1694 : vector<16xi32>
      %gather3A_1696 = tpu.vector_load_idx %arg5[%add3A_1695] : memref<408xf32, #tpu.memory_space<vmem>>[vector<16xi32>], vector<16xf32>,
      %mul3A_1697 = arith.mulf %gather3A_1696, %get3A_64 : vector<16xf32>
      %add3A_1698 = arith.addf %add3A_634, %mul3A_1697 : vector<16xf32>
      %mul3A_1699 = arith.mulf %gather3A_1696, %gather3A_69 : vector<16xf32>
      %add3A_1700 = arith.addf %add3A_636, %mul3A_1699 : vector<16xf32>
      %add3A_1701 = arith.constant 111 : i32
      %add3A_1702 = vector.broadcast %add3A_1701 : i32 to vector<16xi32>
      %add3A_1703 = arith.addi %shift_right_arithmetic3A_28, %add3A_1702 : vector<16xi32>
      %gather3A_1704 = tpu.vector_load_idx %arg5[%add3A_1703] : memref<408xf32, #tpu.memory_space<vmem>>[vector<16xi32>], vector<16xf32>,
      %mul3A_1705 = arith.mulf %gather3A_1704, %get3A_71 : vector<16xf32>
      %add3A_1706 = arith.addf %add3A_1698, %mul3A_1705 : vector<16xf32>
      %mul3A_1707 = arith.mulf %gather3A_1704, %gather3A_76 : vector<16xf32>
      %add3A_1708 = arith.addf %add3A_1700, %mul3A_1707 : vector<16xf32>
      %add3A_1709 = arith.constant 112 : i32
      %add3A_1710 = vector.broadcast %add3A_1709 : i32 to vector<16xi32>
      %add3A_1711 = arith.addi %shift_right_arithmetic3A_28, %add3A_1710 : vector<16xi32>
      %gather3A_1712 = tpu.vector_load_idx %arg5[%add3A_1711] : memref<408xf32, #tpu.memory_space<vmem>>[vector<16xi32>], vector<16xf32>,
      %mul3A_1713 = arith.mulf %gather3A_1712, %get3A_78 : vector<16xf32>
      %add3A_1714 = arith.addf %add3A_1706, %mul3A_1713 : vector<16xf32>
      %mul3A_1715 = arith.mulf %gather3A_1712, %gather3A_83 : vector<16xf32>
      %add3A_1716 = arith.addf %add3A_1708, %mul3A_1715 : vector<16xf32>
      %add3A_1717 = arith.constant 113 : i32
      %add3A_1718 = vector.broadcast %add3A_1717 : i32 to vector<16xi32>
      %add3A_1719 = arith.addi %shift_right_arithmetic3A_28, %add3A_1718 : vector<16xi32>
      %gather3A_1720 = tpu.vector_load_idx %arg5[%add3A_1719] : memref<408xf32, #tpu.memory_space<vmem>>[vector<16xi32>], vector<16xf32>,
      %mul3A_1721 = arith.mulf %gather3A_1720, %get3A_85 : vector<16xf32>
      %add3A_1722 = arith.addf %add3A_1714, %mul3A_1721 : vector<16xf32>
      %mul3A_1723 = arith.mulf %gather3A_1720, %gather3A_90 : vector<16xf32>
      %add3A_1724 = arith.addf %add3A_1716, %mul3A_1723 : vector<16xf32>
      %add3A_1725 = arith.constant 114 : i32
      %add3A_1726 = vector.broadcast %add3A_1725 : i32 to vector<16xi32>
      %add3A_1727 = arith.addi %shift_right_arithmetic3A_28, %add3A_1726 : vector<16xi32>
      %gather3A_1728 = tpu.vector_load_idx %arg5[%add3A_1727] : memref<408xf32, #tpu.memory_space<vmem>>[vector<16xi32>], vector<16xf32>,
      %mul3A_1729 = arith.mulf %gather3A_1728, %get3A_92 : vector<16xf32>
      %add3A_1730 = arith.addf %add3A_1722, %mul3A_1729 : vector<16xf32>
      %mul3A_1731 = arith.mulf %gather3A_1728, %gather3A_97 : vector<16xf32>
      %add3A_1732 = arith.addf %add3A_1724, %mul3A_1731 : vector<16xf32>
      %swap3A_1733 = arith.constant 23 : i32
      %swap3A_1734 = arith.index_cast %swap3A_1733 : i32 to index
      %swap3A_1735 = arith.constant 0 : index
      %swap3A_1736 = tpu.vector_load %arg9[%swap3A_1734, %swap3A_1735] {strides = array<i32>} : memref<28x32xf32, #tpu.memory_space<vmem>>, vector<16xf32>,
      tpu.vector_store %arg9[%swap3A_1734, %swap3A_1735], %add3A_1730 {strides = array<i32>} : memref<28x32xf32, #tpu.memory_space<vmem>>, vector<16xf32>,
      %swap3A_1737 = arith.constant 23 : i32
      %swap3A_1738 = arith.index_cast %swap3A_1737 : i32 to index
      %swap3A_1739 = arith.constant 16 : index
      %swap3A_1740 = tpu.vector_load %arg9[%swap3A_1738, %swap3A_1739] {strides = array<i32>} : memref<28x32xf32, #tpu.memory_space<vmem>>, vector<16xf32>,
      tpu.vector_store %arg9[%swap3A_1738, %swap3A_1739], %add3A_1732 {strides = array<i32>} : memref<28x32xf32, #tpu.memory_space<vmem>>, vector<16xf32>,
      %add3A_1741 = arith.constant 115 : i32
      %add3A_1742 = vector.broadcast %add3A_1741 : i32 to vector<16xi32>
      %add3A_1743 = arith.addi %shift_right_arithmetic3A_28, %add3A_1742 : vector<16xi32>
      %gather3A_1744 = tpu.vector_load_idx %arg5[%add3A_1743] : memref<408xf32, #tpu.memory_space<vmem>>[vector<16xi32>], vector<16xf32>,
      %mul3A_1745 = arith.mulf %gather3A_1744, %get3A_64 : vector<16xf32>
      %add3A_1746 = arith.addf %add3A_634, %mul3A_1745 : vector<16xf32>
      %mul3A_1747 = arith.mulf %gather3A_1744, %gather3A_69 : vector<16xf32>
      %add3A_1748 = arith.addf %add3A_636, %mul3A_1747 : vector<16xf32>
      %add3A_1749 = arith.constant 116 : i32
      %add3A_1750 = vector.broadcast %add3A_1749 : i32 to vector<16xi32>
      %add3A_1751 = arith.addi %shift_right_arithmetic3A_28, %add3A_1750 : vector<16xi32>
      %gather3A_1752 = tpu.vector_load_idx %arg5[%add3A_1751] : memref<408xf32, #tpu.memory_space<vmem>>[vector<16xi32>], vector<16xf32>,
      %mul3A_1753 = arith.mulf %gather3A_1752, %get3A_71 : vector<16xf32>
      %add3A_1754 = arith.addf %add3A_1746, %mul3A_1753 : vector<16xf32>
      %mul3A_1755 = arith.mulf %gather3A_1752, %gather3A_76 : vector<16xf32>
      %add3A_1756 = arith.addf %add3A_1748, %mul3A_1755 : vector<16xf32>
      %add3A_1757 = arith.constant 117 : i32
      %add3A_1758 = vector.broadcast %add3A_1757 : i32 to vector<16xi32>
      %add3A_1759 = arith.addi %shift_right_arithmetic3A_28, %add3A_1758 : vector<16xi32>
      %gather3A_1760 = tpu.vector_load_idx %arg5[%add3A_1759] : memref<408xf32, #tpu.memory_space<vmem>>[vector<16xi32>], vector<16xf32>,
      %mul3A_1761 = arith.mulf %gather3A_1760, %get3A_78 : vector<16xf32>
      %add3A_1762 = arith.addf %add3A_1754, %mul3A_1761 : vector<16xf32>
      %mul3A_1763 = arith.mulf %gather3A_1760, %gather3A_83 : vector<16xf32>
      %add3A_1764 = arith.addf %add3A_1756, %mul3A_1763 : vector<16xf32>
      %add3A_1765 = arith.constant 118 : i32
      %add3A_1766 = vector.broadcast %add3A_1765 : i32 to vector<16xi32>
      %add3A_1767 = arith.addi %shift_right_arithmetic3A_28, %add3A_1766 : vector<16xi32>
      %gather3A_1768 = tpu.vector_load_idx %arg5[%add3A_1767] : memref<408xf32, #tpu.memory_space<vmem>>[vector<16xi32>], vector<16xf32>,
      %mul3A_1769 = arith.mulf %gather3A_1768, %get3A_85 : vector<16xf32>
      %add3A_1770 = arith.addf %add3A_1762, %mul3A_1769 : vector<16xf32>
      %mul3A_1771 = arith.mulf %gather3A_1768, %gather3A_90 : vector<16xf32>
      %add3A_1772 = arith.addf %add3A_1764, %mul3A_1771 : vector<16xf32>
      %add3A_1773 = arith.constant 119 : i32
      %add3A_1774 = vector.broadcast %add3A_1773 : i32 to vector<16xi32>
      %add3A_1775 = arith.addi %shift_right_arithmetic3A_28, %add3A_1774 : vector<16xi32>
      %gather3A_1776 = tpu.vector_load_idx %arg5[%add3A_1775] : memref<408xf32, #tpu.memory_space<vmem>>[vector<16xi32>], vector<16xf32>,
      %mul3A_1777 = arith.mulf %gather3A_1776, %get3A_92 : vector<16xf32>
      %add3A_1778 = arith.addf %add3A_1770, %mul3A_1777 : vector<16xf32>
      %mul3A_1779 = arith.mulf %gather3A_1776, %gather3A_97 : vector<16xf32>
      %add3A_1780 = arith.addf %add3A_1772, %mul3A_1779 : vector<16xf32>
      %swap3A_1781 = arith.constant 24 : i32
      %swap3A_1782 = arith.index_cast %swap3A_1781 : i32 to index
      %swap3A_1783 = arith.constant 0 : index
      %swap3A_1784 = tpu.vector_load %arg9[%swap3A_1782, %swap3A_1783] {strides = array<i32>} : memref<28x32xf32, #tpu.memory_space<vmem>>, vector<16xf32>,
      tpu.vector_store %arg9[%swap3A_1782, %swap3A_1783], %add3A_1778 {strides = array<i32>} : memref<28x32xf32, #tpu.memory_space<vmem>>, vector<16xf32>,
      %swap3A_1785 = arith.constant 24 : i32
      %swap3A_1786 = arith.index_cast %swap3A_1785 : i32 to index
      %swap3A_1787 = arith.constant 16 : index
      %swap3A_1788 = tpu.vector_load %arg9[%swap3A_1786, %swap3A_1787] {strides = array<i32>} : memref<28x32xf32, #tpu.memory_space<vmem>>, vector<16xf32>,
      tpu.vector_store %arg9[%swap3A_1786, %swap3A_1787], %add3A_1780 {strides = array<i32>} : memref<28x32xf32, #tpu.memory_space<vmem>>, vector<16xf32>,
      %add3A_1789 = arith.constant 120 : i32
      %add3A_1790 = vector.broadcast %add3A_1789 : i32 to vector<16xi32>
      %add3A_1791 = arith.addi %shift_right_arithmetic3A_28, %add3A_1790 : vector<16xi32>
      %gather3A_1792 = tpu.vector_load_idx %arg5[%add3A_1791] : memref<408xf32, #tpu.memory_space<vmem>>[vector<16xi32>], vector<16xf32>,
      %mul3A_1793 = arith.mulf %gather3A_1792, %get3A_64 : vector<16xf32>
      %add3A_1794 = arith.addf %add3A_634, %mul3A_1793 : vector<16xf32>
      %mul3A_1795 = arith.mulf %gather3A_1792, %gather3A_69 : vector<16xf32>
      %add3A_1796 = arith.addf %add3A_636, %mul3A_1795 : vector<16xf32>
      %add3A_1797 = arith.constant 121 : i32
      %add3A_1798 = vector.broadcast %add3A_1797 : i32 to vector<16xi32>
      %add3A_1799 = arith.addi %shift_right_arithmetic3A_28, %add3A_1798 : vector<16xi32>
      %gather3A_1800 = tpu.vector_load_idx %arg5[%add3A_1799] : memref<408xf32, #tpu.memory_space<vmem>>[vector<16xi32>], vector<16xf32>,
      %mul3A_1801 = arith.mulf %gather3A_1800, %get3A_71 : vector<16xf32>
      %add3A_1802 = arith.addf %add3A_1794, %mul3A_1801 : vector<16xf32>
      %mul3A_1803 = arith.mulf %gather3A_1800, %gather3A_76 : vector<16xf32>
      %add3A_1804 = arith.addf %add3A_1796, %mul3A_1803 : vector<16xf32>
      %add3A_1805 = arith.constant 122 : i32
      %add3A_1806 = vector.broadcast %add3A_1805 : i32 to vector<16xi32>
      %add3A_1807 = arith.addi %shift_right_arithmetic3A_28, %add3A_1806 : vector<16xi32>
      %gather3A_1808 = tpu.vector_load_idx %arg5[%add3A_1807] : memref<408xf32, #tpu.memory_space<vmem>>[vector<16xi32>], vector<16xf32>,
      %mul3A_1809 = arith.mulf %gather3A_1808, %get3A_78 : vector<16xf32>
      %add3A_1810 = arith.addf %add3A_1802, %mul3A_1809 : vector<16xf32>
      %mul3A_1811 = arith.mulf %gather3A_1808, %gather3A_83 : vector<16xf32>
      %add3A_1812 = arith.addf %add3A_1804, %mul3A_1811 : vector<16xf32>
      %add3A_1813 = arith.constant 123 : i32
      %add3A_1814 = vector.broadcast %add3A_1813 : i32 to vector<16xi32>
      %add3A_1815 = arith.addi %shift_right_arithmetic3A_28, %add3A_1814 : vector<16xi32>
      %gather3A_1816 = tpu.vector_load_idx %arg5[%add3A_1815] : memref<408xf32, #tpu.memory_space<vmem>>[vector<16xi32>], vector<16xf32>,
      %mul3A_1817 = arith.mulf %gather3A_1816, %get3A_85 : vector<16xf32>
      %add3A_1818 = arith.addf %add3A_1810, %mul3A_1817 : vector<16xf32>
      %mul3A_1819 = arith.mulf %gather3A_1816, %gather3A_90 : vector<16xf32>
      %add3A_1820 = arith.addf %add3A_1812, %mul3A_1819 : vector<16xf32>
      %add3A_1821 = arith.constant 124 : i32
      %add3A_1822 = vector.broadcast %add3A_1821 : i32 to vector<16xi32>
      %add3A_1823 = arith.addi %shift_right_arithmetic3A_28, %add3A_1822 : vector<16xi32>
      %gather3A_1824 = tpu.vector_load_idx %arg5[%add3A_1823] : memref<408xf32, #tpu.memory_space<vmem>>[vector<16xi32>], vector<16xf32>,
      %mul3A_1825 = arith.mulf %gather3A_1824, %get3A_92 : vector<16xf32>
      %add3A_1826 = arith.addf %add3A_1818, %mul3A_1825 : vector<16xf32>
      %mul3A_1827 = arith.mulf %gather3A_1824, %gather3A_97 : vector<16xf32>
      %add3A_1828 = arith.addf %add3A_1820, %mul3A_1827 : vector<16xf32>
      %swap3A_1829 = arith.constant 25 : i32
      %swap3A_1830 = arith.index_cast %swap3A_1829 : i32 to index
      %swap3A_1831 = arith.constant 0 : index
      %swap3A_1832 = tpu.vector_load %arg9[%swap3A_1830, %swap3A_1831] {strides = array<i32>} : memref<28x32xf32, #tpu.memory_space<vmem>>, vector<16xf32>,
      tpu.vector_store %arg9[%swap3A_1830, %swap3A_1831], %add3A_1826 {strides = array<i32>} : memref<28x32xf32, #tpu.memory_space<vmem>>, vector<16xf32>,
      %swap3A_1833 = arith.constant 25 : i32
      %swap3A_1834 = arith.index_cast %swap3A_1833 : i32 to index
      %swap3A_1835 = arith.constant 16 : index
      %swap3A_1836 = tpu.vector_load %arg9[%swap3A_1834, %swap3A_1835] {strides = array<i32>} : memref<28x32xf32, #tpu.memory_space<vmem>>, vector<16xf32>,
      tpu.vector_store %arg9[%swap3A_1834, %swap3A_1835], %add3A_1828 {strides = array<i32>} : memref<28x32xf32, #tpu.memory_space<vmem>>, vector<16xf32>,
      %add3A_1837 = arith.constant 125 : i32
      %add3A_1838 = vector.broadcast %add3A_1837 : i32 to vector<16xi32>
      %add3A_1839 = arith.addi %shift_right_arithmetic3A_28, %add3A_1838 : vector<16xi32>
      %gather3A_1840 = tpu.vector_load_idx %arg5[%add3A_1839] : memref<408xf32, #tpu.memory_space<vmem>>[vector<16xi32>], vector<16xf32>,
      %mul3A_1841 = arith.mulf %gather3A_1840, %get3A_64 : vector<16xf32>
      %add3A_1842 = arith.addf %add3A_634, %mul3A_1841 : vector<16xf32>
      %mul3A_1843 = arith.mulf %gather3A_1840, %gather3A_69 : vector<16xf32>
      %add3A_1844 = arith.addf %add3A_636, %mul3A_1843 : vector<16xf32>
      %add3A_1845 = arith.constant 126 : i32
      %add3A_1846 = vector.broadcast %add3A_1845 : i32 to vector<16xi32>
      %add3A_1847 = arith.addi %shift_right_arithmetic3A_28, %add3A_1846 : vector<16xi32>
      %gather3A_1848 = tpu.vector_load_idx %arg5[%add3A_1847] : memref<408xf32, #tpu.memory_space<vmem>>[vector<16xi32>], vector<16xf32>,
      %mul3A_1849 = arith.mulf %gather3A_1848, %get3A_71 : vector<16xf32>
      %add3A_1850 = arith.addf %add3A_1842, %mul3A_1849 : vector<16xf32>
      %mul3A_1851 = arith.mulf %gather3A_1848, %gather3A_76 : vector<16xf32>
      %add3A_1852 = arith.addf %add3A_1844, %mul3A_1851 : vector<16xf32>
      %add3A_1853 = arith.constant 127 : i32
      %add3A_1854 = vector.broadcast %add3A_1853 : i32 to vector<16xi32>
      %add3A_1855 = arith.addi %shift_right_arithmetic3A_28, %add3A_1854 : vector<16xi32>
      %gather3A_1856 = tpu.vector_load_idx %arg5[%add3A_1855] : memref<408xf32, #tpu.memory_space<vmem>>[vector<16xi32>], vector<16xf32>,
      %mul3A_1857 = arith.mulf %gather3A_1856, %get3A_78 : vector<16xf32>
      %add3A_1858 = arith.addf %add3A_1850, %mul3A_1857 : vector<16xf32>
      %mul3A_1859 = arith.mulf %gather3A_1856, %gather3A_83 : vector<16xf32>
      %add3A_1860 = arith.addf %add3A_1852, %mul3A_1859 : vector<16xf32>
      %add3A_1861 = arith.constant 128 : i32
      %add3A_1862 = vector.broadcast %add3A_1861 : i32 to vector<16xi32>
      %add3A_1863 = arith.addi %shift_right_arithmetic3A_28, %add3A_1862 : vector<16xi32>
      %gather3A_1864 = tpu.vector_load_idx %arg5[%add3A_1863] : memref<408xf32, #tpu.memory_space<vmem>>[vector<16xi32>], vector<16xf32>,
      %mul3A_1865 = arith.mulf %gather3A_1864, %get3A_85 : vector<16xf32>
      %add3A_1866 = arith.addf %add3A_1858, %mul3A_1865 : vector<16xf32>
      %mul3A_1867 = arith.mulf %gather3A_1864, %gather3A_90 : vector<16xf32>
      %add3A_1868 = arith.addf %add3A_1860, %mul3A_1867 : vector<16xf32>
      %add3A_1869 = arith.constant 129 : i32
      %add3A_1870 = vector.broadcast %add3A_1869 : i32 to vector<16xi32>
      %add3A_1871 = arith.addi %shift_right_arithmetic3A_28, %add3A_1870 : vector<16xi32>
      %gather3A_1872 = tpu.vector_load_idx %arg5[%add3A_1871] : memref<408xf32, #tpu.memory_space<vmem>>[vector<16xi32>], vector<16xf32>,
      %mul3A_1873 = arith.mulf %gather3A_1872, %get3A_92 : vector<16xf32>
      %add3A_1874 = arith.addf %add3A_1866, %mul3A_1873 : vector<16xf32>
      %mul3A_1875 = arith.mulf %gather3A_1872, %gather3A_97 : vector<16xf32>
      %add3A_1876 = arith.addf %add3A_1868, %mul3A_1875 : vector<16xf32>
      %swap3A_1877 = arith.constant 26 : i32
      %swap3A_1878 = arith.index_cast %swap3A_1877 : i32 to index
      %swap3A_1879 = arith.constant 0 : index
      %swap3A_1880 = tpu.vector_load %arg9[%swap3A_1878, %swap3A_1879] {strides = array<i32>} : memref<28x32xf32, #tpu.memory_space<vmem>>, vector<16xf32>,
      tpu.vector_store %arg9[%swap3A_1878, %swap3A_1879], %add3A_1874 {strides = array<i32>} : memref<28x32xf32, #tpu.memory_space<vmem>>, vector<16xf32>,
      %swap3A_1881 = arith.constant 26 : i32
      %swap3A_1882 = arith.index_cast %swap3A_1881 : i32 to index
      %swap3A_1883 = arith.constant 16 : index
      %swap3A_1884 = tpu.vector_load %arg9[%swap3A_1882, %swap3A_1883] {strides = array<i32>} : memref<28x32xf32, #tpu.memory_space<vmem>>, vector<16xf32>,
      tpu.vector_store %arg9[%swap3A_1882, %swap3A_1883], %add3A_1876 {strides = array<i32>} : memref<28x32xf32, #tpu.memory_space<vmem>>, vector<16xf32>,
      %add3A_1885 = arith.constant 130 : i32
      %add3A_1886 = vector.broadcast %add3A_1885 : i32 to vector<16xi32>
      %add3A_1887 = arith.addi %shift_right_arithmetic3A_28, %add3A_1886 : vector<16xi32>
      %gather3A_1888 = tpu.vector_load_idx %arg5[%add3A_1887] : memref<408xf32, #tpu.memory_space<vmem>>[vector<16xi32>], vector<16xf32>,
      %mul3A_1889 = arith.mulf %gather3A_1888, %get3A_64 : vector<16xf32>
      %add3A_1890 = arith.addf %add3A_634, %mul3A_1889 : vector<16xf32>
      %mul3A_1891 = arith.mulf %gather3A_1888, %gather3A_69 : vector<16xf32>
      %add3A_1892 = arith.addf %add3A_636, %mul3A_1891 : vector<16xf32>
      %add3A_1893 = arith.constant 131 : i32
      %add3A_1894 = vector.broadcast %add3A_1893 : i32 to vector<16xi32>
      %add3A_1895 = arith.addi %shift_right_arithmetic3A_28, %add3A_1894 : vector<16xi32>
      %gather3A_1896 = tpu.vector_load_idx %arg5[%add3A_1895] : memref<408xf32, #tpu.memory_space<vmem>>[vector<16xi32>], vector<16xf32>,
      %mul3A_1897 = arith.mulf %gather3A_1896, %get3A_71 : vector<16xf32>
      %add3A_1898 = arith.addf %add3A_1890, %mul3A_1897 : vector<16xf32>
      %mul3A_1899 = arith.mulf %gather3A_1896, %gather3A_76 : vector<16xf32>
      %add3A_1900 = arith.addf %add3A_1892, %mul3A_1899 : vector<16xf32>
      %add3A_1901 = arith.constant 132 : i32
      %add3A_1902 = vector.broadcast %add3A_1901 : i32 to vector<16xi32>
      %add3A_1903 = arith.addi %shift_right_arithmetic3A_28, %add3A_1902 : vector<16xi32>
      %gather3A_1904 = tpu.vector_load_idx %arg5[%add3A_1903] : memref<408xf32, #tpu.memory_space<vmem>>[vector<16xi32>], vector<16xf32>,
      %mul3A_1905 = arith.mulf %gather3A_1904, %get3A_78 : vector<16xf32>
      %add3A_1906 = arith.addf %add3A_1898, %mul3A_1905 : vector<16xf32>
      %mul3A_1907 = arith.mulf %gather3A_1904, %gather3A_83 : vector<16xf32>
      %add3A_1908 = arith.addf %add3A_1900, %mul3A_1907 : vector<16xf32>
      %add3A_1909 = arith.constant 133 : i32
      %add3A_1910 = vector.broadcast %add3A_1909 : i32 to vector<16xi32>
      %add3A_1911 = arith.addi %shift_right_arithmetic3A_28, %add3A_1910 : vector<16xi32>
      %gather3A_1912 = tpu.vector_load_idx %arg5[%add3A_1911] : memref<408xf32, #tpu.memory_space<vmem>>[vector<16xi32>], vector<16xf32>,
      %mul3A_1913 = arith.mulf %gather3A_1912, %get3A_85 : vector<16xf32>
      %add3A_1914 = arith.addf %add3A_1906, %mul3A_1913 : vector<16xf32>
      %mul3A_1915 = arith.mulf %gather3A_1912, %gather3A_90 : vector<16xf32>
      %add3A_1916 = arith.addf %add3A_1908, %mul3A_1915 : vector<16xf32>
      %add3A_1917 = arith.constant 134 : i32
      %add3A_1918 = vector.broadcast %add3A_1917 : i32 to vector<16xi32>
      %add3A_1919 = arith.addi %shift_right_arithmetic3A_28, %add3A_1918 : vector<16xi32>
      %gather3A_1920 = tpu.vector_load_idx %arg5[%add3A_1919] : memref<408xf32, #tpu.memory_space<vmem>>[vector<16xi32>], vector<16xf32>,
      %mul3A_1921 = arith.mulf %gather3A_1920, %get3A_92 : vector<16xf32>
      %add3A_1922 = arith.addf %add3A_1914, %mul3A_1921 : vector<16xf32>
      %mul3A_1923 = arith.mulf %gather3A_1920, %gather3A_97 : vector<16xf32>
      %add3A_1924 = arith.addf %add3A_1916, %mul3A_1923 : vector<16xf32>
      %swap3A_1925 = arith.constant 27 : i32
      %swap3A_1926 = arith.index_cast %swap3A_1925 : i32 to index
      %swap3A_1927 = arith.constant 0 : index
      %swap3A_1928 = tpu.vector_load %arg9[%swap3A_1926, %swap3A_1927] {strides = array<i32>} : memref<28x32xf32, #tpu.memory_space<vmem>>, vector<16xf32>,
      tpu.vector_store %arg9[%swap3A_1926, %swap3A_1927], %add3A_1922 {strides = array<i32>} : memref<28x32xf32, #tpu.memory_space<vmem>>, vector<16xf32>,
      %swap3A_1929 = arith.constant 27 : i32
      %swap3A_1930 = arith.index_cast %swap3A_1929 : i32 to index
      %swap3A_1931 = arith.constant 16 : index
      %swap3A_1932 = tpu.vector_load %arg9[%swap3A_1930, %swap3A_1931] {strides = array<i32>} : memref<28x32xf32, #tpu.memory_space<vmem>>, vector<16xf32>,
      tpu.vector_store %arg9[%swap3A_1930, %swap3A_1931], %add3A_1924 {strides = array<i32>} : memref<28x32xf32, #tpu.memory_space<vmem>>, vector<16xf32>,
      %mul3A_1933 = arith.constant 27 : i32
      %mul3A_1934 = arith.muli %arg1, %mul3A_1933 : i32
      "tpu.region"() ({
        %run_scoped3A = tpu.sem_alloc : memref<!tpu.dma_semaphore, #tpu.memory_space<semaphore_mem>>
        %dma_start3A_1935 = arith.constant 1 : i32
        %dma_start3A_1936 = arith.constant 0 : i32
        %dma_start3A_1937 = tpu.memref_slice %arg9[%dma_start3A_1935, %dma_start3A_1936] : memref<28x32xf32, #tpu.memory_space<vmem>> -> memref<27x32xf32, #tpu.memory_space<vmem>>
        %dma_start3A_1938 = arith.constant 0 : i32
        %dma_start3A_1939 = tpu.memref_slice %arg11[%mul3A_1934, %dma_start3A_1938] : memref<736x32xf32, #tpu.memory_space<vmem_shared>> -> memref<27x32xf32, #tpu.memory_space<vmem_shared>>
        %dma_start3A_1940 = arith.constant 0 : i32
        %dma_start3A_1941 = tpu.memref_slice %arg11[%mul3A_1934, %dma_start3A_1940] : memref<736x32xf32, #tpu.memory_space<vmem_shared>> -> memref<27x32xf32, #tpu.memory_space<vmem_shared>>
        %dma_start3A_1942 = arith.constant 1 : i32
        %dma_start3A_1943 = arith.constant 0 : i32
        %dma_start3A_1944 = tpu.memref_slice %arg9[%dma_start3A_1942, %dma_start3A_1943] : memref<28x32xf32, #tpu.memory_space<vmem>> -> memref<27x32xf32, #tpu.memory_space<vmem>>
        tpu.enqueue_dma source(%dma_start3A_1944 : memref<27x32xf32, #tpu.memory_space<vmem>>) target(%dma_start3A_1941 : memref<27x32xf32, #tpu.memory_space<vmem_shared>>) target_semaphore(%run_scoped3A : memref<!tpu.dma_semaphore, #tpu.memory_space<semaphore_mem>>)
        %dma_wait3A_1945 = arith.constant 1 : i32
        %dma_wait3A_1946 = arith.constant 0 : i32
        %dma_wait3A_1947 = tpu.memref_slice %arg9[%dma_wait3A_1945, %dma_wait3A_1946] : memref<28x32xf32, #tpu.memory_space<vmem>> -> memref<27x32xf32, #tpu.memory_space<vmem>>
        %dma_wait3A_1948 = arith.constant 0 : i32
        %dma_wait3A_1949 = tpu.memref_slice %arg11[%mul3A_1934, %dma_wait3A_1948] : memref<736x32xf32, #tpu.memory_space<vmem_shared>> -> memref<27x32xf32, #tpu.memory_space<vmem_shared>>
        %dma_wait3A_1950 = arith.constant 0 : i32
        %dma_wait3A_1951 = tpu.memref_slice %arg11[%mul3A_1934, %dma_wait3A_1950] : memref<736x32xf32, #tpu.memory_space<vmem_shared>> -> memref<27x32xf32, #tpu.memory_space<vmem_shared>>
        %dma_wait3A_1952 = arith.constant 1 : i32
        %dma_wait3A_1953 = arith.constant 0 : i32
        %dma_wait3A_1954 = tpu.memref_slice %arg9[%dma_wait3A_1952, %dma_wait3A_1953] : memref<28x32xf32, #tpu.memory_space<vmem>> -> memref<27x32xf32, #tpu.memory_space<vmem>>
        tpu.wait_dma2 semaphore(%run_scoped3A : memref<!tpu.dma_semaphore, #tpu.memory_space<semaphore_mem>>) src(%dma_wait3A_1954 : memref<27x32xf32, #tpu.memory_space<vmem>>) dst(%dma_wait3A_1951 : memref<27x32xf32, #tpu.memory_space<vmem_shared>>)
        tpu.yield
      }) : () -> ()
    } else {
    }
    %lt3A_103 = arith.constant 27 : i32
    %lt3A_104 = arith.cmpi slt, %add3A_99, %lt3A_103 : i32
    %convert_element_type3A_105 = arith.extui %lt3A_104 : i1 to i32
    %cond3A_106 = arith.constant 0 : i32
    %cond3A_107 = arith.cmpi ne, %convert_element_type3A_105, %cond3A_106 : i32
    scf.if %cond3A_107 {
      %broadcast_in_dim3A = arith.constant 0.000000e+00 : f32
      %broadcast_in_dim3A_579 = vector.broadcast %broadcast_in_dim3A : f32 to vector<16xf32>
      %broadcast_in_dim3A_580 = arith.constant 0.000000e+00 : f32
      %broadcast_in_dim3A_581 = vector.broadcast %broadcast_in_dim3A_580 : f32 to vector<16xf32>
      %mul3A_582 = arith.constant 5 : i32
      %mul3A_583 = arith.muli %add3A_99, %mul3A_582 : i32
      %add3A_584 = arith.constant 0 : i32
      %add3A_585 = arith.addi %mul3A_583, %add3A_584 : i32
      %add3A_586 = vector.broadcast %add3A_585 : i32 to vector<16xi32>
      %add3A_587 = arith.addi %shift_right_arithmetic3A_28, %add3A_586 : vector<16xi32>
      %gather3A_588 = tpu.vector_load_idx %arg5[%add3A_587] : memref<408xf32, #tpu.memory_space<vmem>>[vector<16xi32>], vector<16xf32>,
      %mul3A_589 = arith.mulf %gather3A_588, %get3A_30 : vector<16xf32>
      %add3A_590 = arith.addf %broadcast_in_dim3A_579, %mul3A_589 : vector<16xf32>
      %mul3A_591 = arith.mulf %gather3A_588, %gather3A : vector<16xf32>
      %add3A_592 = arith.addf %broadcast_in_dim3A_581, %mul3A_591 : vector<16xf32>
      %mul3A_593 = arith.constant 5 : i32
      %mul3A_594 = arith.muli %add3A_99, %mul3A_593 : i32
      %add3A_595 = arith.constant 1 : i32
      %add3A_596 = arith.addi %mul3A_594, %add3A_595 : i32
      %add3A_597 = vector.broadcast %add3A_596 : i32 to vector<16xi32>
      %add3A_598 = arith.addi %shift_right_arithmetic3A_28, %add3A_597 : vector<16xi32>
      %gather3A_599 = tpu.vector_load_idx %arg5[%add3A_598] : memref<408xf32, #tpu.memory_space<vmem>>[vector<16xi32>], vector<16xf32>,
      %mul3A_600 = arith.mulf %gather3A_599, %get3A_36 : vector<16xf32>
      %add3A_601 = arith.addf %add3A_590, %mul3A_600 : vector<16xf32>
      %mul3A_602 = arith.mulf %gather3A_599, %gather3A_41 : vector<16xf32>
      %add3A_603 = arith.addf %add3A_592, %mul3A_602 : vector<16xf32>
      %mul3A_604 = arith.constant 5 : i32
      %mul3A_605 = arith.muli %add3A_99, %mul3A_604 : i32
      %add3A_606 = arith.constant 2 : i32
      %add3A_607 = arith.addi %mul3A_605, %add3A_606 : i32
      %add3A_608 = vector.broadcast %add3A_607 : i32 to vector<16xi32>
      %add3A_609 = arith.addi %shift_right_arithmetic3A_28, %add3A_608 : vector<16xi32>
      %gather3A_610 = tpu.vector_load_idx %arg5[%add3A_609] : memref<408xf32, #tpu.memory_space<vmem>>[vector<16xi32>], vector<16xf32>,
      %mul3A_611 = arith.mulf %gather3A_610, %get3A_43 : vector<16xf32>
      %add3A_612 = arith.addf %add3A_601, %mul3A_611 : vector<16xf32>
      %mul3A_613 = arith.mulf %gather3A_610, %gather3A_48 : vector<16xf32>
      %add3A_614 = arith.addf %add3A_603, %mul3A_613 : vector<16xf32>
      %mul3A_615 = arith.constant 5 : i32
      %mul3A_616 = arith.muli %add3A_99, %mul3A_615 : i32
      %add3A_617 = arith.constant 3 : i32
      %add3A_618 = arith.addi %mul3A_616, %add3A_617 : i32
      %add3A_619 = vector.broadcast %add3A_618 : i32 to vector<16xi32>
      %add3A_620 = arith.addi %shift_right_arithmetic3A_28, %add3A_619 : vector<16xi32>
      %gather3A_621 = tpu.vector_load_idx %arg5[%add3A_620] : memref<408xf32, #tpu.memory_space<vmem>>[vector<16xi32>], vector<16xf32>,
      %mul3A_622 = arith.mulf %gather3A_621, %get3A_50 : vector<16xf32>
      %add3A_623 = arith.addf %add3A_612, %mul3A_622 : vector<16xf32>
      %mul3A_624 = arith.mulf %gather3A_621, %gather3A_55 : vector<16xf32>
      %add3A_625 = arith.addf %add3A_614, %mul3A_624 : vector<16xf32>
      %mul3A_626 = arith.constant 5 : i32
      %mul3A_627 = arith.muli %add3A_99, %mul3A_626 : i32
      %add3A_628 = arith.constant 4 : i32
      %add3A_629 = arith.addi %mul3A_627, %add3A_628 : i32
      %add3A_630 = vector.broadcast %add3A_629 : i32 to vector<16xi32>
      %add3A_631 = arith.addi %shift_right_arithmetic3A_28, %add3A_630 : vector<16xi32>
      %gather3A_632 = tpu.vector_load_idx %arg5[%add3A_631] : memref<408xf32, #tpu.memory_space<vmem>>[vector<16xi32>], vector<16xf32>,
      %mul3A_633 = arith.mulf %gather3A_632, %get3A_57 : vector<16xf32>
      %add3A_634 = arith.addf %add3A_623, %mul3A_633 : vector<16xf32>
      %mul3A_635 = arith.mulf %gather3A_632, %gather3A_62 : vector<16xf32>
      %add3A_636 = arith.addf %add3A_625, %mul3A_635 : vector<16xf32>
      %add3A_637 = arith.constant 0 : i32
      %add3A_638 = vector.broadcast %add3A_637 : i32 to vector<16xi32>
      %add3A_639 = arith.addi %shift_right_arithmetic3A_28, %add3A_638 : vector<16xi32>
      %gather3A_640 = tpu.vector_load_idx %arg5[%add3A_639] : memref<408xf32, #tpu.memory_space<vmem>>[vector<16xi32>], vector<16xf32>,
      %mul3A_641 = arith.mulf %gather3A_640, %get3A_64 : vector<16xf32>
      %add3A_642 = arith.addf %add3A_634, %mul3A_641 : vector<16xf32>
      %mul3A_643 = arith.mulf %gather3A_640, %gather3A_69 : vector<16xf32>
      %add3A_644 = arith.addf %add3A_636, %mul3A_643 : vector<16xf32>
      %add3A_645 = arith.constant 1 : i32
      %add3A_646 = vector.broadcast %add3A_645 : i32 to vector<16xi32>
      %add3A_647 = arith.addi %shift_right_arithmetic3A_28, %add3A_646 : vector<16xi32>
      %gather3A_648 = tpu.vector_load_idx %arg5[%add3A_647] : memref<408xf32, #tpu.memory_space<vmem>>[vector<16xi32>], vector<16xf32>,
      %mul3A_649 = arith.mulf %gather3A_648, %get3A_71 : vector<16xf32>
      %add3A_650 = arith.addf %add3A_642, %mul3A_649 : vector<16xf32>
      %mul3A_651 = arith.mulf %gather3A_648, %gather3A_76 : vector<16xf32>
      %add3A_652 = arith.addf %add3A_644, %mul3A_651 : vector<16xf32>
      %add3A_653 = arith.constant 2 : i32
      %add3A_654 = vector.broadcast %add3A_653 : i32 to vector<16xi32>
      %add3A_655 = arith.addi %shift_right_arithmetic3A_28, %add3A_654 : vector<16xi32>
      %gather3A_656 = tpu.vector_load_idx %arg5[%add3A_655] : memref<408xf32, #tpu.memory_space<vmem>>[vector<16xi32>], vector<16xf32>,
      %mul3A_657 = arith.mulf %gather3A_656, %get3A_78 : vector<16xf32>
      %add3A_658 = arith.addf %add3A_650, %mul3A_657 : vector<16xf32>
      %mul3A_659 = arith.mulf %gather3A_656, %gather3A_83 : vector<16xf32>
      %add3A_660 = arith.addf %add3A_652, %mul3A_659 : vector<16xf32>
      %add3A_661 = arith.constant 3 : i32
      %add3A_662 = vector.broadcast %add3A_661 : i32 to vector<16xi32>
      %add3A_663 = arith.addi %shift_right_arithmetic3A_28, %add3A_662 : vector<16xi32>
      %gather3A_664 = tpu.vector_load_idx %arg5[%add3A_663] : memref<408xf32, #tpu.memory_space<vmem>>[vector<16xi32>], vector<16xf32>,
      %mul3A_665 = arith.mulf %gather3A_664, %get3A_85 : vector<16xf32>
      %add3A_666 = arith.addf %add3A_658, %mul3A_665 : vector<16xf32>
      %mul3A_667 = arith.mulf %gather3A_664, %gather3A_90 : vector<16xf32>
      %add3A_668 = arith.addf %add3A_660, %mul3A_667 : vector<16xf32>
      %add3A_669 = arith.constant 4 : i32
      %add3A_670 = vector.broadcast %add3A_669 : i32 to vector<16xi32>
      %add3A_671 = arith.addi %shift_right_arithmetic3A_28, %add3A_670 : vector<16xi32>
      %gather3A_672 = tpu.vector_load_idx %arg5[%add3A_671] : memref<408xf32, #tpu.memory_space<vmem>>[vector<16xi32>], vector<16xf32>,
      %mul3A_673 = arith.mulf %gather3A_672, %get3A_92 : vector<16xf32>
      %add3A_674 = arith.addf %add3A_666, %mul3A_673 : vector<16xf32>
      %mul3A_675 = arith.mulf %gather3A_672, %gather3A_97 : vector<16xf32>
      %add3A_676 = arith.addf %add3A_668, %mul3A_675 : vector<16xf32>
      %swap3A_677 = arith.constant 1 : i32
      %swap3A_678 = arith.index_cast %swap3A_677 : i32 to index
      %swap3A_679 = arith.constant 0 : index
      %swap3A_680 = tpu.vector_load %arg9[%swap3A_678, %swap3A_679] {strides = array<i32>} : memref<28x32xf32, #tpu.memory_space<vmem>>, vector<16xf32>,
      tpu.vector_store %arg9[%swap3A_678, %swap3A_679], %add3A_674 {strides = array<i32>} : memref<28x32xf32, #tpu.memory_space<vmem>>, vector<16xf32>,
      %swap3A_681 = arith.constant 1 : i32
      %swap3A_682 = arith.index_cast %swap3A_681 : i32 to index
      %swap3A_683 = arith.constant 16 : index
      %swap3A_684 = tpu.vector_load %arg9[%swap3A_682, %swap3A_683] {strides = array<i32>} : memref<28x32xf32, #tpu.memory_space<vmem>>, vector<16xf32>,
      tpu.vector_store %arg9[%swap3A_682, %swap3A_683], %add3A_676 {strides = array<i32>} : memref<28x32xf32, #tpu.memory_space<vmem>>, vector<16xf32>,
      %add3A_685 = arith.constant 5 : i32
      %add3A_686 = vector.broadcast %add3A_685 : i32 to vector<16xi32>
      %add3A_687 = arith.addi %shift_right_arithmetic3A_28, %add3A_686 : vector<16xi32>
      %gather3A_688 = tpu.vector_load_idx %arg5[%add3A_687] : memref<408xf32, #tpu.memory_space<vmem>>[vector<16xi32>], vector<16xf32>,
      %mul3A_689 = arith.mulf %gather3A_688, %get3A_64 : vector<16xf32>
      %add3A_690 = arith.addf %add3A_634, %mul3A_689 : vector<16xf32>
      %mul3A_691 = arith.mulf %gather3A_688, %gather3A_69 : vector<16xf32>
      %add3A_692 = arith.addf %add3A_636, %mul3A_691 : vector<16xf32>
      %add3A_693 = arith.constant 6 : i32
      %add3A_694 = vector.broadcast %add3A_693 : i32 to vector<16xi32>
      %add3A_695 = arith.addi %shift_right_arithmetic3A_28, %add3A_694 : vector<16xi32>
      %gather3A_696 = tpu.vector_load_idx %arg5[%add3A_695] : memref<408xf32, #tpu.memory_space<vmem>>[vector<16xi32>], vector<16xf32>,
      %mul3A_697 = arith.mulf %gather3A_696, %get3A_71 : vector<16xf32>
      %add3A_698 = arith.addf %add3A_690, %mul3A_697 : vector<16xf32>
      %mul3A_699 = arith.mulf %gather3A_696, %gather3A_76 : vector<16xf32>
      %add3A_700 = arith.addf %add3A_692, %mul3A_699 : vector<16xf32>
      %add3A_701 = arith.constant 7 : i32
      %add3A_702 = vector.broadcast %add3A_701 : i32 to vector<16xi32>
      %add3A_703 = arith.addi %shift_right_arithmetic3A_28, %add3A_702 : vector<16xi32>
      %gather3A_704 = tpu.vector_load_idx %arg5[%add3A_703] : memref<408xf32, #tpu.memory_space<vmem>>[vector<16xi32>], vector<16xf32>,
      %mul3A_705 = arith.mulf %gather3A_704, %get3A_78 : vector<16xf32>
      %add3A_706 = arith.addf %add3A_698, %mul3A_705 : vector<16xf32>
      %mul3A_707 = arith.mulf %gather3A_704, %gather3A_83 : vector<16xf32>
      %add3A_708 = arith.addf %add3A_700, %mul3A_707 : vector<16xf32>
      %add3A_709 = arith.constant 8 : i32
      %add3A_710 = vector.broadcast %add3A_709 : i32 to vector<16xi32>
      %add3A_711 = arith.addi %shift_right_arithmetic3A_28, %add3A_710 : vector<16xi32>
      %gather3A_712 = tpu.vector_load_idx %arg5[%add3A_711] : memref<408xf32, #tpu.memory_space<vmem>>[vector<16xi32>], vector<16xf32>,
      %mul3A_713 = arith.mulf %gather3A_712, %get3A_85 : vector<16xf32>
      %add3A_714 = arith.addf %add3A_706, %mul3A_713 : vector<16xf32>
      %mul3A_715 = arith.mulf %gather3A_712, %gather3A_90 : vector<16xf32>
      %add3A_716 = arith.addf %add3A_708, %mul3A_715 : vector<16xf32>
      %add3A_717 = arith.constant 9 : i32
      %add3A_718 = vector.broadcast %add3A_717 : i32 to vector<16xi32>
      %add3A_719 = arith.addi %shift_right_arithmetic3A_28, %add3A_718 : vector<16xi32>
      %gather3A_720 = tpu.vector_load_idx %arg5[%add3A_719] : memref<408xf32, #tpu.memory_space<vmem>>[vector<16xi32>], vector<16xf32>,
      %mul3A_721 = arith.mulf %gather3A_720, %get3A_92 : vector<16xf32>
      %add3A_722 = arith.addf %add3A_714, %mul3A_721 : vector<16xf32>
      %mul3A_723 = arith.mulf %gather3A_720, %gather3A_97 : vector<16xf32>
      %add3A_724 = arith.addf %add3A_716, %mul3A_723 : vector<16xf32>
      %swap3A_725 = arith.constant 2 : i32
      %swap3A_726 = arith.index_cast %swap3A_725 : i32 to index
      %swap3A_727 = arith.constant 0 : index
      %swap3A_728 = tpu.vector_load %arg9[%swap3A_726, %swap3A_727] {strides = array<i32>} : memref<28x32xf32, #tpu.memory_space<vmem>>, vector<16xf32>,
      tpu.vector_store %arg9[%swap3A_726, %swap3A_727], %add3A_722 {strides = array<i32>} : memref<28x32xf32, #tpu.memory_space<vmem>>, vector<16xf32>,
      %swap3A_729 = arith.constant 2 : i32
      %swap3A_730 = arith.index_cast %swap3A_729 : i32 to index
      %swap3A_731 = arith.constant 16 : index
      %swap3A_732 = tpu.vector_load %arg9[%swap3A_730, %swap3A_731] {strides = array<i32>} : memref<28x32xf32, #tpu.memory_space<vmem>>, vector<16xf32>,
      tpu.vector_store %arg9[%swap3A_730, %swap3A_731], %add3A_724 {strides = array<i32>} : memref<28x32xf32, #tpu.memory_space<vmem>>, vector<16xf32>,
      %add3A_733 = arith.constant 10 : i32
      %add3A_734 = vector.broadcast %add3A_733 : i32 to vector<16xi32>
      %add3A_735 = arith.addi %shift_right_arithmetic3A_28, %add3A_734 : vector<16xi32>
      %gather3A_736 = tpu.vector_load_idx %arg5[%add3A_735] : memref<408xf32, #tpu.memory_space<vmem>>[vector<16xi32>], vector<16xf32>,
      %mul3A_737 = arith.mulf %gather3A_736, %get3A_64 : vector<16xf32>
      %add3A_738 = arith.addf %add3A_634, %mul3A_737 : vector<16xf32>
      %mul3A_739 = arith.mulf %gather3A_736, %gather3A_69 : vector<16xf32>
      %add3A_740 = arith.addf %add3A_636, %mul3A_739 : vector<16xf32>
      %add3A_741 = arith.constant 11 : i32
      %add3A_742 = vector.broadcast %add3A_741 : i32 to vector<16xi32>
      %add3A_743 = arith.addi %shift_right_arithmetic3A_28, %add3A_742 : vector<16xi32>
      %gather3A_744 = tpu.vector_load_idx %arg5[%add3A_743] : memref<408xf32, #tpu.memory_space<vmem>>[vector<16xi32>], vector<16xf32>,
      %mul3A_745 = arith.mulf %gather3A_744, %get3A_71 : vector<16xf32>
      %add3A_746 = arith.addf %add3A_738, %mul3A_745 : vector<16xf32>
      %mul3A_747 = arith.mulf %gather3A_744, %gather3A_76 : vector<16xf32>
      %add3A_748 = arith.addf %add3A_740, %mul3A_747 : vector<16xf32>
      %add3A_749 = arith.constant 12 : i32
      %add3A_750 = vector.broadcast %add3A_749 : i32 to vector<16xi32>
      %add3A_751 = arith.addi %shift_right_arithmetic3A_28, %add3A_750 : vector<16xi32>
      %gather3A_752 = tpu.vector_load_idx %arg5[%add3A_751] : memref<408xf32, #tpu.memory_space<vmem>>[vector<16xi32>], vector<16xf32>,
      %mul3A_753 = arith.mulf %gather3A_752, %get3A_78 : vector<16xf32>
      %add3A_754 = arith.addf %add3A_746, %mul3A_753 : vector<16xf32>
      %mul3A_755 = arith.mulf %gather3A_752, %gather3A_83 : vector<16xf32>
      %add3A_756 = arith.addf %add3A_748, %mul3A_755 : vector<16xf32>
      %add3A_757 = arith.constant 13 : i32
      %add3A_758 = vector.broadcast %add3A_757 : i32 to vector<16xi32>
      %add3A_759 = arith.addi %shift_right_arithmetic3A_28, %add3A_758 : vector<16xi32>
      %gather3A_760 = tpu.vector_load_idx %arg5[%add3A_759] : memref<408xf32, #tpu.memory_space<vmem>>[vector<16xi32>], vector<16xf32>,
      %mul3A_761 = arith.mulf %gather3A_760, %get3A_85 : vector<16xf32>
      %add3A_762 = arith.addf %add3A_754, %mul3A_761 : vector<16xf32>
      %mul3A_763 = arith.mulf %gather3A_760, %gather3A_90 : vector<16xf32>
      %add3A_764 = arith.addf %add3A_756, %mul3A_763 : vector<16xf32>
      %add3A_765 = arith.constant 14 : i32
      %add3A_766 = vector.broadcast %add3A_765 : i32 to vector<16xi32>
      %add3A_767 = arith.addi %shift_right_arithmetic3A_28, %add3A_766 : vector<16xi32>
      %gather3A_768 = tpu.vector_load_idx %arg5[%add3A_767] : memref<408xf32, #tpu.memory_space<vmem>>[vector<16xi32>], vector<16xf32>,
      %mul3A_769 = arith.mulf %gather3A_768, %get3A_92 : vector<16xf32>
      %add3A_770 = arith.addf %add3A_762, %mul3A_769 : vector<16xf32>
      %mul3A_771 = arith.mulf %gather3A_768, %gather3A_97 : vector<16xf32>
      %add3A_772 = arith.addf %add3A_764, %mul3A_771 : vector<16xf32>
      %swap3A_773 = arith.constant 3 : i32
      %swap3A_774 = arith.index_cast %swap3A_773 : i32 to index
      %swap3A_775 = arith.constant 0 : index
      %swap3A_776 = tpu.vector_load %arg9[%swap3A_774, %swap3A_775] {strides = array<i32>} : memref<28x32xf32, #tpu.memory_space<vmem>>, vector<16xf32>,
      tpu.vector_store %arg9[%swap3A_774, %swap3A_775], %add3A_770 {strides = array<i32>} : memref<28x32xf32, #tpu.memory_space<vmem>>, vector<16xf32>,
      %swap3A_777 = arith.constant 3 : i32
      %swap3A_778 = arith.index_cast %swap3A_777 : i32 to index
      %swap3A_779 = arith.constant 16 : index
      %swap3A_780 = tpu.vector_load %arg9[%swap3A_778, %swap3A_779] {strides = array<i32>} : memref<28x32xf32, #tpu.memory_space<vmem>>, vector<16xf32>,
      tpu.vector_store %arg9[%swap3A_778, %swap3A_779], %add3A_772 {strides = array<i32>} : memref<28x32xf32, #tpu.memory_space<vmem>>, vector<16xf32>,
      %add3A_781 = arith.constant 15 : i32
      %add3A_782 = vector.broadcast %add3A_781 : i32 to vector<16xi32>
      %add3A_783 = arith.addi %shift_right_arithmetic3A_28, %add3A_782 : vector<16xi32>
      %gather3A_784 = tpu.vector_load_idx %arg5[%add3A_783] : memref<408xf32, #tpu.memory_space<vmem>>[vector<16xi32>], vector<16xf32>,
      %mul3A_785 = arith.mulf %gather3A_784, %get3A_64 : vector<16xf32>
      %add3A_786 = arith.addf %add3A_634, %mul3A_785 : vector<16xf32>
      %mul3A_787 = arith.mulf %gather3A_784, %gather3A_69 : vector<16xf32>
      %add3A_788 = arith.addf %add3A_636, %mul3A_787 : vector<16xf32>
      %add3A_789 = arith.constant 16 : i32
      %add3A_790 = vector.broadcast %add3A_789 : i32 to vector<16xi32>
      %add3A_791 = arith.addi %shift_right_arithmetic3A_28, %add3A_790 : vector<16xi32>
      %gather3A_792 = tpu.vector_load_idx %arg5[%add3A_791] : memref<408xf32, #tpu.memory_space<vmem>>[vector<16xi32>], vector<16xf32>,
      %mul3A_793 = arith.mulf %gather3A_792, %get3A_71 : vector<16xf32>
      %add3A_794 = arith.addf %add3A_786, %mul3A_793 : vector<16xf32>
      %mul3A_795 = arith.mulf %gather3A_792, %gather3A_76 : vector<16xf32>
      %add3A_796 = arith.addf %add3A_788, %mul3A_795 : vector<16xf32>
      %add3A_797 = arith.constant 17 : i32
      %add3A_798 = vector.broadcast %add3A_797 : i32 to vector<16xi32>
      %add3A_799 = arith.addi %shift_right_arithmetic3A_28, %add3A_798 : vector<16xi32>
      %gather3A_800 = tpu.vector_load_idx %arg5[%add3A_799] : memref<408xf32, #tpu.memory_space<vmem>>[vector<16xi32>], vector<16xf32>,
      %mul3A_801 = arith.mulf %gather3A_800, %get3A_78 : vector<16xf32>
      %add3A_802 = arith.addf %add3A_794, %mul3A_801 : vector<16xf32>
      %mul3A_803 = arith.mulf %gather3A_800, %gather3A_83 : vector<16xf32>
      %add3A_804 = arith.addf %add3A_796, %mul3A_803 : vector<16xf32>
      %add3A_805 = arith.constant 18 : i32
      %add3A_806 = vector.broadcast %add3A_805 : i32 to vector<16xi32>
      %add3A_807 = arith.addi %shift_right_arithmetic3A_28, %add3A_806 : vector<16xi32>
      %gather3A_808 = tpu.vector_load_idx %arg5[%add3A_807] : memref<408xf32, #tpu.memory_space<vmem>>[vector<16xi32>], vector<16xf32>,
      %mul3A_809 = arith.mulf %gather3A_808, %get3A_85 : vector<16xf32>
      %add3A_810 = arith.addf %add3A_802, %mul3A_809 : vector<16xf32>
      %mul3A_811 = arith.mulf %gather3A_808, %gather3A_90 : vector<16xf32>
      %add3A_812 = arith.addf %add3A_804, %mul3A_811 : vector<16xf32>
      %add3A_813 = arith.constant 19 : i32
      %add3A_814 = vector.broadcast %add3A_813 : i32 to vector<16xi32>
      %add3A_815 = arith.addi %shift_right_arithmetic3A_28, %add3A_814 : vector<16xi32>
      %gather3A_816 = tpu.vector_load_idx %arg5[%add3A_815] : memref<408xf32, #tpu.memory_space<vmem>>[vector<16xi32>], vector<16xf32>,
      %mul3A_817 = arith.mulf %gather3A_816, %get3A_92 : vector<16xf32>
      %add3A_818 = arith.addf %add3A_810, %mul3A_817 : vector<16xf32>
      %mul3A_819 = arith.mulf %gather3A_816, %gather3A_97 : vector<16xf32>
      %add3A_820 = arith.addf %add3A_812, %mul3A_819 : vector<16xf32>
      %swap3A_821 = arith.constant 4 : i32
      %swap3A_822 = arith.index_cast %swap3A_821 : i32 to index
      %swap3A_823 = arith.constant 0 : index
      %swap3A_824 = tpu.vector_load %arg9[%swap3A_822, %swap3A_823] {strides = array<i32>} : memref<28x32xf32, #tpu.memory_space<vmem>>, vector<16xf32>,
      tpu.vector_store %arg9[%swap3A_822, %swap3A_823], %add3A_818 {strides = array<i32>} : memref<28x32xf32, #tpu.memory_space<vmem>>, vector<16xf32>,
      %swap3A_825 = arith.constant 4 : i32
      %swap3A_826 = arith.index_cast %swap3A_825 : i32 to index
      %swap3A_827 = arith.constant 16 : index
      %swap3A_828 = tpu.vector_load %arg9[%swap3A_826, %swap3A_827] {strides = array<i32>} : memref<28x32xf32, #tpu.memory_space<vmem>>, vector<16xf32>,
      tpu.vector_store %arg9[%swap3A_826, %swap3A_827], %add3A_820 {strides = array<i32>} : memref<28x32xf32, #tpu.memory_space<vmem>>, vector<16xf32>,
      %add3A_829 = arith.constant 20 : i32
      %add3A_830 = vector.broadcast %add3A_829 : i32 to vector<16xi32>
      %add3A_831 = arith.addi %shift_right_arithmetic3A_28, %add3A_830 : vector<16xi32>
      %gather3A_832 = tpu.vector_load_idx %arg5[%add3A_831] : memref<408xf32, #tpu.memory_space<vmem>>[vector<16xi32>], vector<16xf32>,
      %mul3A_833 = arith.mulf %gather3A_832, %get3A_64 : vector<16xf32>
      %add3A_834 = arith.addf %add3A_634, %mul3A_833 : vector<16xf32>
      %mul3A_835 = arith.mulf %gather3A_832, %gather3A_69 : vector<16xf32>
      %add3A_836 = arith.addf %add3A_636, %mul3A_835 : vector<16xf32>
      %add3A_837 = arith.constant 21 : i32
      %add3A_838 = vector.broadcast %add3A_837 : i32 to vector<16xi32>
      %add3A_839 = arith.addi %shift_right_arithmetic3A_28, %add3A_838 : vector<16xi32>
      %gather3A_840 = tpu.vector_load_idx %arg5[%add3A_839] : memref<408xf32, #tpu.memory_space<vmem>>[vector<16xi32>], vector<16xf32>,
      %mul3A_841 = arith.mulf %gather3A_840, %get3A_71 : vector<16xf32>
      %add3A_842 = arith.addf %add3A_834, %mul3A_841 : vector<16xf32>
      %mul3A_843 = arith.mulf %gather3A_840, %gather3A_76 : vector<16xf32>
      %add3A_844 = arith.addf %add3A_836, %mul3A_843 : vector<16xf32>
      %add3A_845 = arith.constant 22 : i32
      %add3A_846 = vector.broadcast %add3A_845 : i32 to vector<16xi32>
      %add3A_847 = arith.addi %shift_right_arithmetic3A_28, %add3A_846 : vector<16xi32>
      %gather3A_848 = tpu.vector_load_idx %arg5[%add3A_847] : memref<408xf32, #tpu.memory_space<vmem>>[vector<16xi32>], vector<16xf32>,
      %mul3A_849 = arith.mulf %gather3A_848, %get3A_78 : vector<16xf32>
      %add3A_850 = arith.addf %add3A_842, %mul3A_849 : vector<16xf32>
      %mul3A_851 = arith.mulf %gather3A_848, %gather3A_83 : vector<16xf32>
      %add3A_852 = arith.addf %add3A_844, %mul3A_851 : vector<16xf32>
      %add3A_853 = arith.constant 23 : i32
      %add3A_854 = vector.broadcast %add3A_853 : i32 to vector<16xi32>
      %add3A_855 = arith.addi %shift_right_arithmetic3A_28, %add3A_854 : vector<16xi32>
      %gather3A_856 = tpu.vector_load_idx %arg5[%add3A_855] : memref<408xf32, #tpu.memory_space<vmem>>[vector<16xi32>], vector<16xf32>,
      %mul3A_857 = arith.mulf %gather3A_856, %get3A_85 : vector<16xf32>
      %add3A_858 = arith.addf %add3A_850, %mul3A_857 : vector<16xf32>
      %mul3A_859 = arith.mulf %gather3A_856, %gather3A_90 : vector<16xf32>
      %add3A_860 = arith.addf %add3A_852, %mul3A_859 : vector<16xf32>
      %add3A_861 = arith.constant 24 : i32
      %add3A_862 = vector.broadcast %add3A_861 : i32 to vector<16xi32>
      %add3A_863 = arith.addi %shift_right_arithmetic3A_28, %add3A_862 : vector<16xi32>
      %gather3A_864 = tpu.vector_load_idx %arg5[%add3A_863] : memref<408xf32, #tpu.memory_space<vmem>>[vector<16xi32>], vector<16xf32>,
      %mul3A_865 = arith.mulf %gather3A_864, %get3A_92 : vector<16xf32>
      %add3A_866 = arith.addf %add3A_858, %mul3A_865 : vector<16xf32>
      %mul3A_867 = arith.mulf %gather3A_864, %gather3A_97 : vector<16xf32>
      %add3A_868 = arith.addf %add3A_860, %mul3A_867 : vector<16xf32>
      %swap3A_869 = arith.constant 5 : i32
      %swap3A_870 = arith.index_cast %swap3A_869 : i32 to index
      %swap3A_871 = arith.constant 0 : index
      %swap3A_872 = tpu.vector_load %arg9[%swap3A_870, %swap3A_871] {strides = array<i32>} : memref<28x32xf32, #tpu.memory_space<vmem>>, vector<16xf32>,
      tpu.vector_store %arg9[%swap3A_870, %swap3A_871], %add3A_866 {strides = array<i32>} : memref<28x32xf32, #tpu.memory_space<vmem>>, vector<16xf32>,
      %swap3A_873 = arith.constant 5 : i32
      %swap3A_874 = arith.index_cast %swap3A_873 : i32 to index
      %swap3A_875 = arith.constant 16 : index
      %swap3A_876 = tpu.vector_load %arg9[%swap3A_874, %swap3A_875] {strides = array<i32>} : memref<28x32xf32, #tpu.memory_space<vmem>>, vector<16xf32>,
      tpu.vector_store %arg9[%swap3A_874, %swap3A_875], %add3A_868 {strides = array<i32>} : memref<28x32xf32, #tpu.memory_space<vmem>>, vector<16xf32>,
      %add3A_877 = arith.constant 25 : i32
      %add3A_878 = vector.broadcast %add3A_877 : i32 to vector<16xi32>
      %add3A_879 = arith.addi %shift_right_arithmetic3A_28, %add3A_878 : vector<16xi32>
      %gather3A_880 = tpu.vector_load_idx %arg5[%add3A_879] : memref<408xf32, #tpu.memory_space<vmem>>[vector<16xi32>], vector<16xf32>,
      %mul3A_881 = arith.mulf %gather3A_880, %get3A_64 : vector<16xf32>
      %add3A_882 = arith.addf %add3A_634, %mul3A_881 : vector<16xf32>
      %mul3A_883 = arith.mulf %gather3A_880, %gather3A_69 : vector<16xf32>
      %add3A_884 = arith.addf %add3A_636, %mul3A_883 : vector<16xf32>
      %add3A_885 = arith.constant 26 : i32
      %add3A_886 = vector.broadcast %add3A_885 : i32 to vector<16xi32>
      %add3A_887 = arith.addi %shift_right_arithmetic3A_28, %add3A_886 : vector<16xi32>
      %gather3A_888 = tpu.vector_load_idx %arg5[%add3A_887] : memref<408xf32, #tpu.memory_space<vmem>>[vector<16xi32>], vector<16xf32>,
      %mul3A_889 = arith.mulf %gather3A_888, %get3A_71 : vector<16xf32>
      %add3A_890 = arith.addf %add3A_882, %mul3A_889 : vector<16xf32>
      %mul3A_891 = arith.mulf %gather3A_888, %gather3A_76 : vector<16xf32>
      %add3A_892 = arith.addf %add3A_884, %mul3A_891 : vector<16xf32>
      %add3A_893 = arith.constant 27 : i32
      %add3A_894 = vector.broadcast %add3A_893 : i32 to vector<16xi32>
      %add3A_895 = arith.addi %shift_right_arithmetic3A_28, %add3A_894 : vector<16xi32>
      %gather3A_896 = tpu.vector_load_idx %arg5[%add3A_895] : memref<408xf32, #tpu.memory_space<vmem>>[vector<16xi32>], vector<16xf32>,
      %mul3A_897 = arith.mulf %gather3A_896, %get3A_78 : vector<16xf32>
      %add3A_898 = arith.addf %add3A_890, %mul3A_897 : vector<16xf32>
      %mul3A_899 = arith.mulf %gather3A_896, %gather3A_83 : vector<16xf32>
      %add3A_900 = arith.addf %add3A_892, %mul3A_899 : vector<16xf32>
      %add3A_901 = arith.constant 28 : i32
      %add3A_902 = vector.broadcast %add3A_901 : i32 to vector<16xi32>
      %add3A_903 = arith.addi %shift_right_arithmetic3A_28, %add3A_902 : vector<16xi32>
      %gather3A_904 = tpu.vector_load_idx %arg5[%add3A_903] : memref<408xf32, #tpu.memory_space<vmem>>[vector<16xi32>], vector<16xf32>,
      %mul3A_905 = arith.mulf %gather3A_904, %get3A_85 : vector<16xf32>
      %add3A_906 = arith.addf %add3A_898, %mul3A_905 : vector<16xf32>
      %mul3A_907 = arith.mulf %gather3A_904, %gather3A_90 : vector<16xf32>
      %add3A_908 = arith.addf %add3A_900, %mul3A_907 : vector<16xf32>
      %add3A_909 = arith.constant 29 : i32
      %add3A_910 = vector.broadcast %add3A_909 : i32 to vector<16xi32>
      %add3A_911 = arith.addi %shift_right_arithmetic3A_28, %add3A_910 : vector<16xi32>
      %gather3A_912 = tpu.vector_load_idx %arg5[%add3A_911] : memref<408xf32, #tpu.memory_space<vmem>>[vector<16xi32>], vector<16xf32>,
      %mul3A_913 = arith.mulf %gather3A_912, %get3A_92 : vector<16xf32>
      %add3A_914 = arith.addf %add3A_906, %mul3A_913 : vector<16xf32>
      %mul3A_915 = arith.mulf %gather3A_912, %gather3A_97 : vector<16xf32>
      %add3A_916 = arith.addf %add3A_908, %mul3A_915 : vector<16xf32>
      %swap3A_917 = arith.constant 6 : i32
      %swap3A_918 = arith.index_cast %swap3A_917 : i32 to index
      %swap3A_919 = arith.constant 0 : index
      %swap3A_920 = tpu.vector_load %arg9[%swap3A_918, %swap3A_919] {strides = array<i32>} : memref<28x32xf32, #tpu.memory_space<vmem>>, vector<16xf32>,
      tpu.vector_store %arg9[%swap3A_918, %swap3A_919], %add3A_914 {strides = array<i32>} : memref<28x32xf32, #tpu.memory_space<vmem>>, vector<16xf32>,
      %swap3A_921 = arith.constant 6 : i32
      %swap3A_922 = arith.index_cast %swap3A_921 : i32 to index
      %swap3A_923 = arith.constant 16 : index
      %swap3A_924 = tpu.vector_load %arg9[%swap3A_922, %swap3A_923] {strides = array<i32>} : memref<28x32xf32, #tpu.memory_space<vmem>>, vector<16xf32>,
      tpu.vector_store %arg9[%swap3A_922, %swap3A_923], %add3A_916 {strides = array<i32>} : memref<28x32xf32, #tpu.memory_space<vmem>>, vector<16xf32>,
      %add3A_925 = arith.constant 30 : i32
      %add3A_926 = vector.broadcast %add3A_925 : i32 to vector<16xi32>
      %add3A_927 = arith.addi %shift_right_arithmetic3A_28, %add3A_926 : vector<16xi32>
      %gather3A_928 = tpu.vector_load_idx %arg5[%add3A_927] : memref<408xf32, #tpu.memory_space<vmem>>[vector<16xi32>], vector<16xf32>,
      %mul3A_929 = arith.mulf %gather3A_928, %get3A_64 : vector<16xf32>
      %add3A_930 = arith.addf %add3A_634, %mul3A_929 : vector<16xf32>
      %mul3A_931 = arith.mulf %gather3A_928, %gather3A_69 : vector<16xf32>
      %add3A_932 = arith.addf %add3A_636, %mul3A_931 : vector<16xf32>
      %add3A_933 = arith.constant 31 : i32
      %add3A_934 = vector.broadcast %add3A_933 : i32 to vector<16xi32>
      %add3A_935 = arith.addi %shift_right_arithmetic3A_28, %add3A_934 : vector<16xi32>
      %gather3A_936 = tpu.vector_load_idx %arg5[%add3A_935] : memref<408xf32, #tpu.memory_space<vmem>>[vector<16xi32>], vector<16xf32>,
      %mul3A_937 = arith.mulf %gather3A_936, %get3A_71 : vector<16xf32>
      %add3A_938 = arith.addf %add3A_930, %mul3A_937 : vector<16xf32>
      %mul3A_939 = arith.mulf %gather3A_936, %gather3A_76 : vector<16xf32>
      %add3A_940 = arith.addf %add3A_932, %mul3A_939 : vector<16xf32>
      %add3A_941 = arith.constant 32 : i32
      %add3A_942 = vector.broadcast %add3A_941 : i32 to vector<16xi32>
      %add3A_943 = arith.addi %shift_right_arithmetic3A_28, %add3A_942 : vector<16xi32>
      %gather3A_944 = tpu.vector_load_idx %arg5[%add3A_943] : memref<408xf32, #tpu.memory_space<vmem>>[vector<16xi32>], vector<16xf32>,
      %mul3A_945 = arith.mulf %gather3A_944, %get3A_78 : vector<16xf32>
      %add3A_946 = arith.addf %add3A_938, %mul3A_945 : vector<16xf32>
      %mul3A_947 = arith.mulf %gather3A_944, %gather3A_83 : vector<16xf32>
      %add3A_948 = arith.addf %add3A_940, %mul3A_947 : vector<16xf32>
      %add3A_949 = arith.constant 33 : i32
      %add3A_950 = vector.broadcast %add3A_949 : i32 to vector<16xi32>
      %add3A_951 = arith.addi %shift_right_arithmetic3A_28, %add3A_950 : vector<16xi32>
      %gather3A_952 = tpu.vector_load_idx %arg5[%add3A_951] : memref<408xf32, #tpu.memory_space<vmem>>[vector<16xi32>], vector<16xf32>,
      %mul3A_953 = arith.mulf %gather3A_952, %get3A_85 : vector<16xf32>
      %add3A_954 = arith.addf %add3A_946, %mul3A_953 : vector<16xf32>
      %mul3A_955 = arith.mulf %gather3A_952, %gather3A_90 : vector<16xf32>
      %add3A_956 = arith.addf %add3A_948, %mul3A_955 : vector<16xf32>
      %add3A_957 = arith.constant 34 : i32
      %add3A_958 = vector.broadcast %add3A_957 : i32 to vector<16xi32>
      %add3A_959 = arith.addi %shift_right_arithmetic3A_28, %add3A_958 : vector<16xi32>
      %gather3A_960 = tpu.vector_load_idx %arg5[%add3A_959] : memref<408xf32, #tpu.memory_space<vmem>>[vector<16xi32>], vector<16xf32>,
      %mul3A_961 = arith.mulf %gather3A_960, %get3A_92 : vector<16xf32>
      %add3A_962 = arith.addf %add3A_954, %mul3A_961 : vector<16xf32>
      %mul3A_963 = arith.mulf %gather3A_960, %gather3A_97 : vector<16xf32>
      %add3A_964 = arith.addf %add3A_956, %mul3A_963 : vector<16xf32>
      %swap3A_965 = arith.constant 7 : i32
      %swap3A_966 = arith.index_cast %swap3A_965 : i32 to index
      %swap3A_967 = arith.constant 0 : index
      %swap3A_968 = tpu.vector_load %arg9[%swap3A_966, %swap3A_967] {strides = array<i32>} : memref<28x32xf32, #tpu.memory_space<vmem>>, vector<16xf32>,
      tpu.vector_store %arg9[%swap3A_966, %swap3A_967], %add3A_962 {strides = array<i32>} : memref<28x32xf32, #tpu.memory_space<vmem>>, vector<16xf32>,
      %swap3A_969 = arith.constant 7 : i32
      %swap3A_970 = arith.index_cast %swap3A_969 : i32 to index
      %swap3A_971 = arith.constant 16 : index
      %swap3A_972 = tpu.vector_load %arg9[%swap3A_970, %swap3A_971] {strides = array<i32>} : memref<28x32xf32, #tpu.memory_space<vmem>>, vector<16xf32>,
      tpu.vector_store %arg9[%swap3A_970, %swap3A_971], %add3A_964 {strides = array<i32>} : memref<28x32xf32, #tpu.memory_space<vmem>>, vector<16xf32>,
      %add3A_973 = arith.constant 35 : i32
      %add3A_974 = vector.broadcast %add3A_973 : i32 to vector<16xi32>
      %add3A_975 = arith.addi %shift_right_arithmetic3A_28, %add3A_974 : vector<16xi32>
      %gather3A_976 = tpu.vector_load_idx %arg5[%add3A_975] : memref<408xf32, #tpu.memory_space<vmem>>[vector<16xi32>], vector<16xf32>,
      %mul3A_977 = arith.mulf %gather3A_976, %get3A_64 : vector<16xf32>
      %add3A_978 = arith.addf %add3A_634, %mul3A_977 : vector<16xf32>
      %mul3A_979 = arith.mulf %gather3A_976, %gather3A_69 : vector<16xf32>
      %add3A_980 = arith.addf %add3A_636, %mul3A_979 : vector<16xf32>
      %add3A_981 = arith.constant 36 : i32
      %add3A_982 = vector.broadcast %add3A_981 : i32 to vector<16xi32>
      %add3A_983 = arith.addi %shift_right_arithmetic3A_28, %add3A_982 : vector<16xi32>
      %gather3A_984 = tpu.vector_load_idx %arg5[%add3A_983] : memref<408xf32, #tpu.memory_space<vmem>>[vector<16xi32>], vector<16xf32>,
      %mul3A_985 = arith.mulf %gather3A_984, %get3A_71 : vector<16xf32>
      %add3A_986 = arith.addf %add3A_978, %mul3A_985 : vector<16xf32>
      %mul3A_987 = arith.mulf %gather3A_984, %gather3A_76 : vector<16xf32>
      %add3A_988 = arith.addf %add3A_980, %mul3A_987 : vector<16xf32>
      %add3A_989 = arith.constant 37 : i32
      %add3A_990 = vector.broadcast %add3A_989 : i32 to vector<16xi32>
      %add3A_991 = arith.addi %shift_right_arithmetic3A_28, %add3A_990 : vector<16xi32>
      %gather3A_992 = tpu.vector_load_idx %arg5[%add3A_991] : memref<408xf32, #tpu.memory_space<vmem>>[vector<16xi32>], vector<16xf32>,
      %mul3A_993 = arith.mulf %gather3A_992, %get3A_78 : vector<16xf32>
      %add3A_994 = arith.addf %add3A_986, %mul3A_993 : vector<16xf32>
      %mul3A_995 = arith.mulf %gather3A_992, %gather3A_83 : vector<16xf32>
      %add3A_996 = arith.addf %add3A_988, %mul3A_995 : vector<16xf32>
      %add3A_997 = arith.constant 38 : i32
      %add3A_998 = vector.broadcast %add3A_997 : i32 to vector<16xi32>
      %add3A_999 = arith.addi %shift_right_arithmetic3A_28, %add3A_998 : vector<16xi32>
      %gather3A_1000 = tpu.vector_load_idx %arg5[%add3A_999] : memref<408xf32, #tpu.memory_space<vmem>>[vector<16xi32>], vector<16xf32>,
      %mul3A_1001 = arith.mulf %gather3A_1000, %get3A_85 : vector<16xf32>
      %add3A_1002 = arith.addf %add3A_994, %mul3A_1001 : vector<16xf32>
      %mul3A_1003 = arith.mulf %gather3A_1000, %gather3A_90 : vector<16xf32>
      %add3A_1004 = arith.addf %add3A_996, %mul3A_1003 : vector<16xf32>
      %add3A_1005 = arith.constant 39 : i32
      %add3A_1006 = vector.broadcast %add3A_1005 : i32 to vector<16xi32>
      %add3A_1007 = arith.addi %shift_right_arithmetic3A_28, %add3A_1006 : vector<16xi32>
      %gather3A_1008 = tpu.vector_load_idx %arg5[%add3A_1007] : memref<408xf32, #tpu.memory_space<vmem>>[vector<16xi32>], vector<16xf32>,
      %mul3A_1009 = arith.mulf %gather3A_1008, %get3A_92 : vector<16xf32>
      %add3A_1010 = arith.addf %add3A_1002, %mul3A_1009 : vector<16xf32>
      %mul3A_1011 = arith.mulf %gather3A_1008, %gather3A_97 : vector<16xf32>
      %add3A_1012 = arith.addf %add3A_1004, %mul3A_1011 : vector<16xf32>
      %swap3A_1013 = arith.constant 8 : i32
      %swap3A_1014 = arith.index_cast %swap3A_1013 : i32 to index
      %swap3A_1015 = arith.constant 0 : index
      %swap3A_1016 = tpu.vector_load %arg9[%swap3A_1014, %swap3A_1015] {strides = array<i32>} : memref<28x32xf32, #tpu.memory_space<vmem>>, vector<16xf32>,
      tpu.vector_store %arg9[%swap3A_1014, %swap3A_1015], %add3A_1010 {strides = array<i32>} : memref<28x32xf32, #tpu.memory_space<vmem>>, vector<16xf32>,
      %swap3A_1017 = arith.constant 8 : i32
      %swap3A_1018 = arith.index_cast %swap3A_1017 : i32 to index
      %swap3A_1019 = arith.constant 16 : index
      %swap3A_1020 = tpu.vector_load %arg9[%swap3A_1018, %swap3A_1019] {strides = array<i32>} : memref<28x32xf32, #tpu.memory_space<vmem>>, vector<16xf32>,
      tpu.vector_store %arg9[%swap3A_1018, %swap3A_1019], %add3A_1012 {strides = array<i32>} : memref<28x32xf32, #tpu.memory_space<vmem>>, vector<16xf32>,
      %add3A_1021 = arith.constant 40 : i32
      %add3A_1022 = vector.broadcast %add3A_1021 : i32 to vector<16xi32>
      %add3A_1023 = arith.addi %shift_right_arithmetic3A_28, %add3A_1022 : vector<16xi32>
      %gather3A_1024 = tpu.vector_load_idx %arg5[%add3A_1023] : memref<408xf32, #tpu.memory_space<vmem>>[vector<16xi32>], vector<16xf32>,
      %mul3A_1025 = arith.mulf %gather3A_1024, %get3A_64 : vector<16xf32>
      %add3A_1026 = arith.addf %add3A_634, %mul3A_1025 : vector<16xf32>
      %mul3A_1027 = arith.mulf %gather3A_1024, %gather3A_69 : vector<16xf32>
      %add3A_1028 = arith.addf %add3A_636, %mul3A_1027 : vector<16xf32>
      %add3A_1029 = arith.constant 41 : i32
      %add3A_1030 = vector.broadcast %add3A_1029 : i32 to vector<16xi32>
      %add3A_1031 = arith.addi %shift_right_arithmetic3A_28, %add3A_1030 : vector<16xi32>
      %gather3A_1032 = tpu.vector_load_idx %arg5[%add3A_1031] : memref<408xf32, #tpu.memory_space<vmem>>[vector<16xi32>], vector<16xf32>,
      %mul3A_1033 = arith.mulf %gather3A_1032, %get3A_71 : vector<16xf32>
      %add3A_1034 = arith.addf %add3A_1026, %mul3A_1033 : vector<16xf32>
      %mul3A_1035 = arith.mulf %gather3A_1032, %gather3A_76 : vector<16xf32>
      %add3A_1036 = arith.addf %add3A_1028, %mul3A_1035 : vector<16xf32>
      %add3A_1037 = arith.constant 42 : i32
      %add3A_1038 = vector.broadcast %add3A_1037 : i32 to vector<16xi32>
      %add3A_1039 = arith.addi %shift_right_arithmetic3A_28, %add3A_1038 : vector<16xi32>
      %gather3A_1040 = tpu.vector_load_idx %arg5[%add3A_1039] : memref<408xf32, #tpu.memory_space<vmem>>[vector<16xi32>], vector<16xf32>,
      %mul3A_1041 = arith.mulf %gather3A_1040, %get3A_78 : vector<16xf32>
      %add3A_1042 = arith.addf %add3A_1034, %mul3A_1041 : vector<16xf32>
      %mul3A_1043 = arith.mulf %gather3A_1040, %gather3A_83 : vector<16xf32>
      %add3A_1044 = arith.addf %add3A_1036, %mul3A_1043 : vector<16xf32>
      %add3A_1045 = arith.constant 43 : i32
      %add3A_1046 = vector.broadcast %add3A_1045 : i32 to vector<16xi32>
      %add3A_1047 = arith.addi %shift_right_arithmetic3A_28, %add3A_1046 : vector<16xi32>
      %gather3A_1048 = tpu.vector_load_idx %arg5[%add3A_1047] : memref<408xf32, #tpu.memory_space<vmem>>[vector<16xi32>], vector<16xf32>,
      %mul3A_1049 = arith.mulf %gather3A_1048, %get3A_85 : vector<16xf32>
      %add3A_1050 = arith.addf %add3A_1042, %mul3A_1049 : vector<16xf32>
      %mul3A_1051 = arith.mulf %gather3A_1048, %gather3A_90 : vector<16xf32>
      %add3A_1052 = arith.addf %add3A_1044, %mul3A_1051 : vector<16xf32>
      %add3A_1053 = arith.constant 44 : i32
      %add3A_1054 = vector.broadcast %add3A_1053 : i32 to vector<16xi32>
      %add3A_1055 = arith.addi %shift_right_arithmetic3A_28, %add3A_1054 : vector<16xi32>
      %gather3A_1056 = tpu.vector_load_idx %arg5[%add3A_1055] : memref<408xf32, #tpu.memory_space<vmem>>[vector<16xi32>], vector<16xf32>,
      %mul3A_1057 = arith.mulf %gather3A_1056, %get3A_92 : vector<16xf32>
      %add3A_1058 = arith.addf %add3A_1050, %mul3A_1057 : vector<16xf32>
      %mul3A_1059 = arith.mulf %gather3A_1056, %gather3A_97 : vector<16xf32>
      %add3A_1060 = arith.addf %add3A_1052, %mul3A_1059 : vector<16xf32>
      %swap3A_1061 = arith.constant 9 : i32
      %swap3A_1062 = arith.index_cast %swap3A_1061 : i32 to index
      %swap3A_1063 = arith.constant 0 : index
      %swap3A_1064 = tpu.vector_load %arg9[%swap3A_1062, %swap3A_1063] {strides = array<i32>} : memref<28x32xf32, #tpu.memory_space<vmem>>, vector<16xf32>,
      tpu.vector_store %arg9[%swap3A_1062, %swap3A_1063], %add3A_1058 {strides = array<i32>} : memref<28x32xf32, #tpu.memory_space<vmem>>, vector<16xf32>,
      %swap3A_1065 = arith.constant 9 : i32
      %swap3A_1066 = arith.index_cast %swap3A_1065 : i32 to index
      %swap3A_1067 = arith.constant 16 : index
      %swap3A_1068 = tpu.vector_load %arg9[%swap3A_1066, %swap3A_1067] {strides = array<i32>} : memref<28x32xf32, #tpu.memory_space<vmem>>, vector<16xf32>,
      tpu.vector_store %arg9[%swap3A_1066, %swap3A_1067], %add3A_1060 {strides = array<i32>} : memref<28x32xf32, #tpu.memory_space<vmem>>, vector<16xf32>,
      %add3A_1069 = arith.constant 45 : i32
      %add3A_1070 = vector.broadcast %add3A_1069 : i32 to vector<16xi32>
      %add3A_1071 = arith.addi %shift_right_arithmetic3A_28, %add3A_1070 : vector<16xi32>
      %gather3A_1072 = tpu.vector_load_idx %arg5[%add3A_1071] : memref<408xf32, #tpu.memory_space<vmem>>[vector<16xi32>], vector<16xf32>,
      %mul3A_1073 = arith.mulf %gather3A_1072, %get3A_64 : vector<16xf32>
      %add3A_1074 = arith.addf %add3A_634, %mul3A_1073 : vector<16xf32>
      %mul3A_1075 = arith.mulf %gather3A_1072, %gather3A_69 : vector<16xf32>
      %add3A_1076 = arith.addf %add3A_636, %mul3A_1075 : vector<16xf32>
      %add3A_1077 = arith.constant 46 : i32
      %add3A_1078 = vector.broadcast %add3A_1077 : i32 to vector<16xi32>
      %add3A_1079 = arith.addi %shift_right_arithmetic3A_28, %add3A_1078 : vector<16xi32>
      %gather3A_1080 = tpu.vector_load_idx %arg5[%add3A_1079] : memref<408xf32, #tpu.memory_space<vmem>>[vector<16xi32>], vector<16xf32>,
      %mul3A_1081 = arith.mulf %gather3A_1080, %get3A_71 : vector<16xf32>
      %add3A_1082 = arith.addf %add3A_1074, %mul3A_1081 : vector<16xf32>
      %mul3A_1083 = arith.mulf %gather3A_1080, %gather3A_76 : vector<16xf32>
      %add3A_1084 = arith.addf %add3A_1076, %mul3A_1083 : vector<16xf32>
      %add3A_1085 = arith.constant 47 : i32
      %add3A_1086 = vector.broadcast %add3A_1085 : i32 to vector<16xi32>
      %add3A_1087 = arith.addi %shift_right_arithmetic3A_28, %add3A_1086 : vector<16xi32>
      %gather3A_1088 = tpu.vector_load_idx %arg5[%add3A_1087] : memref<408xf32, #tpu.memory_space<vmem>>[vector<16xi32>], vector<16xf32>,
      %mul3A_1089 = arith.mulf %gather3A_1088, %get3A_78 : vector<16xf32>
      %add3A_1090 = arith.addf %add3A_1082, %mul3A_1089 : vector<16xf32>
      %mul3A_1091 = arith.mulf %gather3A_1088, %gather3A_83 : vector<16xf32>
      %add3A_1092 = arith.addf %add3A_1084, %mul3A_1091 : vector<16xf32>
      %add3A_1093 = arith.constant 48 : i32
      %add3A_1094 = vector.broadcast %add3A_1093 : i32 to vector<16xi32>
      %add3A_1095 = arith.addi %shift_right_arithmetic3A_28, %add3A_1094 : vector<16xi32>
      %gather3A_1096 = tpu.vector_load_idx %arg5[%add3A_1095] : memref<408xf32, #tpu.memory_space<vmem>>[vector<16xi32>], vector<16xf32>,
      %mul3A_1097 = arith.mulf %gather3A_1096, %get3A_85 : vector<16xf32>
      %add3A_1098 = arith.addf %add3A_1090, %mul3A_1097 : vector<16xf32>
      %mul3A_1099 = arith.mulf %gather3A_1096, %gather3A_90 : vector<16xf32>
      %add3A_1100 = arith.addf %add3A_1092, %mul3A_1099 : vector<16xf32>
      %add3A_1101 = arith.constant 49 : i32
      %add3A_1102 = vector.broadcast %add3A_1101 : i32 to vector<16xi32>
      %add3A_1103 = arith.addi %shift_right_arithmetic3A_28, %add3A_1102 : vector<16xi32>
      %gather3A_1104 = tpu.vector_load_idx %arg5[%add3A_1103] : memref<408xf32, #tpu.memory_space<vmem>>[vector<16xi32>], vector<16xf32>,
      %mul3A_1105 = arith.mulf %gather3A_1104, %get3A_92 : vector<16xf32>
      %add3A_1106 = arith.addf %add3A_1098, %mul3A_1105 : vector<16xf32>
      %mul3A_1107 = arith.mulf %gather3A_1104, %gather3A_97 : vector<16xf32>
      %add3A_1108 = arith.addf %add3A_1100, %mul3A_1107 : vector<16xf32>
      %swap3A_1109 = arith.constant 10 : i32
      %swap3A_1110 = arith.index_cast %swap3A_1109 : i32 to index
      %swap3A_1111 = arith.constant 0 : index
      %swap3A_1112 = tpu.vector_load %arg9[%swap3A_1110, %swap3A_1111] {strides = array<i32>} : memref<28x32xf32, #tpu.memory_space<vmem>>, vector<16xf32>,
      tpu.vector_store %arg9[%swap3A_1110, %swap3A_1111], %add3A_1106 {strides = array<i32>} : memref<28x32xf32, #tpu.memory_space<vmem>>, vector<16xf32>,
      %swap3A_1113 = arith.constant 10 : i32
      %swap3A_1114 = arith.index_cast %swap3A_1113 : i32 to index
      %swap3A_1115 = arith.constant 16 : index
      %swap3A_1116 = tpu.vector_load %arg9[%swap3A_1114, %swap3A_1115] {strides = array<i32>} : memref<28x32xf32, #tpu.memory_space<vmem>>, vector<16xf32>,
      tpu.vector_store %arg9[%swap3A_1114, %swap3A_1115], %add3A_1108 {strides = array<i32>} : memref<28x32xf32, #tpu.memory_space<vmem>>, vector<16xf32>,
      %add3A_1117 = arith.constant 50 : i32
      %add3A_1118 = vector.broadcast %add3A_1117 : i32 to vector<16xi32>
      %add3A_1119 = arith.addi %shift_right_arithmetic3A_28, %add3A_1118 : vector<16xi32>
      %gather3A_1120 = tpu.vector_load_idx %arg5[%add3A_1119] : memref<408xf32, #tpu.memory_space<vmem>>[vector<16xi32>], vector<16xf32>,
      %mul3A_1121 = arith.mulf %gather3A_1120, %get3A_64 : vector<16xf32>
      %add3A_1122 = arith.addf %add3A_634, %mul3A_1121 : vector<16xf32>
      %mul3A_1123 = arith.mulf %gather3A_1120, %gather3A_69 : vector<16xf32>
      %add3A_1124 = arith.addf %add3A_636, %mul3A_1123 : vector<16xf32>
      %add3A_1125 = arith.constant 51 : i32
      %add3A_1126 = vector.broadcast %add3A_1125 : i32 to vector<16xi32>
      %add3A_1127 = arith.addi %shift_right_arithmetic3A_28, %add3A_1126 : vector<16xi32>
      %gather3A_1128 = tpu.vector_load_idx %arg5[%add3A_1127] : memref<408xf32, #tpu.memory_space<vmem>>[vector<16xi32>], vector<16xf32>,
      %mul3A_1129 = arith.mulf %gather3A_1128, %get3A_71 : vector<16xf32>
      %add3A_1130 = arith.addf %add3A_1122, %mul3A_1129 : vector<16xf32>
      %mul3A_1131 = arith.mulf %gather3A_1128, %gather3A_76 : vector<16xf32>
      %add3A_1132 = arith.addf %add3A_1124, %mul3A_1131 : vector<16xf32>
      %add3A_1133 = arith.constant 52 : i32
      %add3A_1134 = vector.broadcast %add3A_1133 : i32 to vector<16xi32>
      %add3A_1135 = arith.addi %shift_right_arithmetic3A_28, %add3A_1134 : vector<16xi32>
      %gather3A_1136 = tpu.vector_load_idx %arg5[%add3A_1135] : memref<408xf32, #tpu.memory_space<vmem>>[vector<16xi32>], vector<16xf32>,
      %mul3A_1137 = arith.mulf %gather3A_1136, %get3A_78 : vector<16xf32>
      %add3A_1138 = arith.addf %add3A_1130, %mul3A_1137 : vector<16xf32>
      %mul3A_1139 = arith.mulf %gather3A_1136, %gather3A_83 : vector<16xf32>
      %add3A_1140 = arith.addf %add3A_1132, %mul3A_1139 : vector<16xf32>
      %add3A_1141 = arith.constant 53 : i32
      %add3A_1142 = vector.broadcast %add3A_1141 : i32 to vector<16xi32>
      %add3A_1143 = arith.addi %shift_right_arithmetic3A_28, %add3A_1142 : vector<16xi32>
      %gather3A_1144 = tpu.vector_load_idx %arg5[%add3A_1143] : memref<408xf32, #tpu.memory_space<vmem>>[vector<16xi32>], vector<16xf32>,
      %mul3A_1145 = arith.mulf %gather3A_1144, %get3A_85 : vector<16xf32>
      %add3A_1146 = arith.addf %add3A_1138, %mul3A_1145 : vector<16xf32>
      %mul3A_1147 = arith.mulf %gather3A_1144, %gather3A_90 : vector<16xf32>
      %add3A_1148 = arith.addf %add3A_1140, %mul3A_1147 : vector<16xf32>
      %add3A_1149 = arith.constant 54 : i32
      %add3A_1150 = vector.broadcast %add3A_1149 : i32 to vector<16xi32>
      %add3A_1151 = arith.addi %shift_right_arithmetic3A_28, %add3A_1150 : vector<16xi32>
      %gather3A_1152 = tpu.vector_load_idx %arg5[%add3A_1151] : memref<408xf32, #tpu.memory_space<vmem>>[vector<16xi32>], vector<16xf32>,
      %mul3A_1153 = arith.mulf %gather3A_1152, %get3A_92 : vector<16xf32>
      %add3A_1154 = arith.addf %add3A_1146, %mul3A_1153 : vector<16xf32>
      %mul3A_1155 = arith.mulf %gather3A_1152, %gather3A_97 : vector<16xf32>
      %add3A_1156 = arith.addf %add3A_1148, %mul3A_1155 : vector<16xf32>
      %swap3A_1157 = arith.constant 11 : i32
      %swap3A_1158 = arith.index_cast %swap3A_1157 : i32 to index
      %swap3A_1159 = arith.constant 0 : index
      %swap3A_1160 = tpu.vector_load %arg9[%swap3A_1158, %swap3A_1159] {strides = array<i32>} : memref<28x32xf32, #tpu.memory_space<vmem>>, vector<16xf32>,
      tpu.vector_store %arg9[%swap3A_1158, %swap3A_1159], %add3A_1154 {strides = array<i32>} : memref<28x32xf32, #tpu.memory_space<vmem>>, vector<16xf32>,
      %swap3A_1161 = arith.constant 11 : i32
      %swap3A_1162 = arith.index_cast %swap3A_1161 : i32 to index
      %swap3A_1163 = arith.constant 16 : index
      %swap3A_1164 = tpu.vector_load %arg9[%swap3A_1162, %swap3A_1163] {strides = array<i32>} : memref<28x32xf32, #tpu.memory_space<vmem>>, vector<16xf32>,
      tpu.vector_store %arg9[%swap3A_1162, %swap3A_1163], %add3A_1156 {strides = array<i32>} : memref<28x32xf32, #tpu.memory_space<vmem>>, vector<16xf32>,
      %add3A_1165 = arith.constant 55 : i32
      %add3A_1166 = vector.broadcast %add3A_1165 : i32 to vector<16xi32>
      %add3A_1167 = arith.addi %shift_right_arithmetic3A_28, %add3A_1166 : vector<16xi32>
      %gather3A_1168 = tpu.vector_load_idx %arg5[%add3A_1167] : memref<408xf32, #tpu.memory_space<vmem>>[vector<16xi32>], vector<16xf32>,
      %mul3A_1169 = arith.mulf %gather3A_1168, %get3A_64 : vector<16xf32>
      %add3A_1170 = arith.addf %add3A_634, %mul3A_1169 : vector<16xf32>
      %mul3A_1171 = arith.mulf %gather3A_1168, %gather3A_69 : vector<16xf32>
      %add3A_1172 = arith.addf %add3A_636, %mul3A_1171 : vector<16xf32>
      %add3A_1173 = arith.constant 56 : i32
      %add3A_1174 = vector.broadcast %add3A_1173 : i32 to vector<16xi32>
      %add3A_1175 = arith.addi %shift_right_arithmetic3A_28, %add3A_1174 : vector<16xi32>
      %gather3A_1176 = tpu.vector_load_idx %arg5[%add3A_1175] : memref<408xf32, #tpu.memory_space<vmem>>[vector<16xi32>], vector<16xf32>,
      %mul3A_1177 = arith.mulf %gather3A_1176, %get3A_71 : vector<16xf32>
      %add3A_1178 = arith.addf %add3A_1170, %mul3A_1177 : vector<16xf32>
      %mul3A_1179 = arith.mulf %gather3A_1176, %gather3A_76 : vector<16xf32>
      %add3A_1180 = arith.addf %add3A_1172, %mul3A_1179 : vector<16xf32>
      %add3A_1181 = arith.constant 57 : i32
      %add3A_1182 = vector.broadcast %add3A_1181 : i32 to vector<16xi32>
      %add3A_1183 = arith.addi %shift_right_arithmetic3A_28, %add3A_1182 : vector<16xi32>
      %gather3A_1184 = tpu.vector_load_idx %arg5[%add3A_1183] : memref<408xf32, #tpu.memory_space<vmem>>[vector<16xi32>], vector<16xf32>,
      %mul3A_1185 = arith.mulf %gather3A_1184, %get3A_78 : vector<16xf32>
      %add3A_1186 = arith.addf %add3A_1178, %mul3A_1185 : vector<16xf32>
      %mul3A_1187 = arith.mulf %gather3A_1184, %gather3A_83 : vector<16xf32>
      %add3A_1188 = arith.addf %add3A_1180, %mul3A_1187 : vector<16xf32>
      %add3A_1189 = arith.constant 58 : i32
      %add3A_1190 = vector.broadcast %add3A_1189 : i32 to vector<16xi32>
      %add3A_1191 = arith.addi %shift_right_arithmetic3A_28, %add3A_1190 : vector<16xi32>
      %gather3A_1192 = tpu.vector_load_idx %arg5[%add3A_1191] : memref<408xf32, #tpu.memory_space<vmem>>[vector<16xi32>], vector<16xf32>,
      %mul3A_1193 = arith.mulf %gather3A_1192, %get3A_85 : vector<16xf32>
      %add3A_1194 = arith.addf %add3A_1186, %mul3A_1193 : vector<16xf32>
      %mul3A_1195 = arith.mulf %gather3A_1192, %gather3A_90 : vector<16xf32>
      %add3A_1196 = arith.addf %add3A_1188, %mul3A_1195 : vector<16xf32>
      %add3A_1197 = arith.constant 59 : i32
      %add3A_1198 = vector.broadcast %add3A_1197 : i32 to vector<16xi32>
      %add3A_1199 = arith.addi %shift_right_arithmetic3A_28, %add3A_1198 : vector<16xi32>
      %gather3A_1200 = tpu.vector_load_idx %arg5[%add3A_1199] : memref<408xf32, #tpu.memory_space<vmem>>[vector<16xi32>], vector<16xf32>,
      %mul3A_1201 = arith.mulf %gather3A_1200, %get3A_92 : vector<16xf32>
      %add3A_1202 = arith.addf %add3A_1194, %mul3A_1201 : vector<16xf32>
      %mul3A_1203 = arith.mulf %gather3A_1200, %gather3A_97 : vector<16xf32>
      %add3A_1204 = arith.addf %add3A_1196, %mul3A_1203 : vector<16xf32>
      %swap3A_1205 = arith.constant 12 : i32
      %swap3A_1206 = arith.index_cast %swap3A_1205 : i32 to index
      %swap3A_1207 = arith.constant 0 : index
      %swap3A_1208 = tpu.vector_load %arg9[%swap3A_1206, %swap3A_1207] {strides = array<i32>} : memref<28x32xf32, #tpu.memory_space<vmem>>, vector<16xf32>,
      tpu.vector_store %arg9[%swap3A_1206, %swap3A_1207], %add3A_1202 {strides = array<i32>} : memref<28x32xf32, #tpu.memory_space<vmem>>, vector<16xf32>,
      %swap3A_1209 = arith.constant 12 : i32
      %swap3A_1210 = arith.index_cast %swap3A_1209 : i32 to index
      %swap3A_1211 = arith.constant 16 : index
      %swap3A_1212 = tpu.vector_load %arg9[%swap3A_1210, %swap3A_1211] {strides = array<i32>} : memref<28x32xf32, #tpu.memory_space<vmem>>, vector<16xf32>,
      tpu.vector_store %arg9[%swap3A_1210, %swap3A_1211], %add3A_1204 {strides = array<i32>} : memref<28x32xf32, #tpu.memory_space<vmem>>, vector<16xf32>,
      %add3A_1213 = arith.constant 60 : i32
      %add3A_1214 = vector.broadcast %add3A_1213 : i32 to vector<16xi32>
      %add3A_1215 = arith.addi %shift_right_arithmetic3A_28, %add3A_1214 : vector<16xi32>
      %gather3A_1216 = tpu.vector_load_idx %arg5[%add3A_1215] : memref<408xf32, #tpu.memory_space<vmem>>[vector<16xi32>], vector<16xf32>,
      %mul3A_1217 = arith.mulf %gather3A_1216, %get3A_64 : vector<16xf32>
      %add3A_1218 = arith.addf %add3A_634, %mul3A_1217 : vector<16xf32>
      %mul3A_1219 = arith.mulf %gather3A_1216, %gather3A_69 : vector<16xf32>
      %add3A_1220 = arith.addf %add3A_636, %mul3A_1219 : vector<16xf32>
      %add3A_1221 = arith.constant 61 : i32
      %add3A_1222 = vector.broadcast %add3A_1221 : i32 to vector<16xi32>
      %add3A_1223 = arith.addi %shift_right_arithmetic3A_28, %add3A_1222 : vector<16xi32>
      %gather3A_1224 = tpu.vector_load_idx %arg5[%add3A_1223] : memref<408xf32, #tpu.memory_space<vmem>>[vector<16xi32>], vector<16xf32>,
      %mul3A_1225 = arith.mulf %gather3A_1224, %get3A_71 : vector<16xf32>
      %add3A_1226 = arith.addf %add3A_1218, %mul3A_1225 : vector<16xf32>
      %mul3A_1227 = arith.mulf %gather3A_1224, %gather3A_76 : vector<16xf32>
      %add3A_1228 = arith.addf %add3A_1220, %mul3A_1227 : vector<16xf32>
      %add3A_1229 = arith.constant 62 : i32
      %add3A_1230 = vector.broadcast %add3A_1229 : i32 to vector<16xi32>
      %add3A_1231 = arith.addi %shift_right_arithmetic3A_28, %add3A_1230 : vector<16xi32>
      %gather3A_1232 = tpu.vector_load_idx %arg5[%add3A_1231] : memref<408xf32, #tpu.memory_space<vmem>>[vector<16xi32>], vector<16xf32>,
      %mul3A_1233 = arith.mulf %gather3A_1232, %get3A_78 : vector<16xf32>
      %add3A_1234 = arith.addf %add3A_1226, %mul3A_1233 : vector<16xf32>
      %mul3A_1235 = arith.mulf %gather3A_1232, %gather3A_83 : vector<16xf32>
      %add3A_1236 = arith.addf %add3A_1228, %mul3A_1235 : vector<16xf32>
      %add3A_1237 = arith.constant 63 : i32
      %add3A_1238 = vector.broadcast %add3A_1237 : i32 to vector<16xi32>
      %add3A_1239 = arith.addi %shift_right_arithmetic3A_28, %add3A_1238 : vector<16xi32>
      %gather3A_1240 = tpu.vector_load_idx %arg5[%add3A_1239] : memref<408xf32, #tpu.memory_space<vmem>>[vector<16xi32>], vector<16xf32>,
      %mul3A_1241 = arith.mulf %gather3A_1240, %get3A_85 : vector<16xf32>
      %add3A_1242 = arith.addf %add3A_1234, %mul3A_1241 : vector<16xf32>
      %mul3A_1243 = arith.mulf %gather3A_1240, %gather3A_90 : vector<16xf32>
      %add3A_1244 = arith.addf %add3A_1236, %mul3A_1243 : vector<16xf32>
      %add3A_1245 = arith.constant 64 : i32
      %add3A_1246 = vector.broadcast %add3A_1245 : i32 to vector<16xi32>
      %add3A_1247 = arith.addi %shift_right_arithmetic3A_28, %add3A_1246 : vector<16xi32>
      %gather3A_1248 = tpu.vector_load_idx %arg5[%add3A_1247] : memref<408xf32, #tpu.memory_space<vmem>>[vector<16xi32>], vector<16xf32>,
      %mul3A_1249 = arith.mulf %gather3A_1248, %get3A_92 : vector<16xf32>
      %add3A_1250 = arith.addf %add3A_1242, %mul3A_1249 : vector<16xf32>
      %mul3A_1251 = arith.mulf %gather3A_1248, %gather3A_97 : vector<16xf32>
      %add3A_1252 = arith.addf %add3A_1244, %mul3A_1251 : vector<16xf32>
      %swap3A_1253 = arith.constant 13 : i32
      %swap3A_1254 = arith.index_cast %swap3A_1253 : i32 to index
      %swap3A_1255 = arith.constant 0 : index
      %swap3A_1256 = tpu.vector_load %arg9[%swap3A_1254, %swap3A_1255] {strides = array<i32>} : memref<28x32xf32, #tpu.memory_space<vmem>>, vector<16xf32>,
      tpu.vector_store %arg9[%swap3A_1254, %swap3A_1255], %add3A_1250 {strides = array<i32>} : memref<28x32xf32, #tpu.memory_space<vmem>>, vector<16xf32>,
      %swap3A_1257 = arith.constant 13 : i32
      %swap3A_1258 = arith.index_cast %swap3A_1257 : i32 to index
      %swap3A_1259 = arith.constant 16 : index
      %swap3A_1260 = tpu.vector_load %arg9[%swap3A_1258, %swap3A_1259] {strides = array<i32>} : memref<28x32xf32, #tpu.memory_space<vmem>>, vector<16xf32>,
      tpu.vector_store %arg9[%swap3A_1258, %swap3A_1259], %add3A_1252 {strides = array<i32>} : memref<28x32xf32, #tpu.memory_space<vmem>>, vector<16xf32>,
      %add3A_1261 = arith.constant 65 : i32
      %add3A_1262 = vector.broadcast %add3A_1261 : i32 to vector<16xi32>
      %add3A_1263 = arith.addi %shift_right_arithmetic3A_28, %add3A_1262 : vector<16xi32>
      %gather3A_1264 = tpu.vector_load_idx %arg5[%add3A_1263] : memref<408xf32, #tpu.memory_space<vmem>>[vector<16xi32>], vector<16xf32>,
      %mul3A_1265 = arith.mulf %gather3A_1264, %get3A_64 : vector<16xf32>
      %add3A_1266 = arith.addf %add3A_634, %mul3A_1265 : vector<16xf32>
      %mul3A_1267 = arith.mulf %gather3A_1264, %gather3A_69 : vector<16xf32>
      %add3A_1268 = arith.addf %add3A_636, %mul3A_1267 : vector<16xf32>
      %add3A_1269 = arith.constant 66 : i32
      %add3A_1270 = vector.broadcast %add3A_1269 : i32 to vector<16xi32>
      %add3A_1271 = arith.addi %shift_right_arithmetic3A_28, %add3A_1270 : vector<16xi32>
      %gather3A_1272 = tpu.vector_load_idx %arg5[%add3A_1271] : memref<408xf32, #tpu.memory_space<vmem>>[vector<16xi32>], vector<16xf32>,
      %mul3A_1273 = arith.mulf %gather3A_1272, %get3A_71 : vector<16xf32>
      %add3A_1274 = arith.addf %add3A_1266, %mul3A_1273 : vector<16xf32>
      %mul3A_1275 = arith.mulf %gather3A_1272, %gather3A_76 : vector<16xf32>
      %add3A_1276 = arith.addf %add3A_1268, %mul3A_1275 : vector<16xf32>
      %add3A_1277 = arith.constant 67 : i32
      %add3A_1278 = vector.broadcast %add3A_1277 : i32 to vector<16xi32>
      %add3A_1279 = arith.addi %shift_right_arithmetic3A_28, %add3A_1278 : vector<16xi32>
      %gather3A_1280 = tpu.vector_load_idx %arg5[%add3A_1279] : memref<408xf32, #tpu.memory_space<vmem>>[vector<16xi32>], vector<16xf32>,
      %mul3A_1281 = arith.mulf %gather3A_1280, %get3A_78 : vector<16xf32>
      %add3A_1282 = arith.addf %add3A_1274, %mul3A_1281 : vector<16xf32>
      %mul3A_1283 = arith.mulf %gather3A_1280, %gather3A_83 : vector<16xf32>
      %add3A_1284 = arith.addf %add3A_1276, %mul3A_1283 : vector<16xf32>
      %add3A_1285 = arith.constant 68 : i32
      %add3A_1286 = vector.broadcast %add3A_1285 : i32 to vector<16xi32>
      %add3A_1287 = arith.addi %shift_right_arithmetic3A_28, %add3A_1286 : vector<16xi32>
      %gather3A_1288 = tpu.vector_load_idx %arg5[%add3A_1287] : memref<408xf32, #tpu.memory_space<vmem>>[vector<16xi32>], vector<16xf32>,
      %mul3A_1289 = arith.mulf %gather3A_1288, %get3A_85 : vector<16xf32>
      %add3A_1290 = arith.addf %add3A_1282, %mul3A_1289 : vector<16xf32>
      %mul3A_1291 = arith.mulf %gather3A_1288, %gather3A_90 : vector<16xf32>
      %add3A_1292 = arith.addf %add3A_1284, %mul3A_1291 : vector<16xf32>
      %add3A_1293 = arith.constant 69 : i32
      %add3A_1294 = vector.broadcast %add3A_1293 : i32 to vector<16xi32>
      %add3A_1295 = arith.addi %shift_right_arithmetic3A_28, %add3A_1294 : vector<16xi32>
      %gather3A_1296 = tpu.vector_load_idx %arg5[%add3A_1295] : memref<408xf32, #tpu.memory_space<vmem>>[vector<16xi32>], vector<16xf32>,
      %mul3A_1297 = arith.mulf %gather3A_1296, %get3A_92 : vector<16xf32>
      %add3A_1298 = arith.addf %add3A_1290, %mul3A_1297 : vector<16xf32>
      %mul3A_1299 = arith.mulf %gather3A_1296, %gather3A_97 : vector<16xf32>
      %add3A_1300 = arith.addf %add3A_1292, %mul3A_1299 : vector<16xf32>
      %swap3A_1301 = arith.constant 14 : i32
      %swap3A_1302 = arith.index_cast %swap3A_1301 : i32 to index
      %swap3A_1303 = arith.constant 0 : index
      %swap3A_1304 = tpu.vector_load %arg9[%swap3A_1302, %swap3A_1303] {strides = array<i32>} : memref<28x32xf32, #tpu.memory_space<vmem>>, vector<16xf32>,
      tpu.vector_store %arg9[%swap3A_1302, %swap3A_1303], %add3A_1298 {strides = array<i32>} : memref<28x32xf32, #tpu.memory_space<vmem>>, vector<16xf32>,
      %swap3A_1305 = arith.constant 14 : i32
      %swap3A_1306 = arith.index_cast %swap3A_1305 : i32 to index
      %swap3A_1307 = arith.constant 16 : index
      %swap3A_1308 = tpu.vector_load %arg9[%swap3A_1306, %swap3A_1307] {strides = array<i32>} : memref<28x32xf32, #tpu.memory_space<vmem>>, vector<16xf32>,
      tpu.vector_store %arg9[%swap3A_1306, %swap3A_1307], %add3A_1300 {strides = array<i32>} : memref<28x32xf32, #tpu.memory_space<vmem>>, vector<16xf32>,
      %add3A_1309 = arith.constant 70 : i32
      %add3A_1310 = vector.broadcast %add3A_1309 : i32 to vector<16xi32>
      %add3A_1311 = arith.addi %shift_right_arithmetic3A_28, %add3A_1310 : vector<16xi32>
      %gather3A_1312 = tpu.vector_load_idx %arg5[%add3A_1311] : memref<408xf32, #tpu.memory_space<vmem>>[vector<16xi32>], vector<16xf32>,
      %mul3A_1313 = arith.mulf %gather3A_1312, %get3A_64 : vector<16xf32>
      %add3A_1314 = arith.addf %add3A_634, %mul3A_1313 : vector<16xf32>
      %mul3A_1315 = arith.mulf %gather3A_1312, %gather3A_69 : vector<16xf32>
      %add3A_1316 = arith.addf %add3A_636, %mul3A_1315 : vector<16xf32>
      %add3A_1317 = arith.constant 71 : i32
      %add3A_1318 = vector.broadcast %add3A_1317 : i32 to vector<16xi32>
      %add3A_1319 = arith.addi %shift_right_arithmetic3A_28, %add3A_1318 : vector<16xi32>
      %gather3A_1320 = tpu.vector_load_idx %arg5[%add3A_1319] : memref<408xf32, #tpu.memory_space<vmem>>[vector<16xi32>], vector<16xf32>,
      %mul3A_1321 = arith.mulf %gather3A_1320, %get3A_71 : vector<16xf32>
      %add3A_1322 = arith.addf %add3A_1314, %mul3A_1321 : vector<16xf32>
      %mul3A_1323 = arith.mulf %gather3A_1320, %gather3A_76 : vector<16xf32>
      %add3A_1324 = arith.addf %add3A_1316, %mul3A_1323 : vector<16xf32>
      %add3A_1325 = arith.constant 72 : i32
      %add3A_1326 = vector.broadcast %add3A_1325 : i32 to vector<16xi32>
      %add3A_1327 = arith.addi %shift_right_arithmetic3A_28, %add3A_1326 : vector<16xi32>
      %gather3A_1328 = tpu.vector_load_idx %arg5[%add3A_1327] : memref<408xf32, #tpu.memory_space<vmem>>[vector<16xi32>], vector<16xf32>,
      %mul3A_1329 = arith.mulf %gather3A_1328, %get3A_78 : vector<16xf32>
      %add3A_1330 = arith.addf %add3A_1322, %mul3A_1329 : vector<16xf32>
      %mul3A_1331 = arith.mulf %gather3A_1328, %gather3A_83 : vector<16xf32>
      %add3A_1332 = arith.addf %add3A_1324, %mul3A_1331 : vector<16xf32>
      %add3A_1333 = arith.constant 73 : i32
      %add3A_1334 = vector.broadcast %add3A_1333 : i32 to vector<16xi32>
      %add3A_1335 = arith.addi %shift_right_arithmetic3A_28, %add3A_1334 : vector<16xi32>
      %gather3A_1336 = tpu.vector_load_idx %arg5[%add3A_1335] : memref<408xf32, #tpu.memory_space<vmem>>[vector<16xi32>], vector<16xf32>,
      %mul3A_1337 = arith.mulf %gather3A_1336, %get3A_85 : vector<16xf32>
      %add3A_1338 = arith.addf %add3A_1330, %mul3A_1337 : vector<16xf32>
      %mul3A_1339 = arith.mulf %gather3A_1336, %gather3A_90 : vector<16xf32>
      %add3A_1340 = arith.addf %add3A_1332, %mul3A_1339 : vector<16xf32>
      %add3A_1341 = arith.constant 74 : i32
      %add3A_1342 = vector.broadcast %add3A_1341 : i32 to vector<16xi32>
      %add3A_1343 = arith.addi %shift_right_arithmetic3A_28, %add3A_1342 : vector<16xi32>
      %gather3A_1344 = tpu.vector_load_idx %arg5[%add3A_1343] : memref<408xf32, #tpu.memory_space<vmem>>[vector<16xi32>], vector<16xf32>,
      %mul3A_1345 = arith.mulf %gather3A_1344, %get3A_92 : vector<16xf32>
      %add3A_1346 = arith.addf %add3A_1338, %mul3A_1345 : vector<16xf32>
      %mul3A_1347 = arith.mulf %gather3A_1344, %gather3A_97 : vector<16xf32>
      %add3A_1348 = arith.addf %add3A_1340, %mul3A_1347 : vector<16xf32>
      %swap3A_1349 = arith.constant 15 : i32
      %swap3A_1350 = arith.index_cast %swap3A_1349 : i32 to index
      %swap3A_1351 = arith.constant 0 : index
      %swap3A_1352 = tpu.vector_load %arg9[%swap3A_1350, %swap3A_1351] {strides = array<i32>} : memref<28x32xf32, #tpu.memory_space<vmem>>, vector<16xf32>,
      tpu.vector_store %arg9[%swap3A_1350, %swap3A_1351], %add3A_1346 {strides = array<i32>} : memref<28x32xf32, #tpu.memory_space<vmem>>, vector<16xf32>,
      %swap3A_1353 = arith.constant 15 : i32
      %swap3A_1354 = arith.index_cast %swap3A_1353 : i32 to index
      %swap3A_1355 = arith.constant 16 : index
      %swap3A_1356 = tpu.vector_load %arg9[%swap3A_1354, %swap3A_1355] {strides = array<i32>} : memref<28x32xf32, #tpu.memory_space<vmem>>, vector<16xf32>,
      tpu.vector_store %arg9[%swap3A_1354, %swap3A_1355], %add3A_1348 {strides = array<i32>} : memref<28x32xf32, #tpu.memory_space<vmem>>, vector<16xf32>,
      %add3A_1357 = arith.constant 75 : i32
      %add3A_1358 = vector.broadcast %add3A_1357 : i32 to vector<16xi32>
      %add3A_1359 = arith.addi %shift_right_arithmetic3A_28, %add3A_1358 : vector<16xi32>
      %gather3A_1360 = tpu.vector_load_idx %arg5[%add3A_1359] : memref<408xf32, #tpu.memory_space<vmem>>[vector<16xi32>], vector<16xf32>,
      %mul3A_1361 = arith.mulf %gather3A_1360, %get3A_64 : vector<16xf32>
      %add3A_1362 = arith.addf %add3A_634, %mul3A_1361 : vector<16xf32>
      %mul3A_1363 = arith.mulf %gather3A_1360, %gather3A_69 : vector<16xf32>
      %add3A_1364 = arith.addf %add3A_636, %mul3A_1363 : vector<16xf32>
      %add3A_1365 = arith.constant 76 : i32
      %add3A_1366 = vector.broadcast %add3A_1365 : i32 to vector<16xi32>
      %add3A_1367 = arith.addi %shift_right_arithmetic3A_28, %add3A_1366 : vector<16xi32>
      %gather3A_1368 = tpu.vector_load_idx %arg5[%add3A_1367] : memref<408xf32, #tpu.memory_space<vmem>>[vector<16xi32>], vector<16xf32>,
      %mul3A_1369 = arith.mulf %gather3A_1368, %get3A_71 : vector<16xf32>
      %add3A_1370 = arith.addf %add3A_1362, %mul3A_1369 : vector<16xf32>
      %mul3A_1371 = arith.mulf %gather3A_1368, %gather3A_76 : vector<16xf32>
      %add3A_1372 = arith.addf %add3A_1364, %mul3A_1371 : vector<16xf32>
      %add3A_1373 = arith.constant 77 : i32
      %add3A_1374 = vector.broadcast %add3A_1373 : i32 to vector<16xi32>
      %add3A_1375 = arith.addi %shift_right_arithmetic3A_28, %add3A_1374 : vector<16xi32>
      %gather3A_1376 = tpu.vector_load_idx %arg5[%add3A_1375] : memref<408xf32, #tpu.memory_space<vmem>>[vector<16xi32>], vector<16xf32>,
      %mul3A_1377 = arith.mulf %gather3A_1376, %get3A_78 : vector<16xf32>
      %add3A_1378 = arith.addf %add3A_1370, %mul3A_1377 : vector<16xf32>
      %mul3A_1379 = arith.mulf %gather3A_1376, %gather3A_83 : vector<16xf32>
      %add3A_1380 = arith.addf %add3A_1372, %mul3A_1379 : vector<16xf32>
      %add3A_1381 = arith.constant 78 : i32
      %add3A_1382 = vector.broadcast %add3A_1381 : i32 to vector<16xi32>
      %add3A_1383 = arith.addi %shift_right_arithmetic3A_28, %add3A_1382 : vector<16xi32>
      %gather3A_1384 = tpu.vector_load_idx %arg5[%add3A_1383] : memref<408xf32, #tpu.memory_space<vmem>>[vector<16xi32>], vector<16xf32>,
      %mul3A_1385 = arith.mulf %gather3A_1384, %get3A_85 : vector<16xf32>
      %add3A_1386 = arith.addf %add3A_1378, %mul3A_1385 : vector<16xf32>
      %mul3A_1387 = arith.mulf %gather3A_1384, %gather3A_90 : vector<16xf32>
      %add3A_1388 = arith.addf %add3A_1380, %mul3A_1387 : vector<16xf32>
      %add3A_1389 = arith.constant 79 : i32
      %add3A_1390 = vector.broadcast %add3A_1389 : i32 to vector<16xi32>
      %add3A_1391 = arith.addi %shift_right_arithmetic3A_28, %add3A_1390 : vector<16xi32>
      %gather3A_1392 = tpu.vector_load_idx %arg5[%add3A_1391] : memref<408xf32, #tpu.memory_space<vmem>>[vector<16xi32>], vector<16xf32>,
      %mul3A_1393 = arith.mulf %gather3A_1392, %get3A_92 : vector<16xf32>
      %add3A_1394 = arith.addf %add3A_1386, %mul3A_1393 : vector<16xf32>
      %mul3A_1395 = arith.mulf %gather3A_1392, %gather3A_97 : vector<16xf32>
      %add3A_1396 = arith.addf %add3A_1388, %mul3A_1395 : vector<16xf32>
      %swap3A_1397 = arith.constant 16 : i32
      %swap3A_1398 = arith.index_cast %swap3A_1397 : i32 to index
      %swap3A_1399 = arith.constant 0 : index
      %swap3A_1400 = tpu.vector_load %arg9[%swap3A_1398, %swap3A_1399] {strides = array<i32>} : memref<28x32xf32, #tpu.memory_space<vmem>>, vector<16xf32>,
      tpu.vector_store %arg9[%swap3A_1398, %swap3A_1399], %add3A_1394 {strides = array<i32>} : memref<28x32xf32, #tpu.memory_space<vmem>>, vector<16xf32>,
      %swap3A_1401 = arith.constant 16 : i32
      %swap3A_1402 = arith.index_cast %swap3A_1401 : i32 to index
      %swap3A_1403 = arith.constant 16 : index
      %swap3A_1404 = tpu.vector_load %arg9[%swap3A_1402, %swap3A_1403] {strides = array<i32>} : memref<28x32xf32, #tpu.memory_space<vmem>>, vector<16xf32>,
      tpu.vector_store %arg9[%swap3A_1402, %swap3A_1403], %add3A_1396 {strides = array<i32>} : memref<28x32xf32, #tpu.memory_space<vmem>>, vector<16xf32>,
      %add3A_1405 = arith.constant 80 : i32
      %add3A_1406 = vector.broadcast %add3A_1405 : i32 to vector<16xi32>
      %add3A_1407 = arith.addi %shift_right_arithmetic3A_28, %add3A_1406 : vector<16xi32>
      %gather3A_1408 = tpu.vector_load_idx %arg5[%add3A_1407] : memref<408xf32, #tpu.memory_space<vmem>>[vector<16xi32>], vector<16xf32>,
      %mul3A_1409 = arith.mulf %gather3A_1408, %get3A_64 : vector<16xf32>
      %add3A_1410 = arith.addf %add3A_634, %mul3A_1409 : vector<16xf32>
      %mul3A_1411 = arith.mulf %gather3A_1408, %gather3A_69 : vector<16xf32>
      %add3A_1412 = arith.addf %add3A_636, %mul3A_1411 : vector<16xf32>
      %add3A_1413 = arith.constant 81 : i32
      %add3A_1414 = vector.broadcast %add3A_1413 : i32 to vector<16xi32>
      %add3A_1415 = arith.addi %shift_right_arithmetic3A_28, %add3A_1414 : vector<16xi32>
      %gather3A_1416 = tpu.vector_load_idx %arg5[%add3A_1415] : memref<408xf32, #tpu.memory_space<vmem>>[vector<16xi32>], vector<16xf32>,
      %mul3A_1417 = arith.mulf %gather3A_1416, %get3A_71 : vector<16xf32>
      %add3A_1418 = arith.addf %add3A_1410, %mul3A_1417 : vector<16xf32>
      %mul3A_1419 = arith.mulf %gather3A_1416, %gather3A_76 : vector<16xf32>
      %add3A_1420 = arith.addf %add3A_1412, %mul3A_1419 : vector<16xf32>
      %add3A_1421 = arith.constant 82 : i32
      %add3A_1422 = vector.broadcast %add3A_1421 : i32 to vector<16xi32>
      %add3A_1423 = arith.addi %shift_right_arithmetic3A_28, %add3A_1422 : vector<16xi32>
      %gather3A_1424 = tpu.vector_load_idx %arg5[%add3A_1423] : memref<408xf32, #tpu.memory_space<vmem>>[vector<16xi32>], vector<16xf32>,
      %mul3A_1425 = arith.mulf %gather3A_1424, %get3A_78 : vector<16xf32>
      %add3A_1426 = arith.addf %add3A_1418, %mul3A_1425 : vector<16xf32>
      %mul3A_1427 = arith.mulf %gather3A_1424, %gather3A_83 : vector<16xf32>
      %add3A_1428 = arith.addf %add3A_1420, %mul3A_1427 : vector<16xf32>
      %add3A_1429 = arith.constant 83 : i32
      %add3A_1430 = vector.broadcast %add3A_1429 : i32 to vector<16xi32>
      %add3A_1431 = arith.addi %shift_right_arithmetic3A_28, %add3A_1430 : vector<16xi32>
      %gather3A_1432 = tpu.vector_load_idx %arg5[%add3A_1431] : memref<408xf32, #tpu.memory_space<vmem>>[vector<16xi32>], vector<16xf32>,
      %mul3A_1433 = arith.mulf %gather3A_1432, %get3A_85 : vector<16xf32>
      %add3A_1434 = arith.addf %add3A_1426, %mul3A_1433 : vector<16xf32>
      %mul3A_1435 = arith.mulf %gather3A_1432, %gather3A_90 : vector<16xf32>
      %add3A_1436 = arith.addf %add3A_1428, %mul3A_1435 : vector<16xf32>
      %add3A_1437 = arith.constant 84 : i32
      %add3A_1438 = vector.broadcast %add3A_1437 : i32 to vector<16xi32>
      %add3A_1439 = arith.addi %shift_right_arithmetic3A_28, %add3A_1438 : vector<16xi32>
      %gather3A_1440 = tpu.vector_load_idx %arg5[%add3A_1439] : memref<408xf32, #tpu.memory_space<vmem>>[vector<16xi32>], vector<16xf32>,
      %mul3A_1441 = arith.mulf %gather3A_1440, %get3A_92 : vector<16xf32>
      %add3A_1442 = arith.addf %add3A_1434, %mul3A_1441 : vector<16xf32>
      %mul3A_1443 = arith.mulf %gather3A_1440, %gather3A_97 : vector<16xf32>
      %add3A_1444 = arith.addf %add3A_1436, %mul3A_1443 : vector<16xf32>
      %swap3A_1445 = arith.constant 17 : i32
      %swap3A_1446 = arith.index_cast %swap3A_1445 : i32 to index
      %swap3A_1447 = arith.constant 0 : index
      %swap3A_1448 = tpu.vector_load %arg9[%swap3A_1446, %swap3A_1447] {strides = array<i32>} : memref<28x32xf32, #tpu.memory_space<vmem>>, vector<16xf32>,
      tpu.vector_store %arg9[%swap3A_1446, %swap3A_1447], %add3A_1442 {strides = array<i32>} : memref<28x32xf32, #tpu.memory_space<vmem>>, vector<16xf32>,
      %swap3A_1449 = arith.constant 17 : i32
      %swap3A_1450 = arith.index_cast %swap3A_1449 : i32 to index
      %swap3A_1451 = arith.constant 16 : index
      %swap3A_1452 = tpu.vector_load %arg9[%swap3A_1450, %swap3A_1451] {strides = array<i32>} : memref<28x32xf32, #tpu.memory_space<vmem>>, vector<16xf32>,
      tpu.vector_store %arg9[%swap3A_1450, %swap3A_1451], %add3A_1444 {strides = array<i32>} : memref<28x32xf32, #tpu.memory_space<vmem>>, vector<16xf32>,
      %add3A_1453 = arith.constant 85 : i32
      %add3A_1454 = vector.broadcast %add3A_1453 : i32 to vector<16xi32>
      %add3A_1455 = arith.addi %shift_right_arithmetic3A_28, %add3A_1454 : vector<16xi32>
      %gather3A_1456 = tpu.vector_load_idx %arg5[%add3A_1455] : memref<408xf32, #tpu.memory_space<vmem>>[vector<16xi32>], vector<16xf32>,
      %mul3A_1457 = arith.mulf %gather3A_1456, %get3A_64 : vector<16xf32>
      %add3A_1458 = arith.addf %add3A_634, %mul3A_1457 : vector<16xf32>
      %mul3A_1459 = arith.mulf %gather3A_1456, %gather3A_69 : vector<16xf32>
      %add3A_1460 = arith.addf %add3A_636, %mul3A_1459 : vector<16xf32>
      %add3A_1461 = arith.constant 86 : i32
      %add3A_1462 = vector.broadcast %add3A_1461 : i32 to vector<16xi32>
      %add3A_1463 = arith.addi %shift_right_arithmetic3A_28, %add3A_1462 : vector<16xi32>
      %gather3A_1464 = tpu.vector_load_idx %arg5[%add3A_1463] : memref<408xf32, #tpu.memory_space<vmem>>[vector<16xi32>], vector<16xf32>,
      %mul3A_1465 = arith.mulf %gather3A_1464, %get3A_71 : vector<16xf32>
      %add3A_1466 = arith.addf %add3A_1458, %mul3A_1465 : vector<16xf32>
      %mul3A_1467 = arith.mulf %gather3A_1464, %gather3A_76 : vector<16xf32>
      %add3A_1468 = arith.addf %add3A_1460, %mul3A_1467 : vector<16xf32>
      %add3A_1469 = arith.constant 87 : i32
      %add3A_1470 = vector.broadcast %add3A_1469 : i32 to vector<16xi32>
      %add3A_1471 = arith.addi %shift_right_arithmetic3A_28, %add3A_1470 : vector<16xi32>
      %gather3A_1472 = tpu.vector_load_idx %arg5[%add3A_1471] : memref<408xf32, #tpu.memory_space<vmem>>[vector<16xi32>], vector<16xf32>,
      %mul3A_1473 = arith.mulf %gather3A_1472, %get3A_78 : vector<16xf32>
      %add3A_1474 = arith.addf %add3A_1466, %mul3A_1473 : vector<16xf32>
      %mul3A_1475 = arith.mulf %gather3A_1472, %gather3A_83 : vector<16xf32>
      %add3A_1476 = arith.addf %add3A_1468, %mul3A_1475 : vector<16xf32>
      %add3A_1477 = arith.constant 88 : i32
      %add3A_1478 = vector.broadcast %add3A_1477 : i32 to vector<16xi32>
      %add3A_1479 = arith.addi %shift_right_arithmetic3A_28, %add3A_1478 : vector<16xi32>
      %gather3A_1480 = tpu.vector_load_idx %arg5[%add3A_1479] : memref<408xf32, #tpu.memory_space<vmem>>[vector<16xi32>], vector<16xf32>,
      %mul3A_1481 = arith.mulf %gather3A_1480, %get3A_85 : vector<16xf32>
      %add3A_1482 = arith.addf %add3A_1474, %mul3A_1481 : vector<16xf32>
      %mul3A_1483 = arith.mulf %gather3A_1480, %gather3A_90 : vector<16xf32>
      %add3A_1484 = arith.addf %add3A_1476, %mul3A_1483 : vector<16xf32>
      %add3A_1485 = arith.constant 89 : i32
      %add3A_1486 = vector.broadcast %add3A_1485 : i32 to vector<16xi32>
      %add3A_1487 = arith.addi %shift_right_arithmetic3A_28, %add3A_1486 : vector<16xi32>
      %gather3A_1488 = tpu.vector_load_idx %arg5[%add3A_1487] : memref<408xf32, #tpu.memory_space<vmem>>[vector<16xi32>], vector<16xf32>,
      %mul3A_1489 = arith.mulf %gather3A_1488, %get3A_92 : vector<16xf32>
      %add3A_1490 = arith.addf %add3A_1482, %mul3A_1489 : vector<16xf32>
      %mul3A_1491 = arith.mulf %gather3A_1488, %gather3A_97 : vector<16xf32>
      %add3A_1492 = arith.addf %add3A_1484, %mul3A_1491 : vector<16xf32>
      %swap3A_1493 = arith.constant 18 : i32
      %swap3A_1494 = arith.index_cast %swap3A_1493 : i32 to index
      %swap3A_1495 = arith.constant 0 : index
      %swap3A_1496 = tpu.vector_load %arg9[%swap3A_1494, %swap3A_1495] {strides = array<i32>} : memref<28x32xf32, #tpu.memory_space<vmem>>, vector<16xf32>,
      tpu.vector_store %arg9[%swap3A_1494, %swap3A_1495], %add3A_1490 {strides = array<i32>} : memref<28x32xf32, #tpu.memory_space<vmem>>, vector<16xf32>,
      %swap3A_1497 = arith.constant 18 : i32
      %swap3A_1498 = arith.index_cast %swap3A_1497 : i32 to index
      %swap3A_1499 = arith.constant 16 : index
      %swap3A_1500 = tpu.vector_load %arg9[%swap3A_1498, %swap3A_1499] {strides = array<i32>} : memref<28x32xf32, #tpu.memory_space<vmem>>, vector<16xf32>,
      tpu.vector_store %arg9[%swap3A_1498, %swap3A_1499], %add3A_1492 {strides = array<i32>} : memref<28x32xf32, #tpu.memory_space<vmem>>, vector<16xf32>,
      %add3A_1501 = arith.constant 90 : i32
      %add3A_1502 = vector.broadcast %add3A_1501 : i32 to vector<16xi32>
      %add3A_1503 = arith.addi %shift_right_arithmetic3A_28, %add3A_1502 : vector<16xi32>
      %gather3A_1504 = tpu.vector_load_idx %arg5[%add3A_1503] : memref<408xf32, #tpu.memory_space<vmem>>[vector<16xi32>], vector<16xf32>,
      %mul3A_1505 = arith.mulf %gather3A_1504, %get3A_64 : vector<16xf32>
      %add3A_1506 = arith.addf %add3A_634, %mul3A_1505 : vector<16xf32>
      %mul3A_1507 = arith.mulf %gather3A_1504, %gather3A_69 : vector<16xf32>
      %add3A_1508 = arith.addf %add3A_636, %mul3A_1507 : vector<16xf32>
      %add3A_1509 = arith.constant 91 : i32
      %add3A_1510 = vector.broadcast %add3A_1509 : i32 to vector<16xi32>
      %add3A_1511 = arith.addi %shift_right_arithmetic3A_28, %add3A_1510 : vector<16xi32>
      %gather3A_1512 = tpu.vector_load_idx %arg5[%add3A_1511] : memref<408xf32, #tpu.memory_space<vmem>>[vector<16xi32>], vector<16xf32>,
      %mul3A_1513 = arith.mulf %gather3A_1512, %get3A_71 : vector<16xf32>
      %add3A_1514 = arith.addf %add3A_1506, %mul3A_1513 : vector<16xf32>
      %mul3A_1515 = arith.mulf %gather3A_1512, %gather3A_76 : vector<16xf32>
      %add3A_1516 = arith.addf %add3A_1508, %mul3A_1515 : vector<16xf32>
      %add3A_1517 = arith.constant 92 : i32
      %add3A_1518 = vector.broadcast %add3A_1517 : i32 to vector<16xi32>
      %add3A_1519 = arith.addi %shift_right_arithmetic3A_28, %add3A_1518 : vector<16xi32>
      %gather3A_1520 = tpu.vector_load_idx %arg5[%add3A_1519] : memref<408xf32, #tpu.memory_space<vmem>>[vector<16xi32>], vector<16xf32>,
      %mul3A_1521 = arith.mulf %gather3A_1520, %get3A_78 : vector<16xf32>
      %add3A_1522 = arith.addf %add3A_1514, %mul3A_1521 : vector<16xf32>
      %mul3A_1523 = arith.mulf %gather3A_1520, %gather3A_83 : vector<16xf32>
      %add3A_1524 = arith.addf %add3A_1516, %mul3A_1523 : vector<16xf32>
      %add3A_1525 = arith.constant 93 : i32
      %add3A_1526 = vector.broadcast %add3A_1525 : i32 to vector<16xi32>
      %add3A_1527 = arith.addi %shift_right_arithmetic3A_28, %add3A_1526 : vector<16xi32>
      %gather3A_1528 = tpu.vector_load_idx %arg5[%add3A_1527] : memref<408xf32, #tpu.memory_space<vmem>>[vector<16xi32>], vector<16xf32>,
      %mul3A_1529 = arith.mulf %gather3A_1528, %get3A_85 : vector<16xf32>
      %add3A_1530 = arith.addf %add3A_1522, %mul3A_1529 : vector<16xf32>
      %mul3A_1531 = arith.mulf %gather3A_1528, %gather3A_90 : vector<16xf32>
      %add3A_1532 = arith.addf %add3A_1524, %mul3A_1531 : vector<16xf32>
      %add3A_1533 = arith.constant 94 : i32
      %add3A_1534 = vector.broadcast %add3A_1533 : i32 to vector<16xi32>
      %add3A_1535 = arith.addi %shift_right_arithmetic3A_28, %add3A_1534 : vector<16xi32>
      %gather3A_1536 = tpu.vector_load_idx %arg5[%add3A_1535] : memref<408xf32, #tpu.memory_space<vmem>>[vector<16xi32>], vector<16xf32>,
      %mul3A_1537 = arith.mulf %gather3A_1536, %get3A_92 : vector<16xf32>
      %add3A_1538 = arith.addf %add3A_1530, %mul3A_1537 : vector<16xf32>
      %mul3A_1539 = arith.mulf %gather3A_1536, %gather3A_97 : vector<16xf32>
      %add3A_1540 = arith.addf %add3A_1532, %mul3A_1539 : vector<16xf32>
      %swap3A_1541 = arith.constant 19 : i32
      %swap3A_1542 = arith.index_cast %swap3A_1541 : i32 to index
      %swap3A_1543 = arith.constant 0 : index
      %swap3A_1544 = tpu.vector_load %arg9[%swap3A_1542, %swap3A_1543] {strides = array<i32>} : memref<28x32xf32, #tpu.memory_space<vmem>>, vector<16xf32>,
      tpu.vector_store %arg9[%swap3A_1542, %swap3A_1543], %add3A_1538 {strides = array<i32>} : memref<28x32xf32, #tpu.memory_space<vmem>>, vector<16xf32>,
      %swap3A_1545 = arith.constant 19 : i32
      %swap3A_1546 = arith.index_cast %swap3A_1545 : i32 to index
      %swap3A_1547 = arith.constant 16 : index
      %swap3A_1548 = tpu.vector_load %arg9[%swap3A_1546, %swap3A_1547] {strides = array<i32>} : memref<28x32xf32, #tpu.memory_space<vmem>>, vector<16xf32>,
      tpu.vector_store %arg9[%swap3A_1546, %swap3A_1547], %add3A_1540 {strides = array<i32>} : memref<28x32xf32, #tpu.memory_space<vmem>>, vector<16xf32>,
      %add3A_1549 = arith.constant 95 : i32
      %add3A_1550 = vector.broadcast %add3A_1549 : i32 to vector<16xi32>
      %add3A_1551 = arith.addi %shift_right_arithmetic3A_28, %add3A_1550 : vector<16xi32>
      %gather3A_1552 = tpu.vector_load_idx %arg5[%add3A_1551] : memref<408xf32, #tpu.memory_space<vmem>>[vector<16xi32>], vector<16xf32>,
      %mul3A_1553 = arith.mulf %gather3A_1552, %get3A_64 : vector<16xf32>
      %add3A_1554 = arith.addf %add3A_634, %mul3A_1553 : vector<16xf32>
      %mul3A_1555 = arith.mulf %gather3A_1552, %gather3A_69 : vector<16xf32>
      %add3A_1556 = arith.addf %add3A_636, %mul3A_1555 : vector<16xf32>
      %add3A_1557 = arith.constant 96 : i32
      %add3A_1558 = vector.broadcast %add3A_1557 : i32 to vector<16xi32>
      %add3A_1559 = arith.addi %shift_right_arithmetic3A_28, %add3A_1558 : vector<16xi32>
      %gather3A_1560 = tpu.vector_load_idx %arg5[%add3A_1559] : memref<408xf32, #tpu.memory_space<vmem>>[vector<16xi32>], vector<16xf32>,
      %mul3A_1561 = arith.mulf %gather3A_1560, %get3A_71 : vector<16xf32>
      %add3A_1562 = arith.addf %add3A_1554, %mul3A_1561 : vector<16xf32>
      %mul3A_1563 = arith.mulf %gather3A_1560, %gather3A_76 : vector<16xf32>
      %add3A_1564 = arith.addf %add3A_1556, %mul3A_1563 : vector<16xf32>
      %add3A_1565 = arith.constant 97 : i32
      %add3A_1566 = vector.broadcast %add3A_1565 : i32 to vector<16xi32>
      %add3A_1567 = arith.addi %shift_right_arithmetic3A_28, %add3A_1566 : vector<16xi32>
      %gather3A_1568 = tpu.vector_load_idx %arg5[%add3A_1567] : memref<408xf32, #tpu.memory_space<vmem>>[vector<16xi32>], vector<16xf32>,
      %mul3A_1569 = arith.mulf %gather3A_1568, %get3A_78 : vector<16xf32>
      %add3A_1570 = arith.addf %add3A_1562, %mul3A_1569 : vector<16xf32>
      %mul3A_1571 = arith.mulf %gather3A_1568, %gather3A_83 : vector<16xf32>
      %add3A_1572 = arith.addf %add3A_1564, %mul3A_1571 : vector<16xf32>
      %add3A_1573 = arith.constant 98 : i32
      %add3A_1574 = vector.broadcast %add3A_1573 : i32 to vector<16xi32>
      %add3A_1575 = arith.addi %shift_right_arithmetic3A_28, %add3A_1574 : vector<16xi32>
      %gather3A_1576 = tpu.vector_load_idx %arg5[%add3A_1575] : memref<408xf32, #tpu.memory_space<vmem>>[vector<16xi32>], vector<16xf32>,
      %mul3A_1577 = arith.mulf %gather3A_1576, %get3A_85 : vector<16xf32>
      %add3A_1578 = arith.addf %add3A_1570, %mul3A_1577 : vector<16xf32>
      %mul3A_1579 = arith.mulf %gather3A_1576, %gather3A_90 : vector<16xf32>
      %add3A_1580 = arith.addf %add3A_1572, %mul3A_1579 : vector<16xf32>
      %add3A_1581 = arith.constant 99 : i32
      %add3A_1582 = vector.broadcast %add3A_1581 : i32 to vector<16xi32>
      %add3A_1583 = arith.addi %shift_right_arithmetic3A_28, %add3A_1582 : vector<16xi32>
      %gather3A_1584 = tpu.vector_load_idx %arg5[%add3A_1583] : memref<408xf32, #tpu.memory_space<vmem>>[vector<16xi32>], vector<16xf32>,
      %mul3A_1585 = arith.mulf %gather3A_1584, %get3A_92 : vector<16xf32>
      %add3A_1586 = arith.addf %add3A_1578, %mul3A_1585 : vector<16xf32>
      %mul3A_1587 = arith.mulf %gather3A_1584, %gather3A_97 : vector<16xf32>
      %add3A_1588 = arith.addf %add3A_1580, %mul3A_1587 : vector<16xf32>
      %swap3A_1589 = arith.constant 20 : i32
      %swap3A_1590 = arith.index_cast %swap3A_1589 : i32 to index
      %swap3A_1591 = arith.constant 0 : index
      %swap3A_1592 = tpu.vector_load %arg9[%swap3A_1590, %swap3A_1591] {strides = array<i32>} : memref<28x32xf32, #tpu.memory_space<vmem>>, vector<16xf32>,
      tpu.vector_store %arg9[%swap3A_1590, %swap3A_1591], %add3A_1586 {strides = array<i32>} : memref<28x32xf32, #tpu.memory_space<vmem>>, vector<16xf32>,
      %swap3A_1593 = arith.constant 20 : i32
      %swap3A_1594 = arith.index_cast %swap3A_1593 : i32 to index
      %swap3A_1595 = arith.constant 16 : index
      %swap3A_1596 = tpu.vector_load %arg9[%swap3A_1594, %swap3A_1595] {strides = array<i32>} : memref<28x32xf32, #tpu.memory_space<vmem>>, vector<16xf32>,
      tpu.vector_store %arg9[%swap3A_1594, %swap3A_1595], %add3A_1588 {strides = array<i32>} : memref<28x32xf32, #tpu.memory_space<vmem>>, vector<16xf32>,
      %add3A_1597 = arith.constant 100 : i32
      %add3A_1598 = vector.broadcast %add3A_1597 : i32 to vector<16xi32>
      %add3A_1599 = arith.addi %shift_right_arithmetic3A_28, %add3A_1598 : vector<16xi32>
      %gather3A_1600 = tpu.vector_load_idx %arg5[%add3A_1599] : memref<408xf32, #tpu.memory_space<vmem>>[vector<16xi32>], vector<16xf32>,
      %mul3A_1601 = arith.mulf %gather3A_1600, %get3A_64 : vector<16xf32>
      %add3A_1602 = arith.addf %add3A_634, %mul3A_1601 : vector<16xf32>
      %mul3A_1603 = arith.mulf %gather3A_1600, %gather3A_69 : vector<16xf32>
      %add3A_1604 = arith.addf %add3A_636, %mul3A_1603 : vector<16xf32>
      %add3A_1605 = arith.constant 101 : i32
      %add3A_1606 = vector.broadcast %add3A_1605 : i32 to vector<16xi32>
      %add3A_1607 = arith.addi %shift_right_arithmetic3A_28, %add3A_1606 : vector<16xi32>
      %gather3A_1608 = tpu.vector_load_idx %arg5[%add3A_1607] : memref<408xf32, #tpu.memory_space<vmem>>[vector<16xi32>], vector<16xf32>,
      %mul3A_1609 = arith.mulf %gather3A_1608, %get3A_71 : vector<16xf32>
      %add3A_1610 = arith.addf %add3A_1602, %mul3A_1609 : vector<16xf32>
      %mul3A_1611 = arith.mulf %gather3A_1608, %gather3A_76 : vector<16xf32>
      %add3A_1612 = arith.addf %add3A_1604, %mul3A_1611 : vector<16xf32>
      %add3A_1613 = arith.constant 102 : i32
      %add3A_1614 = vector.broadcast %add3A_1613 : i32 to vector<16xi32>
      %add3A_1615 = arith.addi %shift_right_arithmetic3A_28, %add3A_1614 : vector<16xi32>
      %gather3A_1616 = tpu.vector_load_idx %arg5[%add3A_1615] : memref<408xf32, #tpu.memory_space<vmem>>[vector<16xi32>], vector<16xf32>,
      %mul3A_1617 = arith.mulf %gather3A_1616, %get3A_78 : vector<16xf32>
      %add3A_1618 = arith.addf %add3A_1610, %mul3A_1617 : vector<16xf32>
      %mul3A_1619 = arith.mulf %gather3A_1616, %gather3A_83 : vector<16xf32>
      %add3A_1620 = arith.addf %add3A_1612, %mul3A_1619 : vector<16xf32>
      %add3A_1621 = arith.constant 103 : i32
      %add3A_1622 = vector.broadcast %add3A_1621 : i32 to vector<16xi32>
      %add3A_1623 = arith.addi %shift_right_arithmetic3A_28, %add3A_1622 : vector<16xi32>
      %gather3A_1624 = tpu.vector_load_idx %arg5[%add3A_1623] : memref<408xf32, #tpu.memory_space<vmem>>[vector<16xi32>], vector<16xf32>,
      %mul3A_1625 = arith.mulf %gather3A_1624, %get3A_85 : vector<16xf32>
      %add3A_1626 = arith.addf %add3A_1618, %mul3A_1625 : vector<16xf32>
      %mul3A_1627 = arith.mulf %gather3A_1624, %gather3A_90 : vector<16xf32>
      %add3A_1628 = arith.addf %add3A_1620, %mul3A_1627 : vector<16xf32>
      %add3A_1629 = arith.constant 104 : i32
      %add3A_1630 = vector.broadcast %add3A_1629 : i32 to vector<16xi32>
      %add3A_1631 = arith.addi %shift_right_arithmetic3A_28, %add3A_1630 : vector<16xi32>
      %gather3A_1632 = tpu.vector_load_idx %arg5[%add3A_1631] : memref<408xf32, #tpu.memory_space<vmem>>[vector<16xi32>], vector<16xf32>,
      %mul3A_1633 = arith.mulf %gather3A_1632, %get3A_92 : vector<16xf32>
      %add3A_1634 = arith.addf %add3A_1626, %mul3A_1633 : vector<16xf32>
      %mul3A_1635 = arith.mulf %gather3A_1632, %gather3A_97 : vector<16xf32>
      %add3A_1636 = arith.addf %add3A_1628, %mul3A_1635 : vector<16xf32>
      %swap3A_1637 = arith.constant 21 : i32
      %swap3A_1638 = arith.index_cast %swap3A_1637 : i32 to index
      %swap3A_1639 = arith.constant 0 : index
      %swap3A_1640 = tpu.vector_load %arg9[%swap3A_1638, %swap3A_1639] {strides = array<i32>} : memref<28x32xf32, #tpu.memory_space<vmem>>, vector<16xf32>,
      tpu.vector_store %arg9[%swap3A_1638, %swap3A_1639], %add3A_1634 {strides = array<i32>} : memref<28x32xf32, #tpu.memory_space<vmem>>, vector<16xf32>,
      %swap3A_1641 = arith.constant 21 : i32
      %swap3A_1642 = arith.index_cast %swap3A_1641 : i32 to index
      %swap3A_1643 = arith.constant 16 : index
      %swap3A_1644 = tpu.vector_load %arg9[%swap3A_1642, %swap3A_1643] {strides = array<i32>} : memref<28x32xf32, #tpu.memory_space<vmem>>, vector<16xf32>,
      tpu.vector_store %arg9[%swap3A_1642, %swap3A_1643], %add3A_1636 {strides = array<i32>} : memref<28x32xf32, #tpu.memory_space<vmem>>, vector<16xf32>,
      %add3A_1645 = arith.constant 105 : i32
      %add3A_1646 = vector.broadcast %add3A_1645 : i32 to vector<16xi32>
      %add3A_1647 = arith.addi %shift_right_arithmetic3A_28, %add3A_1646 : vector<16xi32>
      %gather3A_1648 = tpu.vector_load_idx %arg5[%add3A_1647] : memref<408xf32, #tpu.memory_space<vmem>>[vector<16xi32>], vector<16xf32>,
      %mul3A_1649 = arith.mulf %gather3A_1648, %get3A_64 : vector<16xf32>
      %add3A_1650 = arith.addf %add3A_634, %mul3A_1649 : vector<16xf32>
      %mul3A_1651 = arith.mulf %gather3A_1648, %gather3A_69 : vector<16xf32>
      %add3A_1652 = arith.addf %add3A_636, %mul3A_1651 : vector<16xf32>
      %add3A_1653 = arith.constant 106 : i32
      %add3A_1654 = vector.broadcast %add3A_1653 : i32 to vector<16xi32>
      %add3A_1655 = arith.addi %shift_right_arithmetic3A_28, %add3A_1654 : vector<16xi32>
      %gather3A_1656 = tpu.vector_load_idx %arg5[%add3A_1655] : memref<408xf32, #tpu.memory_space<vmem>>[vector<16xi32>], vector<16xf32>,
      %mul3A_1657 = arith.mulf %gather3A_1656, %get3A_71 : vector<16xf32>
      %add3A_1658 = arith.addf %add3A_1650, %mul3A_1657 : vector<16xf32>
      %mul3A_1659 = arith.mulf %gather3A_1656, %gather3A_76 : vector<16xf32>
      %add3A_1660 = arith.addf %add3A_1652, %mul3A_1659 : vector<16xf32>
      %add3A_1661 = arith.constant 107 : i32
      %add3A_1662 = vector.broadcast %add3A_1661 : i32 to vector<16xi32>
      %add3A_1663 = arith.addi %shift_right_arithmetic3A_28, %add3A_1662 : vector<16xi32>
      %gather3A_1664 = tpu.vector_load_idx %arg5[%add3A_1663] : memref<408xf32, #tpu.memory_space<vmem>>[vector<16xi32>], vector<16xf32>,
      %mul3A_1665 = arith.mulf %gather3A_1664, %get3A_78 : vector<16xf32>
      %add3A_1666 = arith.addf %add3A_1658, %mul3A_1665 : vector<16xf32>
      %mul3A_1667 = arith.mulf %gather3A_1664, %gather3A_83 : vector<16xf32>
      %add3A_1668 = arith.addf %add3A_1660, %mul3A_1667 : vector<16xf32>
      %add3A_1669 = arith.constant 108 : i32
      %add3A_1670 = vector.broadcast %add3A_1669 : i32 to vector<16xi32>
      %add3A_1671 = arith.addi %shift_right_arithmetic3A_28, %add3A_1670 : vector<16xi32>
      %gather3A_1672 = tpu.vector_load_idx %arg5[%add3A_1671] : memref<408xf32, #tpu.memory_space<vmem>>[vector<16xi32>], vector<16xf32>,
      %mul3A_1673 = arith.mulf %gather3A_1672, %get3A_85 : vector<16xf32>
      %add3A_1674 = arith.addf %add3A_1666, %mul3A_1673 : vector<16xf32>
      %mul3A_1675 = arith.mulf %gather3A_1672, %gather3A_90 : vector<16xf32>
      %add3A_1676 = arith.addf %add3A_1668, %mul3A_1675 : vector<16xf32>
      %add3A_1677 = arith.constant 109 : i32
      %add3A_1678 = vector.broadcast %add3A_1677 : i32 to vector<16xi32>
      %add3A_1679 = arith.addi %shift_right_arithmetic3A_28, %add3A_1678 : vector<16xi32>
      %gather3A_1680 = tpu.vector_load_idx %arg5[%add3A_1679] : memref<408xf32, #tpu.memory_space<vmem>>[vector<16xi32>], vector<16xf32>,
      %mul3A_1681 = arith.mulf %gather3A_1680, %get3A_92 : vector<16xf32>
      %add3A_1682 = arith.addf %add3A_1674, %mul3A_1681 : vector<16xf32>
      %mul3A_1683 = arith.mulf %gather3A_1680, %gather3A_97 : vector<16xf32>
      %add3A_1684 = arith.addf %add3A_1676, %mul3A_1683 : vector<16xf32>
      %swap3A_1685 = arith.constant 22 : i32
      %swap3A_1686 = arith.index_cast %swap3A_1685 : i32 to index
      %swap3A_1687 = arith.constant 0 : index
      %swap3A_1688 = tpu.vector_load %arg9[%swap3A_1686, %swap3A_1687] {strides = array<i32>} : memref<28x32xf32, #tpu.memory_space<vmem>>, vector<16xf32>,
      tpu.vector_store %arg9[%swap3A_1686, %swap3A_1687], %add3A_1682 {strides = array<i32>} : memref<28x32xf32, #tpu.memory_space<vmem>>, vector<16xf32>,
      %swap3A_1689 = arith.constant 22 : i32
      %swap3A_1690 = arith.index_cast %swap3A_1689 : i32 to index
      %swap3A_1691 = arith.constant 16 : index
      %swap3A_1692 = tpu.vector_load %arg9[%swap3A_1690, %swap3A_1691] {strides = array<i32>} : memref<28x32xf32, #tpu.memory_space<vmem>>, vector<16xf32>,
      tpu.vector_store %arg9[%swap3A_1690, %swap3A_1691], %add3A_1684 {strides = array<i32>} : memref<28x32xf32, #tpu.memory_space<vmem>>, vector<16xf32>,
      %add3A_1693 = arith.constant 110 : i32
      %add3A_1694 = vector.broadcast %add3A_1693 : i32 to vector<16xi32>
      %add3A_1695 = arith.addi %shift_right_arithmetic3A_28, %add3A_1694 : vector<16xi32>
      %gather3A_1696 = tpu.vector_load_idx %arg5[%add3A_1695] : memref<408xf32, #tpu.memory_space<vmem>>[vector<16xi32>], vector<16xf32>,
      %mul3A_1697 = arith.mulf %gather3A_1696, %get3A_64 : vector<16xf32>
      %add3A_1698 = arith.addf %add3A_634, %mul3A_1697 : vector<16xf32>
      %mul3A_1699 = arith.mulf %gather3A_1696, %gather3A_69 : vector<16xf32>
      %add3A_1700 = arith.addf %add3A_636, %mul3A_1699 : vector<16xf32>
      %add3A_1701 = arith.constant 111 : i32
      %add3A_1702 = vector.broadcast %add3A_1701 : i32 to vector<16xi32>
      %add3A_1703 = arith.addi %shift_right_arithmetic3A_28, %add3A_1702 : vector<16xi32>
      %gather3A_1704 = tpu.vector_load_idx %arg5[%add3A_1703] : memref<408xf32, #tpu.memory_space<vmem>>[vector<16xi32>], vector<16xf32>,
      %mul3A_1705 = arith.mulf %gather3A_1704, %get3A_71 : vector<16xf32>
      %add3A_1706 = arith.addf %add3A_1698, %mul3A_1705 : vector<16xf32>
      %mul3A_1707 = arith.mulf %gather3A_1704, %gather3A_76 : vector<16xf32>
      %add3A_1708 = arith.addf %add3A_1700, %mul3A_1707 : vector<16xf32>
      %add3A_1709 = arith.constant 112 : i32
      %add3A_1710 = vector.broadcast %add3A_1709 : i32 to vector<16xi32>
      %add3A_1711 = arith.addi %shift_right_arithmetic3A_28, %add3A_1710 : vector<16xi32>
      %gather3A_1712 = tpu.vector_load_idx %arg5[%add3A_1711] : memref<408xf32, #tpu.memory_space<vmem>>[vector<16xi32>], vector<16xf32>,
      %mul3A_1713 = arith.mulf %gather3A_1712, %get3A_78 : vector<16xf32>
      %add3A_1714 = arith.addf %add3A_1706, %mul3A_1713 : vector<16xf32>
      %mul3A_1715 = arith.mulf %gather3A_1712, %gather3A_83 : vector<16xf32>
      %add3A_1716 = arith.addf %add3A_1708, %mul3A_1715 : vector<16xf32>
      %add3A_1717 = arith.constant 113 : i32
      %add3A_1718 = vector.broadcast %add3A_1717 : i32 to vector<16xi32>
      %add3A_1719 = arith.addi %shift_right_arithmetic3A_28, %add3A_1718 : vector<16xi32>
      %gather3A_1720 = tpu.vector_load_idx %arg5[%add3A_1719] : memref<408xf32, #tpu.memory_space<vmem>>[vector<16xi32>], vector<16xf32>,
      %mul3A_1721 = arith.mulf %gather3A_1720, %get3A_85 : vector<16xf32>
      %add3A_1722 = arith.addf %add3A_1714, %mul3A_1721 : vector<16xf32>
      %mul3A_1723 = arith.mulf %gather3A_1720, %gather3A_90 : vector<16xf32>
      %add3A_1724 = arith.addf %add3A_1716, %mul3A_1723 : vector<16xf32>
      %add3A_1725 = arith.constant 114 : i32
      %add3A_1726 = vector.broadcast %add3A_1725 : i32 to vector<16xi32>
      %add3A_1727 = arith.addi %shift_right_arithmetic3A_28, %add3A_1726 : vector<16xi32>
      %gather3A_1728 = tpu.vector_load_idx %arg5[%add3A_1727] : memref<408xf32, #tpu.memory_space<vmem>>[vector<16xi32>], vector<16xf32>,
      %mul3A_1729 = arith.mulf %gather3A_1728, %get3A_92 : vector<16xf32>
      %add3A_1730 = arith.addf %add3A_1722, %mul3A_1729 : vector<16xf32>
      %mul3A_1731 = arith.mulf %gather3A_1728, %gather3A_97 : vector<16xf32>
      %add3A_1732 = arith.addf %add3A_1724, %mul3A_1731 : vector<16xf32>
      %swap3A_1733 = arith.constant 23 : i32
      %swap3A_1734 = arith.index_cast %swap3A_1733 : i32 to index
      %swap3A_1735 = arith.constant 0 : index
      %swap3A_1736 = tpu.vector_load %arg9[%swap3A_1734, %swap3A_1735] {strides = array<i32>} : memref<28x32xf32, #tpu.memory_space<vmem>>, vector<16xf32>,
      tpu.vector_store %arg9[%swap3A_1734, %swap3A_1735], %add3A_1730 {strides = array<i32>} : memref<28x32xf32, #tpu.memory_space<vmem>>, vector<16xf32>,
      %swap3A_1737 = arith.constant 23 : i32
      %swap3A_1738 = arith.index_cast %swap3A_1737 : i32 to index
      %swap3A_1739 = arith.constant 16 : index
      %swap3A_1740 = tpu.vector_load %arg9[%swap3A_1738, %swap3A_1739] {strides = array<i32>} : memref<28x32xf32, #tpu.memory_space<vmem>>, vector<16xf32>,
      tpu.vector_store %arg9[%swap3A_1738, %swap3A_1739], %add3A_1732 {strides = array<i32>} : memref<28x32xf32, #tpu.memory_space<vmem>>, vector<16xf32>,
      %add3A_1741 = arith.constant 115 : i32
      %add3A_1742 = vector.broadcast %add3A_1741 : i32 to vector<16xi32>
      %add3A_1743 = arith.addi %shift_right_arithmetic3A_28, %add3A_1742 : vector<16xi32>
      %gather3A_1744 = tpu.vector_load_idx %arg5[%add3A_1743] : memref<408xf32, #tpu.memory_space<vmem>>[vector<16xi32>], vector<16xf32>,
      %mul3A_1745 = arith.mulf %gather3A_1744, %get3A_64 : vector<16xf32>
      %add3A_1746 = arith.addf %add3A_634, %mul3A_1745 : vector<16xf32>
      %mul3A_1747 = arith.mulf %gather3A_1744, %gather3A_69 : vector<16xf32>
      %add3A_1748 = arith.addf %add3A_636, %mul3A_1747 : vector<16xf32>
      %add3A_1749 = arith.constant 116 : i32
      %add3A_1750 = vector.broadcast %add3A_1749 : i32 to vector<16xi32>
      %add3A_1751 = arith.addi %shift_right_arithmetic3A_28, %add3A_1750 : vector<16xi32>
      %gather3A_1752 = tpu.vector_load_idx %arg5[%add3A_1751] : memref<408xf32, #tpu.memory_space<vmem>>[vector<16xi32>], vector<16xf32>,
      %mul3A_1753 = arith.mulf %gather3A_1752, %get3A_71 : vector<16xf32>
      %add3A_1754 = arith.addf %add3A_1746, %mul3A_1753 : vector<16xf32>
      %mul3A_1755 = arith.mulf %gather3A_1752, %gather3A_76 : vector<16xf32>
      %add3A_1756 = arith.addf %add3A_1748, %mul3A_1755 : vector<16xf32>
      %add3A_1757 = arith.constant 117 : i32
      %add3A_1758 = vector.broadcast %add3A_1757 : i32 to vector<16xi32>
      %add3A_1759 = arith.addi %shift_right_arithmetic3A_28, %add3A_1758 : vector<16xi32>
      %gather3A_1760 = tpu.vector_load_idx %arg5[%add3A_1759] : memref<408xf32, #tpu.memory_space<vmem>>[vector<16xi32>], vector<16xf32>,
      %mul3A_1761 = arith.mulf %gather3A_1760, %get3A_78 : vector<16xf32>
      %add3A_1762 = arith.addf %add3A_1754, %mul3A_1761 : vector<16xf32>
      %mul3A_1763 = arith.mulf %gather3A_1760, %gather3A_83 : vector<16xf32>
      %add3A_1764 = arith.addf %add3A_1756, %mul3A_1763 : vector<16xf32>
      %add3A_1765 = arith.constant 118 : i32
      %add3A_1766 = vector.broadcast %add3A_1765 : i32 to vector<16xi32>
      %add3A_1767 = arith.addi %shift_right_arithmetic3A_28, %add3A_1766 : vector<16xi32>
      %gather3A_1768 = tpu.vector_load_idx %arg5[%add3A_1767] : memref<408xf32, #tpu.memory_space<vmem>>[vector<16xi32>], vector<16xf32>,
      %mul3A_1769 = arith.mulf %gather3A_1768, %get3A_85 : vector<16xf32>
      %add3A_1770 = arith.addf %add3A_1762, %mul3A_1769 : vector<16xf32>
      %mul3A_1771 = arith.mulf %gather3A_1768, %gather3A_90 : vector<16xf32>
      %add3A_1772 = arith.addf %add3A_1764, %mul3A_1771 : vector<16xf32>
      %add3A_1773 = arith.constant 119 : i32
      %add3A_1774 = vector.broadcast %add3A_1773 : i32 to vector<16xi32>
      %add3A_1775 = arith.addi %shift_right_arithmetic3A_28, %add3A_1774 : vector<16xi32>
      %gather3A_1776 = tpu.vector_load_idx %arg5[%add3A_1775] : memref<408xf32, #tpu.memory_space<vmem>>[vector<16xi32>], vector<16xf32>,
      %mul3A_1777 = arith.mulf %gather3A_1776, %get3A_92 : vector<16xf32>
      %add3A_1778 = arith.addf %add3A_1770, %mul3A_1777 : vector<16xf32>
      %mul3A_1779 = arith.mulf %gather3A_1776, %gather3A_97 : vector<16xf32>
      %add3A_1780 = arith.addf %add3A_1772, %mul3A_1779 : vector<16xf32>
      %swap3A_1781 = arith.constant 24 : i32
      %swap3A_1782 = arith.index_cast %swap3A_1781 : i32 to index
      %swap3A_1783 = arith.constant 0 : index
      %swap3A_1784 = tpu.vector_load %arg9[%swap3A_1782, %swap3A_1783] {strides = array<i32>} : memref<28x32xf32, #tpu.memory_space<vmem>>, vector<16xf32>,
      tpu.vector_store %arg9[%swap3A_1782, %swap3A_1783], %add3A_1778 {strides = array<i32>} : memref<28x32xf32, #tpu.memory_space<vmem>>, vector<16xf32>,
      %swap3A_1785 = arith.constant 24 : i32
      %swap3A_1786 = arith.index_cast %swap3A_1785 : i32 to index
      %swap3A_1787 = arith.constant 16 : index
      %swap3A_1788 = tpu.vector_load %arg9[%swap3A_1786, %swap3A_1787] {strides = array<i32>} : memref<28x32xf32, #tpu.memory_space<vmem>>, vector<16xf32>,
      tpu.vector_store %arg9[%swap3A_1786, %swap3A_1787], %add3A_1780 {strides = array<i32>} : memref<28x32xf32, #tpu.memory_space<vmem>>, vector<16xf32>,
      %add3A_1789 = arith.constant 120 : i32
      %add3A_1790 = vector.broadcast %add3A_1789 : i32 to vector<16xi32>
      %add3A_1791 = arith.addi %shift_right_arithmetic3A_28, %add3A_1790 : vector<16xi32>
      %gather3A_1792 = tpu.vector_load_idx %arg5[%add3A_1791] : memref<408xf32, #tpu.memory_space<vmem>>[vector<16xi32>], vector<16xf32>,
      %mul3A_1793 = arith.mulf %gather3A_1792, %get3A_64 : vector<16xf32>
      %add3A_1794 = arith.addf %add3A_634, %mul3A_1793 : vector<16xf32>
      %mul3A_1795 = arith.mulf %gather3A_1792, %gather3A_69 : vector<16xf32>
      %add3A_1796 = arith.addf %add3A_636, %mul3A_1795 : vector<16xf32>
      %add3A_1797 = arith.constant 121 : i32
      %add3A_1798 = vector.broadcast %add3A_1797 : i32 to vector<16xi32>
      %add3A_1799 = arith.addi %shift_right_arithmetic3A_28, %add3A_1798 : vector<16xi32>
      %gather3A_1800 = tpu.vector_load_idx %arg5[%add3A_1799] : memref<408xf32, #tpu.memory_space<vmem>>[vector<16xi32>], vector<16xf32>,
      %mul3A_1801 = arith.mulf %gather3A_1800, %get3A_71 : vector<16xf32>
      %add3A_1802 = arith.addf %add3A_1794, %mul3A_1801 : vector<16xf32>
      %mul3A_1803 = arith.mulf %gather3A_1800, %gather3A_76 : vector<16xf32>
      %add3A_1804 = arith.addf %add3A_1796, %mul3A_1803 : vector<16xf32>
      %add3A_1805 = arith.constant 122 : i32
      %add3A_1806 = vector.broadcast %add3A_1805 : i32 to vector<16xi32>
      %add3A_1807 = arith.addi %shift_right_arithmetic3A_28, %add3A_1806 : vector<16xi32>
      %gather3A_1808 = tpu.vector_load_idx %arg5[%add3A_1807] : memref<408xf32, #tpu.memory_space<vmem>>[vector<16xi32>], vector<16xf32>,
      %mul3A_1809 = arith.mulf %gather3A_1808, %get3A_78 : vector<16xf32>
      %add3A_1810 = arith.addf %add3A_1802, %mul3A_1809 : vector<16xf32>
      %mul3A_1811 = arith.mulf %gather3A_1808, %gather3A_83 : vector<16xf32>
      %add3A_1812 = arith.addf %add3A_1804, %mul3A_1811 : vector<16xf32>
      %add3A_1813 = arith.constant 123 : i32
      %add3A_1814 = vector.broadcast %add3A_1813 : i32 to vector<16xi32>
      %add3A_1815 = arith.addi %shift_right_arithmetic3A_28, %add3A_1814 : vector<16xi32>
      %gather3A_1816 = tpu.vector_load_idx %arg5[%add3A_1815] : memref<408xf32, #tpu.memory_space<vmem>>[vector<16xi32>], vector<16xf32>,
      %mul3A_1817 = arith.mulf %gather3A_1816, %get3A_85 : vector<16xf32>
      %add3A_1818 = arith.addf %add3A_1810, %mul3A_1817 : vector<16xf32>
      %mul3A_1819 = arith.mulf %gather3A_1816, %gather3A_90 : vector<16xf32>
      %add3A_1820 = arith.addf %add3A_1812, %mul3A_1819 : vector<16xf32>
      %add3A_1821 = arith.constant 124 : i32
      %add3A_1822 = vector.broadcast %add3A_1821 : i32 to vector<16xi32>
      %add3A_1823 = arith.addi %shift_right_arithmetic3A_28, %add3A_1822 : vector<16xi32>
      %gather3A_1824 = tpu.vector_load_idx %arg5[%add3A_1823] : memref<408xf32, #tpu.memory_space<vmem>>[vector<16xi32>], vector<16xf32>,
      %mul3A_1825 = arith.mulf %gather3A_1824, %get3A_92 : vector<16xf32>
      %add3A_1826 = arith.addf %add3A_1818, %mul3A_1825 : vector<16xf32>
      %mul3A_1827 = arith.mulf %gather3A_1824, %gather3A_97 : vector<16xf32>
      %add3A_1828 = arith.addf %add3A_1820, %mul3A_1827 : vector<16xf32>
      %swap3A_1829 = arith.constant 25 : i32
      %swap3A_1830 = arith.index_cast %swap3A_1829 : i32 to index
      %swap3A_1831 = arith.constant 0 : index
      %swap3A_1832 = tpu.vector_load %arg9[%swap3A_1830, %swap3A_1831] {strides = array<i32>} : memref<28x32xf32, #tpu.memory_space<vmem>>, vector<16xf32>,
      tpu.vector_store %arg9[%swap3A_1830, %swap3A_1831], %add3A_1826 {strides = array<i32>} : memref<28x32xf32, #tpu.memory_space<vmem>>, vector<16xf32>,
      %swap3A_1833 = arith.constant 25 : i32
      %swap3A_1834 = arith.index_cast %swap3A_1833 : i32 to index
      %swap3A_1835 = arith.constant 16 : index
      %swap3A_1836 = tpu.vector_load %arg9[%swap3A_1834, %swap3A_1835] {strides = array<i32>} : memref<28x32xf32, #tpu.memory_space<vmem>>, vector<16xf32>,
      tpu.vector_store %arg9[%swap3A_1834, %swap3A_1835], %add3A_1828 {strides = array<i32>} : memref<28x32xf32, #tpu.memory_space<vmem>>, vector<16xf32>,
      %add3A_1837 = arith.constant 125 : i32
      %add3A_1838 = vector.broadcast %add3A_1837 : i32 to vector<16xi32>
      %add3A_1839 = arith.addi %shift_right_arithmetic3A_28, %add3A_1838 : vector<16xi32>
      %gather3A_1840 = tpu.vector_load_idx %arg5[%add3A_1839] : memref<408xf32, #tpu.memory_space<vmem>>[vector<16xi32>], vector<16xf32>,
      %mul3A_1841 = arith.mulf %gather3A_1840, %get3A_64 : vector<16xf32>
      %add3A_1842 = arith.addf %add3A_634, %mul3A_1841 : vector<16xf32>
      %mul3A_1843 = arith.mulf %gather3A_1840, %gather3A_69 : vector<16xf32>
      %add3A_1844 = arith.addf %add3A_636, %mul3A_1843 : vector<16xf32>
      %add3A_1845 = arith.constant 126 : i32
      %add3A_1846 = vector.broadcast %add3A_1845 : i32 to vector<16xi32>
      %add3A_1847 = arith.addi %shift_right_arithmetic3A_28, %add3A_1846 : vector<16xi32>
      %gather3A_1848 = tpu.vector_load_idx %arg5[%add3A_1847] : memref<408xf32, #tpu.memory_space<vmem>>[vector<16xi32>], vector<16xf32>,
      %mul3A_1849 = arith.mulf %gather3A_1848, %get3A_71 : vector<16xf32>
      %add3A_1850 = arith.addf %add3A_1842, %mul3A_1849 : vector<16xf32>
      %mul3A_1851 = arith.mulf %gather3A_1848, %gather3A_76 : vector<16xf32>
      %add3A_1852 = arith.addf %add3A_1844, %mul3A_1851 : vector<16xf32>
      %add3A_1853 = arith.constant 127 : i32
      %add3A_1854 = vector.broadcast %add3A_1853 : i32 to vector<16xi32>
      %add3A_1855 = arith.addi %shift_right_arithmetic3A_28, %add3A_1854 : vector<16xi32>
      %gather3A_1856 = tpu.vector_load_idx %arg5[%add3A_1855] : memref<408xf32, #tpu.memory_space<vmem>>[vector<16xi32>], vector<16xf32>,
      %mul3A_1857 = arith.mulf %gather3A_1856, %get3A_78 : vector<16xf32>
      %add3A_1858 = arith.addf %add3A_1850, %mul3A_1857 : vector<16xf32>
      %mul3A_1859 = arith.mulf %gather3A_1856, %gather3A_83 : vector<16xf32>
      %add3A_1860 = arith.addf %add3A_1852, %mul3A_1859 : vector<16xf32>
      %add3A_1861 = arith.constant 128 : i32
      %add3A_1862 = vector.broadcast %add3A_1861 : i32 to vector<16xi32>
      %add3A_1863 = arith.addi %shift_right_arithmetic3A_28, %add3A_1862 : vector<16xi32>
      %gather3A_1864 = tpu.vector_load_idx %arg5[%add3A_1863] : memref<408xf32, #tpu.memory_space<vmem>>[vector<16xi32>], vector<16xf32>,
      %mul3A_1865 = arith.mulf %gather3A_1864, %get3A_85 : vector<16xf32>
      %add3A_1866 = arith.addf %add3A_1858, %mul3A_1865 : vector<16xf32>
      %mul3A_1867 = arith.mulf %gather3A_1864, %gather3A_90 : vector<16xf32>
      %add3A_1868 = arith.addf %add3A_1860, %mul3A_1867 : vector<16xf32>
      %add3A_1869 = arith.constant 129 : i32
      %add3A_1870 = vector.broadcast %add3A_1869 : i32 to vector<16xi32>
      %add3A_1871 = arith.addi %shift_right_arithmetic3A_28, %add3A_1870 : vector<16xi32>
      %gather3A_1872 = tpu.vector_load_idx %arg5[%add3A_1871] : memref<408xf32, #tpu.memory_space<vmem>>[vector<16xi32>], vector<16xf32>,
      %mul3A_1873 = arith.mulf %gather3A_1872, %get3A_92 : vector<16xf32>
      %add3A_1874 = arith.addf %add3A_1866, %mul3A_1873 : vector<16xf32>
      %mul3A_1875 = arith.mulf %gather3A_1872, %gather3A_97 : vector<16xf32>
      %add3A_1876 = arith.addf %add3A_1868, %mul3A_1875 : vector<16xf32>
      %swap3A_1877 = arith.constant 26 : i32
      %swap3A_1878 = arith.index_cast %swap3A_1877 : i32 to index
      %swap3A_1879 = arith.constant 0 : index
      %swap3A_1880 = tpu.vector_load %arg9[%swap3A_1878, %swap3A_1879] {strides = array<i32>} : memref<28x32xf32, #tpu.memory_space<vmem>>, vector<16xf32>,
      tpu.vector_store %arg9[%swap3A_1878, %swap3A_1879], %add3A_1874 {strides = array<i32>} : memref<28x32xf32, #tpu.memory_space<vmem>>, vector<16xf32>,
      %swap3A_1881 = arith.constant 26 : i32
      %swap3A_1882 = arith.index_cast %swap3A_1881 : i32 to index
      %swap3A_1883 = arith.constant 16 : index
      %swap3A_1884 = tpu.vector_load %arg9[%swap3A_1882, %swap3A_1883] {strides = array<i32>} : memref<28x32xf32, #tpu.memory_space<vmem>>, vector<16xf32>,
      tpu.vector_store %arg9[%swap3A_1882, %swap3A_1883], %add3A_1876 {strides = array<i32>} : memref<28x32xf32, #tpu.memory_space<vmem>>, vector<16xf32>,
      %add3A_1885 = arith.constant 130 : i32
      %add3A_1886 = vector.broadcast %add3A_1885 : i32 to vector<16xi32>
      %add3A_1887 = arith.addi %shift_right_arithmetic3A_28, %add3A_1886 : vector<16xi32>
      %gather3A_1888 = tpu.vector_load_idx %arg5[%add3A_1887] : memref<408xf32, #tpu.memory_space<vmem>>[vector<16xi32>], vector<16xf32>,
      %mul3A_1889 = arith.mulf %gather3A_1888, %get3A_64 : vector<16xf32>
      %add3A_1890 = arith.addf %add3A_634, %mul3A_1889 : vector<16xf32>
      %mul3A_1891 = arith.mulf %gather3A_1888, %gather3A_69 : vector<16xf32>
      %add3A_1892 = arith.addf %add3A_636, %mul3A_1891 : vector<16xf32>
      %add3A_1893 = arith.constant 131 : i32
      %add3A_1894 = vector.broadcast %add3A_1893 : i32 to vector<16xi32>
      %add3A_1895 = arith.addi %shift_right_arithmetic3A_28, %add3A_1894 : vector<16xi32>
      %gather3A_1896 = tpu.vector_load_idx %arg5[%add3A_1895] : memref<408xf32, #tpu.memory_space<vmem>>[vector<16xi32>], vector<16xf32>,
      %mul3A_1897 = arith.mulf %gather3A_1896, %get3A_71 : vector<16xf32>
      %add3A_1898 = arith.addf %add3A_1890, %mul3A_1897 : vector<16xf32>
      %mul3A_1899 = arith.mulf %gather3A_1896, %gather3A_76 : vector<16xf32>
      %add3A_1900 = arith.addf %add3A_1892, %mul3A_1899 : vector<16xf32>
      %add3A_1901 = arith.constant 132 : i32
      %add3A_1902 = vector.broadcast %add3A_1901 : i32 to vector<16xi32>
      %add3A_1903 = arith.addi %shift_right_arithmetic3A_28, %add3A_1902 : vector<16xi32>
      %gather3A_1904 = tpu.vector_load_idx %arg5[%add3A_1903] : memref<408xf32, #tpu.memory_space<vmem>>[vector<16xi32>], vector<16xf32>,
      %mul3A_1905 = arith.mulf %gather3A_1904, %get3A_78 : vector<16xf32>
      %add3A_1906 = arith.addf %add3A_1898, %mul3A_1905 : vector<16xf32>
      %mul3A_1907 = arith.mulf %gather3A_1904, %gather3A_83 : vector<16xf32>
      %add3A_1908 = arith.addf %add3A_1900, %mul3A_1907 : vector<16xf32>
      %add3A_1909 = arith.constant 133 : i32
      %add3A_1910 = vector.broadcast %add3A_1909 : i32 to vector<16xi32>
      %add3A_1911 = arith.addi %shift_right_arithmetic3A_28, %add3A_1910 : vector<16xi32>
      %gather3A_1912 = tpu.vector_load_idx %arg5[%add3A_1911] : memref<408xf32, #tpu.memory_space<vmem>>[vector<16xi32>], vector<16xf32>,
      %mul3A_1913 = arith.mulf %gather3A_1912, %get3A_85 : vector<16xf32>
      %add3A_1914 = arith.addf %add3A_1906, %mul3A_1913 : vector<16xf32>
      %mul3A_1915 = arith.mulf %gather3A_1912, %gather3A_90 : vector<16xf32>
      %add3A_1916 = arith.addf %add3A_1908, %mul3A_1915 : vector<16xf32>
      %add3A_1917 = arith.constant 134 : i32
      %add3A_1918 = vector.broadcast %add3A_1917 : i32 to vector<16xi32>
      %add3A_1919 = arith.addi %shift_right_arithmetic3A_28, %add3A_1918 : vector<16xi32>
      %gather3A_1920 = tpu.vector_load_idx %arg5[%add3A_1919] : memref<408xf32, #tpu.memory_space<vmem>>[vector<16xi32>], vector<16xf32>,
      %mul3A_1921 = arith.mulf %gather3A_1920, %get3A_92 : vector<16xf32>
      %add3A_1922 = arith.addf %add3A_1914, %mul3A_1921 : vector<16xf32>
      %mul3A_1923 = arith.mulf %gather3A_1920, %gather3A_97 : vector<16xf32>
      %add3A_1924 = arith.addf %add3A_1916, %mul3A_1923 : vector<16xf32>
      %swap3A_1925 = arith.constant 27 : i32
      %swap3A_1926 = arith.index_cast %swap3A_1925 : i32 to index
      %swap3A_1927 = arith.constant 0 : index
      %swap3A_1928 = tpu.vector_load %arg9[%swap3A_1926, %swap3A_1927] {strides = array<i32>} : memref<28x32xf32, #tpu.memory_space<vmem>>, vector<16xf32>,
      tpu.vector_store %arg9[%swap3A_1926, %swap3A_1927], %add3A_1922 {strides = array<i32>} : memref<28x32xf32, #tpu.memory_space<vmem>>, vector<16xf32>,
      %swap3A_1929 = arith.constant 27 : i32
      %swap3A_1930 = arith.index_cast %swap3A_1929 : i32 to index
      %swap3A_1931 = arith.constant 16 : index
      %swap3A_1932 = tpu.vector_load %arg9[%swap3A_1930, %swap3A_1931] {strides = array<i32>} : memref<28x32xf32, #tpu.memory_space<vmem>>, vector<16xf32>,
      tpu.vector_store %arg9[%swap3A_1930, %swap3A_1931], %add3A_1924 {strides = array<i32>} : memref<28x32xf32, #tpu.memory_space<vmem>>, vector<16xf32>,
      %mul3A_1933 = arith.constant 27 : i32
      %mul3A_1934 = arith.muli %add3A_99, %mul3A_1933 : i32
      "tpu.region"() ({
        %run_scoped3A = tpu.sem_alloc : memref<!tpu.dma_semaphore, #tpu.memory_space<semaphore_mem>>
        %dma_start3A_1935 = arith.constant 1 : i32
        %dma_start3A_1936 = arith.constant 0 : i32
        %dma_start3A_1937 = tpu.memref_slice %arg9[%dma_start3A_1935, %dma_start3A_1936] : memref<28x32xf32, #tpu.memory_space<vmem>> -> memref<27x32xf32, #tpu.memory_space<vmem>>
        %dma_start3A_1938 = arith.constant 0 : i32
        %dma_start3A_1939 = tpu.memref_slice %arg11[%mul3A_1934, %dma_start3A_1938] : memref<736x32xf32, #tpu.memory_space<vmem_shared>> -> memref<27x32xf32, #tpu.memory_space<vmem_shared>>
        %dma_start3A_1940 = arith.constant 0 : i32
        %dma_start3A_1941 = tpu.memref_slice %arg11[%mul3A_1934, %dma_start3A_1940] : memref<736x32xf32, #tpu.memory_space<vmem_shared>> -> memref<27x32xf32, #tpu.memory_space<vmem_shared>>
        %dma_start3A_1942 = arith.constant 1 : i32
        %dma_start3A_1943 = arith.constant 0 : i32
        %dma_start3A_1944 = tpu.memref_slice %arg9[%dma_start3A_1942, %dma_start3A_1943] : memref<28x32xf32, #tpu.memory_space<vmem>> -> memref<27x32xf32, #tpu.memory_space<vmem>>
        tpu.enqueue_dma source(%dma_start3A_1944 : memref<27x32xf32, #tpu.memory_space<vmem>>) target(%dma_start3A_1941 : memref<27x32xf32, #tpu.memory_space<vmem_shared>>) target_semaphore(%run_scoped3A : memref<!tpu.dma_semaphore, #tpu.memory_space<semaphore_mem>>)
        %dma_wait3A_1945 = arith.constant 1 : i32
        %dma_wait3A_1946 = arith.constant 0 : i32
        %dma_wait3A_1947 = tpu.memref_slice %arg9[%dma_wait3A_1945, %dma_wait3A_1946] : memref<28x32xf32, #tpu.memory_space<vmem>> -> memref<27x32xf32, #tpu.memory_space<vmem>>
        %dma_wait3A_1948 = arith.constant 0 : i32
        %dma_wait3A_1949 = tpu.memref_slice %arg11[%mul3A_1934, %dma_wait3A_1948] : memref<736x32xf32, #tpu.memory_space<vmem_shared>> -> memref<27x32xf32, #tpu.memory_space<vmem_shared>>
        %dma_wait3A_1950 = arith.constant 0 : i32
        %dma_wait3A_1951 = tpu.memref_slice %arg11[%mul3A_1934, %dma_wait3A_1950] : memref<736x32xf32, #tpu.memory_space<vmem_shared>> -> memref<27x32xf32, #tpu.memory_space<vmem_shared>>
        %dma_wait3A_1952 = arith.constant 1 : i32
        %dma_wait3A_1953 = arith.constant 0 : i32
        %dma_wait3A_1954 = tpu.memref_slice %arg9[%dma_wait3A_1952, %dma_wait3A_1953] : memref<28x32xf32, #tpu.memory_space<vmem>> -> memref<27x32xf32, #tpu.memory_space<vmem>>
        tpu.wait_dma2 semaphore(%run_scoped3A : memref<!tpu.dma_semaphore, #tpu.memory_space<semaphore_mem>>) src(%dma_wait3A_1954 : memref<27x32xf32, #tpu.memory_space<vmem>>) dst(%dma_wait3A_1951 : memref<27x32xf32, #tpu.memory_space<vmem_shared>>)
        tpu.yield
      }) : () -> ()
    } else {
    }
    %get3A_108 = arith.constant 0 : index
    %get3A_109 = tpu.vector_load %arg6[%get3A_108] {strides = array<i32>} : memref<512xi32, #tpu.memory_space<vmem>>, vector<16xi32>,
    %mul3A_110 = arith.constant 27 : i32
    %mul3A_111 = vector.broadcast %mul3A_110 : i32 to vector<16xi32>
    %mul3A_112 = arith.muli %get3A_109, %mul3A_111 : vector<16xi32>
    %get3A_113 = arith.constant 0 : index
    %get3A_114 = tpu.vector_load %arg7[%get3A_113] {strides = array<i32>} : memref<512xi32, #tpu.memory_space<vmem>>, vector<16xi32>,
    %add3A_115 = arith.addi %mul3A_112, %get3A_114 : vector<16xi32>
    %swap3A = arith.constant 0 : index
    %swap3A_116 = tpu.vector_load %arg8[%swap3A] {strides = array<i32>} : memref<512xi32, #tpu.memory_space<vmem>>, vector<16xi32>,
    tpu.vector_store %arg8[%swap3A], %add3A_115 {strides = array<i32>} : memref<512xi32, #tpu.memory_space<vmem>>, vector<16xi32>,
    %get3A_117 = arith.constant 16 : index
    %get3A_118 = tpu.vector_load %arg6[%get3A_117] {strides = array<i32>} : memref<512xi32, #tpu.memory_space<vmem>>, vector<16xi32>,
    %mul3A_119 = arith.constant 27 : i32
    %mul3A_120 = vector.broadcast %mul3A_119 : i32 to vector<16xi32>
    %mul3A_121 = arith.muli %get3A_118, %mul3A_120 : vector<16xi32>
    %get3A_122 = arith.constant 16 : index
    %get3A_123 = tpu.vector_load %arg7[%get3A_122] {strides = array<i32>} : memref<512xi32, #tpu.memory_space<vmem>>, vector<16xi32>,
    %add3A_124 = arith.addi %mul3A_121, %get3A_123 : vector<16xi32>
    %swap3A_125 = arith.constant 16 : index
    %swap3A_126 = tpu.vector_load %arg8[%swap3A_125] {strides = array<i32>} : memref<512xi32, #tpu.memory_space<vmem>>, vector<16xi32>,
    tpu.vector_store %arg8[%swap3A_125], %add3A_124 {strides = array<i32>} : memref<512xi32, #tpu.memory_space<vmem>>, vector<16xi32>,
    %get3A_127 = arith.constant 32 : index
    %get3A_128 = tpu.vector_load %arg6[%get3A_127] {strides = array<i32>} : memref<512xi32, #tpu.memory_space<vmem>>, vector<16xi32>,
    %mul3A_129 = arith.constant 27 : i32
    %mul3A_130 = vector.broadcast %mul3A_129 : i32 to vector<16xi32>
    %mul3A_131 = arith.muli %get3A_128, %mul3A_130 : vector<16xi32>
    %get3A_132 = arith.constant 32 : index
    %get3A_133 = tpu.vector_load %arg7[%get3A_132] {strides = array<i32>} : memref<512xi32, #tpu.memory_space<vmem>>, vector<16xi32>,
    %add3A_134 = arith.addi %mul3A_131, %get3A_133 : vector<16xi32>
    %swap3A_135 = arith.constant 32 : index
    %swap3A_136 = tpu.vector_load %arg8[%swap3A_135] {strides = array<i32>} : memref<512xi32, #tpu.memory_space<vmem>>, vector<16xi32>,
    tpu.vector_store %arg8[%swap3A_135], %add3A_134 {strides = array<i32>} : memref<512xi32, #tpu.memory_space<vmem>>, vector<16xi32>,
    %get3A_137 = arith.constant 48 : index
    %get3A_138 = tpu.vector_load %arg6[%get3A_137] {strides = array<i32>} : memref<512xi32, #tpu.memory_space<vmem>>, vector<16xi32>,
    %mul3A_139 = arith.constant 27 : i32
    %mul3A_140 = vector.broadcast %mul3A_139 : i32 to vector<16xi32>
    %mul3A_141 = arith.muli %get3A_138, %mul3A_140 : vector<16xi32>
    %get3A_142 = arith.constant 48 : index
    %get3A_143 = tpu.vector_load %arg7[%get3A_142] {strides = array<i32>} : memref<512xi32, #tpu.memory_space<vmem>>, vector<16xi32>,
    %add3A_144 = arith.addi %mul3A_141, %get3A_143 : vector<16xi32>
    %swap3A_145 = arith.constant 48 : index
    %swap3A_146 = tpu.vector_load %arg8[%swap3A_145] {strides = array<i32>} : memref<512xi32, #tpu.memory_space<vmem>>, vector<16xi32>,
    tpu.vector_store %arg8[%swap3A_145], %add3A_144 {strides = array<i32>} : memref<512xi32, #tpu.memory_space<vmem>>, vector<16xi32>,
    %get3A_147 = arith.constant 64 : index
    %get3A_148 = tpu.vector_load %arg6[%get3A_147] {strides = array<i32>} : memref<512xi32, #tpu.memory_space<vmem>>, vector<16xi32>,
    %mul3A_149 = arith.constant 27 : i32
    %mul3A_150 = vector.broadcast %mul3A_149 : i32 to vector<16xi32>
    %mul3A_151 = arith.muli %get3A_148, %mul3A_150 : vector<16xi32>
    %get3A_152 = arith.constant 64 : index
    %get3A_153 = tpu.vector_load %arg7[%get3A_152] {strides = array<i32>} : memref<512xi32, #tpu.memory_space<vmem>>, vector<16xi32>,
    %add3A_154 = arith.addi %mul3A_151, %get3A_153 : vector<16xi32>
    %swap3A_155 = arith.constant 64 : index
    %swap3A_156 = tpu.vector_load %arg8[%swap3A_155] {strides = array<i32>} : memref<512xi32, #tpu.memory_space<vmem>>, vector<16xi32>,
    tpu.vector_store %arg8[%swap3A_155], %add3A_154 {strides = array<i32>} : memref<512xi32, #tpu.memory_space<vmem>>, vector<16xi32>,
    %get3A_157 = arith.constant 80 : index
    %get3A_158 = tpu.vector_load %arg6[%get3A_157] {strides = array<i32>} : memref<512xi32, #tpu.memory_space<vmem>>, vector<16xi32>,
    %mul3A_159 = arith.constant 27 : i32
    %mul3A_160 = vector.broadcast %mul3A_159 : i32 to vector<16xi32>
    %mul3A_161 = arith.muli %get3A_158, %mul3A_160 : vector<16xi32>
    %get3A_162 = arith.constant 80 : index
    %get3A_163 = tpu.vector_load %arg7[%get3A_162] {strides = array<i32>} : memref<512xi32, #tpu.memory_space<vmem>>, vector<16xi32>,
    %add3A_164 = arith.addi %mul3A_161, %get3A_163 : vector<16xi32>
    %swap3A_165 = arith.constant 80 : index
    %swap3A_166 = tpu.vector_load %arg8[%swap3A_165] {strides = array<i32>} : memref<512xi32, #tpu.memory_space<vmem>>, vector<16xi32>,
    tpu.vector_store %arg8[%swap3A_165], %add3A_164 {strides = array<i32>} : memref<512xi32, #tpu.memory_space<vmem>>, vector<16xi32>,
    %get3A_167 = arith.constant 96 : index
    %get3A_168 = tpu.vector_load %arg6[%get3A_167] {strides = array<i32>} : memref<512xi32, #tpu.memory_space<vmem>>, vector<16xi32>,
    %mul3A_169 = arith.constant 27 : i32
    %mul3A_170 = vector.broadcast %mul3A_169 : i32 to vector<16xi32>
    %mul3A_171 = arith.muli %get3A_168, %mul3A_170 : vector<16xi32>
    %get3A_172 = arith.constant 96 : index
    %get3A_173 = tpu.vector_load %arg7[%get3A_172] {strides = array<i32>} : memref<512xi32, #tpu.memory_space<vmem>>, vector<16xi32>,
    %add3A_174 = arith.addi %mul3A_171, %get3A_173 : vector<16xi32>
    %swap3A_175 = arith.constant 96 : index
    %swap3A_176 = tpu.vector_load %arg8[%swap3A_175] {strides = array<i32>} : memref<512xi32, #tpu.memory_space<vmem>>, vector<16xi32>,
    tpu.vector_store %arg8[%swap3A_175], %add3A_174 {strides = array<i32>} : memref<512xi32, #tpu.memory_space<vmem>>, vector<16xi32>,
    %get3A_177 = arith.constant 112 : index
    %get3A_178 = tpu.vector_load %arg6[%get3A_177] {strides = array<i32>} : memref<512xi32, #tpu.memory_space<vmem>>, vector<16xi32>,
    %mul3A_179 = arith.constant 27 : i32
    %mul3A_180 = vector.broadcast %mul3A_179 : i32 to vector<16xi32>
    %mul3A_181 = arith.muli %get3A_178, %mul3A_180 : vector<16xi32>
    %get3A_182 = arith.constant 112 : index
    %get3A_183 = tpu.vector_load %arg7[%get3A_182] {strides = array<i32>} : memref<512xi32, #tpu.memory_space<vmem>>, vector<16xi32>,
    %add3A_184 = arith.addi %mul3A_181, %get3A_183 : vector<16xi32>
    %swap3A_185 = arith.constant 112 : index
    %swap3A_186 = tpu.vector_load %arg8[%swap3A_185] {strides = array<i32>} : memref<512xi32, #tpu.memory_space<vmem>>, vector<16xi32>,
    tpu.vector_store %arg8[%swap3A_185], %add3A_184 {strides = array<i32>} : memref<512xi32, #tpu.memory_space<vmem>>, vector<16xi32>,
    %get3A_187 = arith.constant 128 : index
    %get3A_188 = tpu.vector_load %arg6[%get3A_187] {strides = array<i32>} : memref<512xi32, #tpu.memory_space<vmem>>, vector<16xi32>,
    %mul3A_189 = arith.constant 27 : i32
    %mul3A_190 = vector.broadcast %mul3A_189 : i32 to vector<16xi32>
    %mul3A_191 = arith.muli %get3A_188, %mul3A_190 : vector<16xi32>
    %get3A_192 = arith.constant 128 : index
    %get3A_193 = tpu.vector_load %arg7[%get3A_192] {strides = array<i32>} : memref<512xi32, #tpu.memory_space<vmem>>, vector<16xi32>,
    %add3A_194 = arith.addi %mul3A_191, %get3A_193 : vector<16xi32>
    %swap3A_195 = arith.constant 128 : index
    %swap3A_196 = tpu.vector_load %arg8[%swap3A_195] {strides = array<i32>} : memref<512xi32, #tpu.memory_space<vmem>>, vector<16xi32>,
    tpu.vector_store %arg8[%swap3A_195], %add3A_194 {strides = array<i32>} : memref<512xi32, #tpu.memory_space<vmem>>, vector<16xi32>,
    %get3A_197 = arith.constant 144 : index
    %get3A_198 = tpu.vector_load %arg6[%get3A_197] {strides = array<i32>} : memref<512xi32, #tpu.memory_space<vmem>>, vector<16xi32>,
    %mul3A_199 = arith.constant 27 : i32
    %mul3A_200 = vector.broadcast %mul3A_199 : i32 to vector<16xi32>
    %mul3A_201 = arith.muli %get3A_198, %mul3A_200 : vector<16xi32>
    %get3A_202 = arith.constant 144 : index
    %get3A_203 = tpu.vector_load %arg7[%get3A_202] {strides = array<i32>} : memref<512xi32, #tpu.memory_space<vmem>>, vector<16xi32>,
    %add3A_204 = arith.addi %mul3A_201, %get3A_203 : vector<16xi32>
    %swap3A_205 = arith.constant 144 : index
    %swap3A_206 = tpu.vector_load %arg8[%swap3A_205] {strides = array<i32>} : memref<512xi32, #tpu.memory_space<vmem>>, vector<16xi32>,
    tpu.vector_store %arg8[%swap3A_205], %add3A_204 {strides = array<i32>} : memref<512xi32, #tpu.memory_space<vmem>>, vector<16xi32>,
    %get3A_207 = arith.constant 160 : index
    %get3A_208 = tpu.vector_load %arg6[%get3A_207] {strides = array<i32>} : memref<512xi32, #tpu.memory_space<vmem>>, vector<16xi32>,
    %mul3A_209 = arith.constant 27 : i32
    %mul3A_210 = vector.broadcast %mul3A_209 : i32 to vector<16xi32>
    %mul3A_211 = arith.muli %get3A_208, %mul3A_210 : vector<16xi32>
    %get3A_212 = arith.constant 160 : index
    %get3A_213 = tpu.vector_load %arg7[%get3A_212] {strides = array<i32>} : memref<512xi32, #tpu.memory_space<vmem>>, vector<16xi32>,
    %add3A_214 = arith.addi %mul3A_211, %get3A_213 : vector<16xi32>
    %swap3A_215 = arith.constant 160 : index
    %swap3A_216 = tpu.vector_load %arg8[%swap3A_215] {strides = array<i32>} : memref<512xi32, #tpu.memory_space<vmem>>, vector<16xi32>,
    tpu.vector_store %arg8[%swap3A_215], %add3A_214 {strides = array<i32>} : memref<512xi32, #tpu.memory_space<vmem>>, vector<16xi32>,
    %get3A_217 = arith.constant 176 : index
    %get3A_218 = tpu.vector_load %arg6[%get3A_217] {strides = array<i32>} : memref<512xi32, #tpu.memory_space<vmem>>, vector<16xi32>,
    %mul3A_219 = arith.constant 27 : i32
    %mul3A_220 = vector.broadcast %mul3A_219 : i32 to vector<16xi32>
    %mul3A_221 = arith.muli %get3A_218, %mul3A_220 : vector<16xi32>
    %get3A_222 = arith.constant 176 : index
    %get3A_223 = tpu.vector_load %arg7[%get3A_222] {strides = array<i32>} : memref<512xi32, #tpu.memory_space<vmem>>, vector<16xi32>,
    %add3A_224 = arith.addi %mul3A_221, %get3A_223 : vector<16xi32>
    %swap3A_225 = arith.constant 176 : index
    %swap3A_226 = tpu.vector_load %arg8[%swap3A_225] {strides = array<i32>} : memref<512xi32, #tpu.memory_space<vmem>>, vector<16xi32>,
    tpu.vector_store %arg8[%swap3A_225], %add3A_224 {strides = array<i32>} : memref<512xi32, #tpu.memory_space<vmem>>, vector<16xi32>,
    %get3A_227 = arith.constant 192 : index
    %get3A_228 = tpu.vector_load %arg6[%get3A_227] {strides = array<i32>} : memref<512xi32, #tpu.memory_space<vmem>>, vector<16xi32>,
    %mul3A_229 = arith.constant 27 : i32
    %mul3A_230 = vector.broadcast %mul3A_229 : i32 to vector<16xi32>
    %mul3A_231 = arith.muli %get3A_228, %mul3A_230 : vector<16xi32>
    %get3A_232 = arith.constant 192 : index
    %get3A_233 = tpu.vector_load %arg7[%get3A_232] {strides = array<i32>} : memref<512xi32, #tpu.memory_space<vmem>>, vector<16xi32>,
    %add3A_234 = arith.addi %mul3A_231, %get3A_233 : vector<16xi32>
    %swap3A_235 = arith.constant 192 : index
    %swap3A_236 = tpu.vector_load %arg8[%swap3A_235] {strides = array<i32>} : memref<512xi32, #tpu.memory_space<vmem>>, vector<16xi32>,
    tpu.vector_store %arg8[%swap3A_235], %add3A_234 {strides = array<i32>} : memref<512xi32, #tpu.memory_space<vmem>>, vector<16xi32>,
    %get3A_237 = arith.constant 208 : index
    %get3A_238 = tpu.vector_load %arg6[%get3A_237] {strides = array<i32>} : memref<512xi32, #tpu.memory_space<vmem>>, vector<16xi32>,
    %mul3A_239 = arith.constant 27 : i32
    %mul3A_240 = vector.broadcast %mul3A_239 : i32 to vector<16xi32>
    %mul3A_241 = arith.muli %get3A_238, %mul3A_240 : vector<16xi32>
    %get3A_242 = arith.constant 208 : index
    %get3A_243 = tpu.vector_load %arg7[%get3A_242] {strides = array<i32>} : memref<512xi32, #tpu.memory_space<vmem>>, vector<16xi32>,
    %add3A_244 = arith.addi %mul3A_241, %get3A_243 : vector<16xi32>
    %swap3A_245 = arith.constant 208 : index
    %swap3A_246 = tpu.vector_load %arg8[%swap3A_245] {strides = array<i32>} : memref<512xi32, #tpu.memory_space<vmem>>, vector<16xi32>,
    tpu.vector_store %arg8[%swap3A_245], %add3A_244 {strides = array<i32>} : memref<512xi32, #tpu.memory_space<vmem>>, vector<16xi32>,
    %get3A_247 = arith.constant 224 : index
    %get3A_248 = tpu.vector_load %arg6[%get3A_247] {strides = array<i32>} : memref<512xi32, #tpu.memory_space<vmem>>, vector<16xi32>,
    %mul3A_249 = arith.constant 27 : i32
    %mul3A_250 = vector.broadcast %mul3A_249 : i32 to vector<16xi32>
    %mul3A_251 = arith.muli %get3A_248, %mul3A_250 : vector<16xi32>
    %get3A_252 = arith.constant 224 : index
    %get3A_253 = tpu.vector_load %arg7[%get3A_252] {strides = array<i32>} : memref<512xi32, #tpu.memory_space<vmem>>, vector<16xi32>,
    %add3A_254 = arith.addi %mul3A_251, %get3A_253 : vector<16xi32>
    %swap3A_255 = arith.constant 224 : index
    %swap3A_256 = tpu.vector_load %arg8[%swap3A_255] {strides = array<i32>} : memref<512xi32, #tpu.memory_space<vmem>>, vector<16xi32>,
    tpu.vector_store %arg8[%swap3A_255], %add3A_254 {strides = array<i32>} : memref<512xi32, #tpu.memory_space<vmem>>, vector<16xi32>,
    %get3A_257 = arith.constant 240 : index
    %get3A_258 = tpu.vector_load %arg6[%get3A_257] {strides = array<i32>} : memref<512xi32, #tpu.memory_space<vmem>>, vector<16xi32>,
    %mul3A_259 = arith.constant 27 : i32
    %mul3A_260 = vector.broadcast %mul3A_259 : i32 to vector<16xi32>
    %mul3A_261 = arith.muli %get3A_258, %mul3A_260 : vector<16xi32>
    %get3A_262 = arith.constant 240 : index
    %get3A_263 = tpu.vector_load %arg7[%get3A_262] {strides = array<i32>} : memref<512xi32, #tpu.memory_space<vmem>>, vector<16xi32>,
    %add3A_264 = arith.addi %mul3A_261, %get3A_263 : vector<16xi32>
    %swap3A_265 = arith.constant 240 : index
    %swap3A_266 = tpu.vector_load %arg8[%swap3A_265] {strides = array<i32>} : memref<512xi32, #tpu.memory_space<vmem>>, vector<16xi32>,
    tpu.vector_store %arg8[%swap3A_265], %add3A_264 {strides = array<i32>} : memref<512xi32, #tpu.memory_space<vmem>>, vector<16xi32>,
    %get3A_267 = arith.constant 256 : index
    %get3A_268 = tpu.vector_load %arg6[%get3A_267] {strides = array<i32>} : memref<512xi32, #tpu.memory_space<vmem>>, vector<16xi32>,
    %mul3A_269 = arith.constant 27 : i32
    %mul3A_270 = vector.broadcast %mul3A_269 : i32 to vector<16xi32>
    %mul3A_271 = arith.muli %get3A_268, %mul3A_270 : vector<16xi32>
    %get3A_272 = arith.constant 256 : index
    %get3A_273 = tpu.vector_load %arg7[%get3A_272] {strides = array<i32>} : memref<512xi32, #tpu.memory_space<vmem>>, vector<16xi32>,
    %add3A_274 = arith.addi %mul3A_271, %get3A_273 : vector<16xi32>
    %swap3A_275 = arith.constant 256 : index
    %swap3A_276 = tpu.vector_load %arg8[%swap3A_275] {strides = array<i32>} : memref<512xi32, #tpu.memory_space<vmem>>, vector<16xi32>,
    tpu.vector_store %arg8[%swap3A_275], %add3A_274 {strides = array<i32>} : memref<512xi32, #tpu.memory_space<vmem>>, vector<16xi32>,
    %get3A_277 = arith.constant 272 : index
    %get3A_278 = tpu.vector_load %arg6[%get3A_277] {strides = array<i32>} : memref<512xi32, #tpu.memory_space<vmem>>, vector<16xi32>,
    %mul3A_279 = arith.constant 27 : i32
    %mul3A_280 = vector.broadcast %mul3A_279 : i32 to vector<16xi32>
    %mul3A_281 = arith.muli %get3A_278, %mul3A_280 : vector<16xi32>
    %get3A_282 = arith.constant 272 : index
    %get3A_283 = tpu.vector_load %arg7[%get3A_282] {strides = array<i32>} : memref<512xi32, #tpu.memory_space<vmem>>, vector<16xi32>,
    %add3A_284 = arith.addi %mul3A_281, %get3A_283 : vector<16xi32>
    %swap3A_285 = arith.constant 272 : index
    %swap3A_286 = tpu.vector_load %arg8[%swap3A_285] {strides = array<i32>} : memref<512xi32, #tpu.memory_space<vmem>>, vector<16xi32>,
    tpu.vector_store %arg8[%swap3A_285], %add3A_284 {strides = array<i32>} : memref<512xi32, #tpu.memory_space<vmem>>, vector<16xi32>,
    %get3A_287 = arith.constant 288 : index
    %get3A_288 = tpu.vector_load %arg6[%get3A_287] {strides = array<i32>} : memref<512xi32, #tpu.memory_space<vmem>>, vector<16xi32>,
    %mul3A_289 = arith.constant 27 : i32
    %mul3A_290 = vector.broadcast %mul3A_289 : i32 to vector<16xi32>
    %mul3A_291 = arith.muli %get3A_288, %mul3A_290 : vector<16xi32>
    %get3A_292 = arith.constant 288 : index
    %get3A_293 = tpu.vector_load %arg7[%get3A_292] {strides = array<i32>} : memref<512xi32, #tpu.memory_space<vmem>>, vector<16xi32>,
    %add3A_294 = arith.addi %mul3A_291, %get3A_293 : vector<16xi32>
    %swap3A_295 = arith.constant 288 : index
    %swap3A_296 = tpu.vector_load %arg8[%swap3A_295] {strides = array<i32>} : memref<512xi32, #tpu.memory_space<vmem>>, vector<16xi32>,
    tpu.vector_store %arg8[%swap3A_295], %add3A_294 {strides = array<i32>} : memref<512xi32, #tpu.memory_space<vmem>>, vector<16xi32>,
    %get3A_297 = arith.constant 304 : index
    %get3A_298 = tpu.vector_load %arg6[%get3A_297] {strides = array<i32>} : memref<512xi32, #tpu.memory_space<vmem>>, vector<16xi32>,
    %mul3A_299 = arith.constant 27 : i32
    %mul3A_300 = vector.broadcast %mul3A_299 : i32 to vector<16xi32>
    %mul3A_301 = arith.muli %get3A_298, %mul3A_300 : vector<16xi32>
    %get3A_302 = arith.constant 304 : index
    %get3A_303 = tpu.vector_load %arg7[%get3A_302] {strides = array<i32>} : memref<512xi32, #tpu.memory_space<vmem>>, vector<16xi32>,
    %add3A_304 = arith.addi %mul3A_301, %get3A_303 : vector<16xi32>
    %swap3A_305 = arith.constant 304 : index
    %swap3A_306 = tpu.vector_load %arg8[%swap3A_305] {strides = array<i32>} : memref<512xi32, #tpu.memory_space<vmem>>, vector<16xi32>,
    tpu.vector_store %arg8[%swap3A_305], %add3A_304 {strides = array<i32>} : memref<512xi32, #tpu.memory_space<vmem>>, vector<16xi32>,
    %get3A_307 = arith.constant 320 : index
    %get3A_308 = tpu.vector_load %arg6[%get3A_307] {strides = array<i32>} : memref<512xi32, #tpu.memory_space<vmem>>, vector<16xi32>,
    %mul3A_309 = arith.constant 27 : i32
    %mul3A_310 = vector.broadcast %mul3A_309 : i32 to vector<16xi32>
    %mul3A_311 = arith.muli %get3A_308, %mul3A_310 : vector<16xi32>
    %get3A_312 = arith.constant 320 : index
    %get3A_313 = tpu.vector_load %arg7[%get3A_312] {strides = array<i32>} : memref<512xi32, #tpu.memory_space<vmem>>, vector<16xi32>,
    %add3A_314 = arith.addi %mul3A_311, %get3A_313 : vector<16xi32>
    %swap3A_315 = arith.constant 320 : index
    %swap3A_316 = tpu.vector_load %arg8[%swap3A_315] {strides = array<i32>} : memref<512xi32, #tpu.memory_space<vmem>>, vector<16xi32>,
    tpu.vector_store %arg8[%swap3A_315], %add3A_314 {strides = array<i32>} : memref<512xi32, #tpu.memory_space<vmem>>, vector<16xi32>,
    %get3A_317 = arith.constant 336 : index
    %get3A_318 = tpu.vector_load %arg6[%get3A_317] {strides = array<i32>} : memref<512xi32, #tpu.memory_space<vmem>>, vector<16xi32>,
    %mul3A_319 = arith.constant 27 : i32
    %mul3A_320 = vector.broadcast %mul3A_319 : i32 to vector<16xi32>
    %mul3A_321 = arith.muli %get3A_318, %mul3A_320 : vector<16xi32>
    %get3A_322 = arith.constant 336 : index
    %get3A_323 = tpu.vector_load %arg7[%get3A_322] {strides = array<i32>} : memref<512xi32, #tpu.memory_space<vmem>>, vector<16xi32>,
    %add3A_324 = arith.addi %mul3A_321, %get3A_323 : vector<16xi32>
    %swap3A_325 = arith.constant 336 : index
    %swap3A_326 = tpu.vector_load %arg8[%swap3A_325] {strides = array<i32>} : memref<512xi32, #tpu.memory_space<vmem>>, vector<16xi32>,
    tpu.vector_store %arg8[%swap3A_325], %add3A_324 {strides = array<i32>} : memref<512xi32, #tpu.memory_space<vmem>>, vector<16xi32>,
    %get3A_327 = arith.constant 352 : index
    %get3A_328 = tpu.vector_load %arg6[%get3A_327] {strides = array<i32>} : memref<512xi32, #tpu.memory_space<vmem>>, vector<16xi32>,
    %mul3A_329 = arith.constant 27 : i32
    %mul3A_330 = vector.broadcast %mul3A_329 : i32 to vector<16xi32>
    %mul3A_331 = arith.muli %get3A_328, %mul3A_330 : vector<16xi32>
    %get3A_332 = arith.constant 352 : index
    %get3A_333 = tpu.vector_load %arg7[%get3A_332] {strides = array<i32>} : memref<512xi32, #tpu.memory_space<vmem>>, vector<16xi32>,
    %add3A_334 = arith.addi %mul3A_331, %get3A_333 : vector<16xi32>
    %swap3A_335 = arith.constant 352 : index
    %swap3A_336 = tpu.vector_load %arg8[%swap3A_335] {strides = array<i32>} : memref<512xi32, #tpu.memory_space<vmem>>, vector<16xi32>,
    tpu.vector_store %arg8[%swap3A_335], %add3A_334 {strides = array<i32>} : memref<512xi32, #tpu.memory_space<vmem>>, vector<16xi32>,
    %get3A_337 = arith.constant 368 : index
    %get3A_338 = tpu.vector_load %arg6[%get3A_337] {strides = array<i32>} : memref<512xi32, #tpu.memory_space<vmem>>, vector<16xi32>,
    %mul3A_339 = arith.constant 27 : i32
    %mul3A_340 = vector.broadcast %mul3A_339 : i32 to vector<16xi32>
    %mul3A_341 = arith.muli %get3A_338, %mul3A_340 : vector<16xi32>
    %get3A_342 = arith.constant 368 : index
    %get3A_343 = tpu.vector_load %arg7[%get3A_342] {strides = array<i32>} : memref<512xi32, #tpu.memory_space<vmem>>, vector<16xi32>,
    %add3A_344 = arith.addi %mul3A_341, %get3A_343 : vector<16xi32>
    %swap3A_345 = arith.constant 368 : index
    %swap3A_346 = tpu.vector_load %arg8[%swap3A_345] {strides = array<i32>} : memref<512xi32, #tpu.memory_space<vmem>>, vector<16xi32>,
    tpu.vector_store %arg8[%swap3A_345], %add3A_344 {strides = array<i32>} : memref<512xi32, #tpu.memory_space<vmem>>, vector<16xi32>,
    %get3A_347 = arith.constant 384 : index
    %get3A_348 = tpu.vector_load %arg6[%get3A_347] {strides = array<i32>} : memref<512xi32, #tpu.memory_space<vmem>>, vector<16xi32>,
    %mul3A_349 = arith.constant 27 : i32
    %mul3A_350 = vector.broadcast %mul3A_349 : i32 to vector<16xi32>
    %mul3A_351 = arith.muli %get3A_348, %mul3A_350 : vector<16xi32>
    %get3A_352 = arith.constant 384 : index
    %get3A_353 = tpu.vector_load %arg7[%get3A_352] {strides = array<i32>} : memref<512xi32, #tpu.memory_space<vmem>>, vector<16xi32>,
    %add3A_354 = arith.addi %mul3A_351, %get3A_353 : vector<16xi32>
    %swap3A_355 = arith.constant 384 : index
    %swap3A_356 = tpu.vector_load %arg8[%swap3A_355] {strides = array<i32>} : memref<512xi32, #tpu.memory_space<vmem>>, vector<16xi32>,
    tpu.vector_store %arg8[%swap3A_355], %add3A_354 {strides = array<i32>} : memref<512xi32, #tpu.memory_space<vmem>>, vector<16xi32>,
    %get3A_357 = arith.constant 400 : index
    %get3A_358 = tpu.vector_load %arg6[%get3A_357] {strides = array<i32>} : memref<512xi32, #tpu.memory_space<vmem>>, vector<16xi32>,
    %mul3A_359 = arith.constant 27 : i32
    %mul3A_360 = vector.broadcast %mul3A_359 : i32 to vector<16xi32>
    %mul3A_361 = arith.muli %get3A_358, %mul3A_360 : vector<16xi32>
    %get3A_362 = arith.constant 400 : index
    %get3A_363 = tpu.vector_load %arg7[%get3A_362] {strides = array<i32>} : memref<512xi32, #tpu.memory_space<vmem>>, vector<16xi32>,
    %add3A_364 = arith.addi %mul3A_361, %get3A_363 : vector<16xi32>
    %swap3A_365 = arith.constant 400 : index
    %swap3A_366 = tpu.vector_load %arg8[%swap3A_365] {strides = array<i32>} : memref<512xi32, #tpu.memory_space<vmem>>, vector<16xi32>,
    tpu.vector_store %arg8[%swap3A_365], %add3A_364 {strides = array<i32>} : memref<512xi32, #tpu.memory_space<vmem>>, vector<16xi32>,
    %get3A_367 = arith.constant 416 : index
    %get3A_368 = tpu.vector_load %arg6[%get3A_367] {strides = array<i32>} : memref<512xi32, #tpu.memory_space<vmem>>, vector<16xi32>,
    %mul3A_369 = arith.constant 27 : i32
    %mul3A_370 = vector.broadcast %mul3A_369 : i32 to vector<16xi32>
    %mul3A_371 = arith.muli %get3A_368, %mul3A_370 : vector<16xi32>
    %get3A_372 = arith.constant 416 : index
    %get3A_373 = tpu.vector_load %arg7[%get3A_372] {strides = array<i32>} : memref<512xi32, #tpu.memory_space<vmem>>, vector<16xi32>,
    %add3A_374 = arith.addi %mul3A_371, %get3A_373 : vector<16xi32>
    %swap3A_375 = arith.constant 416 : index
    %swap3A_376 = tpu.vector_load %arg8[%swap3A_375] {strides = array<i32>} : memref<512xi32, #tpu.memory_space<vmem>>, vector<16xi32>,
    tpu.vector_store %arg8[%swap3A_375], %add3A_374 {strides = array<i32>} : memref<512xi32, #tpu.memory_space<vmem>>, vector<16xi32>,
    %get3A_377 = arith.constant 432 : index
    %get3A_378 = tpu.vector_load %arg6[%get3A_377] {strides = array<i32>} : memref<512xi32, #tpu.memory_space<vmem>>, vector<16xi32>,
    %mul3A_379 = arith.constant 27 : i32
    %mul3A_380 = vector.broadcast %mul3A_379 : i32 to vector<16xi32>
    %mul3A_381 = arith.muli %get3A_378, %mul3A_380 : vector<16xi32>
    %get3A_382 = arith.constant 432 : index
    %get3A_383 = tpu.vector_load %arg7[%get3A_382] {strides = array<i32>} : memref<512xi32, #tpu.memory_space<vmem>>, vector<16xi32>,
    %add3A_384 = arith.addi %mul3A_381, %get3A_383 : vector<16xi32>
    %swap3A_385 = arith.constant 432 : index
    %swap3A_386 = tpu.vector_load %arg8[%swap3A_385] {strides = array<i32>} : memref<512xi32, #tpu.memory_space<vmem>>, vector<16xi32>,
    tpu.vector_store %arg8[%swap3A_385], %add3A_384 {strides = array<i32>} : memref<512xi32, #tpu.memory_space<vmem>>, vector<16xi32>,
    %get3A_387 = arith.constant 448 : index
    %get3A_388 = tpu.vector_load %arg6[%get3A_387] {strides = array<i32>} : memref<512xi32, #tpu.memory_space<vmem>>, vector<16xi32>,
    %mul3A_389 = arith.constant 27 : i32
    %mul3A_390 = vector.broadcast %mul3A_389 : i32 to vector<16xi32>
    %mul3A_391 = arith.muli %get3A_388, %mul3A_390 : vector<16xi32>
    %get3A_392 = arith.constant 448 : index
    %get3A_393 = tpu.vector_load %arg7[%get3A_392] {strides = array<i32>} : memref<512xi32, #tpu.memory_space<vmem>>, vector<16xi32>,
    %add3A_394 = arith.addi %mul3A_391, %get3A_393 : vector<16xi32>
    %swap3A_395 = arith.constant 448 : index
    %swap3A_396 = tpu.vector_load %arg8[%swap3A_395] {strides = array<i32>} : memref<512xi32, #tpu.memory_space<vmem>>, vector<16xi32>,
    tpu.vector_store %arg8[%swap3A_395], %add3A_394 {strides = array<i32>} : memref<512xi32, #tpu.memory_space<vmem>>, vector<16xi32>,
    %get3A_397 = arith.constant 464 : index
    %get3A_398 = tpu.vector_load %arg6[%get3A_397] {strides = array<i32>} : memref<512xi32, #tpu.memory_space<vmem>>, vector<16xi32>,
    %mul3A_399 = arith.constant 27 : i32
    %mul3A_400 = vector.broadcast %mul3A_399 : i32 to vector<16xi32>
    %mul3A_401 = arith.muli %get3A_398, %mul3A_400 : vector<16xi32>
    %get3A_402 = arith.constant 464 : index
    %get3A_403 = tpu.vector_load %arg7[%get3A_402] {strides = array<i32>} : memref<512xi32, #tpu.memory_space<vmem>>, vector<16xi32>,
    %add3A_404 = arith.addi %mul3A_401, %get3A_403 : vector<16xi32>
    %swap3A_405 = arith.constant 464 : index
    %swap3A_406 = tpu.vector_load %arg8[%swap3A_405] {strides = array<i32>} : memref<512xi32, #tpu.memory_space<vmem>>, vector<16xi32>,
    tpu.vector_store %arg8[%swap3A_405], %add3A_404 {strides = array<i32>} : memref<512xi32, #tpu.memory_space<vmem>>, vector<16xi32>,
    %get3A_407 = arith.constant 480 : index
    %get3A_408 = tpu.vector_load %arg6[%get3A_407] {strides = array<i32>} : memref<512xi32, #tpu.memory_space<vmem>>, vector<16xi32>,
    %mul3A_409 = arith.constant 27 : i32
    %mul3A_410 = vector.broadcast %mul3A_409 : i32 to vector<16xi32>
    %mul3A_411 = arith.muli %get3A_408, %mul3A_410 : vector<16xi32>
    %get3A_412 = arith.constant 480 : index
    %get3A_413 = tpu.vector_load %arg7[%get3A_412] {strides = array<i32>} : memref<512xi32, #tpu.memory_space<vmem>>, vector<16xi32>,
    %add3A_414 = arith.addi %mul3A_411, %get3A_413 : vector<16xi32>
    %swap3A_415 = arith.constant 480 : index
    %swap3A_416 = tpu.vector_load %arg8[%swap3A_415] {strides = array<i32>} : memref<512xi32, #tpu.memory_space<vmem>>, vector<16xi32>,
    tpu.vector_store %arg8[%swap3A_415], %add3A_414 {strides = array<i32>} : memref<512xi32, #tpu.memory_space<vmem>>, vector<16xi32>,
    %get3A_417 = arith.constant 496 : index
    %get3A_418 = tpu.vector_load %arg6[%get3A_417] {strides = array<i32>} : memref<512xi32, #tpu.memory_space<vmem>>, vector<16xi32>,
    %mul3A_419 = arith.constant 27 : i32
    %mul3A_420 = vector.broadcast %mul3A_419 : i32 to vector<16xi32>
    %mul3A_421 = arith.muli %get3A_418, %mul3A_420 : vector<16xi32>
    %get3A_422 = arith.constant 496 : index
    %get3A_423 = tpu.vector_load %arg7[%get3A_422] {strides = array<i32>} : memref<512xi32, #tpu.memory_space<vmem>>, vector<16xi32>,
    %add3A_424 = arith.addi %mul3A_421, %get3A_423 : vector<16xi32>
    %swap3A_425 = arith.constant 496 : index
    %swap3A_426 = tpu.vector_load %arg8[%swap3A_425] {strides = array<i32>} : memref<512xi32, #tpu.memory_space<vmem>>, vector<16xi32>,
    tpu.vector_store %arg8[%swap3A_425], %add3A_424 {strides = array<i32>} : memref<512xi32, #tpu.memory_space<vmem>>, vector<16xi32>,
    %barrier3A = arith.constant 0 : index
    tpu.barrier barrier_id(%barrier3A)
    %dma_start3A_427 = arith.constant 0 : i32
    %dma_start3A_428 = arith.constant 0 : i32
    %dma_start3A_429 = tpu.memref_slice %arg10[%dma_start3A_427, %dma_start3A_428] : memref<512x32xf32, #tpu.memory_space<vmem>> -> memref<128x32xf32, #tpu.memory_space<vmem>>
    %dma_start3A_430 = arith.constant 0 : i32
    %dma_start3A_431 = tpu.memref_slice %arg8[%dma_start3A_430] : memref<512xi32, #tpu.memory_space<vmem>> -> memref<128xi32, #tpu.memory_space<vmem>>
    %dma_start3A_432 = arith.constant 0 : i32
    %dma_start3A_433 = arith.constant 0 : i32
    %dma_start3A_434 = tpu.memref_slice %arg11[%dma_start3A_432, %dma_start3A_433] : memref<736x32xf32, #tpu.memory_space<vmem_shared>> -> memref<736x32xf32, #tpu.memory_space<vmem_shared>>
    tpu.enqueue_indirect_dma source(%dma_start3A_434 : memref<736x32xf32, #tpu.memory_space<vmem_shared>>) target(%dma_start3A_429 : memref<128x32xf32, #tpu.memory_space<vmem>>) offsets(%dma_start3A_431 : memref<128xi32, #tpu.memory_space<vmem>>) semaphore(%arg12 : memref<!tpu.dma_semaphore, #tpu.memory_space<semaphore_mem>>)
    %dma_start3A_435 = arith.constant 128 : i32
    %dma_start3A_436 = arith.constant 0 : i32
    %dma_start3A_437 = tpu.memref_slice %arg10[%dma_start3A_435, %dma_start3A_436] : memref<512x32xf32, #tpu.memory_space<vmem>> -> memref<128x32xf32, #tpu.memory_space<vmem>>
    %dma_start3A_438 = arith.constant 128 : i32
    %dma_start3A_439 = tpu.memref_slice %arg8[%dma_start3A_438] : memref<512xi32, #tpu.memory_space<vmem>> -> memref<128xi32, #tpu.memory_space<vmem>>
    %dma_start3A_440 = arith.constant 0 : i32
    %dma_start3A_441 = arith.constant 0 : i32
    %dma_start3A_442 = tpu.memref_slice %arg11[%dma_start3A_440, %dma_start3A_441] : memref<736x32xf32, #tpu.memory_space<vmem_shared>> -> memref<736x32xf32, #tpu.memory_space<vmem_shared>>
    tpu.enqueue_indirect_dma source(%dma_start3A_442 : memref<736x32xf32, #tpu.memory_space<vmem_shared>>) target(%dma_start3A_437 : memref<128x32xf32, #tpu.memory_space<vmem>>) offsets(%dma_start3A_439 : memref<128xi32, #tpu.memory_space<vmem>>) semaphore(%arg12 : memref<!tpu.dma_semaphore, #tpu.memory_space<semaphore_mem>>)
    %dma_start3A_443 = arith.constant 256 : i32
    %dma_start3A_444 = arith.constant 0 : i32
    %dma_start3A_445 = tpu.memref_slice %arg10[%dma_start3A_443, %dma_start3A_444] : memref<512x32xf32, #tpu.memory_space<vmem>> -> memref<128x32xf32, #tpu.memory_space<vmem>>
    %dma_start3A_446 = arith.constant 256 : i32
    %dma_start3A_447 = tpu.memref_slice %arg8[%dma_start3A_446] : memref<512xi32, #tpu.memory_space<vmem>> -> memref<128xi32, #tpu.memory_space<vmem>>
    %dma_start3A_448 = arith.constant 0 : i32
    %dma_start3A_449 = arith.constant 0 : i32
    %dma_start3A_450 = tpu.memref_slice %arg11[%dma_start3A_448, %dma_start3A_449] : memref<736x32xf32, #tpu.memory_space<vmem_shared>> -> memref<736x32xf32, #tpu.memory_space<vmem_shared>>
    tpu.enqueue_indirect_dma source(%dma_start3A_450 : memref<736x32xf32, #tpu.memory_space<vmem_shared>>) target(%dma_start3A_445 : memref<128x32xf32, #tpu.memory_space<vmem>>) offsets(%dma_start3A_447 : memref<128xi32, #tpu.memory_space<vmem>>) semaphore(%arg12 : memref<!tpu.dma_semaphore, #tpu.memory_space<semaphore_mem>>)
    %dma_start3A_451 = arith.constant 384 : i32
    %dma_start3A_452 = arith.constant 0 : i32
    %dma_start3A_453 = tpu.memref_slice %arg10[%dma_start3A_451, %dma_start3A_452] : memref<512x32xf32, #tpu.memory_space<vmem>> -> memref<128x32xf32, #tpu.memory_space<vmem>>
    %dma_start3A_454 = arith.constant 384 : i32
    %dma_start3A_455 = tpu.memref_slice %arg8[%dma_start3A_454] : memref<512xi32, #tpu.memory_space<vmem>> -> memref<128xi32, #tpu.memory_space<vmem>>
    %dma_start3A_456 = arith.constant 0 : i32
    %dma_start3A_457 = arith.constant 0 : i32
    %dma_start3A_458 = tpu.memref_slice %arg11[%dma_start3A_456, %dma_start3A_457] : memref<736x32xf32, #tpu.memory_space<vmem_shared>> -> memref<736x32xf32, #tpu.memory_space<vmem_shared>>
    tpu.enqueue_indirect_dma source(%dma_start3A_458 : memref<736x32xf32, #tpu.memory_space<vmem_shared>>) target(%dma_start3A_453 : memref<128x32xf32, #tpu.memory_space<vmem>>) offsets(%dma_start3A_455 : memref<128xi32, #tpu.memory_space<vmem>>) semaphore(%arg12 : memref<!tpu.dma_semaphore, #tpu.memory_space<semaphore_mem>>)
    %dma_wait3A_459 = arith.constant 0 : i32
    %dma_wait3A_460 = arith.constant 0 : i32
    %dma_wait3A_461 = tpu.memref_slice %arg10[%dma_wait3A_459, %dma_wait3A_460] : memref<512x32xf32, #tpu.memory_space<vmem>> -> memref<128x32xf32, #tpu.memory_space<vmem>>
    %dma_wait3A_462 = arith.constant 0 : i32
    %dma_wait3A_463 = tpu.memref_slice %arg8[%dma_wait3A_462] : memref<512xi32, #tpu.memory_space<vmem>> -> memref<128xi32, #tpu.memory_space<vmem>>
    %dma_wait3A_464 = arith.constant 0 : i32
    %dma_wait3A_465 = arith.constant 0 : i32
    %dma_wait3A_466 = tpu.memref_slice %arg11[%dma_wait3A_464, %dma_wait3A_465] : memref<736x32xf32, #tpu.memory_space<vmem_shared>> -> memref<736x32xf32, #tpu.memory_space<vmem_shared>>
    tpu.wait_indirect_dma semaphore(%arg12 : memref<!tpu.dma_semaphore, #tpu.memory_space<semaphore_mem>>) src(%dma_wait3A_466 : memref<736x32xf32, #tpu.memory_space<vmem_shared>>) dst(%dma_wait3A_461 : memref<128x32xf32, #tpu.memory_space<vmem>>)
    %add3A_467 = arith.constant 0 : i32
    %add3A_468 = arith.addi %mul3A_2, %add3A_467 : i32
    %dma_start3A_469 = arith.constant 0 : i32
    %dma_start3A_470 = arith.constant 0 : i32
    %dma_start3A_471 = tpu.memref_slice %arg10[%dma_start3A_469, %dma_start3A_470] : memref<512x32xf32, #tpu.memory_space<vmem>> -> memref<128x32xf32, #tpu.memory_space<vmem>>
    %dma_start3A_472 = arith.constant 0 : i32
    %dma_start3A_473 = tpu.memref_slice %arg4[%add3A_468, %dma_start3A_472] : memref<16384x32xf32, #tpu.memory_space<hbm>> -> memref<128x32xf32, #tpu.memory_space<hbm>>
    %dma_start3A_474 = arith.constant 0 : i32
    %dma_start3A_475 = tpu.memref_slice %arg4[%add3A_468, %dma_start3A_474] : memref<16384x32xf32, #tpu.memory_space<hbm>> -> memref<128x32xf32, #tpu.memory_space<hbm>>
    %dma_start3A_476 = arith.constant 0 : i32
    %dma_start3A_477 = arith.constant 0 : i32
    %dma_start3A_478 = tpu.memref_slice %arg10[%dma_start3A_476, %dma_start3A_477] : memref<512x32xf32, #tpu.memory_space<vmem>> -> memref<128x32xf32, #tpu.memory_space<vmem>>
    tpu.enqueue_dma source(%dma_start3A_478 : memref<128x32xf32, #tpu.memory_space<vmem>>) target(%dma_start3A_475 : memref<128x32xf32, #tpu.memory_space<hbm>>) target_semaphore(%arg13 : memref<!tpu.dma_semaphore, #tpu.memory_space<semaphore_mem>>)
    %dma_wait3A_479 = arith.constant 128 : i32
    %dma_wait3A_480 = arith.constant 0 : i32
    %dma_wait3A_481 = tpu.memref_slice %arg10[%dma_wait3A_479, %dma_wait3A_480] : memref<512x32xf32, #tpu.memory_space<vmem>> -> memref<128x32xf32, #tpu.memory_space<vmem>>
    %dma_wait3A_482 = arith.constant 128 : i32
    %dma_wait3A_483 = tpu.memref_slice %arg8[%dma_wait3A_482] : memref<512xi32, #tpu.memory_space<vmem>> -> memref<128xi32, #tpu.memory_space<vmem>>
    %dma_wait3A_484 = arith.constant 0 : i32
    %dma_wait3A_485 = arith.constant 0 : i32
    %dma_wait3A_486 = tpu.memref_slice %arg11[%dma_wait3A_484, %dma_wait3A_485] : memref<736x32xf32, #tpu.memory_space<vmem_shared>> -> memref<736x32xf32, #tpu.memory_space<vmem_shared>>
    tpu.wait_indirect_dma semaphore(%arg12 : memref<!tpu.dma_semaphore, #tpu.memory_space<semaphore_mem>>) src(%dma_wait3A_486 : memref<736x32xf32, #tpu.memory_space<vmem_shared>>) dst(%dma_wait3A_481 : memref<128x32xf32, #tpu.memory_space<vmem>>)
    %add3A_487 = arith.constant 128 : i32
    %add3A_488 = arith.addi %mul3A_2, %add3A_487 : i32
    %dma_start3A_489 = arith.constant 128 : i32
    %dma_start3A_490 = arith.constant 0 : i32
    %dma_start3A_491 = tpu.memref_slice %arg10[%dma_start3A_489, %dma_start3A_490] : memref<512x32xf32, #tpu.memory_space<vmem>> -> memref<128x32xf32, #tpu.memory_space<vmem>>
    %dma_start3A_492 = arith.constant 0 : i32
    %dma_start3A_493 = tpu.memref_slice %arg4[%add3A_488, %dma_start3A_492] : memref<16384x32xf32, #tpu.memory_space<hbm>> -> memref<128x32xf32, #tpu.memory_space<hbm>>
    %dma_start3A_494 = arith.constant 0 : i32
    %dma_start3A_495 = tpu.memref_slice %arg4[%add3A_488, %dma_start3A_494] : memref<16384x32xf32, #tpu.memory_space<hbm>> -> memref<128x32xf32, #tpu.memory_space<hbm>>
    %dma_start3A_496 = arith.constant 128 : i32
    %dma_start3A_497 = arith.constant 0 : i32
    %dma_start3A_498 = tpu.memref_slice %arg10[%dma_start3A_496, %dma_start3A_497] : memref<512x32xf32, #tpu.memory_space<vmem>> -> memref<128x32xf32, #tpu.memory_space<vmem>>
    tpu.enqueue_dma source(%dma_start3A_498 : memref<128x32xf32, #tpu.memory_space<vmem>>) target(%dma_start3A_495 : memref<128x32xf32, #tpu.memory_space<hbm>>) target_semaphore(%arg13 : memref<!tpu.dma_semaphore, #tpu.memory_space<semaphore_mem>>)
    %dma_wait3A_499 = arith.constant 256 : i32
    %dma_wait3A_500 = arith.constant 0 : i32
    %dma_wait3A_501 = tpu.memref_slice %arg10[%dma_wait3A_499, %dma_wait3A_500] : memref<512x32xf32, #tpu.memory_space<vmem>> -> memref<128x32xf32, #tpu.memory_space<vmem>>
    %dma_wait3A_502 = arith.constant 256 : i32
    %dma_wait3A_503 = tpu.memref_slice %arg8[%dma_wait3A_502] : memref<512xi32, #tpu.memory_space<vmem>> -> memref<128xi32, #tpu.memory_space<vmem>>
    %dma_wait3A_504 = arith.constant 0 : i32
    %dma_wait3A_505 = arith.constant 0 : i32
    %dma_wait3A_506 = tpu.memref_slice %arg11[%dma_wait3A_504, %dma_wait3A_505] : memref<736x32xf32, #tpu.memory_space<vmem_shared>> -> memref<736x32xf32, #tpu.memory_space<vmem_shared>>
    tpu.wait_indirect_dma semaphore(%arg12 : memref<!tpu.dma_semaphore, #tpu.memory_space<semaphore_mem>>) src(%dma_wait3A_506 : memref<736x32xf32, #tpu.memory_space<vmem_shared>>) dst(%dma_wait3A_501 : memref<128x32xf32, #tpu.memory_space<vmem>>)
    %add3A_507 = arith.constant 256 : i32
    %add3A_508 = arith.addi %mul3A_2, %add3A_507 : i32
    %dma_start3A_509 = arith.constant 256 : i32
    %dma_start3A_510 = arith.constant 0 : i32
    %dma_start3A_511 = tpu.memref_slice %arg10[%dma_start3A_509, %dma_start3A_510] : memref<512x32xf32, #tpu.memory_space<vmem>> -> memref<128x32xf32, #tpu.memory_space<vmem>>
    %dma_start3A_512 = arith.constant 0 : i32
    %dma_start3A_513 = tpu.memref_slice %arg4[%add3A_508, %dma_start3A_512] : memref<16384x32xf32, #tpu.memory_space<hbm>> -> memref<128x32xf32, #tpu.memory_space<hbm>>
    %dma_start3A_514 = arith.constant 0 : i32
    %dma_start3A_515 = tpu.memref_slice %arg4[%add3A_508, %dma_start3A_514] : memref<16384x32xf32, #tpu.memory_space<hbm>> -> memref<128x32xf32, #tpu.memory_space<hbm>>
    %dma_start3A_516 = arith.constant 256 : i32
    %dma_start3A_517 = arith.constant 0 : i32
    %dma_start3A_518 = tpu.memref_slice %arg10[%dma_start3A_516, %dma_start3A_517] : memref<512x32xf32, #tpu.memory_space<vmem>> -> memref<128x32xf32, #tpu.memory_space<vmem>>
    tpu.enqueue_dma source(%dma_start3A_518 : memref<128x32xf32, #tpu.memory_space<vmem>>) target(%dma_start3A_515 : memref<128x32xf32, #tpu.memory_space<hbm>>) target_semaphore(%arg13 : memref<!tpu.dma_semaphore, #tpu.memory_space<semaphore_mem>>)
    %dma_wait3A_519 = arith.constant 384 : i32
    %dma_wait3A_520 = arith.constant 0 : i32
    %dma_wait3A_521 = tpu.memref_slice %arg10[%dma_wait3A_519, %dma_wait3A_520] : memref<512x32xf32, #tpu.memory_space<vmem>> -> memref<128x32xf32, #tpu.memory_space<vmem>>
    %dma_wait3A_522 = arith.constant 384 : i32
    %dma_wait3A_523 = tpu.memref_slice %arg8[%dma_wait3A_522] : memref<512xi32, #tpu.memory_space<vmem>> -> memref<128xi32, #tpu.memory_space<vmem>>
    %dma_wait3A_524 = arith.constant 0 : i32
    %dma_wait3A_525 = arith.constant 0 : i32
    %dma_wait3A_526 = tpu.memref_slice %arg11[%dma_wait3A_524, %dma_wait3A_525] : memref<736x32xf32, #tpu.memory_space<vmem_shared>> -> memref<736x32xf32, #tpu.memory_space<vmem_shared>>
    tpu.wait_indirect_dma semaphore(%arg12 : memref<!tpu.dma_semaphore, #tpu.memory_space<semaphore_mem>>) src(%dma_wait3A_526 : memref<736x32xf32, #tpu.memory_space<vmem_shared>>) dst(%dma_wait3A_521 : memref<128x32xf32, #tpu.memory_space<vmem>>)
    %add3A_527 = arith.constant 384 : i32
    %add3A_528 = arith.addi %mul3A_2, %add3A_527 : i32
    %dma_start3A_529 = arith.constant 384 : i32
    %dma_start3A_530 = arith.constant 0 : i32
    %dma_start3A_531 = tpu.memref_slice %arg10[%dma_start3A_529, %dma_start3A_530] : memref<512x32xf32, #tpu.memory_space<vmem>> -> memref<128x32xf32, #tpu.memory_space<vmem>>
    %dma_start3A_532 = arith.constant 0 : i32
    %dma_start3A_533 = tpu.memref_slice %arg4[%add3A_528, %dma_start3A_532] : memref<16384x32xf32, #tpu.memory_space<hbm>> -> memref<128x32xf32, #tpu.memory_space<hbm>>
    %dma_start3A_534 = arith.constant 0 : i32
    %dma_start3A_535 = tpu.memref_slice %arg4[%add3A_528, %dma_start3A_534] : memref<16384x32xf32, #tpu.memory_space<hbm>> -> memref<128x32xf32, #tpu.memory_space<hbm>>
    %dma_start3A_536 = arith.constant 384 : i32
    %dma_start3A_537 = arith.constant 0 : i32
    %dma_start3A_538 = tpu.memref_slice %arg10[%dma_start3A_536, %dma_start3A_537] : memref<512x32xf32, #tpu.memory_space<vmem>> -> memref<128x32xf32, #tpu.memory_space<vmem>>
    tpu.enqueue_dma source(%dma_start3A_538 : memref<128x32xf32, #tpu.memory_space<vmem>>) target(%dma_start3A_535 : memref<128x32xf32, #tpu.memory_space<hbm>>) target_semaphore(%arg13 : memref<!tpu.dma_semaphore, #tpu.memory_space<semaphore_mem>>)
    %dma_wait3A_539 = arith.constant 0 : i32
    %dma_wait3A_540 = arith.constant 0 : i32
    %dma_wait3A_541 = tpu.memref_slice %arg10[%dma_wait3A_539, %dma_wait3A_540] : memref<512x32xf32, #tpu.memory_space<vmem>> -> memref<128x32xf32, #tpu.memory_space<vmem>>
    %dma_wait3A_542 = arith.constant 0 : i32
    %dma_wait3A_543 = tpu.memref_slice %arg4[%add3A_468, %dma_wait3A_542] : memref<16384x32xf32, #tpu.memory_space<hbm>> -> memref<128x32xf32, #tpu.memory_space<hbm>>
    %dma_wait3A_544 = arith.constant 0 : i32
    %dma_wait3A_545 = tpu.memref_slice %arg4[%add3A_468, %dma_wait3A_544] : memref<16384x32xf32, #tpu.memory_space<hbm>> -> memref<128x32xf32, #tpu.memory_space<hbm>>
    %dma_wait3A_546 = arith.constant 0 : i32
    %dma_wait3A_547 = arith.constant 0 : i32
    %dma_wait3A_548 = tpu.memref_slice %arg10[%dma_wait3A_546, %dma_wait3A_547] : memref<512x32xf32, #tpu.memory_space<vmem>> -> memref<128x32xf32, #tpu.memory_space<vmem>>
    tpu.wait_dma2 semaphore(%arg13 : memref<!tpu.dma_semaphore, #tpu.memory_space<semaphore_mem>>) src(%dma_wait3A_548 : memref<128x32xf32, #tpu.memory_space<vmem>>) dst(%dma_wait3A_545 : memref<128x32xf32, #tpu.memory_space<hbm>>)
    %dma_wait3A_549 = arith.constant 128 : i32
    %dma_wait3A_550 = arith.constant 0 : i32
    %dma_wait3A_551 = tpu.memref_slice %arg10[%dma_wait3A_549, %dma_wait3A_550] : memref<512x32xf32, #tpu.memory_space<vmem>> -> memref<128x32xf32, #tpu.memory_space<vmem>>
    %dma_wait3A_552 = arith.constant 0 : i32
    %dma_wait3A_553 = tpu.memref_slice %arg4[%add3A_488, %dma_wait3A_552] : memref<16384x32xf32, #tpu.memory_space<hbm>> -> memref<128x32xf32, #tpu.memory_space<hbm>>
    %dma_wait3A_554 = arith.constant 0 : i32
    %dma_wait3A_555 = tpu.memref_slice %arg4[%add3A_488, %dma_wait3A_554] : memref<16384x32xf32, #tpu.memory_space<hbm>> -> memref<128x32xf32, #tpu.memory_space<hbm>>
    %dma_wait3A_556 = arith.constant 128 : i32
    %dma_wait3A_557 = arith.constant 0 : i32
    %dma_wait3A_558 = tpu.memref_slice %arg10[%dma_wait3A_556, %dma_wait3A_557] : memref<512x32xf32, #tpu.memory_space<vmem>> -> memref<128x32xf32, #tpu.memory_space<vmem>>
    tpu.wait_dma2 semaphore(%arg13 : memref<!tpu.dma_semaphore, #tpu.memory_space<semaphore_mem>>) src(%dma_wait3A_558 : memref<128x32xf32, #tpu.memory_space<vmem>>) dst(%dma_wait3A_555 : memref<128x32xf32, #tpu.memory_space<hbm>>)
    %dma_wait3A_559 = arith.constant 256 : i32
    %dma_wait3A_560 = arith.constant 0 : i32
    %dma_wait3A_561 = tpu.memref_slice %arg10[%dma_wait3A_559, %dma_wait3A_560] : memref<512x32xf32, #tpu.memory_space<vmem>> -> memref<128x32xf32, #tpu.memory_space<vmem>>
    %dma_wait3A_562 = arith.constant 0 : i32
    %dma_wait3A_563 = tpu.memref_slice %arg4[%add3A_508, %dma_wait3A_562] : memref<16384x32xf32, #tpu.memory_space<hbm>> -> memref<128x32xf32, #tpu.memory_space<hbm>>
    %dma_wait3A_564 = arith.constant 0 : i32
    %dma_wait3A_565 = tpu.memref_slice %arg4[%add3A_508, %dma_wait3A_564] : memref<16384x32xf32, #tpu.memory_space<hbm>> -> memref<128x32xf32, #tpu.memory_space<hbm>>
    %dma_wait3A_566 = arith.constant 256 : i32
    %dma_wait3A_567 = arith.constant 0 : i32
    %dma_wait3A_568 = tpu.memref_slice %arg10[%dma_wait3A_566, %dma_wait3A_567] : memref<512x32xf32, #tpu.memory_space<vmem>> -> memref<128x32xf32, #tpu.memory_space<vmem>>
    tpu.wait_dma2 semaphore(%arg13 : memref<!tpu.dma_semaphore, #tpu.memory_space<semaphore_mem>>) src(%dma_wait3A_568 : memref<128x32xf32, #tpu.memory_space<vmem>>) dst(%dma_wait3A_565 : memref<128x32xf32, #tpu.memory_space<hbm>>)
    %dma_wait3A_569 = arith.constant 384 : i32
    %dma_wait3A_570 = arith.constant 0 : i32
    %dma_wait3A_571 = tpu.memref_slice %arg10[%dma_wait3A_569, %dma_wait3A_570] : memref<512x32xf32, #tpu.memory_space<vmem>> -> memref<128x32xf32, #tpu.memory_space<vmem>>
    %dma_wait3A_572 = arith.constant 0 : i32
    %dma_wait3A_573 = tpu.memref_slice %arg4[%add3A_528, %dma_wait3A_572] : memref<16384x32xf32, #tpu.memory_space<hbm>> -> memref<128x32xf32, #tpu.memory_space<hbm>>
    %dma_wait3A_574 = arith.constant 0 : i32
    %dma_wait3A_575 = tpu.memref_slice %arg4[%add3A_528, %dma_wait3A_574] : memref<16384x32xf32, #tpu.memory_space<hbm>> -> memref<128x32xf32, #tpu.memory_space<hbm>>
    %dma_wait3A_576 = arith.constant 384 : i32
    %dma_wait3A_577 = arith.constant 0 : i32
    %dma_wait3A_578 = tpu.memref_slice %arg10[%dma_wait3A_576, %dma_wait3A_577] : memref<512x32xf32, #tpu.memory_space<vmem>> -> memref<128x32xf32, #tpu.memory_space<vmem>>
    tpu.wait_dma2 semaphore(%arg13 : memref<!tpu.dma_semaphore, #tpu.memory_space<semaphore_mem>>) src(%dma_wait3A_578 : memref<128x32xf32, #tpu.memory_space<vmem>>) dst(%dma_wait3A_575 : memref<128x32xf32, #tpu.memory_space<hbm>>)
    return
  }
}

</mosaic_0001>

<sc_bundles>
// kernel: kernel.3.cloned.1.call-start
scs
__scs_entry_jumppad:
0x0: {  	(pc) =	sbr.rel $0x88, $3  }
0x1: {  	(tag) =	ssettag $0x0;
	lr =	simm.s32 $0x1  }
0x2: {  	[smem:$0x3F9E] =	sst lr;
	_ =	strace $0xD0000000  }
0x3: {  	_ = 	snop  }
0x4: {  	_ = 	snop  }
0x5: {  	_ = 	snop  }
0x6: {  	_ = 	snop  }
0x7: {  	_ = 	snop  }
__scs_overlays_trampoline_lowered:
0x8: {  	[smem:$0x3FAD] =	sst s0  }
0x9: {  	[smem:$0x3FAE] =	sst s1  }
0xa: {  	[smem:$0x3FAF] =	sst s2  }
0xb: {  	[smem:$0x3FB0] =	sst s3  }
0xc: {  	[smem:$0x3FB1] =	sst s4  }
0xd: {  	[smem:$0x3FB2] =	sst s5  }
0xe: {  	[smem:$0x3FB3] =	sst s6  }
0xf: {  	[smem:$0x3FB4] =	sst s7  }
0x10: {  	[smem:$0x3FB5] =	sst s8  }
0x11: {  	[smem:$0x3FB6] =	sst s9;
	s0 =	simm.s32 @!p0 $0x0  }
0x12: {  	s1 =	sld [smem:$0x3F9C];
	s0 =	simm.s32 @p0 $0x1  }
0x13: {  	[smem:$0x3FB7] =	sst s0;
	s0 =	simm.s32 @!p1 $0x0  }
0x14: {  	s2 =	sld [smem:$0x3F9B];
	s0 =	simm.s32 @p1 $0x1  }
0x15: {  	[smem:$0x3FB8] =	sst s0;
	s0 =	simm.s32 @!p2 $0x0  }
0x16: {  	s3 =	sld [smem:$0x3FDB];
	s0 =	simm.s32 @p2 $0x1  }
0x17: {  	s4 =	simm.s32 $0x1BF5;
	[smem:$0x3FBA] =	sst s0  }
0x18: {  	s0 =	sld [smem:$0x3F9D];
	_ =	swait.ge [sflag:s4], $0x0  }
0x19: {  	s7 =	sld [smem:$0x3F9E]  }
0x1a: {  	s8 =	sadd.s32 $0xFFFFE003, lr  }
0x1b: {  	s9 =	sadd.s32 $0xFFFFFEF7, lr;
	s5 =	simm.s32 $0xFFFFFFFF;
	p2 =	slt.u32 s8, $0xFFFFF086  }
0x1c: {  	p1 =	slt.u32 s9, $0xF7A;
	s5 =	simm.s32 @!p2 $0x0  }
0x1d: {  	s5 =	simm.s32 @p1 $0x1;
	p0 =	seq.s32 s7, s2  }
0x1e: {  	s7 =	smul.u32 @!p0 $0xF7A, s2;
	p2 =	seq.s32 @!p0 s5, $0x0  }
0x1f: {  	s9 =	smul.u32 $0xF7A, s1;
	s8 =	simm.s32 @!p0 $0x1BF5;
	p2 =	por !p2, p0  }
0x20: {  	[sflag:s8] =	ssyncset.s32 @!p0 $0xFFFFF086;
	s6 =	sadd.s32 @!p0 s3, s7;
	s7 =	simm.s32 @!p0 $0x108  }
0x21: {  	s3 =	sadd.s32 s3, s9;
	s6 =	sadd.s32 @!p0 $0x88, s6;
	s7 =	simm.s32 @p2 $0x1082  }
0x22: {  	[simem:s7], [sflag:s8] =	dma.local @!p0 [hbm:s6], $0xF7A  }
0x23: {  	s9 =	sor.u32 $0xD0000000, s2;
	s6 =	simm.s32 $0x108;
	_ =	swait.ge @!p0 [sflag:s8], $0x0  }
0x24: {  	s3 =	sadd.s32 $0x88, s3;
	s6 =	simm.s32 @!p1 $0x1082;
	[sflag:s4] =	ssyncset.s32 $0xFFFFF086  }
0x25: {  	[simem:s6], [sflag:s4] =	dma.local [hbm:s3], $0xF7A  }
0x26: {  	[smem:$0x3F9E] =	sst s1;
	(tag) =	ssettag s2;
	_ =	strace s9  }
0x27: {  	s1 =	sld [smem:$0x3FAE]  }
0x28: {  	s2 =	sld [smem:$0x3FAF]  }
0x29: {  	s4 =	sld [smem:$0x3FB1]  }
0x2a: {  	p0 =	seq.s32 s5, $0x0;
	s5 =	sld [smem:$0x3FB2]  }
0x2b: {  	s6 =	sld [smem:$0x3FB3]  }
0x2c: {  	s7 =	sld [smem:$0x3FB4]  }
0x2d: {  	s3 =	simm.s32 $0x108;
	s8 =	sld [smem:$0x3FB5]  }
0x2e: {  	s3 =	simm.s32 @!p0 $0x1082;
	s9 =	sld [smem:$0x3FB6]  }
0x2f: {  	lr =	sadd.s32 s0, s3;
	s0 =	sld [smem:$0x3FAD]  }
0x30: {  	s3 =	sld [smem:$0x3FB0]  }
0x31: {  	[smem:$0x3FB9] =	sst s10  }
0x32: {  	s10 =	sld [smem:$0x3FB7];
	_ =	sdelay $0x3  }
0x33: {  	p0 =	seq.s32 s10, $0x1;
	s10 =	sld [smem:$0x3FB9];
	_ =	sdelay $0x3  }
0x34: {  	[smem:$0x3FB9] =	sst s10  }
0x35: {  	s10 =	sld [smem:$0x3FB8];
	_ =	sdelay $0x3  }
0x36: {  	p1 =	seq.s32 s10, $0x1;
	s10 =	sld [smem:$0x3FB9];
	_ =	sdelay $0x3  }
0x37: {  	[smem:$0x3FB9] =	sst s10  }
0x38: {  	s10 =	sld [smem:$0x3FBA]  }
0x39: {  	_ = 	snop;
	(pc) =	sbr.ind lr, $3  }
0x3a: {  	_ = 	snop  }
0x3b: {  	_ = 	snop  }
0x3c: {  	p2 =	seq.s32 s10, $0x1;
	s10 =	sld [smem:$0x3FB9]  }
0x3d: {  	_ =	shalt  }
0x3e: {  	_ =	shalt  }
0x3f: {  	_ =	shalt  }
0x40: {  	_ =	shalt  }
0x41: {  	_ =	shalt  }
0x42: {  	_ =	shalt  }
0x43: {  	_ =	shalt  }
0x44: {  	_ =	shalt  }
0x45: {  	_ =	shalt  }
0x46: {  	_ =	shalt  }
0x47: {  	_ =	shalt  }
0x48: {  	_ =	shalt  }
0x49: {  	_ =	shalt  }
0x4a: {  	_ =	shalt  }
0x4b: {  	_ =	shalt  }
0x4c: {  	_ =	shalt  }
0x4d: {  	_ =	shalt  }
0x4e: {  	_ =	shalt  }
0x4f: {  	_ =	shalt  }
0x50: {  	_ =	shalt  }
0x51: {  	_ =	shalt  }
0x52: {  	_ =	shalt  }
0x53: {  	_ =	shalt  }
0x54: {  	_ =	shalt  }
0x55: {  	_ =	shalt  }
0x56: {  	_ =	shalt  }
0x57: {  	_ =	shalt  }
0x58: {  	_ =	shalt  }
0x59: {  	_ =	shalt  }
0x5a: {  	_ =	shalt  }
0x5b: {  	_ =	shalt  }
0x5c: {  	_ =	shalt  }
0x5d: {  	_ =	shalt  }
0x5e: {  	_ =	shalt  }
0x5f: {  	_ =	shalt  }
0x60: {  	_ =	shalt  }
0x61: {  	_ =	shalt  }
0x62: {  	_ =	shalt  }
0x63: {  	_ =	shalt  }
0x64: {  	_ =	shalt  }
0x65: {  	_ =	shalt  }
0x66: {  	_ =	shalt  }
0x67: {  	_ =	shalt  }
0x68: {  	_ =	shalt  }
0x69: {  	_ =	shalt  }
0x6a: {  	_ =	shalt  }
0x6b: {  	_ =	shalt  }
0x6c: {  	_ =	shalt  }
0x6d: {  	_ =	shalt  }
0x6e: {  	_ =	shalt  }
0x6f: {  	_ =	shalt  }
0x70: {  	_ =	shalt  }
0x71: {  	_ =	shalt  }
0x72: {  	_ =	shalt  }
0x73: {  	_ =	shalt  }
0x74: {  	_ =	shalt  }
0x75: {  	_ =	shalt  }
0x76: {  	_ =	shalt  }
0x77: {  	_ =	shalt  }
0x78: {  	_ =	shalt  }
0x79: {  	_ =	shalt  }
0x7a: {  	_ =	shalt  }
0x7b: {  	_ =	shalt  }
0x7c: {  	_ =	shalt  }
0x7d: {  	_ =	shalt  }
0x7e: {  	_ =	shalt  }
0x7f: {  	_ =	shalt  }
0x80: {  	_ =	shalt  }
0x81: {  	_ =	shalt  }
0x82: {  	_ =	shalt  }
0x83: {  	_ =	shalt  }
0x84: {  	_ =	shalt  }
0x85: {  	_ =	shalt  }
0x86: {  	_ =	shalt  }
0x87: {  	_ =	shalt  }
.Lfunc_end0:
.L_simem_size_0:
called_computation_lowered:
.L_overlay_start_0:
0x88: {  	s2 =	sld [smem:$0x3FD9]  }
0x89: {  	s3 =	sld [smem:$0x3FFE];
	_ =	sdelay $0x1  }
0x8a: {  	s1 =	srdreg.scid  }
0x8b: {  	s0 =	sand.u32 $0x1, s1  }
0x8c: {  	s17 =	sshll.u32 s0, $0xA;
	s2 =	sadd.s32 s3, s2  }
0x8d: {  	s2 =	sadd.s32 s2, s17  }
0x8e: {  	[smem:$0x3FC5] =	sst s2  }
0x8f: {  	_ = 	snop  }
0x90: {  	s2 =	sld [smem:$0x3FD0];
	(tm) =	ssettm $0x1  }
0x91: {  	s18 =	sld [smem:$0x3FFB];
	_ =	sdelay $0x3  }
0x92: {  	_ =	strace s18  }
0x93: {  	s3 =	sld [smem:$0x3FFC];
	_ =	sdelay $0x3  }
0x94: {  	_ =	strace s3  }
0x95: {  	s3 =	sld [smem:$0x3FFD];
	_ =	sdelay $0x3  }
0x96: {  	_ =	strace s3  }
0x97: {  	_ =	strace $0x8FFFFFFF  }
0x98: {  	s19 =	sld [smem:$0x3FDB];
	_ =	sdelay $0x1  }
0x99: {  	s4 =	simm.s32 $_scs_section_size  }
0x9a: {  	s5 =	simm.s32 $_size__tile_overlayer_lowered;
	s6 =	simm.s32 $_tile_overlayer_lowered  }
0x9b: {  	s22 =	simm.s32 $0x1BFF;
	s21 =	sshll.u32 s6, $0x1;
	s3 =	sadd.s32 s4, s19  }
0x9c: {  	s7 =	simm.s32 $0x0;
	s20 =	sshll.u32 s5, $0x1;
	s5 =	sadd.s32 s21, s3  }
0x9d: {  	[timem:s7], [sflag:s22] =	dma.local [hbm:s5], s20  }
0x9e: {  	_ =	swait.ge [sflag:s22], s20  }
0x9f: {  	s4 =	ssub.s32 $0x0, s20;
	[sflag:s22] =	ssyncset.done $0x0  }
0xa0: {  	[sflag:s22] =	ssyncadd.s32 s4;
	_ =	sdelay $0x1  }
0xa1: {  	s23 =	simm.s32 $0x1B8B  }
0xa2: {  	_ =	swait.ge [sflag:s23], $0x1  }
0xa3: {  	[sflag:s23] =	ssyncset.done $0x0  }
0xa4: {  	s25 =	simm.s32 $0x1B8E;
	s24 =	sld [smem:$0x3FFE];
	[sflag:s23] =	ssyncadd.s32 $0xFFFFFFFF  }
0xa5: {  	s26 =	simm.s32 $execute0_lowered;
	[smem:$0x3FD2] =	sst s25  }
0xa6: {  	s5 =	sshll.u32 s26, $0x1;
	_ =	strace $0x80000046;
	[dreg:$0x1] =	wrdreg $0xFFFFFFFF  }
0xa7: {  	s28 =	simm.s32 $_size_execute0_lowered;
	s3 =	sadd.s32 s3, s5;
	[dreg:$0x0] =	wrdreg $0x0  }
0xa8: {  	s5 =	sshll.u32 s28, $0x1;
	[dreg:$0x2] =	wrdreg s3  }
0xa9: {  	[dreg:$0x3] =	wrdreg s5  }
0xaa: {  	[dreg:$0x4] =	wrdreg $0xC0  }
0xab: {  	_ =	task [dreg:s7], $0x5FFFF  }
0xac: {  	[dreg:$0x1] =	wrdreg $0xFFFFFFFF  }
0xad: {  	[dreg:$0x0] =	wrdreg $0x60  }
0xae: {  	[dreg:$0x2] =	wrdreg s24  }
0xaf: {  	[dreg:$0x3] =	wrdreg s2  }
0xb0: {  	[dreg:$0x4] =	wrdreg $0x4B180  }
0xb1: {  	[dreg:$0x5] =	wrdreg $0x9  }
0xb2: {  	_ =	task.clear_ibuf [dreg:s7], $0x6FFFF;
	_ =	strace $0x90000046  }
0xb3: {  	s29 =	simm.s32 $0x9;
	_ =	strace $0x80000048  }
0xb4: {  	_ =	swait.ge [sflag:s29], $0x1  }
0xb5: {  	[sflag:s29] =	ssyncadd.s32 $0xFFFFFFFF  }
0xb6: {  	_ =	strace $0x90000048  }
0xb7: {  	_ =	sfence  }
0xb8: {  	s30 =	sld [smem:$0x0];
	_ =	sdelay $0x2  }
0xb9: {  	s31 =	sshll.u32 s1, $0xD;
	s1 =	sshrl.u32 s1, $0x2  }
0xba: {  	s3 =	sand.u32 $0x4000, s31;
	s1 =	sadd.s32 s1, s30  }
0xbb: {  	s0 =	sor.u32 s3, s0;
	s1 =	sshll.u32 s1, $0x11  }
0xbc: {  	s0 =	sor.u32 s1, s0  }
0xbd: {  	s0 =	sadd.s32 $0x8F2B, s0  }
0xbe: {  	[sflag:s0] =	ssyncadd.remote.s32 $0x1  }
0xbf: {  	_ =	sfence.sel $0xFFFF  }
0xc0: {  	[dreg:$0x0] =	wrdreg $0xFFFFFFFF;
	(pc) =	sbr.abs _section_cstart, $3  }
0xc1: {  	[dreg:$0x1] =	wrdreg $0xFFFFFFFF  }
0xc2: {  	_ =	task.clear_ibuf [dreg:s7], $0x2FFFF;
	_ =	strace $0x9FFFFFFF  }
0xc3: {  	(tm) =	ssettm $0x7FFFFFFF  }
tec
execute0_lowered:
.L_overlay_start_1:
0x0: {  	(tag) =	ssettag $0x1  }
0x1: {  	s5 =	rddreg [dreg:$0x0]  }
0x2: {  	s8 =	rddreg [dreg:$0x1];
	s3 =	srdreg.scid  }
0x3: {  	s2 =	rddreg [dreg:$0x2];
	v53 =	vlaneseq.u32;
	s4 =	sand.u32 $0x1, s3;
	s3 =	simm.s32 $0x0  }
0x4: {  	v55 =	vadd.s32 $0x97, v53;
	[smem:$0x7FF] =	sst s3  }
0x5: {  	s0 =	rddreg [dreg:$0x3];
	v56 =	vadd.s32 $0xB2, v53;
	_ =	strace $0x80000047;
	[tilespmem:$0x1FF60] =	vst v55  }
0x6: {  	v57 =	vadd.s32 $0xCD, v53;
	[tilespmem:$0x1FF70] =	vst v56  }
0x7: {  	s1 =	stileid.u32;
	v58 =	vadd.s32 $0xE8, v53;
	[tilespmem:$0x1FF80] =	vst v57  }
0x8: {  	s22 =	simm.s32 $0x618;
	s23 =	simm.s32 $0x1B18;
	s24 =	simm.s32 $0x698;
	v59 =	vadd.s32 $0x103, v53;
	[tilespmem:$0x1FF90] =	vst v58  }
0x9: {  	s25 =	simm.s32 $0x2B18;
	s28 =	simm.s32 $0x3B18;
	s10 =	smul.u32 $0x5, s1;
	v60 =	vadd.s32 $0x11E, v53;
	[tilespmem:$0x1FFA0] =	vst v59  }
0xa: {  	s29 =	simm.s32 $0x2;
	s6 =	sshll.u32 s1, $0xA;
	s31 =	smul.u32 $0xD80, s1;
	v61 =	vadd.s32 $0x139, v53;
	[tilespmem:$0x1FFB0] =	vst v60  }
0xb: {  	s11 =	sor.u32 $0x10, s1;
	p0 =	sgt.u32 s1, $0xA;
	v62 =	vadd.s32 $0x154, v53;
	s7 =	sshll.u32 s4, $0x9;
	[tilespmem:$0x1FFC0] =	vst v61  }
0xc: {  	v63 =	vadd.s32 $0x16F, v53;
	s26 =	ssub.s32 $0x2, s4;
	s4 =	sadd.s32 $0x1400, s5;
	s15 =	smul.u32 $0x5, s11;
	[tilespmem:$0x1FFD0] =	vst v62  }
0xd: {  	s11 =	smul.u32 $0xD80, s11;
	s9 =	sor.u32 s7, s6;
	s12 =	sadd.s32 $0x1, s10;
	v0 =	vmov s10;
	[tilespmem:$0x1FFE0] =	vst v63  }
0xe: {  	s30 =	sshrl.u32 s26, $0x1;
	s14 =	sadd.s32 $0x2, s10;
	s16 =	sadd.s32 $0x3, s10;
	[tilespmem:$0x1FEC0] =	vst v0;
	v46 =	vmov s12  }
0xf: {  	s17 =	sadd.s32 $0x4, s10;
	s7 =	sshrl.u32 s31, $0x2;
	s6 =	sshrl.u32 s9, $0x3;
	v47 =	vmov s14;
	[tilespmem:$0x1FED0] =	vst v46  }
0x10: {  	s13 =	ssub.s32 s26, s30;
	s7 =	sadd.s32 s7, s2;
	s18 =	sadd.s32 $0x1, s15;
	v48 =	vmov s16;
	[tilespmem:$0x1FEE0] =	vst v47  }
0x11: {  	s19 =	sadd.s32 $0x2, s15;
	s20 =	sadd.s32 $0x3, s15;
	s9 =	sshll.u32 s9, $0x2;
	v49 =	vmov s17;
	[tilespmem:$0x1FEF0] =	vst v48  }
0x12: {  	s21 =	sadd.s32 $0x4, s15;
	s11 =	sshrl.u32 s11, $0x2;
	v50 =	vmov s15;
	s14 =	simm.s32 $0x198;
	[tilespmem:$0x1FF00] =	vst v49  }
0x13: {  	s15 =	simm.s32 $0x398;
	s16 =	simm.s32 $0x3;
	s17 =	simm.s32 $0x1;
	v0 =	vadd.s32 $0x18A, v53;
	[tilespmem:$0x1FF10] =	vst v50  }
.Ltmp0:
0x14: {  	s26 =	simm.s32 $0x718;
	s6 =	sadd.s32 s6, s5;
	v51 =	vmov s18;
	[tilespmem:$0x1FFF0] =	vst v0;
	(pc) =	sbr.rel .LBB2_1-.Ltmp0, $4  }
0x15: {  	s8 =	sadd.s32 s8, s9;
	s9 =	sadd.s32 s11, s2;
	s13 =	smax.u32 s13, $0x1;
	v52 =	vmov s19;
	[tilespmem:$0x1FF20] =	vst v51  }
0x16: {  	v1 =	vmov s20;
	s18 =	simm.s32 $0x7B8;
	s19 =	simm.s32 $0x80;
	s20 =	simm.s32 $0x598;
	[tilespmem:$0x1FF30] =	vst v52  }
0x17: {  	v54 =	vmov s21;
	s21 =	simm.s32 $0xB18;
	s5 =	sadd.s32 $0x400, s6;
	s6 =	sadd.s32 $0xC00, s6;
	[tilespmem:$0x1FF40] =	vst v1  }
0x18: {  	s10 =	sadd.s32 $0x200, s8;
	s11 =	sadd.s32 $0x400, s8;
	s12 =	sadd.s32 $0x600, s8;
	[tilespmem:$0x1FF50] =	vst v54  }
.LBB2_3:
0x19: {  	v0 =	vld [tilespmem:$0x198]  }
0x1a: {  	v1 =	vld [tilespmem:$0x398]  }
0x1b: {  	v2 =	vld [tilespmem:$0x1A8]  }
0x1c: {  	v3 =	vld [tilespmem:$0x3A8]  }
0x1d: {  	v4 =	vld [tilespmem:$0x1B8]  }
0x1e: {  	v5 =	vld [tilespmem:$0x3B8]  }
0x1f: {  	v6 =	vld [tilespmem:$0x1C8]  }
0x20: {  	v7 =	vld [tilespmem:$0x3C8]  }
0x21: {  	v8 =	vld [tilespmem:$0x1D8]  }
0x22: {  	v9 =	vld [tilespmem:$0x3D8]  }
0x23: {  	v10 =	vld [tilespmem:$0x1E8]  }
0x24: {  	v11 =	vld [tilespmem:$0x3E8]  }
0x25: {  	v12 =	vld [tilespmem:$0x1F8]  }
0x26: {  	v13 =	vld [tilespmem:$0x3F8]  }
0x27: {  	v14 =	vld [tilespmem:$0x208]  }
0x28: {  	v15 =	vld [tilespmem:$0x408]  }
0x29: {  	v16 =	vld [tilespmem:$0x218]  }
0x2a: {  	v17 =	vld [tilespmem:$0x418]  }
0x2b: {  	v18 =	vld [tilespmem:$0x228]  }
0x2c: {  	v19 =	vld [tilespmem:$0x428]  }
0x2d: {  	v20 =	vld [tilespmem:$0x238]  }
0x2e: {  	v21 =	vld [tilespmem:$0x438]  }
0x2f: {  	v22 =	vld [tilespmem:$0x248]  }
0x30: {  	v23 =	vld [tilespmem:$0x448]  }
0x31: {  	v24 =	vld [tilespmem:$0x258]  }
0x32: {  	v25 =	vld [tilespmem:$0x458]  }
0x33: {  	v26 =	vld [tilespmem:$0x268]  }
0x34: {  	v27 =	vld [tilespmem:$0x468]  }
0x35: {  	v28 =	vld [tilespmem:$0x278]  }
0x36: {  	v29 =	vld [tilespmem:$0x478]  }
0x37: {  	v30 =	vld [tilespmem:$0x288]  }
0x38: {  	v31 =	vld [tilespmem:$0x488]  }
0x39: {  	v32 =	vld [tilespmem:$0x298]  }
0x3a: {  	v33 =	vld [tilespmem:$0x498]  }
0x3b: {  	v34 =	vld [tilespmem:$0x2A8]  }
0x3c: {  	v35 =	vld [tilespmem:$0x4A8];
	v0 =	vmul.u32 $0x1B, v0  }
0x3d: {  	v36 =	vld [tilespmem:$0x2B8];
	v2 =	vmul.u32 $0x1B, v2  }
0x3e: {  	v38 =	vld [tilespmem:$0x4E8];
	v54 =	vmul.u32 $0x1B, v4;
	v0 =	vadd.s32 v1, v0  }
0x3f: {  	v41 =	vld [tilespmem:$0x2F8];
	v56 =	vmul.u32 $0x1B, v6;
	v55 =	vadd.s32 v3, v2;
	[tilespmem:$0x598] =	vst v0  }
0x40: {  	v44 =	vld [tilespmem:$0x4F8];
	v58 =	vmul.u32 $0x1B, v8;
	v57 =	vadd.s32 v5, v54;
	[tilespmem:$0x5A8] =	vst v55  }
0x41: {  	v47 =	vld [tilespmem:$0x308];
	v60 =	vmul.u32 $0x1B, v10;
	v59 =	vadd.s32 v7, v56;
	[tilespmem:$0x5B8] =	vst v57  }
0x42: {  	v50 =	vld [tilespmem:$0x508];
	v62 =	vmul.u32 $0x1B, v12;
	v61 =	vadd.s32 v9, v58;
	[tilespmem:$0x5C8] =	vst v59  }
0x43: {  	v53 =	vld [tilespmem:$0x318];
	v12 =	vmul.u32 $0x1B, v14;
	v63 =	vadd.s32 v11, v60;
	[tilespmem:$0x5D8] =	vst v61  }
0x44: {  	v4 =	vld [tilespmem:$0x4B8];
	v37 =	vmul.u32 $0x1B, v16;
	v14 =	vadd.s32 v13, v62;
	[tilespmem:$0x5E8] =	vst v63  }
0x45: {  	v6 =	vld [tilespmem:$0x2D8];
	v40 =	vmul.u32 $0x1B, v18;
	v39 =	vadd.s32 v15, v12;
	[tilespmem:$0x5F8] =	vst v14  }
0x46: {  	v8 =	vld [tilespmem:$0x2E8];
	v43 =	vmul.u32 $0x1B, v20;
	v42 =	vadd.s32 v17, v37;
	[tilespmem:$0x608] =	vst v39  }
0x47: {  	v46 =	vmul.u32 $0x1B, v22;
	v22 =	vld [tilespmem:$0x338];
	v45 =	vadd.s32 v19, v40;
	[tilespmem:$0x618] =	vst v42  }
0x48: {  	v49 =	vmul.u32 $0x1B, v24;
	v3 =	vld [tilespmem:$0x2C8];
	v48 =	vadd.s32 v21, v43;
	[tilespmem:$0x628] =	vst v45  }
0x49: {  	v24 =	vmul.u32 $0x1B, v36;
	v36 =	vmul.u32 $0x1B, v41;
	v5 =	vld [tilespmem:$0x4C8];
	v51 =	vadd.s32 v23, v46;
	[tilespmem:$0x638] =	vst v48  }
0x4a: {  	v52 =	vmul.u32 $0x1B, v26;
	v7 =	vld [tilespmem:$0x4D8];
	v54 =	vadd.s32 v25, v49;
	[tilespmem:$0x648] =	vst v51  }
0x4b: {  	v56 =	vld [tilespmem:$0x518];
	v58 =	vmul.u32 $0x1B, v30;
	v41 =	vadd.s32 v44, v36;
	[tilespmem:$0x658] =	vst v54  }
0x4c: {  	v62 =	vld [tilespmem:$0x528];
	v21 =	vmul.u32 $0x1B, v34;
	v57 =	vadd.s32 v27, v52;
	[tilespmem:$0x6F8] =	vst v41  }
0x4d: {  	v25 =	vld [tilespmem:$0x538];
	v55 =	vmul.u32 $0x1B, v28;
	[tilespmem:$0x668] =	vst v57;
	v63 =	vadd.s32 v31, v58  }
0x4e: {  	v34 =	vld [tilespmem:$0x358];
	v61 =	vmul.u32 $0x1B, v32;
	v26 =	vadd.s32 v35, v21;
	[tilespmem:$0x688] =	vst v63  }
0x4f: {  	v37 =	vld [tilespmem:$0x558];
	v60 =	vadd.s32 v29, v55;
	[tilespmem:$0x6A8] =	vst v26  }
0x50: {  	v40 =	vld [tilespmem:$0x368];
	v39 =	vmul.u32 $0x1B, v47;
	v23 =	vadd.s32 v33, v61;
	[tilespmem:$0x678] =	vst v60  }
0x51: {  	v43 =	vld [tilespmem:$0x568];
	v29 =	vadd.s32 v4, v24;
	v30 =	vmul.u32 $0x1B, v6;
	[tilespmem:$0x698] =	vst v23  }
0x52: {  	v46 =	vld [tilespmem:$0x378];
	v33 =	vmul.u32 $0x1B, v8;
	v44 =	vadd.s32 v50, v39;
	[tilespmem:$0x6B8] =	vst v29  }
0x53: {  	v59 =	vld [tilespmem:$0x328];
	v42 =	vmul.u32 $0x1B, v53;
	[tilespmem:$0x708] =	vst v44;
	v35 =	vadd.s32 v7, v30  }
0x54: {  	v28 =	vld [tilespmem:$0x348];
	v48 =	vmul.u32 $0x1B, v22;
	v38 =	vadd.s32 v38, v33;
	[tilespmem:$0x6D8] =	vst v35  }
0x55: {  	v49 =	vld [tilespmem:$0x388];
	v27 =	vmul.u32 $0x1B, v3;
	v47 =	vadd.s32 v56, v42;
	[tilespmem:$0x6E8] =	vst v38  }
0x56: {  	v31 =	vld [tilespmem:$0x548];
	v53 =	vadd.s32 v25, v48;
	v54 =	vmul.u32 $0x1B, v34;
	[tilespmem:$0x718] =	vst v47  }
0x57: {  	v52 =	vld [tilespmem:$0x578];
	v57 =	vmul.u32 $0x1B, v40;
	[tilespmem:$0x738] =	vst v53;
	v32 =	vadd.s32 v5, v27  }
0x58: {  	v55 =	vld [tilespmem:$0x588];
	v45 =	vmul.u32 $0x1B, v59;
	v58 =	vadd.s32 v37, v54;
	[tilespmem:$0x6C8] =	vst v32  }
0x59: {  	v51 =	vmul.u32 $0x1B, v28;
	v60 =	vadd.s32 v43, v57;
	[tilespmem:$0x758] =	vst v58  }
0x5a: {  	v59 =	vmul.u32 $0x1B, v46;
	v50 =	vadd.s32 v62, v45;
	[tilespmem:$0x768] =	vst v60  }
0x5b: {  	v61 =	vmul.u32 $0x1B, v49;
	v56 =	vadd.s32 v31, v51;
	[tilespmem:$0x728] =	vst v50  }
0x5c: {  	v62 =	vadd.s32 v52, v59;
	[tilespmem:$0x748] =	vst v56  }
0x5d: {  	v63 =	vadd.s32 v55, v61;
	[tilespmem:$0x778] =	vst v62  }
0x5e: {  	[tilespmem:$0x788] =	vst v63  }
0x5f: {  	[bflag:$0x0] =	sbarrier.arrive $0xFFFF  }
0x60: {  	[tilespmem:s21], [sflag:$0x1] =	stream.indirect.gather [spmem:s2], $0x20, s20, s19, $0xb8;
	[tilespmem:$0x50D8] =	vst v63  }
0x61: {  	_ = 	snop  }
0x62: {  	[tilespmem:s23], [sflag:$0x1] =	stream.indirect.gather [spmem:s2], $0x20, s22, s19, $0xb8;
	[tilespmem:$0x50D8] =	vst v63  }
0x63: {  	_ = 	snop  }
0x64: {  	[tilespmem:s25], [sflag:$0x1] =	stream.indirect.gather [spmem:s2], $0x20, s24, s19, $0xb8;
	[tilespmem:$0x50D8] =	vst v63  }
0x65: {  	_ = 	snop  }
0x66: {  	[tilespmem:s28], [sflag:$0x1] =	stream.indirect.gather [spmem:s2], $0x20, s26, s19, $0xb8;
	[tilespmem:$0x50D8] =	vst v63  }
0x67: {  	_ =	swait.ge [sflag:s17], $0x1000  }
0x68: {  	[sflag:s17] =	ssyncset.done $0x0  }
0x69: {  	[sflag:s17] =	ssyncadd.s32 $0xFFFFF000  }
0x6a: {  	[hbm4b:s8+s3] =	stream.linear.scatter [tilespmem:s21], [sflag:$0x2], $0x1000, $0x38;
	[tilespmem:$0x50D8] =	vst v63  }
0x6b: {  	_ =	swait.ge [sflag:s17], $0x1000  }
0x6c: {  	[sflag:s17] =	ssyncset.done $0x0  }
0x6d: {  	[sflag:s17] =	ssyncadd.s32 $0xFFFFF000  }
0x6e: {  	[hbm4b:s10+s3] =	stream.linear.scatter [tilespmem:s23], [sflag:$0x2], $0x1000, $0x38;
	[tilespmem:$0x50D8] =	vst v63  }
0x6f: {  	_ =	swait.ge [sflag:s17], $0x1000  }
0x70: {  	[sflag:s17] =	ssyncset.done $0x0  }
0x71: {  	[sflag:s17] =	ssyncadd.s32 $0xFFFFF000  }
0x72: {  	[hbm4b:s11+s3] =	stream.linear.scatter [tilespmem:s25], [sflag:$0x2], $0x1000, $0x38;
	[tilespmem:$0x50D8] =	vst v63  }
0x73: {  	_ =	swait.ge [sflag:s17], $0x1000  }
0x74: {  	[sflag:s17] =	ssyncset.done $0x0  }
0x75: {  	[sflag:s17] =	ssyncadd.s32 $0xFFFFF000  }
0x76: {  	[hbm4b:s12+s3] =	stream.linear.scatter [tilespmem:s28], [sflag:$0x2], $0x1000, $0x38;
	[tilespmem:$0x50D8] =	vst v63  }
0x77: {  	_ =	swait.ge [sflag:s29], $0x1000  }
0x78: {  	[sflag:s29] =	ssyncset.done $0x0  }
0x79: {  	[sflag:s29] =	ssyncadd.s32 $0xFFFFF000  }
0x7a: {  	_ =	swait.ge [sflag:s29], $0x1000  }
0x7b: {  	[sflag:s29] =	ssyncset.done $0x0  }
0x7c: {  	s13 =	sadd.s32 $0xFFFFFFFF, s13;
	[sflag:s29] =	ssyncadd.s32 $0xFFFFF000  }
0x7d: {  	p1 =	sne.s32 s13, $0x0;
	_ =	swait.ge [sflag:s29], $0x1000  }
.Ltmp1:
0x7e: {  	[sflag:s29] =	ssyncset.done $0x0;
	(pc) =	sbr.rel @!p1 .LBB2_4-.Ltmp1, $4  }
0x7f: {  	[sflag:s29] =	ssyncadd.s32 $0xFFFFF000  }
0x80: {  	_ =	swait.ge [sflag:s29], $0x1000  }
0x81: {  	[sflag:s29] =	ssyncset.done $0x0  }
0x82: {  	[sflag:s29] =	ssyncadd.s32 $0xFFFFF000  }
.LBB2_1:
0x83: {  	[tilespmem:s14], [sflag:$0x1] =	stream.linear.gather [hbm4b:s5+s3], $0x200, $0x38;
	[tilespmem:$0x50D8] =	vst v63  }
0x84: {  	_ = 	snop  }
0x85: {  	[tilespmem:s15], [sflag:$0x1] =	stream.linear.gather [hbm4b:s6+s3], $0x200, $0x38;
	[tilespmem:$0x50D8] =	vst v63  }
0x86: {  	_ = 	snop  }
0x87: {  	[tilespmem:s3], [sflag:$0x3] =	stream.linear.gather [hbm4b:s4+s3], $0x198, $0x38;
	[tilespmem:$0x50D8] =	vst v63  }
0x88: {  	_ =	swait.ge [sflag:s16], $0x198  }
0x89: {  	[sflag:s16] =	ssyncset.done $0x0  }
0x8a: {  	[sflag:s16] =	ssyncadd.s32 $0xFFFFFE68  }
0x8b: {  	_ =	swait.ge [sflag:s17], $0x200  }
0x8c: {  	[sflag:s17] =	ssyncset.done $0x0  }
0x8d: {  	[sflag:s17] =	ssyncadd.s32 $0xFFFFFE00  }
0x8e: {  	_ =	swait.ge [sflag:s17], $0x200  }
0x8f: {  	[sflag:s17] =	ssyncset.done $0x0  }
0x90: {  	[sflag:s17] =	ssyncadd.s32 $0xFFFFFE00  }
0x91: {  	v0 =	vld [tilespmem:$0x198];
	_ =	sdelay $0x4  }
0x92: {  	v30 =	vshra.s32 v0, $0x5;
	v0 =	vld [tilespmem:$0x1FF60];
	_ =	sdelay $0x1  }
0x93: {  	v1 =	vld [tilespmem:$0x1FF70];
	_ =	sdelay $0x2  }
0x94: {  	v0 =	vadd.s32 v0, v30;
	_ =	sdelay $0x1  }
0x95: {  	v1 =	vadd.s32 v1, v30;
	_ =	sdelay $0x1  }
0x96: {  	v2 =	vld [tilespmem:$0x1FF80]  }
0x97: {  	v16 =	vld.idx.msk [tilespmem:v0+s3+$0x0], $0x7ff  }
0x98: {  	v0 =	vld [tilespmem:$0x1FF90]  }
0x99: {  	v14 =	vld.idx.msk [tilespmem:v1+s3+$0x0], $0x7ff  }
0x9a: {  	v1 =	vld [tilespmem:$0x1FFA0]  }
0x9b: {  	v3 =	vld [tilespmem:$0x1FFB0];
	v2 =	vadd.s32 v2, v30  }
0x9c: {  	v4 =	vld [tilespmem:$0x1FEF0]  }
0x9d: {  	v5 =	vld [tilespmem:$0x1FFC0];
	v0 =	vadd.s32 v0, v30  }
0x9e: {  	v7 =	vld [tilespmem:$0x1FFD0]  }
0x9f: {  	v6 =	vld [tilespmem:$0x87];
	v1 =	vadd.s32 v1, v30  }
0xa0: {  	v12 =	vld.idx.msk [tilespmem:v2+s3+$0x0], $0x7ff  }
0xa1: {  	v2 =	vld [tilespmem:$0x1FEC0]  }
0xa2: {  	v10 =	vld.idx.msk [tilespmem:v0+s3+$0x0], $0x7ff  }
0xa3: {  	v0 =	vld [tilespmem:$0x1FED0]  }
0xa4: {  	v3 =	vadd.s32 v3, v30;
	v9 =	vld.idx.msk [tilespmem:v1+s3+$0x0], $0x7ff  }
0xa5: {  	v1 =	vld [tilespmem:$0x1FEE0]  }
0xa6: {  	v13 =	vld [tilespmem:$0xA2];
	v2 =	vadd.s32 v2, v30  }
0xa7: {  	v8 =	vld [tilespmem:$0xBD]  }
0xa8: {  	v11 =	vld [tilespmem:$0xD8];
	v0 =	vadd.s32 v0, v30  }
0xa9: {  	v21 =	vld.idx.msk [tilespmem:v3+s3+$0x0], $0x7ff  }
0xaa: {  	v3 =	vld [tilespmem:$0x1FF00];
	v1 =	vadd.s32 v1, v30  }
0xab: {  	v2 =	vld.idx.msk [tilespmem:v2+s3+$0x0], $0xffff  }
0xac: {  	v15 =	vld [tilespmem:$0xF3];
	v4 =	vadd.s32 v4, v30  }
0xad: {  	v5 =	vadd.s32 v5, v30;
	v0 =	vld.idx.msk [tilespmem:v0+s3+$0x0], $0xffff  }
0xae: {  	v20 =	vld [tilespmem:$0x10E];
	v7 =	vadd.s32 v7, v30  }
0xaf: {  	v1 =	vld.idx.msk [tilespmem:v1+s3+$0x0], $0xffff  }
0xb0: {  	v22 =	vld [tilespmem:$0x129];
	[tilespmem:$0x1F8A0] =	vst v6;
	v3 =	vadd.s32 v3, v30;
	v6 =	vmul.f32 v2, v6  }
0xb1: {  	v4 =	vld.idx.msk [tilespmem:v4+s3+$0x0], $0xffff  }
0xb2: {  	v23 =	vld.idx.msk [tilespmem:v5+s3+$0x0], $0x7ff;
	v5 =	vadd.f32 $0.0e+00, v6;
	v6 =	vmul.f32 v0, v13  }
0xb3: {  	[tilespmem:$0x1F8C0] =	vst v13;
	v25 =	vld.idx.msk [tilespmem:v7+s3+$0x0], $0x7ff;
	v2 =	vmul.f32 v2, v16  }
0xb4: {  	[tilespmem:$0x1F8E0] =	vst v8;
	v13 =	vadd.s32 $0x1, v30;
	v5 =	vadd.f32 v6, v5;
	v6 =	vmul.f32 v1, v8;
	v8 =	vld [tilespmem:$0x1FFE0]  }
0xb5: {  	v3 =	vld.idx.msk [tilespmem:v3+s3+$0x0], $0xffff;
	v2 =	vadd.f32 $0.0e+00, v2;
	v0 =	vmul.f32 v0, v14  }
0xb6: {  	v7 =	vld [tilespmem:$0x1FFF0];
	[tilespmem:$0x1F8D0] =	vst v14;
	v14 =	vadd.s32 $0x2, v30  }
0xb7: {  	v0 =	vadd.f32 v0, v2;
	v1 =	vmul.f32 v1, v12;
	v2 =	vld.idx.msk [tilespmem:v30+s3+$0x0], $0xffff  }
0xb8: {  	v24 =	vld [tilespmem:$0x144];
	[tilespmem:$0x1F900] =	vst v11;
	v5 =	vadd.f32 v6, v5;
	v6 =	vmul.f32 v4, v11;
	v11 =	vadd.s32 $0x3, v30  }
0xb9: {  	v0 =	vadd.f32 v1, v0;
	v1 =	vmul.f32 v4, v10;
	v4 =	vld.idx.msk [tilespmem:v13+s3+$0x0], $0xffff;
	v8 =	vadd.s32 v8, v30  }
0xba: {  	v26 =	vld [tilespmem:$0x15F];
	[tilespmem:$0x1F930] =	vst v15;
	v5 =	vadd.f32 v6, v5;
	v6 =	vmul.f32 v3, v15;
	v15 =	vadd.s32 $0x4, v30  }
0xbb: {  	v7 =	vadd.s32 v7, v30;
	v0 =	vadd.f32 v1, v0;
	v1 =	vmul.f32 v3, v9;
	v3 =	vld.idx.msk [tilespmem:v14+s3+$0x0], $0xffff  }
0xbc: {  	v28 =	vld [tilespmem:$0x17A];
	v54 =	vadd.f32 v6, v5;
	v5 =	vmul.f32 v2, v20  }
0xbd: {  	v55 =	vadd.f32 v1, v0;
	v0 =	vmul.f32 v2, v21;
	v1 =	vld.idx.msk [tilespmem:v11+s3+$0x0], $0xffff  }
0xbe: {  	v2 =	vadd.f32 v5, v54;
	v5 =	vmul.f32 v4, v22;
	v27 =	vld.idx.msk [tilespmem:v8+s3+$0x0], $0x7ff  }
0xbf: {  	v0 =	vadd.f32 v0, v55;
	v4 =	vmul.f32 v4, v23;
	v6 =	vld.idx.msk [tilespmem:v15+s3+$0x0], $0xffff  }
0xc0: {  	v29 =	vld.idx.msk [tilespmem:v7+s3+$0x0], $0x7ff;
	v2 =	vadd.f32 v5, v2;
	v5 =	vmul.f32 v3, v24  }
0xc1: {  	v0 =	vadd.f32 v4, v0;
	v3 =	vmul.f32 v3, v25  }
0xc2: {  	v2 =	vadd.f32 v5, v2;
	v4 =	vmul.f32 v1, v26  }
0xc3: {  	v0 =	vadd.f32 v3, v0;
	v1 =	vmul.f32 v1, v27  }
0xc4: {  	v2 =	vadd.f32 v4, v2;
	v3 =	vmul.f32 v6, v28  }
0xc5: {  	[tilespmem:$0x1F8B0] =	vst v16;
	v16 =	vadd.s32 $0x5, v30;
	v0 =	vadd.f32 v1, v0;
	v1 =	vmul.f32 v6, v29  }
0xc6: {  	v2 =	vadd.f32 v3, v2  }
0xc7: {  	v18 =	vadd.s32 $0x6, v30;
	v0 =	vadd.f32 v1, v0  }
0xc8: {  	[tilespmem:$0x7B8] =	vst v2  }
0xc9: {  	v31 =	vadd.s32 $0x7, v30;
	[tilespmem:$0x7C8] =	vst v0  }
0xca: {  	v0 =	vld.idx.msk [tilespmem:v16+s3+$0x0], $0xffff  }
0xcb: {  	v19 =	vadd.s32 $0x8, v30  }
0xcc: {  	v1 =	vld.idx.msk [tilespmem:v18+s3+$0x0], $0xffff  }
0xcd: {  	v17 =	vadd.s32 $0x9, v30  }
0xce: {  	v2 =	vld.idx.msk [tilespmem:v31+s3+$0x0], $0xffff  }
0xcf: {  	v3 =	vmul.f32 v0, v20  }
0xd0: {  	v4 =	vld.idx.msk [tilespmem:v19+s3+$0x0], $0xffff;
	v0 =	vmul.f32 v0, v21  }
0xd1: {  	v5 =	vmul.f32 v1, v22;
	v3 =	vadd.f32 v3, v54  }
0xd2: {  	v6 =	vld.idx.msk [tilespmem:v17+s3+$0x0], $0xffff;
	v1 =	vmul.f32 v1, v23;
	v0 =	vadd.f32 v0, v55  }
0xd3: {  	v3 =	vadd.f32 v5, v3;
	v5 =	vmul.f32 v2, v24  }
0xd4: {  	v0 =	vadd.f32 v1, v0;
	v1 =	vmul.f32 v2, v25  }
0xd5: {  	v2 =	vadd.f32 v5, v3;
	v3 =	vmul.f32 v4, v26  }
0xd6: {  	v0 =	vadd.f32 v1, v0;
	v1 =	vmul.f32 v4, v27  }
0xd7: {  	v2 =	vadd.f32 v3, v2;
	v3 =	vmul.f32 v6, v28  }
0xd8: {  	v32 =	vadd.s32 $0xA, v30;
	v0 =	vadd.f32 v1, v0;
	v1 =	vmul.f32 v6, v29  }
0xd9: {  	v2 =	vadd.f32 v3, v2  }
0xda: {  	v34 =	vadd.s32 $0xB, v30;
	v0 =	vadd.f32 v1, v0  }
0xdb: {  	[tilespmem:$0x7D8] =	vst v2  }
0xdc: {  	v36 =	vadd.s32 $0xC, v30;
	[tilespmem:$0x7E8] =	vst v0  }
0xdd: {  	v0 =	vld.idx.msk [tilespmem:v32+s3+$0x0], $0xffff  }
0xde: {  	v35 =	vadd.s32 $0xD, v30  }
0xdf: {  	v1 =	vld.idx.msk [tilespmem:v34+s3+$0x0], $0xffff  }
0xe0: {  	v33 =	vadd.s32 $0xE, v30  }
0xe1: {  	v2 =	vld.idx.msk [tilespmem:v36+s3+$0x0], $0xffff  }
0xe2: {  	v3 =	vmul.f32 v0, v20  }
0xe3: {  	v4 =	vld.idx.msk [tilespmem:v35+s3+$0x0], $0xffff;
	v0 =	vmul.f32 v0, v21  }
0xe4: {  	v5 =	vmul.f32 v1, v22;
	v3 =	vadd.f32 v3, v54  }
0xe5: {  	v6 =	vld.idx.msk [tilespmem:v33+s3+$0x0], $0xffff;
	v1 =	vmul.f32 v1, v23;
	v0 =	vadd.f32 v0, v55  }
0xe6: {  	v3 =	vadd.f32 v5, v3;
	v5 =	vmul.f32 v2, v24  }
0xe7: {  	v0 =	vadd.f32 v1, v0;
	v1 =	vmul.f32 v2, v25  }
0xe8: {  	v2 =	vadd.f32 v5, v3;
	v3 =	vmul.f32 v4, v26  }
0xe9: {  	v0 =	vadd.f32 v1, v0;
	v1 =	vmul.f32 v4, v27  }
0xea: {  	v2 =	vadd.f32 v3, v2;
	v3 =	vmul.f32 v6, v28  }
0xeb: {  	v37 =	vadd.s32 $0xF, v30;
	v0 =	vadd.f32 v1, v0;
	v1 =	vmul.f32 v6, v29  }
0xec: {  	v2 =	vadd.f32 v3, v2  }
0xed: {  	v39 =	vadd.s32 $0x10, v30;
	v0 =	vadd.f32 v1, v0  }
0xee: {  	[tilespmem:$0x7F8] =	vst v2  }
0xef: {  	v41 =	vadd.s32 $0x11, v30;
	[tilespmem:$0x808] =	vst v0  }
0xf0: {  	v0 =	vld.idx.msk [tilespmem:v37+s3+$0x0], $0xffff  }
0xf1: {  	v40 =	vadd.s32 $0x12, v30  }
0xf2: {  	v1 =	vld.idx.msk [tilespmem:v39+s3+$0x0], $0xffff  }
0xf3: {  	v38 =	vadd.s32 $0x13, v30  }
0xf4: {  	v2 =	vld.idx.msk [tilespmem:v41+s3+$0x0], $0xffff  }
0xf5: {  	v3 =	vmul.f32 v0, v20  }
0xf6: {  	v4 =	vld.idx.msk [tilespmem:v40+s3+$0x0], $0xffff;
	v0 =	vmul.f32 v0, v21  }
0xf7: {  	v5 =	vmul.f32 v1, v22;
	v3 =	vadd.f32 v3, v54  }
0xf8: {  	v6 =	vld.idx.msk [tilespmem:v38+s3+$0x0], $0xffff;
	v1 =	vmul.f32 v1, v23;
	v0 =	vadd.f32 v0, v55  }
0xf9: {  	v3 =	vadd.f32 v5, v3;
	v5 =	vmul.f32 v2, v24  }
0xfa: {  	v0 =	vadd.f32 v1, v0;
	v1 =	vmul.f32 v2, v25  }
0xfb: {  	v2 =	vadd.f32 v5, v3;
	v3 =	vmul.f32 v4, v26  }
0xfc: {  	v0 =	vadd.f32 v1, v0;
	v1 =	vmul.f32 v4, v27  }
0xfd: {  	v2 =	vadd.f32 v3, v2;
	v3 =	vmul.f32 v6, v28  }
0xfe: {  	v42 =	vadd.s32 $0x14, v30;
	v0 =	vadd.f32 v1, v0;
	v1 =	vmul.f32 v6, v29  }
0xff: {  	v2 =	vadd.f32 v3, v2  }
0x100: {  	v44 =	vadd.s32 $0x15, v30;
	v0 =	vadd.f32 v1, v0  }
0x101: {  	[tilespmem:$0x818] =	vst v2  }
0x102: {  	v46 =	vadd.s32 $0x16, v30;
	[tilespmem:$0x828] =	vst v0  }
0x103: {  	v0 =	vld.idx.msk [tilespmem:v42+s3+$0x0], $0xffff  }
0x104: {  	v45 =	vadd.s32 $0x17, v30  }
0x105: {  	v1 =	vld.idx.msk [tilespmem:v44+s3+$0x0], $0xffff  }
0x106: {  	v43 =	vadd.s32 $0x18, v30  }
0x107: {  	v2 =	vld.idx.msk [tilespmem:v46+s3+$0x0], $0xffff  }
0x108: {  	v3 =	vmul.f32 v0, v20  }
0x109: {  	v4 =	vld.idx.msk [tilespmem:v45+s3+$0x0], $0xffff;
	v0 =	vmul.f32 v0, v21  }
0x10a: {  	v5 =	vmul.f32 v1, v22;
	v3 =	vadd.f32 v3, v54  }
0x10b: {  	v6 =	vld.idx.msk [tilespmem:v43+s3+$0x0], $0xffff;
	v1 =	vmul.f32 v1, v23;
	v0 =	vadd.f32 v0, v55  }
0x10c: {  	v3 =	vadd.f32 v5, v3;
	v5 =	vmul.f32 v2, v24  }
0x10d: {  	v0 =	vadd.f32 v1, v0;
	v1 =	vmul.f32 v2, v25  }
0x10e: {  	v2 =	vadd.f32 v5, v3;
	v3 =	vmul.f32 v4, v26  }
0x10f: {  	v0 =	vadd.f32 v1, v0;
	v1 =	vmul.f32 v4, v27  }
0x110: {  	v2 =	vadd.f32 v3, v2;
	v3 =	vmul.f32 v6, v28  }
0x111: {  	v47 =	vadd.s32 $0x19, v30;
	v0 =	vadd.f32 v1, v0;
	v1 =	vmul.f32 v6, v29  }
0x112: {  	v2 =	vadd.f32 v3, v2  }
0x113: {  	v49 =	vadd.s32 $0x1A, v30;
	v0 =	vadd.f32 v1, v0  }
0x114: {  	[tilespmem:$0x838] =	vst v2  }
0x115: {  	v51 =	vadd.s32 $0x1B, v30;
	[tilespmem:$0x848] =	vst v0  }
0x116: {  	v0 =	vld.idx.msk [tilespmem:v47+s3+$0x0], $0xffff  }
0x117: {  	v50 =	vadd.s32 $0x1C, v30  }
0x118: {  	v1 =	vld.idx.msk [tilespmem:v49+s3+$0x0], $0xffff  }
0x119: {  	v48 =	vadd.s32 $0x1D, v30  }
0x11a: {  	v2 =	vld.idx.msk [tilespmem:v51+s3+$0x0], $0xffff  }
0x11b: {  	v3 =	vmul.f32 v0, v20  }
0x11c: {  	v4 =	vld.idx.msk [tilespmem:v50+s3+$0x0], $0xffff;
	v0 =	vmul.f32 v0, v21  }
0x11d: {  	v5 =	vmul.f32 v1, v22;
	v3 =	vadd.f32 v3, v54  }
0x11e: {  	v6 =	vld.idx.msk [tilespmem:v48+s3+$0x0], $0xffff;
	v1 =	vmul.f32 v1, v23;
	v0 =	vadd.f32 v0, v55  }
0x11f: {  	v3 =	vadd.f32 v5, v3;
	v5 =	vmul.f32 v2, v24  }
0x120: {  	v0 =	vadd.f32 v1, v0;
	v1 =	vmul.f32 v2, v25  }
0x121: {  	v2 =	vadd.f32 v5, v3;
	v3 =	vmul.f32 v4, v26  }
0x122: {  	v0 =	vadd.f32 v1, v0;
	v1 =	vmul.f32 v4, v27  }
0x123: {  	v2 =	vadd.f32 v3, v2;
	v3 =	vmul.f32 v6, v28  }
0x124: {  	v52 =	vadd.s32 $0x1E, v30;
	v0 =	vadd.f32 v1, v0;
	v1 =	vmul.f32 v6, v29  }
0x125: {  	v2 =	vadd.f32 v3, v2  }
0x126: {  	v56 =	vadd.s32 $0x1F, v30;
	v0 =	vadd.f32 v1, v0  }
0x127: {  	[tilespmem:$0x858] =	vst v2  }
0x128: {  	v58 =	vadd.s32 $0x20, v30;
	[tilespmem:$0x868] =	vst v0  }
0x129: {  	v0 =	vld.idx.msk [tilespmem:v52+s3+$0x0], $0xffff  }
0x12a: {  	v57 =	vadd.s32 $0x21, v30  }
0x12b: {  	v1 =	vld.idx.msk [tilespmem:v56+s3+$0x0], $0xffff  }
0x12c: {  	v53 =	vadd.s32 $0x22, v30  }
0x12d: {  	v2 =	vld.idx.msk [tilespmem:v58+s3+$0x0], $0xffff  }
0x12e: {  	v3 =	vmul.f32 v0, v20  }
0x12f: {  	v4 =	vld.idx.msk [tilespmem:v57+s3+$0x0], $0xffff;
	v0 =	vmul.f32 v0, v21  }
0x130: {  	v5 =	vmul.f32 v1, v22;
	v3 =	vadd.f32 v3, v54  }
0x131: {  	v6 =	vld.idx.msk [tilespmem:v53+s3+$0x0], $0xffff;
	v1 =	vmul.f32 v1, v23;
	v0 =	vadd.f32 v0, v55  }
0x132: {  	v3 =	vadd.f32 v5, v3;
	v5 =	vmul.f32 v2, v24  }
0x133: {  	v0 =	vadd.f32 v1, v0;
	v1 =	vmul.f32 v2, v25  }
0x134: {  	v2 =	vadd.f32 v5, v3;
	v3 =	vmul.f32 v4, v26  }
0x135: {  	v0 =	vadd.f32 v1, v0;
	v1 =	vmul.f32 v4, v27  }
0x136: {  	v2 =	vadd.f32 v3, v2;
	v3 =	vmul.f32 v6, v28  }
0x137: {  	v59 =	vadd.s32 $0x23, v30;
	v0 =	vadd.f32 v1, v0;
	v1 =	vmul.f32 v6, v29  }
0x138: {  	v2 =	vadd.f32 v3, v2  }
0x139: {  	v61 =	vadd.s32 $0x24, v30;
	v0 =	vadd.f32 v1, v0  }
0x13a: {  	[tilespmem:$0x878] =	vst v2  }
0x13b: {  	[tilespmem:$0x888] =	vst v0;
	v2 =	vadd.s32 $0x25, v30  }
0x13c: {  	v0 =	vld.idx.msk [tilespmem:v59+s3+$0x0], $0xffff  }
0x13d: {  	v62 =	vadd.s32 $0x26, v30  }
0x13e: {  	v1 =	vld.idx.msk [tilespmem:v61+s3+$0x0], $0xffff  }
0x13f: {  	v60 =	vadd.s32 $0x27, v30  }
0x140: {  	[tilespmem:$0x1F960] =	vst v2;
	v2 =	vld.idx.msk [tilespmem:v2+s3+$0x0], $0xffff  }
0x141: {  	v3 =	vmul.f32 v0, v20  }
0x142: {  	v4 =	vld.idx.msk [tilespmem:v62+s3+$0x0], $0xffff;
	v0 =	vmul.f32 v0, v21  }
0x143: {  	v5 =	vmul.f32 v1, v22;
	v3 =	vadd.f32 v3, v54  }
0x144: {  	v6 =	vld.idx.msk [tilespmem:v60+s3+$0x0], $0xffff;
	v1 =	vmul.f32 v1, v23;
	v0 =	vadd.f32 v0, v55  }
0x145: {  	v3 =	vadd.f32 v5, v3;
	v5 =	vmul.f32 v2, v24  }
0x146: {  	v0 =	vadd.f32 v1, v0;
	v1 =	vmul.f32 v2, v25  }
0x147: {  	v2 =	vadd.f32 v5, v3;
	v3 =	vmul.f32 v4, v26  }
0x148: {  	v0 =	vadd.f32 v1, v0;
	v1 =	vmul.f32 v4, v27  }
0x149: {  	v2 =	vadd.f32 v3, v2;
	v3 =	vmul.f32 v6, v28  }
0x14a: {  	v4 =	vadd.s32 $0x28, v30;
	v0 =	vadd.f32 v1, v0;
	v1 =	vmul.f32 v6, v29  }
0x14b: {  	v2 =	vadd.f32 v3, v2  }
0x14c: {  	v0 =	vadd.f32 v1, v0;
	v1 =	vadd.s32 $0x29, v30  }
0x14d: {  	[tilespmem:$0x898] =	vst v2  }
0x14e: {  	[tilespmem:$0x8A8] =	vst v0;
	v2 =	vadd.s32 $0x2A, v30  }
0x14f: {  	v0 =	vld.idx.msk [tilespmem:v4+s3+$0x0], $0xffff  }
0x150: {  	[tilespmem:$0x1F970] =	vst v4;
	v4 =	vadd.s32 $0x2B, v30  }
0x151: {  	[tilespmem:$0x1F980] =	vst v1;
	v1 =	vld.idx.msk [tilespmem:v1+s3+$0x0], $0xffff  }
0x152: {  	v6 =	vadd.s32 $0x2C, v30  }
0x153: {  	[tilespmem:$0x1F990] =	vst v2;
	v2 =	vld.idx.msk [tilespmem:v2+s3+$0x0], $0xffff  }
0x154: {  	v3 =	vmul.f32 v0, v20  }
0x155: {  	[tilespmem:$0x1F9A0] =	vst v4;
	v0 =	vmul.f32 v0, v21;
	v4 =	vld.idx.msk [tilespmem:v4+s3+$0x0], $0xffff  }
0x156: {  	v3 =	vadd.f32 v3, v54;
	v5 =	vmul.f32 v1, v22  }
0x157: {  	[tilespmem:$0x1F9B0] =	vst v6;
	v6 =	vld.idx.msk [tilespmem:v6+s3+$0x0], $0xffff;
	v0 =	vadd.f32 v0, v55;
	v1 =	vmul.f32 v1, v23  }
0x158: {  	v3 =	vadd.f32 v5, v3;
	v5 =	vmul.f32 v2, v24  }
0x159: {  	v0 =	vadd.f32 v1, v0;
	v1 =	vmul.f32 v2, v25  }
0x15a: {  	v2 =	vadd.f32 v5, v3;
	v3 =	vmul.f32 v4, v26  }
0x15b: {  	v0 =	vadd.f32 v1, v0;
	v1 =	vmul.f32 v4, v27  }
0x15c: {  	v2 =	vadd.f32 v3, v2;
	v3 =	vmul.f32 v6, v28  }
0x15d: {  	v4 =	vadd.s32 $0x2D, v30;
	v0 =	vadd.f32 v1, v0;
	v1 =	vmul.f32 v6, v29  }
0x15e: {  	v2 =	vadd.f32 v3, v2  }
0x15f: {  	v0 =	vadd.f32 v1, v0;
	v1 =	vadd.s32 $0x2E, v30  }
0x160: {  	[tilespmem:$0x8B8] =	vst v2  }
0x161: {  	[tilespmem:$0x8C8] =	vst v0;
	v2 =	vadd.s32 $0x2F, v30  }
0x162: {  	v0 =	vld.idx.msk [tilespmem:v4+s3+$0x0], $0xffff  }
0x163: {  	[tilespmem:$0x1F9C0] =	vst v4;
	v4 =	vadd.s32 $0x30, v30  }
0x164: {  	[tilespmem:$0x1F9D0] =	vst v1;
	v1 =	vld.idx.msk [tilespmem:v1+s3+$0x0], $0xffff  }
0x165: {  	v6 =	vadd.s32 $0x31, v30  }
0x166: {  	[tilespmem:$0x1F9E0] =	vst v2;
	v2 =	vld.idx.msk [tilespmem:v2+s3+$0x0], $0xffff  }
0x167: {  	v3 =	vmul.f32 v0, v20  }
0x168: {  	[tilespmem:$0x1F9F0] =	vst v4;
	v0 =	vmul.f32 v0, v21;
	v4 =	vld.idx.msk [tilespmem:v4+s3+$0x0], $0xffff  }
0x169: {  	v3 =	vadd.f32 v3, v54;
	v5 =	vmul.f32 v1, v22  }
0x16a: {  	[tilespmem:$0x1FA00] =	vst v6;
	v6 =	vld.idx.msk [tilespmem:v6+s3+$0x0], $0xffff;
	v0 =	vadd.f32 v0, v55;
	v1 =	vmul.f32 v1, v23  }
0x16b: {  	v3 =	vadd.f32 v5, v3;
	v5 =	vmul.f32 v2, v24  }
0x16c: {  	v0 =	vadd.f32 v1, v0;
	v1 =	vmul.f32 v2, v25  }
0x16d: {  	v2 =	vadd.f32 v5, v3;
	v3 =	vmul.f32 v4, v26  }
0x16e: {  	v0 =	vadd.f32 v1, v0;
	v1 =	vmul.f32 v4, v27  }
0x16f: {  	v2 =	vadd.f32 v3, v2;
	v3 =	vmul.f32 v6, v28  }
0x170: {  	v4 =	vadd.s32 $0x32, v30;
	v0 =	vadd.f32 v1, v0;
	v1 =	vmul.f32 v6, v29  }
0x171: {  	v2 =	vadd.f32 v3, v2  }
0x172: {  	v0 =	vadd.f32 v1, v0;
	v1 =	vadd.s32 $0x33, v30  }
0x173: {  	[tilespmem:$0x8D8] =	vst v2  }
0x174: {  	[tilespmem:$0x8E8] =	vst v0;
	v2 =	vadd.s32 $0x34, v30  }
0x175: {  	v0 =	vld.idx.msk [tilespmem:v4+s3+$0x0], $0xffff  }
0x176: {  	[tilespmem:$0x1FA10] =	vst v4;
	v4 =	vadd.s32 $0x35, v30  }
0x177: {  	[tilespmem:$0x1FA20] =	vst v1;
	v1 =	vld.idx.msk [tilespmem:v1+s3+$0x0], $0xffff  }
0x178: {  	v6 =	vadd.s32 $0x36, v30  }
0x179: {  	[tilespmem:$0x1FA30] =	vst v2;
	v2 =	vld.idx.msk [tilespmem:v2+s3+$0x0], $0xffff  }
0x17a: {  	v3 =	vmul.f32 v0, v20  }
0x17b: {  	[tilespmem:$0x1FA40] =	vst v4;
	v0 =	vmul.f32 v0, v21;
	v4 =	vld.idx.msk [tilespmem:v4+s3+$0x0], $0xffff  }
0x17c: {  	v3 =	vadd.f32 v3, v54;
	v5 =	vmul.f32 v1, v22  }
0x17d: {  	[tilespmem:$0x1FA50] =	vst v6;
	v6 =	vld.idx.msk [tilespmem:v6+s3+$0x0], $0xffff;
	v0 =	vadd.f32 v0, v55;
	v1 =	vmul.f32 v1, v23  }
0x17e: {  	v3 =	vadd.f32 v5, v3;
	v5 =	vmul.f32 v2, v24  }
0x17f: {  	v0 =	vadd.f32 v1, v0;
	v1 =	vmul.f32 v2, v25  }
0x180: {  	v2 =	vadd.f32 v5, v3;
	v3 =	vmul.f32 v4, v26  }
0x181: {  	v0 =	vadd.f32 v1, v0;
	v1 =	vmul.f32 v4, v27  }
0x182: {  	v2 =	vadd.f32 v3, v2;
	v3 =	vmul.f32 v6, v28  }
0x183: {  	v4 =	vadd.s32 $0x37, v30;
	v0 =	vadd.f32 v1, v0;
	v1 =	vmul.f32 v6, v29  }
0x184: {  	v2 =	vadd.f32 v3, v2  }
0x185: {  	v0 =	vadd.f32 v1, v0;
	v1 =	vadd.s32 $0x38, v30  }
0x186: {  	[tilespmem:$0x8F8] =	vst v2  }
0x187: {  	[tilespmem:$0x908] =	vst v0;
	v2 =	vadd.s32 $0x39, v30  }
0x188: {  	v0 =	vld.idx.msk [tilespmem:v4+s3+$0x0], $0xffff  }
0x189: {  	[tilespmem:$0x1FA60] =	vst v4;
	v4 =	vadd.s32 $0x3A, v30  }
0x18a: {  	[tilespmem:$0x1FA70] =	vst v1;
	v1 =	vld.idx.msk [tilespmem:v1+s3+$0x0], $0xffff  }
0x18b: {  	v6 =	vadd.s32 $0x3B, v30  }
0x18c: {  	[tilespmem:$0x1FA80] =	vst v2;
	v2 =	vld.idx.msk [tilespmem:v2+s3+$0x0], $0xffff  }
0x18d: {  	v3 =	vmul.f32 v0, v20  }
0x18e: {  	[tilespmem:$0x1FA90] =	vst v4;
	v0 =	vmul.f32 v0, v21;
	v4 =	vld.idx.msk [tilespmem:v4+s3+$0x0], $0xffff  }
0x18f: {  	v3 =	vadd.f32 v3, v54;
	v5 =	vmul.f32 v1, v22  }
0x190: {  	[tilespmem:$0x1FAA0] =	vst v6;
	v6 =	vld.idx.msk [tilespmem:v6+s3+$0x0], $0xffff;
	v0 =	vadd.f32 v0, v55;
	v1 =	vmul.f32 v1, v23  }
0x191: {  	v3 =	vadd.f32 v5, v3;
	v5 =	vmul.f32 v2, v24  }
0x192: {  	v0 =	vadd.f32 v1, v0;
	v1 =	vmul.f32 v2, v25  }
0x193: {  	v2 =	vadd.f32 v5, v3;
	v3 =	vmul.f32 v4, v26  }
0x194: {  	v0 =	vadd.f32 v1, v0;
	v1 =	vmul.f32 v4, v27  }
0x195: {  	v2 =	vadd.f32 v3, v2;
	v3 =	vmul.f32 v6, v28  }
0x196: {  	v4 =	vadd.s32 $0x3C, v30;
	v0 =	vadd.f32 v1, v0;
	v1 =	vmul.f32 v6, v29  }
0x197: {  	v2 =	vadd.f32 v3, v2  }
0x198: {  	v0 =	vadd.f32 v1, v0;
	v1 =	vadd.s32 $0x3D, v30  }
0x199: {  	[tilespmem:$0x918] =	vst v2  }
0x19a: {  	[tilespmem:$0x928] =	vst v0;
	v2 =	vadd.s32 $0x3E, v30  }
0x19b: {  	v0 =	vld.idx.msk [tilespmem:v4+s3+$0x0], $0xffff  }
0x19c: {  	[tilespmem:$0x1FAB0] =	vst v4;
	v4 =	vadd.s32 $0x3F, v30  }
0x19d: {  	[tilespmem:$0x1FAC0] =	vst v1;
	v1 =	vld.idx.msk [tilespmem:v1+s3+$0x0], $0xffff  }
0x19e: {  	v6 =	vadd.s32 $0x40, v30  }
0x19f: {  	[tilespmem:$0x1FAD0] =	vst v2;
	v2 =	vld.idx.msk [tilespmem:v2+s3+$0x0], $0xffff  }
0x1a0: {  	v3 =	vmul.f32 v0, v20  }
0x1a1: {  	[tilespmem:$0x1FAE0] =	vst v4;
	v0 =	vmul.f32 v0, v21;
	v4 =	vld.idx.msk [tilespmem:v4+s3+$0x0], $0xffff  }
0x1a2: {  	v3 =	vadd.f32 v3, v54;
	v5 =	vmul.f32 v1, v22  }
0x1a3: {  	[tilespmem:$0x1FAF0] =	vst v6;
	v6 =	vld.idx.msk [tilespmem:v6+s3+$0x0], $0xffff;
	v0 =	vadd.f32 v0, v55;
	v1 =	vmul.f32 v1, v23  }
0x1a4: {  	v3 =	vadd.f32 v5, v3;
	v5 =	vmul.f32 v2, v24  }
0x1a5: {  	v0 =	vadd.f32 v1, v0;
	v1 =	vmul.f32 v2, v25  }
0x1a6: {  	v2 =	vadd.f32 v5, v3;
	v3 =	vmul.f32 v4, v26  }
0x1a7: {  	v0 =	vadd.f32 v1, v0;
	v1 =	vmul.f32 v4, v27  }
0x1a8: {  	v2 =	vadd.f32 v3, v2;
	v3 =	vmul.f32 v6, v28  }
0x1a9: {  	v4 =	vadd.s32 $0x41, v30;
	v0 =	vadd.f32 v1, v0;
	v1 =	vmul.f32 v6, v29  }
0x1aa: {  	v2 =	vadd.f32 v3, v2  }
0x1ab: {  	v0 =	vadd.f32 v1, v0;
	v1 =	vadd.s32 $0x42, v30  }
0x1ac: {  	[tilespmem:$0x938] =	vst v2  }
0x1ad: {  	[tilespmem:$0x948] =	vst v0;
	v2 =	vadd.s32 $0x43, v30  }
0x1ae: {  	v0 =	vld.idx.msk [tilespmem:v4+s3+$0x0], $0xffff  }
0x1af: {  	[tilespmem:$0x1FB00] =	vst v4;
	v4 =	vadd.s32 $0x44, v30  }
0x1b0: {  	[tilespmem:$0x1FB10] =	vst v1;
	v1 =	vld.idx.msk [tilespmem:v1+s3+$0x0], $0xffff  }
0x1b1: {  	v6 =	vadd.s32 $0x45, v30  }
0x1b2: {  	[tilespmem:$0x1FB20] =	vst v2;
	v2 =	vld.idx.msk [tilespmem:v2+s3+$0x0], $0xffff  }
0x1b3: {  	v3 =	vmul.f32 v0, v20  }
0x1b4: {  	[tilespmem:$0x1FB30] =	vst v4;
	v0 =	vmul.f32 v0, v21;
	v4 =	vld.idx.msk [tilespmem:v4+s3+$0x0], $0xffff  }
0x1b5: {  	v3 =	vadd.f32 v3, v54;
	v5 =	vmul.f32 v1, v22  }
0x1b6: {  	[tilespmem:$0x1FB40] =	vst v6;
	v6 =	vld.idx.msk [tilespmem:v6+s3+$0x0], $0xffff;
	v0 =	vadd.f32 v0, v55;
	v1 =	vmul.f32 v1, v23  }
0x1b7: {  	v3 =	vadd.f32 v5, v3;
	v5 =	vmul.f32 v2, v24  }
0x1b8: {  	v0 =	vadd.f32 v1, v0;
	v1 =	vmul.f32 v2, v25  }
0x1b9: {  	v2 =	vadd.f32 v5, v3;
	v3 =	vmul.f32 v4, v26  }
0x1ba: {  	v0 =	vadd.f32 v1, v0;
	v1 =	vmul.f32 v4, v27  }
0x1bb: {  	v2 =	vadd.f32 v3, v2;
	v3 =	vmul.f32 v6, v28  }
0x1bc: {  	v4 =	vadd.s32 $0x46, v30;
	v0 =	vadd.f32 v1, v0;
	v1 =	vmul.f32 v6, v29  }
0x1bd: {  	v2 =	vadd.f32 v3, v2  }
0x1be: {  	v0 =	vadd.f32 v1, v0;
	v1 =	vadd.s32 $0x47, v30  }
0x1bf: {  	[tilespmem:$0x958] =	vst v2  }
0x1c0: {  	[tilespmem:$0x968] =	vst v0;
	v2 =	vadd.s32 $0x48, v30  }
0x1c1: {  	v0 =	vld.idx.msk [tilespmem:v4+s3+$0x0], $0xffff  }
0x1c2: {  	[tilespmem:$0x1FB50] =	vst v4;
	v4 =	vadd.s32 $0x49, v30  }
0x1c3: {  	[tilespmem:$0x1FB60] =	vst v1;
	v1 =	vld.idx.msk [tilespmem:v1+s3+$0x0], $0xffff  }
0x1c4: {  	v6 =	vadd.s32 $0x4A, v30  }
0x1c5: {  	[tilespmem:$0x1FB70] =	vst v2;
	v2 =	vld.idx.msk [tilespmem:v2+s3+$0x0], $0xffff  }
0x1c6: {  	v3 =	vmul.f32 v0, v20  }
0x1c7: {  	[tilespmem:$0x1FB80] =	vst v4;
	v0 =	vmul.f32 v0, v21;
	v4 =	vld.idx.msk [tilespmem:v4+s3+$0x0], $0xffff  }
0x1c8: {  	v3 =	vadd.f32 v3, v54;
	v5 =	vmul.f32 v1, v22  }
0x1c9: {  	[tilespmem:$0x1FB90] =	vst v6;
	v6 =	vld.idx.msk [tilespmem:v6+s3+$0x0], $0xffff;
	v0 =	vadd.f32 v0, v55;
	v1 =	vmul.f32 v1, v23  }
0x1ca: {  	v3 =	vadd.f32 v5, v3;
	v5 =	vmul.f32 v2, v24  }
0x1cb: {  	v0 =	vadd.f32 v1, v0;
	v1 =	vmul.f32 v2, v25  }
0x1cc: {  	v2 =	vadd.f32 v5, v3;
	v3 =	vmul.f32 v4, v26  }
0x1cd: {  	v0 =	vadd.f32 v1, v0;
	v1 =	vmul.f32 v4, v27  }
0x1ce: {  	v2 =	vadd.f32 v3, v2;
	v3 =	vmul.f32 v6, v28  }
0x1cf: {  	v4 =	vadd.s32 $0x4B, v30;
	v0 =	vadd.f32 v1, v0;
	v1 =	vmul.f32 v6, v29  }
0x1d0: {  	v2 =	vadd.f32 v3, v2  }
0x1d1: {  	v0 =	vadd.f32 v1, v0;
	v1 =	vadd.s32 $0x4C, v30  }
0x1d2: {  	[tilespmem:$0x978] =	vst v2  }
0x1d3: {  	[tilespmem:$0x988] =	vst v0;
	v2 =	vadd.s32 $0x4D, v30  }
0x1d4: {  	v0 =	vld.idx.msk [tilespmem:v4+s3+$0x0], $0xffff  }
0x1d5: {  	[tilespmem:$0x1FBA0] =	vst v4;
	v4 =	vadd.s32 $0x4E, v30  }
0x1d6: {  	[tilespmem:$0x1FBB0] =	vst v1;
	v1 =	vld.idx.msk [tilespmem:v1+s3+$0x0], $0xffff  }
0x1d7: {  	v6 =	vadd.s32 $0x4F, v30  }
0x1d8: {  	[tilespmem:$0x1FBC0] =	vst v2;
	v2 =	vld.idx.msk [tilespmem:v2+s3+$0x0], $0xffff  }
0x1d9: {  	v3 =	vmul.f32 v0, v20  }
0x1da: {  	[tilespmem:$0x1FBD0] =	vst v4;
	v0 =	vmul.f32 v0, v21;
	v4 =	vld.idx.msk [tilespmem:v4+s3+$0x0], $0xffff  }
0x1db: {  	v3 =	vadd.f32 v3, v54;
	v5 =	vmul.f32 v1, v22  }
0x1dc: {  	[tilespmem:$0x1FBE0] =	vst v6;
	v6 =	vld.idx.msk [tilespmem:v6+s3+$0x0], $0xffff;
	v0 =	vadd.f32 v0, v55;
	v1 =	vmul.f32 v1, v23  }
0x1dd: {  	v3 =	vadd.f32 v5, v3;
	v5 =	vmul.f32 v2, v24  }
0x1de: {  	v0 =	vadd.f32 v1, v0;
	v1 =	vmul.f32 v2, v25  }
0x1df: {  	v2 =	vadd.f32 v5, v3;
	v3 =	vmul.f32 v4, v26  }
0x1e0: {  	v0 =	vadd.f32 v1, v0;
	v1 =	vmul.f32 v4, v27  }
0x1e1: {  	v2 =	vadd.f32 v3, v2;
	v3 =	vmul.f32 v6, v28  }
0x1e2: {  	v4 =	vadd.s32 $0x50, v30;
	v0 =	vadd.f32 v1, v0;
	v1 =	vmul.f32 v6, v29  }
0x1e3: {  	v2 =	vadd.f32 v3, v2  }
0x1e4: {  	v0 =	vadd.f32 v1, v0;
	v1 =	vadd.s32 $0x51, v30  }
0x1e5: {  	[tilespmem:$0x998] =	vst v2  }
0x1e6: {  	[tilespmem:$0x9A8] =	vst v0;
	v2 =	vadd.s32 $0x52, v30  }
0x1e7: {  	v0 =	vld.idx.msk [tilespmem:v4+s3+$0x0], $0xffff  }
0x1e8: {  	v5 =	vadd.s32 $0x53, v30  }
0x1e9: {  	[tilespmem:$0x1FC00] =	vst v1;
	v1 =	vld.idx.msk [tilespmem:v1+s3+$0x0], $0xffff  }
0x1ea: {  	[tilespmem:$0x1FBF0] =	vst v4;
	v4 =	vadd.s32 $0x54, v30  }
0x1eb: {  	[tilespmem:$0x1FC10] =	vst v2;
	v2 =	vld.idx.msk [tilespmem:v2+s3+$0x0], $0xffff  }
0x1ec: {  	v3 =	vmul.f32 v0, v20  }
0x1ed: {  	[tilespmem:$0x1FC20] =	vst v5;
	v5 =	vld.idx.msk [tilespmem:v5+s3+$0x0], $0xffff;
	v0 =	vmul.f32 v0, v21  }
0x1ee: {  	v3 =	vadd.f32 v3, v54;
	v6 =	vmul.f32 v1, v22  }
0x1ef: {  	v7 =	vld.idx.msk [tilespmem:v4+s3+$0x0], $0xffff;
	v0 =	vadd.f32 v0, v55;
	v1 =	vmul.f32 v1, v23  }
0x1f0: {  	v3 =	vadd.f32 v6, v3;
	v6 =	vmul.f32 v2, v24  }
0x1f1: {  	v0 =	vadd.f32 v1, v0;
	v1 =	vmul.f32 v2, v25  }
0x1f2: {  	v2 =	vadd.f32 v6, v3;
	v3 =	vmul.f32 v5, v26  }
0x1f3: {  	v0 =	vadd.f32 v1, v0;
	v1 =	vmul.f32 v5, v27  }
0x1f4: {  	v2 =	vadd.f32 v3, v2;
	v3 =	vmul.f32 v7, v28  }
0x1f5: {  	[tilespmem:$0x1FC30] =	vst v4;
	v4 =	vadd.s32 $0x55, v30;
	v0 =	vadd.f32 v1, v0;
	v1 =	vmul.f32 v7, v29  }
0x1f6: {  	v2 =	vadd.f32 v3, v2  }
0x1f7: {  	v0 =	vadd.f32 v1, v0;
	v1 =	vadd.s32 $0x56, v30  }
0x1f8: {  	[tilespmem:$0x9B8] =	vst v2  }
0x1f9: {  	[tilespmem:$0x9C8] =	vst v0;
	v2 =	vadd.s32 $0x57, v30  }
0x1fa: {  	v0 =	vld.idx.msk [tilespmem:v4+s3+$0x0], $0xffff  }
0x1fb: {  	v5 =	vadd.s32 $0x58, v30  }
0x1fc: {  	[tilespmem:$0x1FC50] =	vst v1;
	v1 =	vld.idx.msk [tilespmem:v1+s3+$0x0], $0xffff  }
0x1fd: {  	[tilespmem:$0x1FC40] =	vst v4;
	v4 =	vadd.s32 $0x59, v30  }
0x1fe: {  	[tilespmem:$0x1FC60] =	vst v2;
	v2 =	vld.idx.msk [tilespmem:v2+s3+$0x0], $0xffff  }
0x1ff: {  	v3 =	vmul.f32 v0, v20  }
0x200: {  	[tilespmem:$0x1FC70] =	vst v5;
	v5 =	vld.idx.msk [tilespmem:v5+s3+$0x0], $0xffff;
	v0 =	vmul.f32 v0, v21  }
0x201: {  	v3 =	vadd.f32 v3, v54;
	v6 =	vmul.f32 v1, v22  }
0x202: {  	v7 =	vld.idx.msk [tilespmem:v4+s3+$0x0], $0xffff;
	v0 =	vadd.f32 v0, v55;
	v1 =	vmul.f32 v1, v23  }
0x203: {  	v3 =	vadd.f32 v6, v3;
	v6 =	vmul.f32 v2, v24  }
0x204: {  	v0 =	vadd.f32 v1, v0;
	v1 =	vmul.f32 v2, v25  }
0x205: {  	v2 =	vadd.f32 v6, v3;
	v3 =	vmul.f32 v5, v26  }
0x206: {  	v0 =	vadd.f32 v1, v0;
	v1 =	vmul.f32 v5, v27  }
0x207: {  	v2 =	vadd.f32 v3, v2;
	v3 =	vmul.f32 v7, v28  }
0x208: {  	[tilespmem:$0x1FC80] =	vst v4;
	v4 =	vadd.s32 $0x5A, v30;
	v0 =	vadd.f32 v1, v0;
	v1 =	vmul.f32 v7, v29  }
0x209: {  	v2 =	vadd.f32 v3, v2  }
0x20a: {  	v0 =	vadd.f32 v1, v0;
	v1 =	vadd.s32 $0x5B, v30  }
0x20b: {  	[tilespmem:$0x9D8] =	vst v2  }
0x20c: {  	[tilespmem:$0x9E8] =	vst v0;
	v2 =	vadd.s32 $0x5C, v30  }
0x20d: {  	v0 =	vld.idx.msk [tilespmem:v4+s3+$0x0], $0xffff  }
0x20e: {  	v5 =	vadd.s32 $0x5D, v30  }
0x20f: {  	[tilespmem:$0x1FCA0] =	vst v1;
	v1 =	vld.idx.msk [tilespmem:v1+s3+$0x0], $0xffff  }
0x210: {  	[tilespmem:$0x1FC90] =	vst v4;
	v4 =	vadd.s32 $0x5E, v30  }
0x211: {  	[tilespmem:$0x1FCB0] =	vst v2;
	v2 =	vld.idx.msk [tilespmem:v2+s3+$0x0], $0xffff  }
0x212: {  	v3 =	vmul.f32 v0, v20  }
0x213: {  	[tilespmem:$0x1FCC0] =	vst v5;
	v5 =	vld.idx.msk [tilespmem:v5+s3+$0x0], $0xffff;
	v0 =	vmul.f32 v0, v21  }
0x214: {  	v3 =	vadd.f32 v3, v54;
	v6 =	vmul.f32 v1, v22  }
0x215: {  	v7 =	vld.idx.msk [tilespmem:v4+s3+$0x0], $0xffff;
	v0 =	vadd.f32 v0, v55;
	v1 =	vmul.f32 v1, v23  }
0x216: {  	v3 =	vadd.f32 v6, v3;
	v6 =	vmul.f32 v2, v24  }
0x217: {  	v0 =	vadd.f32 v1, v0;
	v1 =	vmul.f32 v2, v25  }
0x218: {  	v2 =	vadd.f32 v6, v3;
	v3 =	vmul.f32 v5, v26  }
0x219: {  	v0 =	vadd.f32 v1, v0;
	v1 =	vmul.f32 v5, v27  }
0x21a: {  	v2 =	vadd.f32 v3, v2;
	v3 =	vmul.f32 v7, v28  }
0x21b: {  	[tilespmem:$0x1FCD0] =	vst v4;
	v4 =	vadd.s32 $0x5F, v30;
	v0 =	vadd.f32 v1, v0;
	v1 =	vmul.f32 v7, v29  }
0x21c: {  	v2 =	vadd.f32 v3, v2  }
0x21d: {  	v0 =	vadd.f32 v1, v0;
	v1 =	vadd.s32 $0x60, v30  }
0x21e: {  	[tilespmem:$0x9F8] =	vst v2  }
0x21f: {  	[tilespmem:$0xA08] =	vst v0;
	v2 =	vadd.s32 $0x61, v30  }
0x220: {  	v0 =	vld.idx.msk [tilespmem:v4+s3+$0x0], $0xffff  }
0x221: {  	v5 =	vadd.s32 $0x62, v30  }
0x222: {  	[tilespmem:$0x1FCF0] =	vst v1;
	v1 =	vld.idx.msk [tilespmem:v1+s3+$0x0], $0xffff  }
0x223: {  	[tilespmem:$0x1FCE0] =	vst v4;
	v4 =	vadd.s32 $0x63, v30  }
0x224: {  	[tilespmem:$0x1FD00] =	vst v2;
	v2 =	vld.idx.msk [tilespmem:v2+s3+$0x0], $0xffff  }
0x225: {  	v3 =	vmul.f32 v0, v20  }
0x226: {  	[tilespmem:$0x1FD10] =	vst v5;
	v5 =	vld.idx.msk [tilespmem:v5+s3+$0x0], $0xffff;
	v0 =	vmul.f32 v0, v21  }
0x227: {  	v3 =	vadd.f32 v3, v54;
	v6 =	vmul.f32 v1, v22  }
0x228: {  	v7 =	vld.idx.msk [tilespmem:v4+s3+$0x0], $0xffff;
	v0 =	vadd.f32 v0, v55;
	v1 =	vmul.f32 v1, v23  }
0x229: {  	v3 =	vadd.f32 v6, v3;
	v6 =	vmul.f32 v2, v24  }
0x22a: {  	v0 =	vadd.f32 v1, v0;
	v1 =	vmul.f32 v2, v25  }
0x22b: {  	v2 =	vadd.f32 v6, v3;
	v3 =	vmul.f32 v5, v26  }
0x22c: {  	v0 =	vadd.f32 v1, v0;
	v1 =	vmul.f32 v5, v27  }
0x22d: {  	v2 =	vadd.f32 v3, v2;
	v3 =	vmul.f32 v7, v28  }
0x22e: {  	[tilespmem:$0x1FD20] =	vst v4;
	v4 =	vadd.s32 $0x64, v30;
	v0 =	vadd.f32 v1, v0;
	v1 =	vmul.f32 v7, v29  }
0x22f: {  	v2 =	vadd.f32 v3, v2  }
0x230: {  	v0 =	vadd.f32 v1, v0;
	v1 =	vadd.s32 $0x65, v30  }
0x231: {  	[tilespmem:$0xA18] =	vst v2  }
0x232: {  	[tilespmem:$0xA28] =	vst v0;
	v2 =	vadd.s32 $0x66, v30  }
0x233: {  	v0 =	vld.idx.msk [tilespmem:v4+s3+$0x0], $0xffff  }
0x234: {  	v5 =	vadd.s32 $0x67, v30  }
0x235: {  	[tilespmem:$0x1FD40] =	vst v1;
	v1 =	vld.idx.msk [tilespmem:v1+s3+$0x0], $0xffff  }
0x236: {  	[tilespmem:$0x1FD30] =	vst v4;
	v4 =	vadd.s32 $0x68, v30  }
0x237: {  	[tilespmem:$0x1FD50] =	vst v2;
	v2 =	vld.idx.msk [tilespmem:v2+s3+$0x0], $0xffff  }
0x238: {  	v3 =	vmul.f32 v0, v20  }
0x239: {  	[tilespmem:$0x1FD60] =	vst v5;
	v5 =	vld.idx.msk [tilespmem:v5+s3+$0x0], $0xffff;
	v0 =	vmul.f32 v0, v21  }
0x23a: {  	v3 =	vadd.f32 v3, v54;
	v6 =	vmul.f32 v1, v22  }
0x23b: {  	v7 =	vld.idx.msk [tilespmem:v4+s3+$0x0], $0xffff;
	v0 =	vadd.f32 v0, v55;
	v1 =	vmul.f32 v1, v23  }
0x23c: {  	v3 =	vadd.f32 v6, v3;
	v6 =	vmul.f32 v2, v24  }
0x23d: {  	v0 =	vadd.f32 v1, v0;
	v1 =	vmul.f32 v2, v25  }
0x23e: {  	v2 =	vadd.f32 v6, v3;
	v3 =	vmul.f32 v5, v26  }
0x23f: {  	v0 =	vadd.f32 v1, v0;
	v1 =	vmul.f32 v5, v27  }
0x240: {  	v2 =	vadd.f32 v3, v2;
	v3 =	vmul.f32 v7, v28  }
0x241: {  	[tilespmem:$0x1FD70] =	vst v4;
	v4 =	vadd.s32 $0x69, v30;
	v0 =	vadd.f32 v1, v0;
	v1 =	vmul.f32 v7, v29  }
0x242: {  	v2 =	vadd.f32 v3, v2  }
0x243: {  	v0 =	vadd.f32 v1, v0;
	v1 =	vadd.s32 $0x6A, v30  }
0x244: {  	[tilespmem:$0xA38] =	vst v2  }
0x245: {  	[tilespmem:$0xA48] =	vst v0;
	v2 =	vadd.s32 $0x6B, v30  }
0x246: {  	v0 =	vld.idx.msk [tilespmem:v4+s3+$0x0], $0xffff  }
0x247: {  	v5 =	vadd.s32 $0x6C, v30  }
0x248: {  	[tilespmem:$0x1FD90] =	vst v1;
	v1 =	vld.idx.msk [tilespmem:v1+s3+$0x0], $0xffff  }
0x249: {  	[tilespmem:$0x1FD80] =	vst v4;
	v4 =	vadd.s32 $0x6D, v30  }
0x24a: {  	[tilespmem:$0x1FDA0] =	vst v2;
	v2 =	vld.idx.msk [tilespmem:v2+s3+$0x0], $0xffff  }
0x24b: {  	v3 =	vmul.f32 v0, v20  }
0x24c: {  	[tilespmem:$0x1FDB0] =	vst v5;
	v5 =	vld.idx.msk [tilespmem:v5+s3+$0x0], $0xffff;
	v0 =	vmul.f32 v0, v21  }
0x24d: {  	v3 =	vadd.f32 v3, v54;
	v6 =	vmul.f32 v1, v22  }
0x24e: {  	v7 =	vld.idx.msk [tilespmem:v4+s3+$0x0], $0xffff;
	v0 =	vadd.f32 v0, v55;
	v1 =	vmul.f32 v1, v23  }
0x24f: {  	v3 =	vadd.f32 v6, v3;
	v6 =	vmul.f32 v2, v24  }
0x250: {  	v0 =	vadd.f32 v1, v0;
	v1 =	vmul.f32 v2, v25  }
0x251: {  	v2 =	vadd.f32 v6, v3;
	v3 =	vmul.f32 v5, v26  }
0x252: {  	v0 =	vadd.f32 v1, v0;
	v1 =	vmul.f32 v5, v27  }
0x253: {  	v2 =	vadd.f32 v3, v2;
	v3 =	vmul.f32 v7, v28  }
0x254: {  	[tilespmem:$0x1FDC0] =	vst v4;
	v4 =	vadd.s32 $0x6E, v30;
	v0 =	vadd.f32 v1, v0;
	v1 =	vmul.f32 v7, v29  }
0x255: {  	v2 =	vadd.f32 v3, v2  }
0x256: {  	v0 =	vadd.f32 v1, v0;
	v1 =	vadd.s32 $0x6F, v30  }
0x257: {  	[tilespmem:$0xA58] =	vst v2  }
0x258: {  	[tilespmem:$0xA68] =	vst v0;
	v2 =	vadd.s32 $0x70, v30  }
0x259: {  	v0 =	vld.idx.msk [tilespmem:v4+s3+$0x0], $0xffff  }
0x25a: {  	v5 =	vadd.s32 $0x71, v30  }
0x25b: {  	[tilespmem:$0x1FDE0] =	vst v1;
	v1 =	vld.idx.msk [tilespmem:v1+s3+$0x0], $0xffff  }
0x25c: {  	[tilespmem:$0x1FDD0] =	vst v4;
	v4 =	vadd.s32 $0x72, v30  }
0x25d: {  	[tilespmem:$0x1FDF0] =	vst v2;
	v2 =	vld.idx.msk [tilespmem:v2+s3+$0x0], $0xffff  }
0x25e: {  	v3 =	vmul.f32 v0, v20  }
0x25f: {  	[tilespmem:$0x1FE00] =	vst v5;
	v5 =	vld.idx.msk [tilespmem:v5+s3+$0x0], $0xffff;
	v0 =	vmul.f32 v0, v21  }
0x260: {  	v3 =	vadd.f32 v3, v54;
	v6 =	vmul.f32 v1, v22  }
0x261: {  	v7 =	vld.idx.msk [tilespmem:v4+s3+$0x0], $0xffff;
	v0 =	vadd.f32 v0, v55;
	v1 =	vmul.f32 v1, v23  }
0x262: {  	v3 =	vadd.f32 v6, v3;
	v6 =	vmul.f32 v2, v24  }
0x263: {  	v0 =	vadd.f32 v1, v0;
	v1 =	vmul.f32 v2, v25  }
0x264: {  	v2 =	vadd.f32 v6, v3;
	v3 =	vmul.f32 v5, v26  }
0x265: {  	v0 =	vadd.f32 v1, v0;
	v1 =	vmul.f32 v5, v27  }
0x266: {  	v2 =	vadd.f32 v3, v2;
	v3 =	vmul.f32 v7, v28  }
0x267: {  	[tilespmem:$0x1FE10] =	vst v4;
	v4 =	vadd.s32 $0x73, v30;
	v0 =	vadd.f32 v1, v0;
	v1 =	vmul.f32 v7, v29  }
0x268: {  	v2 =	vadd.f32 v3, v2  }
0x269: {  	v0 =	vadd.f32 v1, v0;
	v1 =	vadd.s32 $0x74, v30  }
0x26a: {  	[tilespmem:$0xA78] =	vst v2  }
0x26b: {  	[tilespmem:$0xA88] =	vst v0;
	v2 =	vadd.s32 $0x75, v30  }
0x26c: {  	v0 =	vld.idx.msk [tilespmem:v4+s3+$0x0], $0xffff  }
0x26d: {  	v5 =	vadd.s32 $0x76, v30  }
0x26e: {  	[tilespmem:$0x1FE30] =	vst v1;
	v1 =	vld.idx.msk [tilespmem:v1+s3+$0x0], $0xffff  }
0x26f: {  	[tilespmem:$0x1FE20] =	vst v4;
	v4 =	vadd.s32 $0x77, v30  }
0x270: {  	[tilespmem:$0x1FE40] =	vst v2;
	v2 =	vld.idx.msk [tilespmem:v2+s3+$0x0], $0xffff  }
0x271: {  	v3 =	vmul.f32 v0, v20  }
0x272: {  	[tilespmem:$0x1FE50] =	vst v5;
	v5 =	vld.idx.msk [tilespmem:v5+s3+$0x0], $0xffff;
	v0 =	vmul.f32 v0, v21  }
0x273: {  	v3 =	vadd.f32 v3, v54;
	v6 =	vmul.f32 v1, v22  }
0x274: {  	v7 =	vld.idx.msk [tilespmem:v4+s3+$0x0], $0xffff;
	v0 =	vadd.f32 v0, v55;
	v1 =	vmul.f32 v1, v23  }
0x275: {  	v3 =	vadd.f32 v6, v3;
	v6 =	vmul.f32 v2, v24  }
0x276: {  	v0 =	vadd.f32 v1, v0;
	v1 =	vmul.f32 v2, v25  }
0x277: {  	v2 =	vadd.f32 v6, v3;
	v3 =	vmul.f32 v5, v26  }
0x278: {  	v0 =	vadd.f32 v1, v0;
	v1 =	vmul.f32 v5, v27  }
0x279: {  	v2 =	vadd.f32 v3, v2;
	v3 =	vmul.f32 v7, v28  }
0x27a: {  	[tilespmem:$0x1FE60] =	vst v4;
	v4 =	vadd.s32 $0x78, v30;
	v0 =	vadd.f32 v1, v0;
	v1 =	vmul.f32 v7, v29  }
0x27b: {  	v2 =	vadd.f32 v3, v2  }
0x27c: {  	v0 =	vadd.f32 v1, v0;
	v1 =	vadd.s32 $0x79, v30  }
0x27d: {  	[tilespmem:$0xA98] =	vst v2  }
0x27e: {  	[tilespmem:$0xAA8] =	vst v0;
	v2 =	vadd.s32 $0x7A, v30  }
0x27f: {  	v0 =	vld.idx.msk [tilespmem:v4+s3+$0x0], $0xffff  }
0x280: {  	v5 =	vadd.s32 $0x7B, v30  }
0x281: {  	[tilespmem:$0x1FE80] =	vst v1;
	v1 =	vld.idx.msk [tilespmem:v1+s3+$0x0], $0xffff  }
0x282: {  	[tilespmem:$0x1FE70] =	vst v4;
	v4 =	vadd.s32 $0x7C, v30  }
0x283: {  	[tilespmem:$0x1FE90] =	vst v2;
	v2 =	vld.idx.msk [tilespmem:v2+s3+$0x0], $0xffff  }
0x284: {  	v3 =	vmul.f32 v0, v20  }
0x285: {  	[tilespmem:$0x1FEA0] =	vst v5;
	v5 =	vld.idx.msk [tilespmem:v5+s3+$0x0], $0xffff;
	v0 =	vmul.f32 v0, v21  }
0x286: {  	v3 =	vadd.f32 v3, v54;
	v6 =	vmul.f32 v1, v22  }
0x287: {  	v7 =	vld.idx.msk [tilespmem:v4+s3+$0x0], $0xffff;
	v0 =	vadd.f32 v0, v55;
	v1 =	vmul.f32 v1, v23  }
0x288: {  	v3 =	vadd.f32 v6, v3;
	v6 =	vmul.f32 v2, v24  }
0x289: {  	v0 =	vadd.f32 v1, v0;
	v1 =	vmul.f32 v2, v25  }
0x28a: {  	v2 =	vadd.f32 v6, v3;
	v3 =	vmul.f32 v5, v26  }
0x28b: {  	v0 =	vadd.f32 v1, v0;
	v1 =	vmul.f32 v5, v27  }
0x28c: {  	v2 =	vadd.f32 v3, v2;
	v3 =	vmul.f32 v7, v28  }
0x28d: {  	v63 =	vadd.s32 $0x7D, v30;
	v0 =	vadd.f32 v1, v0;
	v1 =	vmul.f32 v7, v29  }
0x28e: {  	v2 =	vadd.f32 v3, v2  }
0x28f: {  	v6 =	vadd.s32 $0x7E, v30;
	v0 =	vadd.f32 v1, v0  }
0x290: {  	[tilespmem:$0xAB8] =	vst v2  }
0x291: {  	v8 =	vadd.s32 $0x7F, v30;
	[tilespmem:$0xAC8] =	vst v0  }
0x292: {  	v0 =	vld.idx.msk [tilespmem:v63+s3+$0x0], $0xffff  }
0x293: {  	v7 =	vadd.s32 $0x80, v30  }
0x294: {  	v1 =	vld.idx.msk [tilespmem:v6+s3+$0x0], $0xffff  }
0x295: {  	v5 =	vadd.s32 $0x81, v30  }
0x296: {  	v2 =	vld.idx.msk [tilespmem:v8+s3+$0x0], $0xffff  }
0x297: {  	v3 =	vmul.f32 v0, v20  }
0x298: {  	[tilespmem:$0x1F940] =	vst v9;
	v9 =	vld.idx.msk [tilespmem:v7+s3+$0x0], $0xffff;
	v0 =	vmul.f32 v0, v21  }
0x299: {  	[tilespmem:$0x1FEB0] =	vst v4;
	v4 =	vmul.f32 v1, v22;
	v3 =	vadd.f32 v3, v54  }
0x29a: {  	[tilespmem:$0x1F910] =	vst v10;
	v10 =	vld.idx.msk [tilespmem:v5+s3+$0x0], $0xffff;
	v1 =	vmul.f32 v1, v23;
	v0 =	vadd.f32 v0, v55  }
0x29b: {  	v3 =	vadd.f32 v4, v3;
	v4 =	vmul.f32 v2, v24  }
0x29c: {  	v0 =	vadd.f32 v1, v0;
	v1 =	vmul.f32 v2, v25  }
0x29d: {  	v2 =	vadd.f32 v4, v3;
	v3 =	vmul.f32 v9, v26  }
0x29e: {  	v0 =	vadd.f32 v1, v0;
	v1 =	vmul.f32 v9, v27  }
0x29f: {  	v2 =	vadd.f32 v3, v2;
	v3 =	vmul.f32 v10, v28  }
0x2a0: {  	v9 =	vadd.s32 $0x82, v30;
	v0 =	vadd.f32 v1, v0;
	v1 =	vmul.f32 v10, v29  }
0x2a1: {  	v2 =	vadd.f32 v3, v2  }
0x2a2: {  	v0 =	vadd.f32 v1, v0;
	v1 =	vadd.s32 $0x83, v30  }
0x2a3: {  	[tilespmem:$0xAD8] =	vst v2  }
0x2a4: {  	v3 =	vadd.s32 $0x84, v30;
	[tilespmem:$0xAE8] =	vst v0  }
0x2a5: {  	v4 =	vld.idx.msk [tilespmem:v9+s3+$0x0], $0xffff  }
0x2a6: {  	v2 =	vadd.s32 $0x85, v30  }
0x2a7: {  	v10 =	vld.idx.msk [tilespmem:v1+s3+$0x0], $0xffff  }
0x2a8: {  	v0 =	vadd.s32 $0x86, v30  }
0x2a9: {  	[tilespmem:$0x1F950] =	vst v11;
	v11 =	vld.idx.msk [tilespmem:v3+s3+$0x0], $0xffff  }
0x2aa: {  	[tilespmem:$0x1F8F0] =	vst v12;
	v12 =	vmul.f32 v4, v20  }
0x2ab: {  	[tilespmem:$0x1F920] =	vst v13;
	v13 =	vld.idx.msk [tilespmem:v2+s3+$0x0], $0xffff;
	v4 =	vmul.f32 v4, v21  }
0x2ac: {  	v12 =	vadd.f32 v12, v54;
	v54 =	vmul.f32 v10, v22  }
0x2ad: {  	v4 =	vadd.f32 v4, v55;
	v10 =	vmul.f32 v10, v23;
	v55 =	vld.idx.msk [tilespmem:v0+s3+$0x0], $0xffff  }
0x2ae: {  	v12 =	vadd.f32 v54, v12;
	v54 =	vmul.f32 v11, v24  }
0x2af: {  	v4 =	vadd.f32 v10, v4;
	v10 =	vmul.f32 v11, v25  }
0x2b0: {  	v11 =	vadd.f32 v54, v12;
	v12 =	vmul.f32 v13, v26  }
0x2b1: {  	v4 =	vadd.f32 v10, v4;
	v10 =	vmul.f32 v13, v27  }
0x2b2: {  	v11 =	vadd.f32 v12, v11;
	v12 =	vmul.f32 v55, v28  }
0x2b3: {  	v4 =	vadd.f32 v10, v4;
	v10 =	vmul.f32 v55, v29  }
0x2b4: {  	v11 =	vadd.f32 v12, v11  }
0x2b5: {  	v4 =	vadd.f32 v10, v4  }
0x2b6: {  	[tilespmem:$0xAF8] =	vst v11  }
.Ltmp2:
0x2b7: {  	[tilespmem:$0xB08] =	vst v4;
	(pc) =	sbr.rel @p0 .LBB2_3-.Ltmp2, $4  }
0x2b8: {  	[spmem:s7] =	stream.linear.scatter [tilespmem:s18], [sflag:$0x3], $0x360, $0x38;
	[tilespmem:$0x50D8] =	vst v63  }
0x2b9: {  	_ =	swait.ge [sflag:s16], $0x360  }
0x2ba: {  	[sflag:s16] =	ssyncset.done $0x0  }
0x2bb: {  	[sflag:s16] =	ssyncadd.s32 $0xFFFFFCA0  }
0x2bc: {  	v4 =	vld [tilespmem:$0x1FF10];
	_ =	sdelay $0x3  }
0x2bd: {  	v10 =	vld [tilespmem:$0x1FF20]  }
0x2be: {  	v4 =	vadd.s32 v4, v30;
	_ =	sdelay $0x1  }
0x2bf: {  	v11 =	vld [tilespmem:$0x1FF30]  }
0x2c0: {  	v54 =	vld [tilespmem:$0x1F8A0]  }
0x2c1: {  	v55 =	vld [tilespmem:$0x1F8B0];
	v10 =	vadd.s32 v10, v30  }
0x2c2: {  	[tilespmem:$0x1F890] =	vst v5;
	v5 =	vmov v60;
	v4 =	vld.idx.msk [tilespmem:v4+s3+$0x0], $0xffff  }
0x2c3: {  	v60 =	vmovc v59;
	v59 =	vmovc v53;
	v53 =	vmov v52;
	v52 =	vmov v48;
	v48 =	vmov v47  }
0x2c4: {  	v47 =	vmovc v43;
	v43 =	vmovc v42;
	v42 =	vmov v38;
	v38 =	vmov v37;
	v37 =	vmov v33  }
0x2c5: {  	v33 =	vmovc v32;
	v32 =	vmovc v17;
	v17 =	vmov v16;
	v16 =	vmov v15;
	v15 =	vmov v14;
	v14 =	vld [tilespmem:$0x1F8D0]  }
0x2c6: {  	v11 =	vadd.s32 v11, v30;
	v10 =	vld.idx.msk [tilespmem:v10+s3+$0x0], $0xffff  }
0x2c7: {  	v54 =	vmul.f32 v4, v54;
	v4 =	vmul.f32 v4, v55;
	v55 =	vld [tilespmem:$0x1F8C0];
	_ =	sdelay $0x2  }
0x2c8: {  	v12 =	vld [tilespmem:$0x1FF40]  }
0x2c9: {  	v11 =	vld.idx.msk [tilespmem:v11+s3+$0x0], $0xffff  }
0x2ca: {  	v55 =	vmul.f32 v10, v55;
	v10 =	vmul.f32 v10, v14;
	v14 =	vld [tilespmem:$0x1F8E0];
	_ =	sdelay $0x2  }
0x2cb: {  	v54 =	vadd.f32 $0.0e+00, v54  }
0x2cc: {  	v12 =	vadd.s32 v12, v30  }
0x2cd: {  	v54 =	vadd.f32 v55, v54;
	v55 =	vmul.f32 v11, v14;
	v14 =	vld [tilespmem:$0x1F8F0];
	_ =	sdelay $0x1  }
0x2ce: {  	v13 =	vld [tilespmem:$0x1FF50]  }
0x2cf: {  	v4 =	vadd.f32 $0.0e+00, v4  }
0x2d0: {  	v12 =	vld.idx.msk [tilespmem:v12+s3+$0x0], $0xffff  }
0x2d1: {  	v4 =	vadd.f32 v10, v4;
	v10 =	vmul.f32 v11, v14;
	v14 =	vld [tilespmem:$0x1F900]  }
0x2d2: {  	v11 =	vld.idx.msk [tilespmem:v30+s3+$0x0], $0xffff  }
0x2d3: {  	v13 =	vadd.s32 v13, v30;
	v30 =	vadd.f32 v55, v54;
	v55 =	vld [tilespmem:$0x1F920];
	_ =	sdelay $0x2  }
0x2d4: {  	v54 =	vmul.f32 v12, v14;
	v14 =	vld [tilespmem:$0x1F910];
	_ =	sdelay $0x2  }
0x2d5: {  	v13 =	vld.idx.msk [tilespmem:v13+s3+$0x0], $0xffff  }
0x2d6: {  	v30 =	vadd.f32 v54, v30;
	v54 =	vld [tilespmem:$0x1F930]  }
0x2d7: {  	v4 =	vadd.f32 v10, v4;
	v10 =	vmul.f32 v12, v14;
	v12 =	vld.idx.msk [tilespmem:v55+s3+$0x0], $0xffff  }
0x2d8: {  	v55 =	vld [tilespmem:$0x1F940];
	_ =	sdelay $0x4  }
0x2d9: {  	v54 =	vmul.f32 v13, v54;
	v4 =	vadd.f32 v10, v4;
	v10 =	vmul.f32 v13, v55;
	v13 =	vld.idx.msk [tilespmem:v15+s3+$0x0], $0xffff  }
0x2da: {  	v15 =	vld [tilespmem:$0x1F950];
	_ =	sdelay $0x6  }
0x2db: {  	v30 =	vadd.f32 v54, v30;
	v55 =	vmul.f32 v11, v20  }
0x2dc: {  	v14 =	vmul.f32 v11, v21;
	v54 =	vadd.f32 v10, v4;
	v10 =	vld.idx.msk [tilespmem:v15+s3+$0x0], $0xffff  }
0x2dd: {  	v11 =	vadd.f32 v55, v30;
	v55 =	vmul.f32 v12, v22  }
0x2de: {  	v12 =	vmul.f32 v12, v23;
	v4 =	vadd.f32 v14, v54;
	v14 =	vld.idx.msk [tilespmem:v16+s3+$0x0], $0xffff  }
0x2df: {  	v11 =	vadd.f32 v55, v11;
	v16 =	vmul.f32 v13, v24  }
0x2e0: {  	v4 =	vadd.f32 v12, v4;
	v12 =	vmul.f32 v13, v25  }
0x2e1: {  	v11 =	vadd.f32 v16, v11;
	v16 =	vmul.f32 v10, v26  }
0x2e2: {  	v4 =	vadd.f32 v12, v4;
	v10 =	vmul.f32 v10, v27  }
0x2e3: {  	v55 =	vmul.f32 v14, v28;
	v11 =	vadd.f32 v16, v11  }
0x2e4: {  	v4 =	vadd.f32 v10, v4;
	v16 =	vmul.f32 v14, v29  }
0x2e5: {  	v11 =	vadd.f32 v55, v11  }
0x2e6: {  	v4 =	vadd.f32 v16, v4  }
0x2e7: {  	[tilespmem:$0x7B8] =	vst v11  }
0x2e8: {  	[tilespmem:$0x7C8] =	vst v4  }
0x2e9: {  	v4 =	vld.idx.msk [tilespmem:v17+s3+$0x0], $0xffff;
	_ =	sdelay $0x1  }
0x2ea: {  	v18 =	vld.idx.msk [tilespmem:v18+s3+$0x0], $0xffff;
	_ =	sdelay $0x1  }
0x2eb: {  	v11 =	vld.idx.msk [tilespmem:v31+s3+$0x0], $0xffff  }
0x2ec: {  	v55 =	vmul.f32 v4, v20  }
0x2ed: {  	v16 =	vld.idx.msk [tilespmem:v19+s3+$0x0], $0xffff;
	v4 =	vmul.f32 v4, v21  }
0x2ee: {  	v17 =	vmul.f32 v18, v22;
	v12 =	vadd.f32 v55, v30  }
0x2ef: {  	v10 =	vmul.f32 v18, v23;
	v4 =	vadd.f32 v4, v54;
	v55 =	vld.idx.msk [tilespmem:v32+s3+$0x0], $0xffff  }
0x2f0: {  	v18 =	vmul.f32 v11, v24;
	v12 =	vadd.f32 v17, v12  }
0x2f1: {  	v19 =	vmul.f32 v11, v25;
	v4 =	vadd.f32 v10, v4  }
0x2f2: {  	v32 =	vmul.f32 v16, v26;
	v31 =	vadd.f32 v18, v12  }
0x2f3: {  	v16 =	vmul.f32 v16, v27;
	v4 =	vadd.f32 v19, v4  }
0x2f4: {  	v17 =	vmul.f32 v55, v28;
	v11 =	vadd.f32 v32, v31  }
0x2f5: {  	v18 =	vmul.f32 v55, v29;
	v4 =	vadd.f32 v16, v4  }
0x2f6: {  	v11 =	vadd.f32 v17, v11  }
0x2f7: {  	v4 =	vadd.f32 v18, v4  }
0x2f8: {  	[tilespmem:$0x7D8] =	vst v11  }
0x2f9: {  	[tilespmem:$0x7E8] =	vst v4  }
0x2fa: {  	v4 =	vld.idx.msk [tilespmem:v33+s3+$0x0], $0xffff;
	_ =	sdelay $0x1  }
0x2fb: {  	v19 =	vld.idx.msk [tilespmem:v34+s3+$0x0], $0xffff;
	_ =	sdelay $0x1  }
0x2fc: {  	v11 =	vld.idx.msk [tilespmem:v36+s3+$0x0], $0xffff  }
0x2fd: {  	v31 =	vmul.f32 v4, v20  }
0x2fe: {  	v32 =	vld.idx.msk [tilespmem:v35+s3+$0x0], $0xffff;
	v4 =	vmul.f32 v4, v21  }
0x2ff: {  	v33 =	vmul.f32 v19, v22;
	v12 =	vadd.f32 v31, v30  }
0x300: {  	v34 =	vld.idx.msk [tilespmem:v37+s3+$0x0], $0xffff;
	v10 =	vmul.f32 v19, v23;
	v4 =	vadd.f32 v4, v54  }
0x301: {  	v35 =	vmul.f32 v11, v24;
	v12 =	vadd.f32 v33, v12  }
0x302: {  	v36 =	vmul.f32 v11, v25;
	v4 =	vadd.f32 v10, v4  }
0x303: {  	v16 =	vmul.f32 v32, v26;
	v37 =	vadd.f32 v35, v12  }
0x304: {  	v17 =	vmul.f32 v32, v27;
	v4 =	vadd.f32 v36, v4  }
0x305: {  	v18 =	vmul.f32 v34, v28;
	v11 =	vadd.f32 v16, v37  }
0x306: {  	v19 =	vmul.f32 v34, v29;
	v4 =	vadd.f32 v17, v4  }
0x307: {  	v11 =	vadd.f32 v18, v11  }
0x308: {  	v4 =	vadd.f32 v19, v4  }
0x309: {  	[tilespmem:$0x7F8] =	vst v11  }
0x30a: {  	[tilespmem:$0x808] =	vst v4  }
0x30b: {  	v4 =	vld.idx.msk [tilespmem:v38+s3+$0x0], $0xffff;
	_ =	sdelay $0x1  }
0x30c: {  	v31 =	vld.idx.msk [tilespmem:v39+s3+$0x0], $0xffff;
	_ =	sdelay $0x1  }
0x30d: {  	v11 =	vld.idx.msk [tilespmem:v41+s3+$0x0], $0xffff  }
0x30e: {  	v32 =	vmul.f32 v4, v20  }
0x30f: {  	v33 =	vld.idx.msk [tilespmem:v40+s3+$0x0], $0xffff;
	v4 =	vmul.f32 v4, v21  }
0x310: {  	v34 =	vmul.f32 v31, v22;
	v12 =	vadd.f32 v32, v30  }
0x311: {  	v35 =	vld.idx.msk [tilespmem:v42+s3+$0x0], $0xffff;
	v10 =	vmul.f32 v31, v23;
	v4 =	vadd.f32 v4, v54  }
0x312: {  	v36 =	vmul.f32 v11, v24;
	v12 =	vadd.f32 v34, v12  }
0x313: {  	v37 =	vmul.f32 v11, v25;
	v4 =	vadd.f32 v10, v4  }
0x314: {  	v39 =	vmul.f32 v33, v26;
	v38 =	vadd.f32 v36, v12  }
0x315: {  	v40 =	vmul.f32 v33, v27;
	v4 =	vadd.f32 v37, v4  }
0x316: {  	v41 =	vmul.f32 v35, v28;
	v11 =	vadd.f32 v39, v38  }
0x317: {  	v42 =	vmul.f32 v35, v29;
	v4 =	vadd.f32 v40, v4  }
0x318: {  	v11 =	vadd.f32 v41, v11  }
0x319: {  	v4 =	vadd.f32 v42, v4  }
0x31a: {  	[tilespmem:$0x818] =	vst v11  }
0x31b: {  	[tilespmem:$0x828] =	vst v4  }
0x31c: {  	v4 =	vld.idx.msk [tilespmem:v43+s3+$0x0], $0xffff;
	_ =	sdelay $0x1  }
0x31d: {  	v43 =	vld.idx.msk [tilespmem:v44+s3+$0x0], $0xffff;
	_ =	sdelay $0x1  }
0x31e: {  	v11 =	vld.idx.msk [tilespmem:v46+s3+$0x0], $0xffff  }
0x31f: {  	v44 =	vmul.f32 v4, v20  }
0x320: {  	v45 =	vld.idx.msk [tilespmem:v45+s3+$0x0], $0xffff;
	v4 =	vmul.f32 v4, v21  }
0x321: {  	v46 =	vmul.f32 v43, v22;
	v12 =	vadd.f32 v44, v30  }
0x322: {  	v47 =	vld.idx.msk [tilespmem:v47+s3+$0x0], $0xffff;
	v10 =	vmul.f32 v43, v23;
	v4 =	vadd.f32 v4, v54  }
0x323: {  	v16 =	vmul.f32 v11, v24;
	v12 =	vadd.f32 v46, v12  }
0x324: {  	v17 =	vmul.f32 v11, v25;
	v4 =	vadd.f32 v10, v4  }
0x325: {  	v19 =	vmul.f32 v45, v26;
	v18 =	vadd.f32 v16, v12  }
0x326: {  	v31 =	vmul.f32 v45, v27;
	v4 =	vadd.f32 v17, v4  }
0x327: {  	v32 =	vmul.f32 v47, v28;
	v11 =	vadd.f32 v19, v18  }
0x328: {  	v33 =	vmul.f32 v47, v29;
	v4 =	vadd.f32 v31, v4  }
0x329: {  	v11 =	vadd.f32 v32, v11  }
0x32a: {  	v4 =	vadd.f32 v33, v4  }
0x32b: {  	[tilespmem:$0x838] =	vst v11  }
0x32c: {  	[tilespmem:$0x848] =	vst v4  }
0x32d: {  	v4 =	vld.idx.msk [tilespmem:v48+s3+$0x0], $0xffff;
	_ =	sdelay $0x1  }
0x32e: {  	v34 =	vld.idx.msk [tilespmem:v49+s3+$0x0], $0xffff;
	_ =	sdelay $0x1  }
0x32f: {  	v11 =	vld.idx.msk [tilespmem:v51+s3+$0x0], $0xffff  }
0x330: {  	v35 =	vmul.f32 v4, v20  }
0x331: {  	v36 =	vld.idx.msk [tilespmem:v50+s3+$0x0], $0xffff;
	v4 =	vmul.f32 v4, v21  }
0x332: {  	v37 =	vmul.f32 v34, v22;
	v12 =	vadd.f32 v35, v30  }
0x333: {  	v38 =	vld.idx.msk [tilespmem:v52+s3+$0x0], $0xffff;
	v10 =	vmul.f32 v34, v23;
	v4 =	vadd.f32 v4, v54  }
0x334: {  	v39 =	vmul.f32 v11, v24;
	v12 =	vadd.f32 v37, v12  }
0x335: {  	v40 =	vmul.f32 v11, v25;
	v4 =	vadd.f32 v10, v4  }
0x336: {  	v42 =	vmul.f32 v36, v26;
	v41 =	vadd.f32 v39, v12  }
0x337: {  	v43 =	vmul.f32 v36, v27;
	v4 =	vadd.f32 v40, v4  }
0x338: {  	v44 =	vmul.f32 v38, v28;
	v11 =	vadd.f32 v42, v41  }
0x339: {  	v45 =	vmul.f32 v38, v29;
	v4 =	vadd.f32 v43, v4  }
0x33a: {  	v11 =	vadd.f32 v44, v11  }
0x33b: {  	v4 =	vadd.f32 v45, v4  }
0x33c: {  	[tilespmem:$0x858] =	vst v11  }
0x33d: {  	[tilespmem:$0x868] =	vst v4  }
0x33e: {  	v4 =	vld.idx.msk [tilespmem:v53+s3+$0x0], $0xffff;
	_ =	sdelay $0x1  }
0x33f: {  	v46 =	vld.idx.msk [tilespmem:v56+s3+$0x0], $0xffff;
	_ =	sdelay $0x1  }
0x340: {  	v11 =	vld.idx.msk [tilespmem:v58+s3+$0x0], $0xffff  }
0x341: {  	v47 =	vmul.f32 v4, v20  }
0x342: {  	v48 =	vld.idx.msk [tilespmem:v57+s3+$0x0], $0xffff;
	v4 =	vmul.f32 v4, v21  }
0x343: {  	v49 =	vmul.f32 v46, v22;
	v12 =	vadd.f32 v47, v30  }
0x344: {  	v50 =	vld.idx.msk [tilespmem:v59+s3+$0x0], $0xffff;
	v10 =	vmul.f32 v46, v23;
	v4 =	vadd.f32 v4, v54  }
0x345: {  	v51 =	vmul.f32 v11, v24;
	v12 =	vadd.f32 v49, v12  }
0x346: {  	v52 =	vmul.f32 v11, v25;
	v4 =	vadd.f32 v10, v4  }
0x347: {  	v56 =	vmul.f32 v48, v26;
	v53 =	vadd.f32 v51, v12  }
0x348: {  	v57 =	vmul.f32 v48, v27;
	v4 =	vadd.f32 v52, v4  }
0x349: {  	v58 =	vmul.f32 v50, v28;
	v11 =	vadd.f32 v56, v53  }
0x34a: {  	v59 =	vmul.f32 v50, v29;
	v4 =	vadd.f32 v57, v4  }
0x34b: {  	v16 =	vld [tilespmem:$0x1F960];
	v11 =	vadd.f32 v58, v11  }
0x34c: {  	v4 =	vadd.f32 v59, v4  }
0x34d: {  	[tilespmem:$0x878] =	vst v11  }
0x34e: {  	[tilespmem:$0x888] =	vst v4  }
0x34f: {  	v4 =	vld.idx.msk [tilespmem:v60+s3+$0x0], $0xffff;
	_ =	sdelay $0x1  }
0x350: {  	v61 =	vld.idx.msk [tilespmem:v61+s3+$0x0], $0xffff;
	_ =	sdelay $0x1  }
0x351: {  	v11 =	vld.idx.msk [tilespmem:v16+s3+$0x0], $0xffff  }
0x352: {  	v17 =	vmul.f32 v4, v20  }
0x353: {  	v18 =	vld.idx.msk [tilespmem:v62+s3+$0x0], $0xffff;
	v4 =	vmul.f32 v4, v21  }
0x354: {  	v19 =	vmul.f32 v61, v22;
	v12 =	vadd.f32 v17, v30  }
0x355: {  	v31 =	vld.idx.msk [tilespmem:v5+s3+$0x0], $0xffff;
	v10 =	vmul.f32 v61, v23;
	v4 =	vadd.f32 v4, v54  }
0x356: {  	v32 =	vmul.f32 v11, v24;
	v12 =	vadd.f32 v19, v12  }
0x357: {  	v33 =	vmul.f32 v11, v25;
	v4 =	vadd.f32 v10, v4  }
0x358: {  	v39 =	vld [tilespmem:$0x1F970];
	v35 =	vmul.f32 v18, v26;
	v34 =	vadd.f32 v32, v12  }
0x359: {  	v36 =	vmul.f32 v18, v27;
	v4 =	vadd.f32 v33, v4  }
0x35a: {  	v40 =	vld [tilespmem:$0x1F980];
	v37 =	vmul.f32 v31, v28;
	v11 =	vadd.f32 v35, v34  }
0x35b: {  	v38 =	vmul.f32 v31, v29;
	v4 =	vadd.f32 v36, v4  }
0x35c: {  	v42 =	vld [tilespmem:$0x1F990];
	v11 =	vadd.f32 v37, v11  }
0x35d: {  	v4 =	vadd.f32 v38, v4  }
0x35e: {  	v44 =	vld [tilespmem:$0x1F9A0];
	[tilespmem:$0x898] =	vst v11  }
0x35f: {  	v47 =	vld [tilespmem:$0x1F9B0];
	[tilespmem:$0x8A8] =	vst v4  }
0x360: {  	v4 =	vld.idx.msk [tilespmem:v39+s3+$0x0], $0xffff;
	_ =	sdelay $0x1  }
0x361: {  	v41 =	vld.idx.msk [tilespmem:v40+s3+$0x0], $0xffff;
	_ =	sdelay $0x1  }
0x362: {  	v11 =	vld.idx.msk [tilespmem:v42+s3+$0x0], $0xffff  }
0x363: {  	v43 =	vmul.f32 v4, v20  }
0x364: {  	v45 =	vld.idx.msk [tilespmem:v44+s3+$0x0], $0xffff;
	v4 =	vmul.f32 v4, v21  }
0x365: {  	v46 =	vmul.f32 v41, v22;
	v12 =	vadd.f32 v43, v30  }
0x366: {  	v48 =	vld.idx.msk [tilespmem:v47+s3+$0x0], $0xffff;
	v10 =	vmul.f32 v41, v23;
	v4 =	vadd.f32 v4, v54  }
0x367: {  	v49 =	vmul.f32 v11, v24;
	v12 =	vadd.f32 v46, v12  }
0x368: {  	v50 =	vmul.f32 v11, v25;
	v4 =	vadd.f32 v10, v4  }
0x369: {  	v58 =	vld [tilespmem:$0x1F9C0];
	v52 =	vmul.f32 v45, v26;
	v51 =	vadd.f32 v49, v12  }
0x36a: {  	v53 =	vmul.f32 v45, v27;
	v4 =	vadd.f32 v50, v4  }
0x36b: {  	v59 =	vld [tilespmem:$0x1F9D0];
	v56 =	vmul.f32 v48, v28;
	v11 =	vadd.f32 v52, v51  }
0x36c: {  	v57 =	vmul.f32 v48, v29;
	v4 =	vadd.f32 v53, v4  }
0x36d: {  	v61 =	vld [tilespmem:$0x1F9E0];
	v11 =	vadd.f32 v56, v11  }
0x36e: {  	v4 =	vadd.f32 v57, v4  }
0x36f: {  	v15 =	vld [tilespmem:$0x1F9F0];
	[tilespmem:$0x8B8] =	vst v11  }
0x370: {  	v18 =	vld [tilespmem:$0x1FA00];
	[tilespmem:$0x8C8] =	vst v4  }
0x371: {  	v4 =	vld.idx.msk [tilespmem:v58+s3+$0x0], $0xffff;
	_ =	sdelay $0x1  }
0x372: {  	v60 =	vld.idx.msk [tilespmem:v59+s3+$0x0], $0xffff;
	_ =	sdelay $0x1  }
0x373: {  	v11 =	vld.idx.msk [tilespmem:v61+s3+$0x0], $0xffff  }
0x374: {  	v62 =	vmul.f32 v4, v20  }
0x375: {  	v16 =	vld.idx.msk [tilespmem:v15+s3+$0x0], $0xffff;
	v4 =	vmul.f32 v4, v21  }
0x376: {  	v17 =	vmul.f32 v60, v22;
	v12 =	vadd.f32 v62, v30  }
0x377: {  	v19 =	vld.idx.msk [tilespmem:v18+s3+$0x0], $0xffff;
	v10 =	vmul.f32 v60, v23;
	v4 =	vadd.f32 v4, v54  }
0x378: {  	v31 =	vmul.f32 v11, v24;
	v12 =	vadd.f32 v17, v12  }
0x379: {  	v32 =	vmul.f32 v11, v25;
	v4 =	vadd.f32 v10, v4  }
0x37a: {  	v38 =	vld [tilespmem:$0x1FA10];
	v34 =	vmul.f32 v16, v26;
	v33 =	vadd.f32 v31, v12  }
0x37b: {  	v35 =	vmul.f32 v16, v27;
	v4 =	vadd.f32 v32, v4  }
0x37c: {  	v39 =	vld [tilespmem:$0x1FA20];
	v36 =	vmul.f32 v19, v28;
	v11 =	vadd.f32 v34, v33  }
0x37d: {  	v37 =	vmul.f32 v19, v29;
	v4 =	vadd.f32 v35, v4  }
0x37e: {  	v41 =	vld [tilespmem:$0x1FA30];
	v11 =	vadd.f32 v36, v11  }
0x37f: {  	v4 =	vadd.f32 v37, v4  }
0x380: {  	v43 =	vld [tilespmem:$0x1FA40];
	[tilespmem:$0x8D8] =	vst v11  }
0x381: {  	v46 =	vld [tilespmem:$0x1FA50];
	[tilespmem:$0x8E8] =	vst v4  }
0x382: {  	v4 =	vld.idx.msk [tilespmem:v38+s3+$0x0], $0xffff;
	_ =	sdelay $0x1  }
0x383: {  	v40 =	vld.idx.msk [tilespmem:v39+s3+$0x0], $0xffff;
	_ =	sdelay $0x1  }
0x384: {  	v11 =	vld.idx.msk [tilespmem:v41+s3+$0x0], $0xffff  }
0x385: {  	v42 =	vmul.f32 v4, v20  }
0x386: {  	v44 =	vld.idx.msk [tilespmem:v43+s3+$0x0], $0xffff;
	v4 =	vmul.f32 v4, v21  }
0x387: {  	v45 =	vmul.f32 v40, v22;
	v12 =	vadd.f32 v42, v30  }
0x388: {  	v47 =	vld.idx.msk [tilespmem:v46+s3+$0x0], $0xffff;
	v10 =	vmul.f32 v40, v23;
	v4 =	vadd.f32 v4, v54  }
0x389: {  	v48 =	vmul.f32 v11, v24;
	v12 =	vadd.f32 v45, v12  }
0x38a: {  	v49 =	vmul.f32 v11, v25;
	v4 =	vadd.f32 v10, v4  }
0x38b: {  	v56 =	vld [tilespmem:$0x1FA60];
	v51 =	vmul.f32 v44, v26;
	v50 =	vadd.f32 v48, v12  }
0x38c: {  	v52 =	vmul.f32 v44, v27;
	v4 =	vadd.f32 v49, v4  }
0x38d: {  	v57 =	vld [tilespmem:$0x1FA70];
	v53 =	vmul.f32 v47, v28;
	v11 =	vadd.f32 v51, v50  }
0x38e: {  	v55 =	vmul.f32 v47, v29;
	v4 =	vadd.f32 v52, v4  }
0x38f: {  	v59 =	vld [tilespmem:$0x1FA80];
	v11 =	vadd.f32 v53, v11  }
0x390: {  	v4 =	vadd.f32 v55, v4  }
0x391: {  	v61 =	vld [tilespmem:$0x1FA90];
	[tilespmem:$0x8F8] =	vst v11  }
0x392: {  	v17 =	vld [tilespmem:$0x1FAA0];
	[tilespmem:$0x908] =	vst v4  }
0x393: {  	v4 =	vld.idx.msk [tilespmem:v56+s3+$0x0], $0xffff;
	_ =	sdelay $0x1  }
0x394: {  	v58 =	vld.idx.msk [tilespmem:v57+s3+$0x0], $0xffff;
	_ =	sdelay $0x1  }
0x395: {  	v11 =	vld.idx.msk [tilespmem:v59+s3+$0x0], $0xffff  }
0x396: {  	v60 =	vmul.f32 v4, v20  }
0x397: {  	v62 =	vld.idx.msk [tilespmem:v61+s3+$0x0], $0xffff;
	v4 =	vmul.f32 v4, v21  }
0x398: {  	v16 =	vmul.f32 v58, v22;
	v12 =	vadd.f32 v60, v30  }
0x399: {  	v18 =	vld.idx.msk [tilespmem:v17+s3+$0x0], $0xffff;
	v10 =	vmul.f32 v58, v23;
	v4 =	vadd.f32 v4, v54  }
0x39a: {  	v19 =	vmul.f32 v11, v24;
	v12 =	vadd.f32 v16, v12  }
0x39b: {  	v31 =	vmul.f32 v11, v25;
	v4 =	vadd.f32 v10, v4  }
0x39c: {  	v37 =	vld [tilespmem:$0x1FAB0];
	v33 =	vmul.f32 v62, v26;
	v32 =	vadd.f32 v19, v12  }
0x39d: {  	v34 =	vmul.f32 v62, v27;
	v4 =	vadd.f32 v31, v4  }
0x39e: {  	v38 =	vld [tilespmem:$0x1FAC0];
	v35 =	vmul.f32 v18, v28;
	v11 =	vadd.f32 v33, v32  }
0x39f: {  	v36 =	vmul.f32 v18, v29;
	v4 =	vadd.f32 v34, v4  }
0x3a0: {  	v40 =	vld [tilespmem:$0x1FAD0];
	v11 =	vadd.f32 v35, v11  }
0x3a1: {  	v4 =	vadd.f32 v36, v4  }
0x3a2: {  	v42 =	vld [tilespmem:$0x1FAE0];
	[tilespmem:$0x918] =	vst v11  }
0x3a3: {  	v45 =	vld [tilespmem:$0x1FAF0];
	[tilespmem:$0x928] =	vst v4  }
0x3a4: {  	v4 =	vld.idx.msk [tilespmem:v37+s3+$0x0], $0xffff;
	_ =	sdelay $0x1  }
0x3a5: {  	v39 =	vld.idx.msk [tilespmem:v38+s3+$0x0], $0xffff;
	_ =	sdelay $0x1  }
0x3a6: {  	v11 =	vld.idx.msk [tilespmem:v40+s3+$0x0], $0xffff  }
0x3a7: {  	v41 =	vmul.f32 v4, v20  }
0x3a8: {  	v43 =	vld.idx.msk [tilespmem:v42+s3+$0x0], $0xffff;
	v4 =	vmul.f32 v4, v21  }
0x3a9: {  	v44 =	vmul.f32 v39, v22;
	v12 =	vadd.f32 v41, v30  }
0x3aa: {  	v46 =	vld.idx.msk [tilespmem:v45+s3+$0x0], $0xffff;
	v10 =	vmul.f32 v39, v23;
	v4 =	vadd.f32 v4, v54  }
0x3ab: {  	v47 =	vmul.f32 v11, v24;
	v12 =	vadd.f32 v44, v12  }
0x3ac: {  	v48 =	vmul.f32 v11, v25;
	v4 =	vadd.f32 v10, v4  }
0x3ad: {  	v55 =	vld [tilespmem:$0x1FB00];
	v50 =	vmul.f32 v43, v26;
	v49 =	vadd.f32 v47, v12  }
0x3ae: {  	v51 =	vmul.f32 v43, v27;
	v4 =	vadd.f32 v48, v4  }
0x3af: {  	v56 =	vld [tilespmem:$0x1FB10];
	v52 =	vmul.f32 v46, v28;
	v11 =	vadd.f32 v50, v49  }
0x3b0: {  	v53 =	vmul.f32 v46, v29;
	v4 =	vadd.f32 v51, v4  }
0x3b1: {  	v58 =	vld [tilespmem:$0x1FB20];
	v11 =	vadd.f32 v52, v11  }
0x3b2: {  	v4 =	vadd.f32 v53, v4  }
0x3b3: {  	v60 =	vld [tilespmem:$0x1FB30];
	[tilespmem:$0x938] =	vst v11  }
0x3b4: {  	v15 =	vld [tilespmem:$0x1FB40];
	[tilespmem:$0x948] =	vst v4  }
0x3b5: {  	v4 =	vld.idx.msk [tilespmem:v55+s3+$0x0], $0xffff;
	_ =	sdelay $0x1  }
0x3b6: {  	v57 =	vld.idx.msk [tilespmem:v56+s3+$0x0], $0xffff;
	_ =	sdelay $0x1  }
0x3b7: {  	v11 =	vld.idx.msk [tilespmem:v58+s3+$0x0], $0xffff  }
0x3b8: {  	v59 =	vmul.f32 v4, v20  }
0x3b9: {  	v61 =	vld.idx.msk [tilespmem:v60+s3+$0x0], $0xffff;
	v4 =	vmul.f32 v4, v21  }
0x3ba: {  	v62 =	vmul.f32 v57, v22;
	v12 =	vadd.f32 v59, v30  }
0x3bb: {  	v16 =	vld.idx.msk [tilespmem:v15+s3+$0x0], $0xffff;
	v10 =	vmul.f32 v57, v23;
	v4 =	vadd.f32 v4, v54  }
0x3bc: {  	v17 =	vmul.f32 v11, v24;
	v12 =	vadd.f32 v62, v12  }
0x3bd: {  	v18 =	vmul.f32 v11, v25;
	v4 =	vadd.f32 v10, v4  }
0x3be: {  	v35 =	vld [tilespmem:$0x1FB50];
	v31 =	vmul.f32 v61, v26;
	v19 =	vadd.f32 v17, v12  }
0x3bf: {  	v32 =	vmul.f32 v61, v27;
	v4 =	vadd.f32 v18, v4  }
0x3c0: {  	v36 =	vld [tilespmem:$0x1FB60];
	v33 =	vmul.f32 v16, v28;
	v11 =	vadd.f32 v31, v19  }
0x3c1: {  	v34 =	vmul.f32 v16, v29;
	v4 =	vadd.f32 v32, v4  }
0x3c2: {  	v38 =	vld [tilespmem:$0x1FB70];
	v11 =	vadd.f32 v33, v11  }
0x3c3: {  	v4 =	vadd.f32 v34, v4  }
0x3c4: {  	v40 =	vld [tilespmem:$0x1FB80];
	[tilespmem:$0x958] =	vst v11  }
0x3c5: {  	v43 =	vld [tilespmem:$0x1FB90];
	[tilespmem:$0x968] =	vst v4  }
0x3c6: {  	v4 =	vld.idx.msk [tilespmem:v35+s3+$0x0], $0xffff;
	_ =	sdelay $0x1  }
0x3c7: {  	v37 =	vld.idx.msk [tilespmem:v36+s3+$0x0], $0xffff;
	_ =	sdelay $0x1  }
0x3c8: {  	v11 =	vld.idx.msk [tilespmem:v38+s3+$0x0], $0xffff  }
0x3c9: {  	v39 =	vmul.f32 v4, v20  }
0x3ca: {  	v41 =	vld.idx.msk [tilespmem:v40+s3+$0x0], $0xffff;
	v4 =	vmul.f32 v4, v21  }
0x3cb: {  	v42 =	vmul.f32 v37, v22;
	v12 =	vadd.f32 v39, v30  }
0x3cc: {  	v44 =	vld.idx.msk [tilespmem:v43+s3+$0x0], $0xffff;
	v10 =	vmul.f32 v37, v23;
	v4 =	vadd.f32 v4, v54  }
0x3cd: {  	v45 =	vmul.f32 v11, v24;
	v12 =	vadd.f32 v42, v12  }
0x3ce: {  	v46 =	vmul.f32 v11, v25;
	v4 =	vadd.f32 v10, v4  }
0x3cf: {  	v52 =	vld [tilespmem:$0x1FBA0];
	v48 =	vmul.f32 v41, v26;
	v47 =	vadd.f32 v45, v12  }
0x3d0: {  	v49 =	vmul.f32 v41, v27;
	v4 =	vadd.f32 v46, v4  }
0x3d1: {  	v53 =	vld [tilespmem:$0x1FBB0];
	v50 =	vmul.f32 v44, v28;
	v11 =	vadd.f32 v48, v47  }
0x3d2: {  	v51 =	vmul.f32 v44, v29;
	v4 =	vadd.f32 v49, v4  }
0x3d3: {  	v56 =	vld [tilespmem:$0x1FBC0];
	v11 =	vadd.f32 v50, v11  }
0x3d4: {  	v4 =	vadd.f32 v51, v4  }
0x3d5: {  	v58 =	vld [tilespmem:$0x1FBD0];
	[tilespmem:$0x978] =	vst v11  }
0x3d6: {  	v61 =	vld [tilespmem:$0x1FBE0];
	[tilespmem:$0x988] =	vst v4  }
0x3d7: {  	v4 =	vld.idx.msk [tilespmem:v52+s3+$0x0], $0xffff;
	_ =	sdelay $0x1  }
0x3d8: {  	v55 =	vld.idx.msk [tilespmem:v53+s3+$0x0], $0xffff;
	_ =	sdelay $0x1  }
0x3d9: {  	v11 =	vld.idx.msk [tilespmem:v56+s3+$0x0], $0xffff  }
0x3da: {  	v57 =	vmul.f32 v4, v20  }
0x3db: {  	v59 =	vld.idx.msk [tilespmem:v58+s3+$0x0], $0xffff;
	v4 =	vmul.f32 v4, v21  }
0x3dc: {  	v60 =	vmul.f32 v55, v22;
	v12 =	vadd.f32 v57, v30  }
0x3dd: {  	v62 =	vld.idx.msk [tilespmem:v61+s3+$0x0], $0xffff;
	v10 =	vmul.f32 v55, v23;
	v4 =	vadd.f32 v4, v54  }
0x3de: {  	v16 =	vmul.f32 v11, v24;
	v12 =	vadd.f32 v60, v12  }
0x3df: {  	v17 =	vmul.f32 v11, v25;
	v4 =	vadd.f32 v10, v4  }
0x3e0: {  	v34 =	vld [tilespmem:$0x1FBF0];
	v19 =	vmul.f32 v59, v26;
	v18 =	vadd.f32 v16, v12  }
0x3e1: {  	v31 =	vmul.f32 v59, v27;
	v4 =	vadd.f32 v17, v4  }
0x3e2: {  	v35 =	vld [tilespmem:$0x1FC00];
	v32 =	vmul.f32 v62, v28;
	v11 =	vadd.f32 v19, v18  }
0x3e3: {  	v33 =	vmul.f32 v62, v29;
	v4 =	vadd.f32 v31, v4  }
0x3e4: {  	v37 =	vld [tilespmem:$0x1FC10];
	v11 =	vadd.f32 v32, v11  }
0x3e5: {  	v4 =	vadd.f32 v33, v4  }
0x3e6: {  	v39 =	vld [tilespmem:$0x1FC20];
	[tilespmem:$0x998] =	vst v11  }
0x3e7: {  	v42 =	vld [tilespmem:$0x1FC30];
	[tilespmem:$0x9A8] =	vst v4  }
0x3e8: {  	v4 =	vld.idx.msk [tilespmem:v34+s3+$0x0], $0xffff;
	_ =	sdelay $0x1  }
0x3e9: {  	v36 =	vld.idx.msk [tilespmem:v35+s3+$0x0], $0xffff;
	_ =	sdelay $0x1  }
0x3ea: {  	v11 =	vld.idx.msk [tilespmem:v37+s3+$0x0], $0xffff  }
0x3eb: {  	v38 =	vmul.f32 v4, v20  }
0x3ec: {  	v40 =	vld.idx.msk [tilespmem:v39+s3+$0x0], $0xffff;
	v4 =	vmul.f32 v4, v21  }
0x3ed: {  	v41 =	vmul.f32 v36, v22;
	v12 =	vadd.f32 v38, v30  }
0x3ee: {  	v43 =	vld.idx.msk [tilespmem:v42+s3+$0x0], $0xffff;
	v10 =	vmul.f32 v36, v23;
	v4 =	vadd.f32 v4, v54  }
0x3ef: {  	v44 =	vmul.f32 v11, v24;
	v12 =	vadd.f32 v41, v12  }
0x3f0: {  	v45 =	vmul.f32 v11, v25;
	v4 =	vadd.f32 v10, v4  }
0x3f1: {  	v51 =	vld [tilespmem:$0x1FC40];
	v47 =	vmul.f32 v40, v26;
	v46 =	vadd.f32 v44, v12  }
0x3f2: {  	v48 =	vmul.f32 v40, v27;
	v4 =	vadd.f32 v45, v4  }
0x3f3: {  	v52 =	vld [tilespmem:$0x1FC50];
	v49 =	vmul.f32 v43, v28;
	v11 =	vadd.f32 v47, v46  }
0x3f4: {  	v50 =	vmul.f32 v43, v29;
	v4 =	vadd.f32 v48, v4  }
0x3f5: {  	v55 =	vld [tilespmem:$0x1FC60];
	v11 =	vadd.f32 v49, v11  }
0x3f6: {  	v4 =	vadd.f32 v50, v4  }
0x3f7: {  	v57 =	vld [tilespmem:$0x1FC70];
	[tilespmem:$0x9B8] =	vst v11  }
0x3f8: {  	v60 =	vld [tilespmem:$0x1FC80];
	[tilespmem:$0x9C8] =	vst v4  }
0x3f9: {  	v4 =	vld.idx.msk [tilespmem:v51+s3+$0x0], $0xffff;
	_ =	sdelay $0x1  }
0x3fa: {  	v53 =	vld.idx.msk [tilespmem:v52+s3+$0x0], $0xffff;
	_ =	sdelay $0x1  }
0x3fb: {  	v11 =	vld.idx.msk [tilespmem:v55+s3+$0x0], $0xffff  }
0x3fc: {  	v56 =	vmul.f32 v4, v20  }
0x3fd: {  	v58 =	vld.idx.msk [tilespmem:v57+s3+$0x0], $0xffff;
	v4 =	vmul.f32 v4, v21  }
0x3fe: {  	v59 =	vmul.f32 v53, v22;
	v12 =	vadd.f32 v56, v30  }
0x3ff: {  	v61 =	vld.idx.msk [tilespmem:v60+s3+$0x0], $0xffff;
	v10 =	vmul.f32 v53, v23;
	v4 =	vadd.f32 v4, v54  }
0x400: {  	v62 =	vmul.f32 v11, v24;
	v12 =	vadd.f32 v59, v12  }
0x401: {  	v5 =	vmul.f32 v11, v25;
	v4 =	vadd.f32 v10, v4  }
0x402: {  	v32 =	vld [tilespmem:$0x1FC90];
	v17 =	vmul.f32 v58, v26;
	v16 =	vadd.f32 v62, v12  }
0x403: {  	v18 =	vmul.f32 v58, v27;
	v4 =	vadd.f32 v5, v4  }
0x404: {  	v33 =	vld [tilespmem:$0x1FCA0];
	v19 =	vmul.f32 v61, v28;
	v11 =	vadd.f32 v17, v16  }
0x405: {  	v31 =	vmul.f32 v61, v29;
	v4 =	vadd.f32 v18, v4  }
0x406: {  	v35 =	vld [tilespmem:$0x1FCB0];
	v11 =	vadd.f32 v19, v11  }
0x407: {  	v4 =	vadd.f32 v31, v4  }
0x408: {  	v37 =	vld [tilespmem:$0x1FCC0];
	[tilespmem:$0x9D8] =	vst v11  }
0x409: {  	v40 =	vld [tilespmem:$0x1FCD0];
	[tilespmem:$0x9E8] =	vst v4  }
0x40a: {  	v4 =	vld.idx.msk [tilespmem:v32+s3+$0x0], $0xffff;
	_ =	sdelay $0x1  }
0x40b: {  	v34 =	vld.idx.msk [tilespmem:v33+s3+$0x0], $0xffff;
	_ =	sdelay $0x1  }
0x40c: {  	v11 =	vld.idx.msk [tilespmem:v35+s3+$0x0], $0xffff  }
0x40d: {  	v36 =	vmul.f32 v4, v20  }
0x40e: {  	v38 =	vld.idx.msk [tilespmem:v37+s3+$0x0], $0xffff;
	v4 =	vmul.f32 v4, v21  }
0x40f: {  	v39 =	vmul.f32 v34, v22;
	v12 =	vadd.f32 v36, v30  }
0x410: {  	v41 =	vld.idx.msk [tilespmem:v40+s3+$0x0], $0xffff;
	v10 =	vmul.f32 v34, v23;
	v4 =	vadd.f32 v4, v54  }
0x411: {  	v42 =	vmul.f32 v11, v24;
	v12 =	vadd.f32 v39, v12  }
0x412: {  	v43 =	vmul.f32 v11, v25;
	v4 =	vadd.f32 v10, v4  }
0x413: {  	v49 =	vld [tilespmem:$0x1FCE0];
	v45 =	vmul.f32 v38, v26;
	v44 =	vadd.f32 v42, v12  }
0x414: {  	v46 =	vmul.f32 v38, v27;
	v4 =	vadd.f32 v43, v4  }
0x415: {  	v50 =	vld [tilespmem:$0x1FCF0];
	v47 =	vmul.f32 v41, v28;
	v11 =	vadd.f32 v45, v44  }
0x416: {  	v48 =	vmul.f32 v41, v29;
	v4 =	vadd.f32 v46, v4  }
0x417: {  	v52 =	vld [tilespmem:$0x1FD00];
	v11 =	vadd.f32 v47, v11  }
0x418: {  	v4 =	vadd.f32 v48, v4  }
0x419: {  	v55 =	vld [tilespmem:$0x1FD10];
	[tilespmem:$0x9F8] =	vst v11  }
0x41a: {  	v58 =	vld [tilespmem:$0x1FD20];
	[tilespmem:$0xA08] =	vst v4  }
0x41b: {  	v4 =	vld.idx.msk [tilespmem:v49+s3+$0x0], $0xffff;
	_ =	sdelay $0x1  }
0x41c: {  	v51 =	vld.idx.msk [tilespmem:v50+s3+$0x0], $0xffff;
	_ =	sdelay $0x1  }
0x41d: {  	v11 =	vld.idx.msk [tilespmem:v52+s3+$0x0], $0xffff  }
0x41e: {  	v53 =	vmul.f32 v4, v20  }
0x41f: {  	v56 =	vld.idx.msk [tilespmem:v55+s3+$0x0], $0xffff;
	v4 =	vmul.f32 v4, v21  }
0x420: {  	v57 =	vmul.f32 v51, v22;
	v12 =	vadd.f32 v53, v30  }
0x421: {  	v59 =	vld.idx.msk [tilespmem:v58+s3+$0x0], $0xffff;
	v10 =	vmul.f32 v51, v23;
	v4 =	vadd.f32 v4, v54  }
0x422: {  	v60 =	vmul.f32 v11, v24;
	v12 =	vadd.f32 v57, v12  }
0x423: {  	v61 =	vmul.f32 v11, v25;
	v4 =	vadd.f32 v10, v4  }
0x424: {  	v31 =	vld [tilespmem:$0x1FD30];
	v16 =	vmul.f32 v56, v26;
	v62 =	vadd.f32 v60, v12  }
0x425: {  	v17 =	vmul.f32 v56, v27;
	v4 =	vadd.f32 v61, v4  }
0x426: {  	v32 =	vld [tilespmem:$0x1FD40];
	v18 =	vmul.f32 v59, v28;
	v11 =	vadd.f32 v16, v62  }
0x427: {  	v19 =	vmul.f32 v59, v29;
	v4 =	vadd.f32 v17, v4  }
0x428: {  	v34 =	vld [tilespmem:$0x1FD50];
	v11 =	vadd.f32 v18, v11  }
0x429: {  	v4 =	vadd.f32 v19, v4  }
0x42a: {  	v36 =	vld [tilespmem:$0x1FD60];
	[tilespmem:$0xA18] =	vst v11  }
0x42b: {  	v39 =	vld [tilespmem:$0x1FD70];
	[tilespmem:$0xA28] =	vst v4  }
0x42c: {  	v4 =	vld.idx.msk [tilespmem:v31+s3+$0x0], $0xffff;
	_ =	sdelay $0x1  }
0x42d: {  	v33 =	vld.idx.msk [tilespmem:v32+s3+$0x0], $0xffff;
	_ =	sdelay $0x1  }
0x42e: {  	v11 =	vld.idx.msk [tilespmem:v34+s3+$0x0], $0xffff  }
0x42f: {  	v35 =	vmul.f32 v4, v20  }
0x430: {  	v37 =	vld.idx.msk [tilespmem:v36+s3+$0x0], $0xffff;
	v4 =	vmul.f32 v4, v21  }
0x431: {  	v38 =	vmul.f32 v33, v22;
	v12 =	vadd.f32 v35, v30  }
0x432: {  	v40 =	vld.idx.msk [tilespmem:v39+s3+$0x0], $0xffff;
	v10 =	vmul.f32 v33, v23;
	v4 =	vadd.f32 v4, v54  }
0x433: {  	v41 =	vmul.f32 v11, v24;
	v12 =	vadd.f32 v38, v12  }
0x434: {  	v42 =	vmul.f32 v11, v25;
	v4 =	vadd.f32 v10, v4  }
0x435: {  	v48 =	vld [tilespmem:$0x1FD80];
	v44 =	vmul.f32 v37, v26;
	v43 =	vadd.f32 v41, v12  }
0x436: {  	v45 =	vmul.f32 v37, v27;
	v4 =	vadd.f32 v42, v4  }
0x437: {  	v49 =	vld [tilespmem:$0x1FD90];
	v46 =	vmul.f32 v40, v28;
	v11 =	vadd.f32 v44, v43  }
0x438: {  	v47 =	vmul.f32 v40, v29;
	v4 =	vadd.f32 v45, v4  }
0x439: {  	v51 =	vld [tilespmem:$0x1FDA0];
	v11 =	vadd.f32 v46, v11  }
0x43a: {  	v4 =	vadd.f32 v47, v4  }
0x43b: {  	v53 =	vld [tilespmem:$0x1FDB0];
	[tilespmem:$0xA38] =	vst v11  }
0x43c: {  	v57 =	vld [tilespmem:$0x1FDC0];
	[tilespmem:$0xA48] =	vst v4  }
0x43d: {  	v4 =	vld.idx.msk [tilespmem:v48+s3+$0x0], $0xffff;
	_ =	sdelay $0x1  }
0x43e: {  	v50 =	vld.idx.msk [tilespmem:v49+s3+$0x0], $0xffff;
	_ =	sdelay $0x1  }
0x43f: {  	v11 =	vld.idx.msk [tilespmem:v51+s3+$0x0], $0xffff  }
0x440: {  	v52 =	vmul.f32 v4, v20  }
0x441: {  	v55 =	vld.idx.msk [tilespmem:v53+s3+$0x0], $0xffff;
	v4 =	vmul.f32 v4, v21  }
0x442: {  	v56 =	vmul.f32 v50, v22;
	v12 =	vadd.f32 v52, v30  }
0x443: {  	v58 =	vld.idx.msk [tilespmem:v57+s3+$0x0], $0xffff;
	v10 =	vmul.f32 v50, v23;
	v4 =	vadd.f32 v4, v54  }
0x444: {  	v59 =	vmul.f32 v11, v24;
	v12 =	vadd.f32 v56, v12  }
0x445: {  	v60 =	vmul.f32 v11, v25;
	v4 =	vadd.f32 v10, v4  }
0x446: {  	v18 =	vld [tilespmem:$0x1FDD0];
	v62 =	vmul.f32 v55, v26;
	v61 =	vadd.f32 v59, v12  }
0x447: {  	v5 =	vmul.f32 v55, v27;
	v4 =	vadd.f32 v60, v4  }
0x448: {  	v19 =	vld [tilespmem:$0x1FDE0];
	v16 =	vmul.f32 v58, v28;
	v11 =	vadd.f32 v62, v61  }
0x449: {  	v17 =	vmul.f32 v58, v29;
	v4 =	vadd.f32 v5, v4  }
0x44a: {  	v32 =	vld [tilespmem:$0x1FDF0];
	v11 =	vadd.f32 v16, v11  }
0x44b: {  	v4 =	vadd.f32 v17, v4  }
0x44c: {  	v34 =	vld [tilespmem:$0x1FE00];
	[tilespmem:$0xA58] =	vst v11  }
0x44d: {  	v37 =	vld [tilespmem:$0x1FE10];
	[tilespmem:$0xA68] =	vst v4  }
0x44e: {  	v4 =	vld.idx.msk [tilespmem:v18+s3+$0x0], $0xffff;
	_ =	sdelay $0x1  }
0x44f: {  	v31 =	vld.idx.msk [tilespmem:v19+s3+$0x0], $0xffff;
	_ =	sdelay $0x1  }
0x450: {  	v11 =	vld.idx.msk [tilespmem:v32+s3+$0x0], $0xffff  }
0x451: {  	v33 =	vmul.f32 v4, v20  }
0x452: {  	v35 =	vld.idx.msk [tilespmem:v34+s3+$0x0], $0xffff;
	v4 =	vmul.f32 v4, v21  }
0x453: {  	v36 =	vmul.f32 v31, v22;
	v12 =	vadd.f32 v33, v30  }
0x454: {  	v38 =	vld.idx.msk [tilespmem:v37+s3+$0x0], $0xffff;
	v10 =	vmul.f32 v31, v23;
	v4 =	vadd.f32 v4, v54  }
0x455: {  	v39 =	vmul.f32 v11, v24;
	v12 =	vadd.f32 v36, v12  }
0x456: {  	v40 =	vmul.f32 v11, v25;
	v4 =	vadd.f32 v10, v4  }
0x457: {  	v46 =	vld [tilespmem:$0x1FE20];
	v42 =	vmul.f32 v35, v26;
	v41 =	vadd.f32 v39, v12  }
0x458: {  	v43 =	vmul.f32 v35, v27;
	v4 =	vadd.f32 v40, v4  }
0x459: {  	v47 =	vld [tilespmem:$0x1FE30];
	v44 =	vmul.f32 v38, v28;
	v11 =	vadd.f32 v42, v41  }
0x45a: {  	v45 =	vmul.f32 v38, v29;
	v4 =	vadd.f32 v43, v4  }
0x45b: {  	v49 =	vld [tilespmem:$0x1FE40];
	v11 =	vadd.f32 v44, v11  }
0x45c: {  	v4 =	vadd.f32 v45, v4  }
0x45d: {  	v51 =	vld [tilespmem:$0x1FE50];
	[tilespmem:$0xA78] =	vst v11  }
0x45e: {  	v55 =	vld [tilespmem:$0x1FE60];
	[tilespmem:$0xA88] =	vst v4  }
0x45f: {  	v4 =	vld.idx.msk [tilespmem:v46+s3+$0x0], $0xffff;
	_ =	sdelay $0x1  }
0x460: {  	v48 =	vld.idx.msk [tilespmem:v47+s3+$0x0], $0xffff;
	_ =	sdelay $0x1  }
0x461: {  	v11 =	vld.idx.msk [tilespmem:v49+s3+$0x0], $0xffff  }
0x462: {  	v50 =	vmul.f32 v4, v20  }
0x463: {  	v52 =	vld.idx.msk [tilespmem:v51+s3+$0x0], $0xffff;
	v4 =	vmul.f32 v4, v21  }
0x464: {  	v53 =	vmul.f32 v48, v22;
	v12 =	vadd.f32 v50, v30  }
0x465: {  	v56 =	vld.idx.msk [tilespmem:v55+s3+$0x0], $0xffff;
	v10 =	vmul.f32 v48, v23;
	v4 =	vadd.f32 v4, v54  }
0x466: {  	v57 =	vmul.f32 v11, v24;
	v12 =	vadd.f32 v53, v12  }
0x467: {  	v58 =	vmul.f32 v11, v25;
	v4 =	vadd.f32 v10, v4  }
0x468: {  	v16 =	vld [tilespmem:$0x1FE70];
	v60 =	vmul.f32 v52, v26;
	v59 =	vadd.f32 v57, v12  }
0x469: {  	v61 =	vmul.f32 v52, v27;
	v4 =	vadd.f32 v58, v4  }
0x46a: {  	v17 =	vld [tilespmem:$0x1FE80];
	v62 =	vmul.f32 v56, v28;
	v11 =	vadd.f32 v60, v59  }
0x46b: {  	v15 =	vmul.f32 v56, v29;
	v4 =	vadd.f32 v61, v4  }
0x46c: {  	v19 =	vld [tilespmem:$0x1FE90];
	v11 =	vadd.f32 v62, v11  }
0x46d: {  	v4 =	vadd.f32 v15, v4  }
0x46e: {  	v32 =	vld [tilespmem:$0x1FEA0];
	[tilespmem:$0xA98] =	vst v11  }
0x46f: {  	v35 =	vld [tilespmem:$0x1FEB0];
	[tilespmem:$0xAA8] =	vst v4  }
0x470: {  	v4 =	vld.idx.msk [tilespmem:v16+s3+$0x0], $0xffff;
	_ =	sdelay $0x1  }
0x471: {  	v18 =	vld.idx.msk [tilespmem:v17+s3+$0x0], $0xffff;
	_ =	sdelay $0x1  }
0x472: {  	v11 =	vld.idx.msk [tilespmem:v19+s3+$0x0], $0xffff  }
0x473: {  	v31 =	vmul.f32 v4, v20  }
0x474: {  	v33 =	vld.idx.msk [tilespmem:v32+s3+$0x0], $0xffff;
	v4 =	vmul.f32 v4, v21  }
0x475: {  	v34 =	vmul.f32 v18, v22;
	v12 =	vadd.f32 v31, v30  }
0x476: {  	v36 =	vld.idx.msk [tilespmem:v35+s3+$0x0], $0xffff;
	v10 =	vmul.f32 v18, v23;
	v4 =	vadd.f32 v4, v54  }
0x477: {  	v37 =	vmul.f32 v11, v24;
	v12 =	vadd.f32 v34, v12  }
0x478: {  	v38 =	vmul.f32 v11, v25;
	v4 =	vadd.f32 v10, v4  }
0x479: {  	v40 =	vmul.f32 v33, v26;
	v39 =	vadd.f32 v37, v12  }
0x47a: {  	v41 =	vmul.f32 v33, v27;
	v4 =	vadd.f32 v38, v4  }
0x47b: {  	v42 =	vmul.f32 v36, v28;
	v11 =	vadd.f32 v40, v39  }
0x47c: {  	v43 =	vmul.f32 v36, v29;
	v4 =	vadd.f32 v41, v4  }
0x47d: {  	v11 =	vadd.f32 v42, v11  }
0x47e: {  	v4 =	vadd.f32 v43, v4  }
0x47f: {  	[tilespmem:$0xAB8] =	vst v11  }
0x480: {  	v46 =	vld [tilespmem:$0x1F890];
	[tilespmem:$0xAC8] =	vst v4  }
0x481: {  	v4 =	vld.idx.msk [tilespmem:v63+s3+$0x0], $0xffff;
	_ =	sdelay $0x1  }
0x482: {  	v6 =	vld.idx.msk [tilespmem:v6+s3+$0x0], $0xffff;
	_ =	sdelay $0x1  }
0x483: {  	v8 =	vld.idx.msk [tilespmem:v8+s3+$0x0], $0xffff  }
0x484: {  	v44 =	vmul.f32 v4, v20  }
0x485: {  	v7 =	vld.idx.msk [tilespmem:v7+s3+$0x0], $0xffff;
	v4 =	vmul.f32 v4, v21  }
0x486: {  	v45 =	vmul.f32 v6, v22;
	v10 =	vadd.f32 v44, v30  }
0x487: {  	v5 =	vld.idx.msk [tilespmem:v46+s3+$0x0], $0xffff;
	v6 =	vmul.f32 v6, v23;
	v4 =	vadd.f32 v4, v54  }
0x488: {  	v47 =	vmul.f32 v8, v24;
	v10 =	vadd.f32 v45, v10  }
0x489: {  	v48 =	vmul.f32 v8, v25;
	v4 =	vadd.f32 v6, v4  }
0x48a: {  	v50 =	vmul.f32 v7, v26;
	v49 =	vadd.f32 v47, v10  }
0x48b: {  	v51 =	vmul.f32 v7, v27;
	v4 =	vadd.f32 v48, v4  }
0x48c: {  	v53 =	vmul.f32 v5, v28;
	v52 =	vadd.f32 v50, v49  }
0x48d: {  	v5 =	vmul.f32 v5, v29;
	v4 =	vadd.f32 v51, v4  }
0x48e: {  	v55 =	vadd.f32 v53, v52  }
0x48f: {  	v4 =	vadd.f32 v5, v4  }
0x490: {  	[tilespmem:$0xAD8] =	vst v55  }
0x491: {  	[tilespmem:$0xAE8] =	vst v4  }
0x492: {  	v4 =	vld.idx.msk [tilespmem:v9+s3+$0x0], $0xffff;
	_ =	sdelay $0x1  }
0x493: {  	v1 =	vld.idx.msk [tilespmem:v1+s3+$0x0], $0xffff;
	_ =	sdelay $0x1  }
0x494: {  	v3 =	vld.idx.msk [tilespmem:v3+s3+$0x0], $0xffff  }
0x495: {  	v56 =	vmul.f32 v4, v20  }
0x496: {  	v2 =	vld.idx.msk [tilespmem:v2+s3+$0x0], $0xffff;
	v4 =	vmul.f32 v4, v21  }
0x497: {  	v57 =	vmul.f32 v1, v22;
	v5 =	vadd.f32 v56, v30  }
0x498: {  	v0 =	vld.idx.msk [tilespmem:v0+s3+$0x0], $0xffff;
	v1 =	vmul.f32 v1, v23;
	v4 =	vadd.f32 v4, v54  }
0x499: {  	v58 =	vmul.f32 v3, v24;
	v5 =	vadd.f32 v57, v5  }
0x49a: {  	v3 =	vmul.f32 v3, v25;
	v1 =	vadd.f32 v1, v4  }
0x49b: {  	v60 =	vmul.f32 v2, v26;
	v59 =	vadd.f32 v58, v5  }
0x49c: {  	v2 =	vmul.f32 v2, v27;
	v1 =	vadd.f32 v3, v1  }
0x49d: {  	v62 =	vmul.f32 v0, v28;
	v61 =	vadd.f32 v60, v59  }
0x49e: {  	v0 =	vmul.f32 v0, v29;
	v1 =	vadd.f32 v2, v1  }
0x49f: {  	v63 =	vadd.f32 v62, v61  }
0x4a0: {  	v0 =	vadd.f32 v0, v1  }
0x4a1: {  	[tilespmem:$0xAF8] =	vst v63  }
.Ltmp3:
0x4a2: {  	[tilespmem:$0xB08] =	vst v0;
	(pc) =	sbr.rel .LBB2_3-.Ltmp3, $4  }
0x4a3: {  	[spmem:s9] =	stream.linear.scatter [tilespmem:s18], [sflag:$0x3], $0x360, $0x38;
	[tilespmem:$0x50D8] =	vst v63  }
0x4a4: {  	_ =	swait.ge [sflag:s16], $0x360  }
0x4a5: {  	[sflag:s16] =	ssyncset.done $0x0  }
0x4a6: {  	[sflag:s16] =	ssyncadd.s32 $0xFFFFFCA0  }
.LBB2_4:
0x4a7: {  	_ =	sfence.sel $0x180000  }
0x4a8: {  	[bflag:$0x0] =	sbarrier.arrive $0xFFFF  }
0x4a9: {  	p0 =	sne.s32 s1, $0x0;
	_ =	strace $0x90000047  }
0x4aa: {  	s0 =	sadd.s32 @!p0 $0x100000, s0;
	[bflag:$0x2] =	sbarrier.arrive $0xFFFF  }
0x4ab: {  	[sflag:s0] =	ssyncadd.tile.s32 @!p0 $0x1;
	_ =	shalt  }
.Lfunc_end2:
_tile_overlayer_lowered:
.L_overlay_start_2:
0x4ac: {  	(tag) =	ssettag $0x2  }
0x4ad: {  	s0 =	rddreg [dreg:$0x0];
	s2 =	stileid.u32  }
0x4ae: {  	s1 =	rddreg [dreg:$0x1];
	p0 =	sne.s32 s2, $0x0  }
0x4af: {  	s3 =	rddreg [dreg:$0x2];
	[bflag:$0x3] =	sbarrier.arrive $0xFFFF;
	s2 =	simm.s32 @!p0 $0x1C03  }
0x4b0: {  	[timem:s3], [sflag:s2] =	dma.local @!p0 [hbm:s0], s1  }
0x4b1: {  	s0 =	simm.s32 @!p0 $0x3  }
0x4b2: {  	_ =	swait.ge @!p0 [sflag:s0], s1  }
0x4b3: {  	s1 =	ssub.s32 @!p0 $0x0, s1;
	[sflag:s0] =	ssyncset.done @!p0 $0x0  }
0x4b4: {  	[sflag:s0] =	ssyncadd.s32 @!p0 s1  }
0x4b5: {  	[bflag:$0x3] =	sbarrier.arrive $0xFFFF  }
0x4b6: {  	_ =	shalt  }

</sc_bundles>
